<compile_context>
chip_gen: v7x
topology: tpu7x:2x2x1
jax: 0.10.2.dev20260603
libtpu: 0.0.44.dev20260713+nightly
codegen_flags: <defaults>
</compile_context>

<pallas_src>
import functools

import jax
import jax.numpy as jnp
from jax import lax
from jax.experimental import pallas as pl
from jax.experimental.pallas import tpu as pltpu
from jax.experimental.pallas import tpu_sc as plsc

N = 10000
E = 320000
D = 128
DT = 64
NG = 16

NC = 2
NS = 16
NW = NC * NS
CH = 128


def _vmesh():
    return plsc.VectorSubcoreMesh(core_axis_name="c", subcore_axis_name="s")


def _emb_gather(emb, x):
    n = x.shape[0]
    d = emb.shape[1]
    nfull = n // CH
    tail = n - nfull * CH
    tail_w = nfull % NW
    kmax = (nfull + NW - 1) // NW

    @functools.partial(
        pl.kernel,
        mesh=_vmesh(),
        out_type=jax.ShapeDtypeStruct((n, d), jnp.float32),
        scratch_types=(
            [pltpu.VMEM((CH,), jnp.int32) for _ in range(kmax)]
            + [pltpu.VMEM((CH, d), jnp.float32) for _ in range(kmax)]
            + [pltpu.VMEM((max(tail, 8),), jnp.int32),
               pltpu.VMEM((max(tail, 8), d), jnp.float32)]
            + [pltpu.SemaphoreType.DMA for _ in range(3 * kmax + 1)]
        ),
    )
    def k(emb_h, x_h, out_h, *refs):
        idx = refs[0:kmax]
        rows = refs[kmax:2 * kmax]
        tidx_v, trows_v = refs[2 * kmax:2 * kmax + 2]
        sem_i = refs[2 * kmax + 2:3 * kmax + 2]
        sem_g = refs[3 * kmax + 2:4 * kmax + 2]
        sem_o = refs[4 * kmax + 2:5 * kmax + 2]
        sem_t = refs[5 * kmax + 2]

        wid = lax.axis_index("s") * NC + lax.axis_index("c")

        for kk in range(kmax):
            @pl.when(wid + kk * NW < nfull)
            def _(kk=kk):
                off = (wid + kk * NW) * CH
                pltpu.async_copy(x_h.at[pl.ds(off, CH)], idx[kk], sem_i[kk])

        for kk in range(kmax):
            @pl.when(wid + kk * NW < nfull)
            def _(kk=kk):
                off = (wid + kk * NW) * CH
                pltpu.make_async_copy(x_h.at[pl.ds(off, CH)], idx[kk],
                                      sem_i[kk]).wait()
                pltpu.async_copy(emb_h.at[idx[kk]], rows[kk], sem_g[kk])

        for kk in range(kmax):
            @pl.when(wid + kk * NW < nfull)
            def _(kk=kk):
                off = (wid + kk * NW) * CH
                pltpu.make_async_copy(emb_h.at[idx[kk]], rows[kk],
                                      sem_g[kk]).wait()
                pltpu.async_copy(rows[kk], out_h.at[pl.ds(off, CH)],
                                 sem_o[kk])

        if tail:
            @pl.when(wid == tail_w)
            def _():
                off = nfull * CH
                pltpu.sync_copy(x_h.at[pl.ds(off, tail)],
                                tidx_v.at[pl.ds(0, tail)])
                pltpu.async_copy(emb_h.at[tidx_v.at[pl.ds(0, tail)]],
                                 trows_v.at[pl.ds(0, tail)], sem_t).wait()
                pltpu.sync_copy(trows_v.at[pl.ds(0, tail)],
                                out_h.at[pl.ds(off, tail)])

        for kk in range(kmax):
            @pl.when(wid + kk * NW < nfull)
            def _(kk=kk):
                off = (wid + kk * NW) * CH
                pltpu.make_async_copy(rows[kk], out_h.at[pl.ds(off, CH)],
                                      sem_o[kk]).wait()

    return k(emb, x)


def _edge_agg(h, eidx):
    CHE = 104
    per_tile = E // NW
    nfull = per_tile // CHE
    tail = per_tile - nfull * CHE
    nzc = N // CHE
    rz = N - nzc * CHE
    rz_w = nzc % NS

    NB = 3
    NR = 3

    @functools.partial(
        pl.kernel,
        mesh=_vmesh(),
        out_type=jax.ShapeDtypeStruct((NC, N, D), jnp.float32),
        scratch_types=(
            [pltpu.VMEM((CHE,), jnp.int32) for _ in range(NB)]
            + [pltpu.VMEM((1, CHE), jnp.int32) for _ in range(NB)]
            + [pltpu.VMEM((CHE, D), jnp.float32) for _ in range(NR)]
            + [
                pltpu.VMEM((max(tail, 8),), jnp.int32),
                pltpu.VMEM((1, max(tail, 8)), jnp.int32),
                pltpu.VMEM((max(tail, 8), D), jnp.float32),
                pltpu.VMEM_SHARED((N, D), jnp.float32),
            ]
            + [pltpu.SemaphoreType.DMA for _ in range(NB + 2 * NR + 1)]
        ),
    )
    def k(h_h, eidx_h, out_h, *refs):
        sidx = refs[0:NB]
        didx = refs[NB:2 * NB]
        rows = refs[2 * NB:2 * NB + NR]
        tsidx, tdidx, trows, agg_sh = refs[2 * NB + NR:2 * NB + NR + 4]
        off0 = 2 * NB + NR + 4
        sem_i = refs[off0:off0 + NB]
        sem_g = refs[off0 + NB:off0 + NB + NR]
        sem_s = refs[off0 + NB + NR:off0 + NB + 2 * NR]
        sem_t = refs[off0 + NB + 2 * NR]

        cid = lax.axis_index("c")
        sid = lax.axis_index("s")
        wid = sid * NC + cid

        ebase = wid * per_tile

        def idx_start(c, b):
            off = ebase + c * CHE
            pltpu.async_copy(eidx_h.at[pl.ds(off, CHE)], sidx[b], sem_i[b])
            pltpu.async_copy(eidx_h.at[pl.ds(E + off, CHE)], didx[b].at[0],
                             sem_i[b])

        def idx_wait(c, b):
            off = ebase + c * CHE
            pltpu.make_async_copy(eidx_h.at[pl.ds(off, CHE)], sidx[b],
                                  sem_i[b]).wait()
            pltpu.make_async_copy(eidx_h.at[pl.ds(E + off, CHE)],
                                  didx[b].at[0], sem_i[b]).wait()

        def gather_start(b, r):
            pltpu.async_copy(h_h.at[sidx[b]], rows[r], sem_g[r])

        def gather_wait(b, r):
            pltpu.make_async_copy(h_h.at[sidx[b]], rows[r], sem_g[r]).wait()

        def scat_start(b, r):
            pltpu.async_copy(rows[r], agg_sh.at[didx[b].at[0]], sem_s[r],
                             add=True)

        def scat_wait(b, r):
            pltpu.make_async_copy(rows[r], agg_sh.at[didx[b].at[0]],
                                  sem_s[r]).wait()

        def step(c_dyn, c_stat):
            b, r = c_stat % NB, c_stat % NR
            b1, r1 = (c_stat + 1) % NB, (c_stat + 1) % NR
            if c_stat + 2 < nfull:
                idx_start(c_dyn + 2, (c_stat + 2) % NB)
            if c_stat >= 2:
                scat_wait((c_stat - 2) % NB, (c_stat - 2) % NR)
            if c_stat + 1 < nfull:
                idx_wait(c_dyn + 1, b1)
                gather_start(b1, r1)
            gather_wait(b, r)
            scat_start(b, r)

        idx_start(0, 0)
        idx_start(1, 1)

        @pl.loop(0, CHE)
        def _(i):
            @pl.loop(0, D, step=16)
            def _(j):
                rows[2][i, pl.ds(j, 16)] = jnp.zeros((16,), jnp.float32)

        idx_wait(0, 0)
        gather_start(0, 0)

        nzpt = nzc // NS
        for zk in range(nzpt):
            pltpu.async_copy(
                rows[2], agg_sh.at[pl.ds((sid + zk * NS) * CHE, CHE)], sem_t)
        if rz:
            @pl.when(sid == rz_w)
            def _():
                pltpu.sync_copy(rows[2].at[pl.ds(0, rz)],
                                agg_sh.at[pl.ds(nzc * CHE, rz)])
        for zk in range(nzpt):
            pltpu.make_async_copy(
                rows[2], agg_sh.at[pl.ds((sid + zk * NS) * CHE, CHE)],
                sem_t).wait()
        plsc.subcore_barrier()

        for c0 in range(2):
            step(c0, c0)

        @pl.loop(2, nfull - 4, step=NB)
        def _(g):
            for k_ in range(NB):
                step(g + k_, 2 + k_)

        for c0 in range(nfull - 4, nfull):
            step(c0, c0)

        if tail:
            off = ebase + nfull * CHE
            pltpu.sync_copy(eidx_h.at[pl.ds(off, tail)],
                            tsidx.at[pl.ds(0, tail)])
            pltpu.sync_copy(eidx_h.at[pl.ds(E + off, tail)],
                            tdidx.at[0, pl.ds(0, tail)])
            pltpu.async_copy(h_h.at[tsidx.at[pl.ds(0, tail)]],
                             trows.at[pl.ds(0, tail)], sem_t).wait()
            pltpu.sync_copy(trows.at[pl.ds(0, tail)],
                            agg_sh.at[tdidx.at[0, pl.ds(0, tail)]], add=True)

        scat_wait((nfull - 2) % NB, (nfull - 2) % NR)
        scat_wait((nfull - 1) % NB, (nfull - 1) % NR)

        plsc.subcore_barrier()

        @pl.loop(sid, nzc, step=NS)
        def _(i):
            pltpu.sync_copy(agg_sh.at[pl.ds(i * CHE, CHE)],
                            out_h.at[cid, pl.ds(i * CHE, CHE)])

        if rz:
            @pl.when(sid == rz_w)
            def _():
                pltpu.sync_copy(agg_sh.at[pl.ds(nzc * CHE, rz)],
                                out_h.at[cid, pl.ds(nzc * CHE, rz)])

    return k(h, eidx)


def _dot_t(a, w):
    return lax.dot_general(a, w, (((1,), (1,)), ((), ())),
                           preferred_element_type=jnp.float32)


def _mlp(z, w1, b1, g1, be1, w2, b2, g2, be2):
    ones_row = jnp.ones((1, z.shape[0]), jnp.float32)

    def bn_relu(t, g, b):
        s1 = jnp.dot(ones_row, t, preferred_element_type=jnp.float32)
        s2 = jnp.dot(ones_row, t * t, preferred_element_type=jnp.float32)
        m = s1 * (1.0 / N)
        v = s2 * (1.0 / N) - m * m
        return jnp.maximum((t - m) * lax.rsqrt(v + 1e-5) * g + b, 0.0)

    h = bn_relu(_dot_t(z, w1) + b1, g1, be1)
    return bn_relu(_dot_t(h, w2) + b2, g2, be2)


def _pool(h, batch_row):
    onehot = (batch_row == lax.broadcasted_iota(jnp.int32, (NG, N), 0))
    onehot = onehot.astype(jnp.float32)
    cnt = jnp.sum(onehot, axis=1, keepdims=True)
    s = jnp.dot(onehot, h, preferred_element_type=jnp.float32)
    return s / jnp.maximum(cnt, 1.0), cnt


def _stage1(h0, w1t, b1, g1, be1, w2t, b2, g2, be2, l0wt, l0b, batch2d):
    def body(h0_r, w1t_r, b1_r, g1_r, be1_r, w2t_r, b2_r, g2_r, be2_r,
             l0wt_r, l0b_r, bat_r, h1_o, out0_o):
        h1 = _mlp(h0_r[...], w1t_r[...], b1_r[...], g1_r[...], be1_r[...],
                  w2t_r[...], b2_r[...], g2_r[...], be2_r[...])
        h1_o[...] = h1
        pm, cnt = _pool(h1, bat_r[...])
        mask = (cnt > 0.0).astype(jnp.float32)
        out0_o[...] = _dot_t(pm, l0wt_r[...]) + mask * l0b_r[...]

    return pl.pallas_call(
        body,
        out_shape=(jax.ShapeDtypeStruct((N, D), jnp.float32),
                   jax.ShapeDtypeStruct((NG, DT), jnp.float32)),
    )(h0, w1t, b1, g1, be1, w2t, b2, g2, be2, l0wt, l0b, batch2d)


def _stage_mid(h_prev, parts, w1t, b1, g1, be1, w2t, b2, g2, be2,
               lwt, lb, batch2d, acc):
    def body(h_r, p_r, w1t_r, b1_r, g1_r, be1_r, w2t_r, b2_r, g2_r, be2_r,
             lwt_r, lb_r, bat_r, acc_r, h_o, acc_o):
        hin = h_r[...] + p_r[0] + p_r[1]
        h = _mlp(hin, w1t_r[...], b1_r[...], g1_r[...], be1_r[...],
                 w2t_r[...], b2_r[...], g2_r[...], be2_r[...])
        h_o[...] = h
        pm, _ = _pool(h, bat_r[...])
        acc_o[...] = acc_r[...] + _dot_t(pm, lwt_r[...]) + lb_r[...]

    return pl.pallas_call(
        body,
        out_shape=(jax.ShapeDtypeStruct((N, D), jnp.float32),
                   jax.ShapeDtypeStruct((NG, DT), jnp.float32)),
    )(h_prev, parts, w1t, b1, g1, be1, w2t, b2, g2, be2, lwt, lb, batch2d,
      acc)


def _stage_last(h_prev, parts, w1t, b1, g1, be1, w2t, b2, g2, be2,
                lwt, lb, batch2d, acc):
    def body(h_r, p_r, w1t_r, b1_r, g1_r, be1_r, w2t_r, b2_r, g2_r, be2_r,
             lwt_r, lb_r, bat_r, acc_r, out_o):
        hin = h_r[...] + p_r[0] + p_r[1]
        h = _mlp(hin, w1t_r[...], b1_r[...], g1_r[...], be1_r[...],
                 w2t_r[...], b2_r[...], g2_r[...], be2_r[...])
        pm, _ = _pool(h, bat_r[...])
        o = acc_r[...] + _dot_t(pm, lwt_r[...]) + lb_r[...]
        m = jnp.max(o, axis=-1, keepdims=True)
        e = jnp.exp(o - m)
        out_o[...] = e / jnp.sum(e, axis=-1, keepdims=True)

    return pl.pallas_call(
        body,
        out_shape=jax.ShapeDtypeStruct((NG, DT), jnp.float32),
    )(h_prev, parts, w1t, b1, g1, be1, w2t, b2, g2, be2, lwt, lb, batch2d,
      acc)


def kernel(x, edge_index, batch, emb,
           fh_W1, fh_b1, fh_g1, fh_be1, fh_W2, fh_b2, fh_g2, fh_be2,
           c1_W1, c1_b1, c1_g1, c1_be1, c1_W2, c1_b2, c1_g2, c1_be2,
           c2_W1, c2_b1, c2_g1, c2_be1, c2_W2, c2_b2, c2_g2, c2_be2,
           lin0_W, lin0_b, lin1_W, lin1_b, lin2_W, lin2_b):
    eidx = edge_index.reshape(2 * E)
    batch2d = batch.reshape(1, N)
    r = lambda v: v.reshape(1, -1)

    h0 = _emb_gather(emb, x)
    h1, out0 = _stage1(h0, fh_W1, r(fh_b1), r(fh_g1), r(fh_be1),
                       fh_W2, r(fh_b2), r(fh_g2), r(fh_be2),
                       lin0_W, r(lin0_b), batch2d)
    p1 = _edge_agg(h1, eidx)
    h2, acc = _stage_mid(h1, p1, c1_W1, r(c1_b1), r(c1_g1), r(c1_be1),
                         c1_W2, r(c1_b2), r(c1_g2), r(c1_be2),
                         lin1_W, r(lin1_b), batch2d, out0)
    p2 = _edge_agg(h2, eidx)
    return _stage_last(h2, p2, c2_W1, r(c2_b1), r(c2_g1), r(c2_be1),
                       c2_W2, r(c2_b2), r(c2_g2), r(c2_be2),
                       lin2_W, r(lin2_b), batch2d, acc)

# --- scband reference (transcript-rebuilt; emitter-appended) ---
"""Pipeline reference for scband-gin-37795712205240 (READ-ONLY COPY).

The authoritative reference and input builder live on the scoring server;
editing this copy changes nothing except your own understanding.
"""

import jax, jax.numpy as jnp
import numpy as np

N_NODES = 10000
N_EDGES = 320000
VOCAB = 100000
D = 128
DT = 64
NG = 16

PNAMES = ["emb"]
for _p in ["fh", "c1", "c2"]:
    PNAMES += [_p+"_W1", _p+"_b1", _p+"_g1", _p+"_be1", _p+"_W2", _p+"_b2", _p+"_g2", _p+"_be2"]
for _i in range(3):
    PNAMES += ["lin%d_W" % _i, "lin%d_b" % _i]


def setup_inputs(seed: int = 0):
    key = jax.random.key(seed)
    ks = jax.random.split(key, 16)
    def lin(k, o, i):
        k1, k2 = jax.random.split(k)
        return (jax.random.normal(k1, (o, i), jnp.float32) * 0.05,
                jax.random.normal(k2, (o,), jnp.float32) * 0.05)
    inp = {}
    inp["x"] = jax.random.randint(ks[0], (N_NODES,), 0, VOCAB, dtype=jnp.int32)
    inp["edge_index"] = jax.random.randint(ks[1], (2, N_EDGES), 0, N_NODES, dtype=jnp.int32)
    inp["batch"] = jnp.sort(jax.random.randint(ks[2], (N_NODES,), 0, NG, dtype=jnp.int32))
    emb = jax.random.normal(ks[3], (VOCAB, D), jnp.float32)
    inp["emb"] = emb.at[0].set(0.0)  # padding_idx=0
    kidx = 4
    for p in ["fh", "c1", "c2"]:
        W1, b1 = lin(ks[kidx], D, D); kidx += 1
        W2, b2 = lin(ks[kidx], D, D); kidx += 1
        inp[p+"_W1"], inp[p+"_b1"] = W1, b1
        inp[p+"_g1"], inp[p+"_be1"] = jnp.ones((D,), jnp.float32), jnp.zeros((D,), jnp.float32)
        inp[p+"_W2"], inp[p+"_b2"] = W2, b2
        inp[p+"_g2"], inp[p+"_be2"] = jnp.ones((D,), jnp.float32), jnp.zeros((D,), jnp.float32)
    for i in range(3):
        W, b = lin(ks[kidx], DT, D); kidx += 1
        inp["lin%d_W" % i], inp["lin%d_b" % i] = W, b
    return inp


def _bn(h, g, b):
    m = jnp.mean(h, axis=0)
    v = jnp.var(h, axis=0)
    return (h - m) / jnp.sqrt(v + 1e-5) * g + b


def _mlp(h, W1, b1, g1, be1, W2, b2, g2, be2):
    h = jax.nn.relu(_bn(h @ W1.T + b1, g1, be1))
    h = jax.nn.relu(_bn(h @ W2.T + b2, g2, be2))
    return h


def _pool_mean(h, batch):
    s = jax.ops.segment_sum(h, batch, num_segments=NG)
    c = jax.ops.segment_sum(jnp.ones((h.shape[0], 1), h.dtype), batch, num_segments=NG)
    return s / jnp.maximum(c, 1.0)


def _forward(x, edge_index, batch, P):
    h = P["emb"][x]
    src, dst = edge_index[0], edge_index[1]
    # layer 0: first_h MLP, then per-node linear, then mean pool
    h = _mlp(h, P["fh_W1"], P["fh_b1"], P["fh_g1"], P["fh_be1"], P["fh_W2"], P["fh_b2"], P["fh_g2"], P["fh_be2"])
    out = _pool_mean(h @ P["lin0_W"].T + P["lin0_b"], batch)
    # layers 1..2: GINConv (eps=0, sum aggregation over incoming edges) then pool then linear
    for li, p in [(1, "c1"), (2, "c2")]:
        agg = jax.ops.segment_sum(h[src], dst, num_segments=N_NODES)
        h = _mlp(h + agg, P[p+"_W1"], P[p+"_b1"], P[p+"_g1"], P[p+"_be1"], P[p+"_W2"], P[p+"_b2"], P[p+"_g2"], P[p+"_be2"])
        out = out + _pool_mean(h, batch) @ P["lin%d_W" % li].T + P["lin%d_b" % li]
    return jax.nn.softmax(out, axis=-1)


def reference(x, edge_index, batch, emb,
              fh_W1, fh_b1, fh_g1, fh_be1, fh_W2, fh_b2, fh_g2, fh_be2,
              c1_W1, c1_b1, c1_g1, c1_be1, c1_W2, c1_b2, c1_g2, c1_be2,
              c2_W1, c2_b1, c2_g1, c2_be1, c2_W2, c2_b2, c2_g2, c2_be2,
              lin0_W, lin0_b, lin1_W, lin1_b, lin2_W, lin2_b):
    kw = dict(locals())
    P = {n: kw[n] for n in PNAMES}
    return _forward(x, edge_index, batch, P)

if __name__ == "__main__":
    import jax
    _d = setup_inputs()
    print(jax.jit(kernel)(*tuple(_d.values())))

</pallas_src>

<mosaic_0001>
#map = affine_map<(d0, d1) -> (0, 0)>
#map1 = affine_map<(d0, d1) -> (0)>
#map2 = affine_map<(d0, d1) -> (0, 0, 0)>
module attributes {stable_mosaic.version = 14 : i64} {
  func.func @k(%arg0: i32, %arg1: i32, %arg2: memref<10000x128xf32, #tpu.memory_space<hbm>>, %arg3: memref<640000xi32, #tpu.memory_space<hbm>>, %arg4: memref<2x10000x128xf32, #tpu.memory_space<hbm>>, %arg5: memref<104xi32, #tpu.memory_space<vmem>>, %arg6: memref<104xi32, #tpu.memory_space<vmem>>, %arg7: memref<104xi32, #tpu.memory_space<vmem>>, %arg8: memref<1x104xi32, #tpu.memory_space<vmem>>, %arg9: memref<1x104xi32, #tpu.memory_space<vmem>>, %arg10: memref<1x104xi32, #tpu.memory_space<vmem>>, %arg11: memref<104x128xf32, #tpu.memory_space<vmem>>, %arg12: memref<104x128xf32, #tpu.memory_space<vmem>>, %arg13: memref<104x128xf32, #tpu.memory_space<vmem>>, %arg14: memref<16xi32, #tpu.memory_space<vmem>>, %arg15: memref<1x16xi32, #tpu.memory_space<vmem>>, %arg16: memref<16x128xf32, #tpu.memory_space<vmem>>, %arg17: memref<10000x128xf32, #tpu.memory_space<vmem_shared>>, %arg18: memref<!tpu.dma_semaphore, #tpu.memory_space<semaphore_mem>>, %arg19: memref<!tpu.dma_semaphore, #tpu.memory_space<semaphore_mem>>, %arg20: memref<!tpu.dma_semaphore, #tpu.memory_space<semaphore_mem>>, %arg21: memref<!tpu.dma_semaphore, #tpu.memory_space<semaphore_mem>>, %arg22: memref<!tpu.dma_semaphore, #tpu.memory_space<semaphore_mem>>, %arg23: memref<!tpu.dma_semaphore, #tpu.memory_space<semaphore_mem>>, %arg24: memref<!tpu.dma_semaphore, #tpu.memory_space<semaphore_mem>>, %arg25: memref<!tpu.dma_semaphore, #tpu.memory_space<semaphore_mem>>, %arg26: memref<!tpu.dma_semaphore, #tpu.memory_space<semaphore_mem>>, %arg27: memref<!tpu.dma_semaphore, #tpu.memory_space<semaphore_mem>>) attributes {dimension_semantics = [#tpu.dimension_semantics<core_parallel>, #tpu.dimension_semantics<subcore_parallel>], iteration_bounds = array<i64: 2, 16>, scalar_prefetch = 0 : i64, scratch_operands = 23 : i64, tpu.core_type = #tpu.core_type<sc_vector_subcore>, window_params = [{transform_indices = #map}, {transform_indices = #map1}, {transform_indices = #map2}]} {
    %mul3A = arith.constant 2 : i32
    %mul3A_0 = arith.muli %arg1, %mul3A : i32
    %add3A = arith.addi %mul3A_0, %arg0 : i32
    %mul3A_1 = arith.constant 10000 : i32
    %mul3A_2 = arith.muli %add3A, %mul3A_1 : i32
    %add3A_3 = arith.constant 0 : i32
    %add3A_4 = arith.addi %mul3A_2, %add3A_3 : i32
    %dma_start3A = tpu.memref_slice %arg3[%add3A_4] : memref<640000xi32, #tpu.memory_space<hbm>> -> memref<104xi32, #tpu.memory_space<hbm>>
    %dma_start3A_5 = tpu.memref_slice %arg3[%add3A_4] : memref<640000xi32, #tpu.memory_space<hbm>> -> memref<104xi32, #tpu.memory_space<hbm>>
    tpu.enqueue_dma source(%dma_start3A_5 : memref<104xi32, #tpu.memory_space<hbm>>) target(%arg5 : memref<104xi32, #tpu.memory_space<vmem>>) target_semaphore(%arg18 : memref<!tpu.dma_semaphore, #tpu.memory_space<semaphore_mem>>)
    %add3A_6 = arith.constant 320000 : i32
    %add3A_7 = arith.addi %add3A_6, %add3A_4 : i32
    %dma_start3A_8 = arith.constant 0 : i32
    %dma_start3A_9 = arith.constant 0 : i32
    %dma_start3A_10 = tpu.memref_slice %arg8[%dma_start3A_8, %dma_start3A_9] : memref<1x104xi32, #tpu.memory_space<vmem>> -> memref<1x104xi32, #tpu.memory_space<vmem>>
    %dma_start3A_11 = tpu.memref_squeeze %dma_start3A_10 : memref<1x104xi32, #tpu.memory_space<vmem>> -> memref<104xi32, #tpu.memory_space<vmem>>
    %dma_start3A_12 = tpu.memref_slice %arg3[%add3A_7] : memref<640000xi32, #tpu.memory_space<hbm>> -> memref<104xi32, #tpu.memory_space<hbm>>
    %dma_start3A_13 = arith.constant 0 : i32
    %dma_start3A_14 = tpu.memref_slice %arg8[%dma_start3A_8, %dma_start3A_13] : memref<1x104xi32, #tpu.memory_space<vmem>> -> memref<1x104xi32, #tpu.memory_space<vmem>>
    %dma_start3A_15 = tpu.memref_squeeze %dma_start3A_14 : memref<1x104xi32, #tpu.memory_space<vmem>> -> memref<104xi32, #tpu.memory_space<vmem>>
    %dma_start3A_16 = tpu.memref_slice %arg3[%add3A_7] : memref<640000xi32, #tpu.memory_space<hbm>> -> memref<104xi32, #tpu.memory_space<hbm>>
    tpu.enqueue_dma source(%dma_start3A_16 : memref<104xi32, #tpu.memory_space<hbm>>) target(%dma_start3A_15 : memref<104xi32, #tpu.memory_space<vmem>>) target_semaphore(%arg18 : memref<!tpu.dma_semaphore, #tpu.memory_space<semaphore_mem>>)
    %add3A_17 = arith.constant 104 : i32
    %add3A_18 = arith.addi %mul3A_2, %add3A_17 : i32
    %dma_start3A_19 = tpu.memref_slice %arg3[%add3A_18] : memref<640000xi32, #tpu.memory_space<hbm>> -> memref<104xi32, #tpu.memory_space<hbm>>
    %dma_start3A_20 = tpu.memref_slice %arg3[%add3A_18] : memref<640000xi32, #tpu.memory_space<hbm>> -> memref<104xi32, #tpu.memory_space<hbm>>
    tpu.enqueue_dma source(%dma_start3A_20 : memref<104xi32, #tpu.memory_space<hbm>>) target(%arg6 : memref<104xi32, #tpu.memory_space<vmem>>) target_semaphore(%arg19 : memref<!tpu.dma_semaphore, #tpu.memory_space<semaphore_mem>>)
    %add3A_21 = arith.constant 320000 : i32
    %add3A_22 = arith.addi %add3A_21, %add3A_18 : i32
    %dma_start3A_23 = arith.constant 0 : i32
    %dma_start3A_24 = arith.constant 0 : i32
    %dma_start3A_25 = tpu.memref_slice %arg9[%dma_start3A_23, %dma_start3A_24] : memref<1x104xi32, #tpu.memory_space<vmem>> -> memref<1x104xi32, #tpu.memory_space<vmem>>
    %dma_start3A_26 = tpu.memref_squeeze %dma_start3A_25 : memref<1x104xi32, #tpu.memory_space<vmem>> -> memref<104xi32, #tpu.memory_space<vmem>>
    %dma_start3A_27 = tpu.memref_slice %arg3[%add3A_22] : memref<640000xi32, #tpu.memory_space<hbm>> -> memref<104xi32, #tpu.memory_space<hbm>>
    %dma_start3A_28 = arith.constant 0 : i32
    %dma_start3A_29 = tpu.memref_slice %arg9[%dma_start3A_23, %dma_start3A_28] : memref<1x104xi32, #tpu.memory_space<vmem>> -> memref<1x104xi32, #tpu.memory_space<vmem>>
    %dma_start3A_30 = tpu.memref_squeeze %dma_start3A_29 : memref<1x104xi32, #tpu.memory_space<vmem>> -> memref<104xi32, #tpu.memory_space<vmem>>
    %dma_start3A_31 = tpu.memref_slice %arg3[%add3A_22] : memref<640000xi32, #tpu.memory_space<hbm>> -> memref<104xi32, #tpu.memory_space<hbm>>
    tpu.enqueue_dma source(%dma_start3A_31 : memref<104xi32, #tpu.memory_space<hbm>>) target(%dma_start3A_30 : memref<104xi32, #tpu.memory_space<vmem>>) target_semaphore(%arg19 : memref<!tpu.dma_semaphore, #tpu.memory_space<semaphore_mem>>)
    %scan3A = arith.constant 0 : i32
    %scan3A_32 = arith.constant 104 : i32
    %scan3A_33 = arith.addi %scan3A, %scan3A_32 : i32
    %scan3A_34 = arith.constant 1 : i32
    scf.for %scan3A_450 = %scan3A to %scan3A_33 step %scan3A_34  : i32 {
      %mul3A_451 = arith.constant 1 : i32
      %mul3A_452 = arith.muli %scan3A_450, %mul3A_451 : i32
      %add3A_453 = arith.constant 0 : i32
      %add3A_454 = arith.addi %add3A_453, %mul3A_452 : i32
      %scan3A_455 = arith.constant 0 : i32
      %scan3A_456 = arith.constant 8 : i32
      %scan3A_457 = arith.addi %scan3A_455, %scan3A_456 : i32
      %scan3A_458 = arith.constant 1 : i32
      scf.for %scan3A_460 = %scan3A_455 to %scan3A_457 step %scan3A_458  : i32 {
        %mul3A_461 = arith.constant 16 : i32
        %mul3A_462 = arith.muli %scan3A_460, %mul3A_461 : i32
        %add3A_463 = arith.constant 0 : i32
        %add3A_464 = arith.addi %add3A_463, %mul3A_462 : i32
        %broadcast_in_dim3A = arith.constant 0.000000e+00 : f32
        %broadcast_in_dim3A_465 = vector.broadcast %broadcast_in_dim3A : f32 to vector<16xf32>
        %swap3A = arith.index_cast %add3A_454 : i32 to index
        %swap3A_466 = arith.index_cast %add3A_464 : i32 to index
        %swap3A_467 = tpu.vector_load %arg13[%swap3A, %swap3A_466] {strides = array<i32>} : memref<104x128xf32, #tpu.memory_space<vmem>>, vector<1x16xf32>,
        %swap3A_468 = vector.shape_cast %swap3A_467 : vector<1x16xf32> to vector<16xf32>
        %swap3A_469 = vector.shape_cast %broadcast_in_dim3A_465 : vector<16xf32> to vector<1x16xf32>
        tpu.vector_store %arg13[%swap3A, %swap3A_466], %swap3A_469 {strides = array<i32>} : memref<104x128xf32, #tpu.memory_space<vmem>>, vector<1x16xf32>,
      }
      %scan3A_459 = arith.constant 8 : i32
    }
    %scan3A_35 = arith.constant 104 : i32
    %add3A_36 = arith.constant 0 : i32
    %add3A_37 = arith.addi %mul3A_2, %add3A_36 : i32
    %dma_wait3A = tpu.memref_slice %arg3[%add3A_37] : memref<640000xi32, #tpu.memory_space<hbm>> -> memref<104xi32, #tpu.memory_space<hbm>>
    %dma_wait3A_38 = tpu.memref_slice %arg3[%add3A_37] : memref<640000xi32, #tpu.memory_space<hbm>> -> memref<104xi32, #tpu.memory_space<hbm>>
    tpu.wait_dma2 semaphore(%arg18 : memref<!tpu.dma_semaphore, #tpu.memory_space<semaphore_mem>>) src(%dma_wait3A_38 : memref<104xi32, #tpu.memory_space<hbm>>) dst(%arg5 : memref<104xi32, #tpu.memory_space<vmem>>)
    %add3A_39 = arith.constant 320000 : i32
    %add3A_40 = arith.addi %add3A_39, %add3A_37 : i32
    %dma_wait3A_41 = arith.constant 0 : i32
    %dma_wait3A_42 = arith.constant 0 : i32
    %dma_wait3A_43 = tpu.memref_slice %arg8[%dma_wait3A_41, %dma_wait3A_42] : memref<1x104xi32, #tpu.memory_space<vmem>> -> memref<1x104xi32, #tpu.memory_space<vmem>>
    %dma_wait3A_44 = tpu.memref_squeeze %dma_wait3A_43 : memref<1x104xi32, #tpu.memory_space<vmem>> -> memref<104xi32, #tpu.memory_space<vmem>>
    %dma_wait3A_45 = tpu.memref_slice %arg3[%add3A_40] : memref<640000xi32, #tpu.memory_space<hbm>> -> memref<104xi32, #tpu.memory_space<hbm>>
    %dma_wait3A_46 = arith.constant 0 : i32
    %dma_wait3A_47 = tpu.memref_slice %arg8[%dma_wait3A_41, %dma_wait3A_46] : memref<1x104xi32, #tpu.memory_space<vmem>> -> memref<1x104xi32, #tpu.memory_space<vmem>>
    %dma_wait3A_48 = tpu.memref_squeeze %dma_wait3A_47 : memref<1x104xi32, #tpu.memory_space<vmem>> -> memref<104xi32, #tpu.memory_space<vmem>>
    %dma_wait3A_49 = tpu.memref_slice %arg3[%add3A_40] : memref<640000xi32, #tpu.memory_space<hbm>> -> memref<104xi32, #tpu.memory_space<hbm>>
    tpu.wait_dma2 semaphore(%arg18 : memref<!tpu.dma_semaphore, #tpu.memory_space<semaphore_mem>>) src(%dma_wait3A_49 : memref<104xi32, #tpu.memory_space<hbm>>) dst(%dma_wait3A_48 : memref<104xi32, #tpu.memory_space<vmem>>)
    %dma_start3A_50 = arith.constant 0 : i32
    %dma_start3A_51 = arith.constant 0 : i32
    %dma_start3A_52 = tpu.memref_slice %arg2[%dma_start3A_50, %dma_start3A_51] : memref<10000x128xf32, #tpu.memory_space<hbm>> -> memref<10000x128xf32, #tpu.memory_space<hbm>>
    tpu.enqueue_indirect_dma source(%dma_start3A_52 : memref<10000x128xf32, #tpu.memory_space<hbm>>) target(%arg11 : memref<104x128xf32, #tpu.memory_space<vmem>>) offsets(%arg5 : memref<104xi32, #tpu.memory_space<vmem>>) semaphore(%arg21 : memref<!tpu.dma_semaphore, #tpu.memory_space<semaphore_mem>>)
    %add3A_53 = arith.constant 0 : i32
    %add3A_54 = arith.addi %arg1, %add3A_53 : i32
    %mul3A_55 = arith.constant 104 : i32
    %mul3A_56 = arith.muli %add3A_54, %mul3A_55 : i32
    %dma_start3A_57 = arith.constant 0 : i32
    %dma_start3A_58 = tpu.memref_slice %arg17[%mul3A_56, %dma_start3A_57] : memref<10000x128xf32, #tpu.memory_space<vmem_shared>> -> memref<104x128xf32, #tpu.memory_space<vmem_shared>>
    %dma_start3A_59 = arith.constant 0 : i32
    %dma_start3A_60 = tpu.memref_slice %arg17[%mul3A_56, %dma_start3A_59] : memref<10000x128xf32, #tpu.memory_space<vmem_shared>> -> memref<104x128xf32, #tpu.memory_space<vmem_shared>>
    tpu.enqueue_dma source(%arg13 : memref<104x128xf32, #tpu.memory_space<vmem>>) target(%dma_start3A_60 : memref<104x128xf32, #tpu.memory_space<vmem_shared>>) target_semaphore(%arg27 : memref<!tpu.dma_semaphore, #tpu.memory_space<semaphore_mem>>)
    %add3A_61 = arith.constant 16 : i32
    %add3A_62 = arith.addi %arg1, %add3A_61 : i32
    %mul3A_63 = arith.constant 104 : i32
    %mul3A_64 = arith.muli %add3A_62, %mul3A_63 : i32
    %dma_start3A_65 = arith.constant 0 : i32
    %dma_start3A_66 = tpu.memref_slice %arg17[%mul3A_64, %dma_start3A_65] : memref<10000x128xf32, #tpu.memory_space<vmem_shared>> -> memref<104x128xf32, #tpu.memory_space<vmem_shared>>
    %dma_start3A_67 = arith.constant 0 : i32
    %dma_start3A_68 = tpu.memref_slice %arg17[%mul3A_64, %dma_start3A_67] : memref<10000x128xf32, #tpu.memory_space<vmem_shared>> -> memref<104x128xf32, #tpu.memory_space<vmem_shared>>
    tpu.enqueue_dma source(%arg13 : memref<104x128xf32, #tpu.memory_space<vmem>>) target(%dma_start3A_68 : memref<104x128xf32, #tpu.memory_space<vmem_shared>>) target_semaphore(%arg27 : memref<!tpu.dma_semaphore, #tpu.memory_space<semaphore_mem>>)
    %add3A_69 = arith.constant 32 : i32
    %add3A_70 = arith.addi %arg1, %add3A_69 : i32
    %mul3A_71 = arith.constant 104 : i32
    %mul3A_72 = arith.muli %add3A_70, %mul3A_71 : i32
    %dma_start3A_73 = arith.constant 0 : i32
    %dma_start3A_74 = tpu.memref_slice %arg17[%mul3A_72, %dma_start3A_73] : memref<10000x128xf32, #tpu.memory_space<vmem_shared>> -> memref<104x128xf32, #tpu.memory_space<vmem_shared>>
    %dma_start3A_75 = arith.constant 0 : i32
    %dma_start3A_76 = tpu.memref_slice %arg17[%mul3A_72, %dma_start3A_75] : memref<10000x128xf32, #tpu.memory_space<vmem_shared>> -> memref<104x128xf32, #tpu.memory_space<vmem_shared>>
    tpu.enqueue_dma source(%arg13 : memref<104x128xf32, #tpu.memory_space<vmem>>) target(%dma_start3A_76 : memref<104x128xf32, #tpu.memory_space<vmem_shared>>) target_semaphore(%arg27 : memref<!tpu.dma_semaphore, #tpu.memory_space<semaphore_mem>>)
    %add3A_77 = arith.constant 48 : i32
    %add3A_78 = arith.addi %arg1, %add3A_77 : i32
    %mul3A_79 = arith.constant 104 : i32
    %mul3A_80 = arith.muli %add3A_78, %mul3A_79 : i32
    %dma_start3A_81 = arith.constant 0 : i32
    %dma_start3A_82 = tpu.memref_slice %arg17[%mul3A_80, %dma_start3A_81] : memref<10000x128xf32, #tpu.memory_space<vmem_shared>> -> memref<104x128xf32, #tpu.memory_space<vmem_shared>>
    %dma_start3A_83 = arith.constant 0 : i32
    %dma_start3A_84 = tpu.memref_slice %arg17[%mul3A_80, %dma_start3A_83] : memref<10000x128xf32, #tpu.memory_space<vmem_shared>> -> memref<104x128xf32, #tpu.memory_space<vmem_shared>>
    tpu.enqueue_dma source(%arg13 : memref<104x128xf32, #tpu.memory_space<vmem>>) target(%dma_start3A_84 : memref<104x128xf32, #tpu.memory_space<vmem_shared>>) target_semaphore(%arg27 : memref<!tpu.dma_semaphore, #tpu.memory_space<semaphore_mem>>)
    %add3A_85 = arith.constant 64 : i32
    %add3A_86 = arith.addi %arg1, %add3A_85 : i32
    %mul3A_87 = arith.constant 104 : i32
    %mul3A_88 = arith.muli %add3A_86, %mul3A_87 : i32
    %dma_start3A_89 = arith.constant 0 : i32
    %dma_start3A_90 = tpu.memref_slice %arg17[%mul3A_88, %dma_start3A_89] : memref<10000x128xf32, #tpu.memory_space<vmem_shared>> -> memref<104x128xf32, #tpu.memory_space<vmem_shared>>
    %dma_start3A_91 = arith.constant 0 : i32
    %dma_start3A_92 = tpu.memref_slice %arg17[%mul3A_88, %dma_start3A_91] : memref<10000x128xf32, #tpu.memory_space<vmem_shared>> -> memref<104x128xf32, #tpu.memory_space<vmem_shared>>
    tpu.enqueue_dma source(%arg13 : memref<104x128xf32, #tpu.memory_space<vmem>>) target(%dma_start3A_92 : memref<104x128xf32, #tpu.memory_space<vmem_shared>>) target_semaphore(%arg27 : memref<!tpu.dma_semaphore, #tpu.memory_space<semaphore_mem>>)
    %add3A_93 = arith.constant 80 : i32
    %add3A_94 = arith.addi %arg1, %add3A_93 : i32
    %mul3A_95 = arith.constant 104 : i32
    %mul3A_96 = arith.muli %add3A_94, %mul3A_95 : i32
    %dma_start3A_97 = arith.constant 0 : i32
    %dma_start3A_98 = tpu.memref_slice %arg17[%mul3A_96, %dma_start3A_97] : memref<10000x128xf32, #tpu.memory_space<vmem_shared>> -> memref<104x128xf32, #tpu.memory_space<vmem_shared>>
    %dma_start3A_99 = arith.constant 0 : i32
    %dma_start3A_100 = tpu.memref_slice %arg17[%mul3A_96, %dma_start3A_99] : memref<10000x128xf32, #tpu.memory_space<vmem_shared>> -> memref<104x128xf32, #tpu.memory_space<vmem_shared>>
    tpu.enqueue_dma source(%arg13 : memref<104x128xf32, #tpu.memory_space<vmem>>) target(%dma_start3A_100 : memref<104x128xf32, #tpu.memory_space<vmem_shared>>) target_semaphore(%arg27 : memref<!tpu.dma_semaphore, #tpu.memory_space<semaphore_mem>>)
    %eq3A = arith.constant 0 : i32
    %eq3A_101 = arith.cmpi eq, %arg1, %eq3A : i32
    %convert_element_type3A = arith.extui %eq3A_101 : i1 to i32
    %cond3A = arith.constant 0 : i32
    %cond3A_102 = arith.cmpi ne, %convert_element_type3A, %cond3A : i32
    scf.if %cond3A_102 {
      "tpu.region"() ({
        %run_scoped3A_450 = tpu.sem_alloc : memref<!tpu.dma_semaphore, #tpu.memory_space<semaphore_mem>>
        %dma_start3A_451 = arith.constant 0 : i32
        %dma_start3A_452 = arith.constant 0 : i32
        %dma_start3A_453 = tpu.memref_slice %arg13[%dma_start3A_451, %dma_start3A_452] : memref<104x128xf32, #tpu.memory_space<vmem>> -> memref<16x128xf32, #tpu.memory_space<vmem>>
        %dma_start3A_454 = arith.constant 9984 : i32
        %dma_start3A_455 = arith.constant 0 : i32
        %dma_start3A_456 = tpu.memref_slice %arg17[%dma_start3A_454, %dma_start3A_455] : memref<10000x128xf32, #tpu.memory_space<vmem_shared>> -> memref<16x128xf32, #tpu.memory_space<vmem_shared>>
        %dma_start3A_457 = arith.constant 9984 : i32
        %dma_start3A_458 = arith.constant 0 : i32
        %dma_start3A_459 = tpu.memref_slice %arg17[%dma_start3A_457, %dma_start3A_458] : memref<10000x128xf32, #tpu.memory_space<vmem_shared>> -> memref<16x128xf32, #tpu.memory_space<vmem_shared>>
        %dma_start3A_460 = arith.constant 0 : i32
        %dma_start3A_461 = arith.constant 0 : i32
        %dma_start3A_462 = tpu.memref_slice %arg13[%dma_start3A_460, %dma_start3A_461] : memref<104x128xf32, #tpu.memory_space<vmem>> -> memref<16x128xf32, #tpu.memory_space<vmem>>
        tpu.enqueue_dma source(%dma_start3A_462 : memref<16x128xf32, #tpu.memory_space<vmem>>) target(%dma_start3A_459 : memref<16x128xf32, #tpu.memory_space<vmem_shared>>) target_semaphore(%run_scoped3A_450 : memref<!tpu.dma_semaphore, #tpu.memory_space<semaphore_mem>>)
        %dma_wait3A_463 = arith.constant 0 : i32
        %dma_wait3A_464 = arith.constant 0 : i32
        %dma_wait3A_465 = tpu.memref_slice %arg13[%dma_wait3A_463, %dma_wait3A_464] : memref<104x128xf32, #tpu.memory_space<vmem>> -> memref<16x128xf32, #tpu.memory_space<vmem>>
        %dma_wait3A_466 = arith.constant 9984 : i32
        %dma_wait3A_467 = arith.constant 0 : i32
        %dma_wait3A_468 = tpu.memref_slice %arg17[%dma_wait3A_466, %dma_wait3A_467] : memref<10000x128xf32, #tpu.memory_space<vmem_shared>> -> memref<16x128xf32, #tpu.memory_space<vmem_shared>>
        %dma_wait3A_469 = arith.constant 9984 : i32
        %dma_wait3A_470 = arith.constant 0 : i32
        %dma_wait3A_471 = tpu.memref_slice %arg17[%dma_wait3A_469, %dma_wait3A_470] : memref<10000x128xf32, #tpu.memory_space<vmem_shared>> -> memref<16x128xf32, #tpu.memory_space<vmem_shared>>
        %dma_wait3A_472 = arith.constant 0 : i32
        %dma_wait3A_473 = arith.constant 0 : i32
        %dma_wait3A_474 = tpu.memref_slice %arg13[%dma_wait3A_472, %dma_wait3A_473] : memref<104x128xf32, #tpu.memory_space<vmem>> -> memref<16x128xf32, #tpu.memory_space<vmem>>
        tpu.wait_dma2 semaphore(%run_scoped3A_450 : memref<!tpu.dma_semaphore, #tpu.memory_space<semaphore_mem>>) src(%dma_wait3A_474 : memref<16x128xf32, #tpu.memory_space<vmem>>) dst(%dma_wait3A_471 : memref<16x128xf32, #tpu.memory_space<vmem_shared>>)
        tpu.yield
      }) : () -> ()
    } else {
    }
    %add3A_103 = arith.constant 0 : i32
    %add3A_104 = arith.addi %arg1, %add3A_103 : i32
    %mul3A_105 = arith.constant 104 : i32
    %mul3A_106 = arith.muli %add3A_104, %mul3A_105 : i32
    %dma_wait3A_107 = arith.constant 0 : i32
    %dma_wait3A_108 = tpu.memref_slice %arg17[%mul3A_106, %dma_wait3A_107] : memref<10000x128xf32, #tpu.memory_space<vmem_shared>> -> memref<104x128xf32, #tpu.memory_space<vmem_shared>>
    %dma_wait3A_109 = arith.constant 0 : i32
    %dma_wait3A_110 = tpu.memref_slice %arg17[%mul3A_106, %dma_wait3A_109] : memref<10000x128xf32, #tpu.memory_space<vmem_shared>> -> memref<104x128xf32, #tpu.memory_space<vmem_shared>>
    tpu.wait_dma2 semaphore(%arg27 : memref<!tpu.dma_semaphore, #tpu.memory_space<semaphore_mem>>) src(%arg13 : memref<104x128xf32, #tpu.memory_space<vmem>>) dst(%dma_wait3A_110 : memref<104x128xf32, #tpu.memory_space<vmem_shared>>)
    %add3A_111 = arith.constant 16 : i32
    %add3A_112 = arith.addi %arg1, %add3A_111 : i32
    %mul3A_113 = arith.constant 104 : i32
    %mul3A_114 = arith.muli %add3A_112, %mul3A_113 : i32
    %dma_wait3A_115 = arith.constant 0 : i32
    %dma_wait3A_116 = tpu.memref_slice %arg17[%mul3A_114, %dma_wait3A_115] : memref<10000x128xf32, #tpu.memory_space<vmem_shared>> -> memref<104x128xf32, #tpu.memory_space<vmem_shared>>
    %dma_wait3A_117 = arith.constant 0 : i32
    %dma_wait3A_118 = tpu.memref_slice %arg17[%mul3A_114, %dma_wait3A_117] : memref<10000x128xf32, #tpu.memory_space<vmem_shared>> -> memref<104x128xf32, #tpu.memory_space<vmem_shared>>
    tpu.wait_dma2 semaphore(%arg27 : memref<!tpu.dma_semaphore, #tpu.memory_space<semaphore_mem>>) src(%arg13 : memref<104x128xf32, #tpu.memory_space<vmem>>) dst(%dma_wait3A_118 : memref<104x128xf32, #tpu.memory_space<vmem_shared>>)
    %add3A_119 = arith.constant 32 : i32
    %add3A_120 = arith.addi %arg1, %add3A_119 : i32
    %mul3A_121 = arith.constant 104 : i32
    %mul3A_122 = arith.muli %add3A_120, %mul3A_121 : i32
    %dma_wait3A_123 = arith.constant 0 : i32
    %dma_wait3A_124 = tpu.memref_slice %arg17[%mul3A_122, %dma_wait3A_123] : memref<10000x128xf32, #tpu.memory_space<vmem_shared>> -> memref<104x128xf32, #tpu.memory_space<vmem_shared>>
    %dma_wait3A_125 = arith.constant 0 : i32
    %dma_wait3A_126 = tpu.memref_slice %arg17[%mul3A_122, %dma_wait3A_125] : memref<10000x128xf32, #tpu.memory_space<vmem_shared>> -> memref<104x128xf32, #tpu.memory_space<vmem_shared>>
    tpu.wait_dma2 semaphore(%arg27 : memref<!tpu.dma_semaphore, #tpu.memory_space<semaphore_mem>>) src(%arg13 : memref<104x128xf32, #tpu.memory_space<vmem>>) dst(%dma_wait3A_126 : memref<104x128xf32, #tpu.memory_space<vmem_shared>>)
    %add3A_127 = arith.constant 48 : i32
    %add3A_128 = arith.addi %arg1, %add3A_127 : i32
    %mul3A_129 = arith.constant 104 : i32
    %mul3A_130 = arith.muli %add3A_128, %mul3A_129 : i32
    %dma_wait3A_131 = arith.constant 0 : i32
    %dma_wait3A_132 = tpu.memref_slice %arg17[%mul3A_130, %dma_wait3A_131] : memref<10000x128xf32, #tpu.memory_space<vmem_shared>> -> memref<104x128xf32, #tpu.memory_space<vmem_shared>>
    %dma_wait3A_133 = arith.constant 0 : i32
    %dma_wait3A_134 = tpu.memref_slice %arg17[%mul3A_130, %dma_wait3A_133] : memref<10000x128xf32, #tpu.memory_space<vmem_shared>> -> memref<104x128xf32, #tpu.memory_space<vmem_shared>>
    tpu.wait_dma2 semaphore(%arg27 : memref<!tpu.dma_semaphore, #tpu.memory_space<semaphore_mem>>) src(%arg13 : memref<104x128xf32, #tpu.memory_space<vmem>>) dst(%dma_wait3A_134 : memref<104x128xf32, #tpu.memory_space<vmem_shared>>)
    %add3A_135 = arith.constant 64 : i32
    %add3A_136 = arith.addi %arg1, %add3A_135 : i32
    %mul3A_137 = arith.constant 104 : i32
    %mul3A_138 = arith.muli %add3A_136, %mul3A_137 : i32
    %dma_wait3A_139 = arith.constant 0 : i32
    %dma_wait3A_140 = tpu.memref_slice %arg17[%mul3A_138, %dma_wait3A_139] : memref<10000x128xf32, #tpu.memory_space<vmem_shared>> -> memref<104x128xf32, #tpu.memory_space<vmem_shared>>
    %dma_wait3A_141 = arith.constant 0 : i32
    %dma_wait3A_142 = tpu.memref_slice %arg17[%mul3A_138, %dma_wait3A_141] : memref<10000x128xf32, #tpu.memory_space<vmem_shared>> -> memref<104x128xf32, #tpu.memory_space<vmem_shared>>
    tpu.wait_dma2 semaphore(%arg27 : memref<!tpu.dma_semaphore, #tpu.memory_space<semaphore_mem>>) src(%arg13 : memref<104x128xf32, #tpu.memory_space<vmem>>) dst(%dma_wait3A_142 : memref<104x128xf32, #tpu.memory_space<vmem_shared>>)
    %add3A_143 = arith.constant 80 : i32
    %add3A_144 = arith.addi %arg1, %add3A_143 : i32
    %mul3A_145 = arith.constant 104 : i32
    %mul3A_146 = arith.muli %add3A_144, %mul3A_145 : i32
    %dma_wait3A_147 = arith.constant 0 : i32
    %dma_wait3A_148 = tpu.memref_slice %arg17[%mul3A_146, %dma_wait3A_147] : memref<10000x128xf32, #tpu.memory_space<vmem_shared>> -> memref<104x128xf32, #tpu.memory_space<vmem_shared>>
    %dma_wait3A_149 = arith.constant 0 : i32
    %dma_wait3A_150 = tpu.memref_slice %arg17[%mul3A_146, %dma_wait3A_149] : memref<10000x128xf32, #tpu.memory_space<vmem_shared>> -> memref<104x128xf32, #tpu.memory_space<vmem_shared>>
    tpu.wait_dma2 semaphore(%arg27 : memref<!tpu.dma_semaphore, #tpu.memory_space<semaphore_mem>>) src(%arg13 : memref<104x128xf32, #tpu.memory_space<vmem>>) dst(%dma_wait3A_150 : memref<104x128xf32, #tpu.memory_space<vmem_shared>>)
    %barrier3A = arith.constant 0 : index
    tpu.barrier barrier_id(%barrier3A)
    %add3A_151 = arith.constant 208 : i32
    %add3A_152 = arith.addi %mul3A_2, %add3A_151 : i32
    %dma_start3A_153 = tpu.memref_slice %arg3[%add3A_152] : memref<640000xi32, #tpu.memory_space<hbm>> -> memref<104xi32, #tpu.memory_space<hbm>>
    %dma_start3A_154 = tpu.memref_slice %arg3[%add3A_152] : memref<640000xi32, #tpu.memory_space<hbm>> -> memref<104xi32, #tpu.memory_space<hbm>>
    tpu.enqueue_dma source(%dma_start3A_154 : memref<104xi32, #tpu.memory_space<hbm>>) target(%arg7 : memref<104xi32, #tpu.memory_space<vmem>>) target_semaphore(%arg20 : memref<!tpu.dma_semaphore, #tpu.memory_space<semaphore_mem>>)
    %add3A_155 = arith.constant 320000 : i32
    %add3A_156 = arith.addi %add3A_155, %add3A_152 : i32
    %dma_start3A_157 = arith.constant 0 : i32
    %dma_start3A_158 = arith.constant 0 : i32
    %dma_start3A_159 = tpu.memref_slice %arg10[%dma_start3A_157, %dma_start3A_158] : memref<1x104xi32, #tpu.memory_space<vmem>> -> memref<1x104xi32, #tpu.memory_space<vmem>>
    %dma_start3A_160 = tpu.memref_squeeze %dma_start3A_159 : memref<1x104xi32, #tpu.memory_space<vmem>> -> memref<104xi32, #tpu.memory_space<vmem>>
    %dma_start3A_161 = tpu.memref_slice %arg3[%add3A_156] : memref<640000xi32, #tpu.memory_space<hbm>> -> memref<104xi32, #tpu.memory_space<hbm>>
    %dma_start3A_162 = arith.constant 0 : i32
    %dma_start3A_163 = tpu.memref_slice %arg10[%dma_start3A_157, %dma_start3A_162] : memref<1x104xi32, #tpu.memory_space<vmem>> -> memref<1x104xi32, #tpu.memory_space<vmem>>
    %dma_start3A_164 = tpu.memref_squeeze %dma_start3A_163 : memref<1x104xi32, #tpu.memory_space<vmem>> -> memref<104xi32, #tpu.memory_space<vmem>>
    %dma_start3A_165 = tpu.memref_slice %arg3[%add3A_156] : memref<640000xi32, #tpu.memory_space<hbm>> -> memref<104xi32, #tpu.memory_space<hbm>>
    tpu.enqueue_dma source(%dma_start3A_165 : memref<104xi32, #tpu.memory_space<hbm>>) target(%dma_start3A_164 : memref<104xi32, #tpu.memory_space<vmem>>) target_semaphore(%arg20 : memref<!tpu.dma_semaphore, #tpu.memory_space<semaphore_mem>>)
    %add3A_166 = arith.constant 104 : i32
    %add3A_167 = arith.addi %mul3A_2, %add3A_166 : i32
    %dma_wait3A_168 = tpu.memref_slice %arg3[%add3A_167] : memref<640000xi32, #tpu.memory_space<hbm>> -> memref<104xi32, #tpu.memory_space<hbm>>
    %dma_wait3A_169 = tpu.memref_slice %arg3[%add3A_167] : memref<640000xi32, #tpu.memory_space<hbm>> -> memref<104xi32, #tpu.memory_space<hbm>>
    tpu.wait_dma2 semaphore(%arg19 : memref<!tpu.dma_semaphore, #tpu.memory_space<semaphore_mem>>) src(%dma_wait3A_169 : memref<104xi32, #tpu.memory_space<hbm>>) dst(%arg6 : memref<104xi32, #tpu.memory_space<vmem>>)
    %add3A_170 = arith.constant 320000 : i32
    %add3A_171 = arith.addi %add3A_170, %add3A_167 : i32
    %dma_wait3A_172 = arith.constant 0 : i32
    %dma_wait3A_173 = arith.constant 0 : i32
    %dma_wait3A_174 = tpu.memref_slice %arg9[%dma_wait3A_172, %dma_wait3A_173] : memref<1x104xi32, #tpu.memory_space<vmem>> -> memref<1x104xi32, #tpu.memory_space<vmem>>
    %dma_wait3A_175 = tpu.memref_squeeze %dma_wait3A_174 : memref<1x104xi32, #tpu.memory_space<vmem>> -> memref<104xi32, #tpu.memory_space<vmem>>
    %dma_wait3A_176 = tpu.memref_slice %arg3[%add3A_171] : memref<640000xi32, #tpu.memory_space<hbm>> -> memref<104xi32, #tpu.memory_space<hbm>>
    %dma_wait3A_177 = arith.constant 0 : i32
    %dma_wait3A_178 = tpu.memref_slice %arg9[%dma_wait3A_172, %dma_wait3A_177] : memref<1x104xi32, #tpu.memory_space<vmem>> -> memref<1x104xi32, #tpu.memory_space<vmem>>
    %dma_wait3A_179 = tpu.memref_squeeze %dma_wait3A_178 : memref<1x104xi32, #tpu.memory_space<vmem>> -> memref<104xi32, #tpu.memory_space<vmem>>
    %dma_wait3A_180 = tpu.memref_slice %arg3[%add3A_171] : memref<640000xi32, #tpu.memory_space<hbm>> -> memref<104xi32, #tpu.memory_space<hbm>>
    tpu.wait_dma2 semaphore(%arg19 : memref<!tpu.dma_semaphore, #tpu.memory_space<semaphore_mem>>) src(%dma_wait3A_180 : memref<104xi32, #tpu.memory_space<hbm>>) dst(%dma_wait3A_179 : memref<104xi32, #tpu.memory_space<vmem>>)
    %dma_start3A_181 = arith.constant 0 : i32
    %dma_start3A_182 = arith.constant 0 : i32
    %dma_start3A_183 = tpu.memref_slice %arg2[%dma_start3A_181, %dma_start3A_182] : memref<10000x128xf32, #tpu.memory_space<hbm>> -> memref<10000x128xf32, #tpu.memory_space<hbm>>
    tpu.enqueue_indirect_dma source(%dma_start3A_183 : memref<10000x128xf32, #tpu.memory_space<hbm>>) target(%arg12 : memref<104x128xf32, #tpu.memory_space<vmem>>) offsets(%arg6 : memref<104xi32, #tpu.memory_space<vmem>>) semaphore(%arg22 : memref<!tpu.dma_semaphore, #tpu.memory_space<semaphore_mem>>)
    %dma_wait3A_184 = arith.constant 0 : i32
    %dma_wait3A_185 = arith.constant 0 : i32
    %dma_wait3A_186 = tpu.memref_slice %arg2[%dma_wait3A_184, %dma_wait3A_185] : memref<10000x128xf32, #tpu.memory_space<hbm>> -> memref<10000x128xf32, #tpu.memory_space<hbm>>
    tpu.wait_indirect_dma semaphore(%arg21 : memref<!tpu.dma_semaphore, #tpu.memory_space<semaphore_mem>>) src(%dma_wait3A_186 : memref<10000x128xf32, #tpu.memory_space<hbm>>) dst(%arg11 : memref<104x128xf32, #tpu.memory_space<vmem>>)
    %dma_start3A_187 = arith.constant 0 : i32
    %dma_start3A_188 = arith.constant 0 : i32
    %dma_start3A_189 = tpu.memref_slice %arg8[%dma_start3A_187, %dma_start3A_188] : memref<1x104xi32, #tpu.memory_space<vmem>> -> memref<1x104xi32, #tpu.memory_space<vmem>>
    %dma_start3A_190 = tpu.memref_squeeze %dma_start3A_189 : memref<1x104xi32, #tpu.memory_space<vmem>> -> memref<104xi32, #tpu.memory_space<vmem>>
    %dma_start3A_191 = arith.constant 0 : i32
    %dma_start3A_192 = arith.constant 0 : i32
    %dma_start3A_193 = tpu.memref_slice %arg17[%dma_start3A_191, %dma_start3A_192] : memref<10000x128xf32, #tpu.memory_space<vmem_shared>> -> memref<10000x128xf32, #tpu.memory_space<vmem_shared>>
    tpu.enqueue_indirect_dma source(%arg11 : memref<104x128xf32, #tpu.memory_space<vmem>>) target(%dma_start3A_193 : memref<10000x128xf32, #tpu.memory_space<vmem_shared>>) offsets(%dma_start3A_190 : memref<104xi32, #tpu.memory_space<vmem>>) semaphore(%arg24 : memref<!tpu.dma_semaphore, #tpu.memory_space<semaphore_mem>>) {add = true}
    %add3A_194 = arith.constant 312 : i32
    %add3A_195 = arith.addi %mul3A_2, %add3A_194 : i32
    %dma_start3A_196 = tpu.memref_slice %arg3[%add3A_195] : memref<640000xi32, #tpu.memory_space<hbm>> -> memref<104xi32, #tpu.memory_space<hbm>>
    %dma_start3A_197 = tpu.memref_slice %arg3[%add3A_195] : memref<640000xi32, #tpu.memory_space<hbm>> -> memref<104xi32, #tpu.memory_space<hbm>>
    tpu.enqueue_dma source(%dma_start3A_197 : memref<104xi32, #tpu.memory_space<hbm>>) target(%arg5 : memref<104xi32, #tpu.memory_space<vmem>>) target_semaphore(%arg18 : memref<!tpu.dma_semaphore, #tpu.memory_space<semaphore_mem>>)
    %add3A_198 = arith.constant 320000 : i32
    %add3A_199 = arith.addi %add3A_198, %add3A_195 : i32
    %dma_start3A_200 = arith.constant 0 : i32
    %dma_start3A_201 = arith.constant 0 : i32
    %dma_start3A_202 = tpu.memref_slice %arg8[%dma_start3A_200, %dma_start3A_201] : memref<1x104xi32, #tpu.memory_space<vmem>> -> memref<1x104xi32, #tpu.memory_space<vmem>>
    %dma_start3A_203 = tpu.memref_squeeze %dma_start3A_202 : memref<1x104xi32, #tpu.memory_space<vmem>> -> memref<104xi32, #tpu.memory_space<vmem>>
    %dma_start3A_204 = tpu.memref_slice %arg3[%add3A_199] : memref<640000xi32, #tpu.memory_space<hbm>> -> memref<104xi32, #tpu.memory_space<hbm>>
    %dma_start3A_205 = arith.constant 0 : i32
    %dma_start3A_206 = tpu.memref_slice %arg8[%dma_start3A_200, %dma_start3A_205] : memref<1x104xi32, #tpu.memory_space<vmem>> -> memref<1x104xi32, #tpu.memory_space<vmem>>
    %dma_start3A_207 = tpu.memref_squeeze %dma_start3A_206 : memref<1x104xi32, #tpu.memory_space<vmem>> -> memref<104xi32, #tpu.memory_space<vmem>>
    %dma_start3A_208 = tpu.memref_slice %arg3[%add3A_199] : memref<640000xi32, #tpu.memory_space<hbm>> -> memref<104xi32, #tpu.memory_space<hbm>>
    tpu.enqueue_dma source(%dma_start3A_208 : memref<104xi32, #tpu.memory_space<hbm>>) target(%dma_start3A_207 : memref<104xi32, #tpu.memory_space<vmem>>) target_semaphore(%arg18 : memref<!tpu.dma_semaphore, #tpu.memory_space<semaphore_mem>>)
    %add3A_209 = arith.constant 208 : i32
    %add3A_210 = arith.addi %mul3A_2, %add3A_209 : i32
    %dma_wait3A_211 = tpu.memref_slice %arg3[%add3A_210] : memref<640000xi32, #tpu.memory_space<hbm>> -> memref<104xi32, #tpu.memory_space<hbm>>
    %dma_wait3A_212 = tpu.memref_slice %arg3[%add3A_210] : memref<640000xi32, #tpu.memory_space<hbm>> -> memref<104xi32, #tpu.memory_space<hbm>>
    tpu.wait_dma2 semaphore(%arg20 : memref<!tpu.dma_semaphore, #tpu.memory_space<semaphore_mem>>) src(%dma_wait3A_212 : memref<104xi32, #tpu.memory_space<hbm>>) dst(%arg7 : memref<104xi32, #tpu.memory_space<vmem>>)
    %add3A_213 = arith.constant 320000 : i32
    %add3A_214 = arith.addi %add3A_213, %add3A_210 : i32
    %dma_wait3A_215 = arith.constant 0 : i32
    %dma_wait3A_216 = arith.constant 0 : i32
    %dma_wait3A_217 = tpu.memref_slice %arg10[%dma_wait3A_215, %dma_wait3A_216] : memref<1x104xi32, #tpu.memory_space<vmem>> -> memref<1x104xi32, #tpu.memory_space<vmem>>
    %dma_wait3A_218 = tpu.memref_squeeze %dma_wait3A_217 : memref<1x104xi32, #tpu.memory_space<vmem>> -> memref<104xi32, #tpu.memory_space<vmem>>
    %dma_wait3A_219 = tpu.memref_slice %arg3[%add3A_214] : memref<640000xi32, #tpu.memory_space<hbm>> -> memref<104xi32, #tpu.memory_space<hbm>>
    %dma_wait3A_220 = arith.constant 0 : i32
    %dma_wait3A_221 = tpu.memref_slice %arg10[%dma_wait3A_215, %dma_wait3A_220] : memref<1x104xi32, #tpu.memory_space<vmem>> -> memref<1x104xi32, #tpu.memory_space<vmem>>
    %dma_wait3A_222 = tpu.memref_squeeze %dma_wait3A_221 : memref<1x104xi32, #tpu.memory_space<vmem>> -> memref<104xi32, #tpu.memory_space<vmem>>
    %dma_wait3A_223 = tpu.memref_slice %arg3[%add3A_214] : memref<640000xi32, #tpu.memory_space<hbm>> -> memref<104xi32, #tpu.memory_space<hbm>>
    tpu.wait_dma2 semaphore(%arg20 : memref<!tpu.dma_semaphore, #tpu.memory_space<semaphore_mem>>) src(%dma_wait3A_223 : memref<104xi32, #tpu.memory_space<hbm>>) dst(%dma_wait3A_222 : memref<104xi32, #tpu.memory_space<vmem>>)
    %dma_start3A_224 = arith.constant 0 : i32
    %dma_start3A_225 = arith.constant 0 : i32
    %dma_start3A_226 = tpu.memref_slice %arg2[%dma_start3A_224, %dma_start3A_225] : memref<10000x128xf32, #tpu.memory_space<hbm>> -> memref<10000x128xf32, #tpu.memory_space<hbm>>
    tpu.enqueue_indirect_dma source(%dma_start3A_226 : memref<10000x128xf32, #tpu.memory_space<hbm>>) target(%arg13 : memref<104x128xf32, #tpu.memory_space<vmem>>) offsets(%arg7 : memref<104xi32, #tpu.memory_space<vmem>>) semaphore(%arg23 : memref<!tpu.dma_semaphore, #tpu.memory_space<semaphore_mem>>)
    %dma_wait3A_227 = arith.constant 0 : i32
    %dma_wait3A_228 = arith.constant 0 : i32
    %dma_wait3A_229 = tpu.memref_slice %arg2[%dma_wait3A_227, %dma_wait3A_228] : memref<10000x128xf32, #tpu.memory_space<hbm>> -> memref<10000x128xf32, #tpu.memory_space<hbm>>
    tpu.wait_indirect_dma semaphore(%arg22 : memref<!tpu.dma_semaphore, #tpu.memory_space<semaphore_mem>>) src(%dma_wait3A_229 : memref<10000x128xf32, #tpu.memory_space<hbm>>) dst(%arg12 : memref<104x128xf32, #tpu.memory_space<vmem>>)
    %dma_start3A_230 = arith.constant 0 : i32
    %dma_start3A_231 = arith.constant 0 : i32
    %dma_start3A_232 = tpu.memref_slice %arg9[%dma_start3A_230, %dma_start3A_231] : memref<1x104xi32, #tpu.memory_space<vmem>> -> memref<1x104xi32, #tpu.memory_space<vmem>>
    %dma_start3A_233 = tpu.memref_squeeze %dma_start3A_232 : memref<1x104xi32, #tpu.memory_space<vmem>> -> memref<104xi32, #tpu.memory_space<vmem>>
    %dma_start3A_234 = arith.constant 0 : i32
    %dma_start3A_235 = arith.constant 0 : i32
    %dma_start3A_236 = tpu.memref_slice %arg17[%dma_start3A_234, %dma_start3A_235] : memref<10000x128xf32, #tpu.memory_space<vmem_shared>> -> memref<10000x128xf32, #tpu.memory_space<vmem_shared>>
    tpu.enqueue_indirect_dma source(%arg12 : memref<104x128xf32, #tpu.memory_space<vmem>>) target(%dma_start3A_236 : memref<10000x128xf32, #tpu.memory_space<vmem_shared>>) offsets(%dma_start3A_233 : memref<104xi32, #tpu.memory_space<vmem>>) semaphore(%arg25 : memref<!tpu.dma_semaphore, #tpu.memory_space<semaphore_mem>>) {add = true}
    %scan3A_237 = arith.constant 0 : i32
    %scan3A_238 = arith.constant 30 : i32
    %scan3A_239 = arith.addi %scan3A_237, %scan3A_238 : i32
    %scan3A_240 = arith.constant 1 : i32
    scf.for %scan3A_450 = %scan3A_237 to %scan3A_239 step %scan3A_240  : i32 {
      %mul3A_451 = arith.constant 3 : i32
      %mul3A_452 = arith.muli %scan3A_450, %mul3A_451 : i32
      %add3A_453 = arith.constant 2 : i32
      %add3A_454 = arith.addi %add3A_453, %mul3A_452 : i32
      %add3A_455 = arith.constant 0 : i32
      %add3A_456 = arith.addi %add3A_454, %add3A_455 : i32
      %add3A_457 = arith.constant 2 : i32
      %add3A_458 = arith.addi %add3A_456, %add3A_457 : i32
      %mul3A_459 = arith.constant 104 : i32
      %mul3A_460 = arith.muli %add3A_458, %mul3A_459 : i32
      %add3A_461 = arith.addi %mul3A_2, %mul3A_460 : i32
      %dma_start3A_462 = tpu.memref_slice %arg3[%add3A_461] : memref<640000xi32, #tpu.memory_space<hbm>> -> memref<104xi32, #tpu.memory_space<hbm>>
      %dma_start3A_463 = tpu.memref_slice %arg3[%add3A_461] : memref<640000xi32, #tpu.memory_space<hbm>> -> memref<104xi32, #tpu.memory_space<hbm>>
      tpu.enqueue_dma source(%dma_start3A_463 : memref<104xi32, #tpu.memory_space<hbm>>) target(%arg6 : memref<104xi32, #tpu.memory_space<vmem>>) target_semaphore(%arg19 : memref<!tpu.dma_semaphore, #tpu.memory_space<semaphore_mem>>)
      %add3A_464 = arith.constant 320000 : i32
      %add3A_465 = arith.addi %add3A_464, %add3A_461 : i32
      %dma_start3A_466 = arith.constant 0 : i32
      %dma_start3A_467 = arith.constant 0 : i32
      %dma_start3A_468 = tpu.memref_slice %arg9[%dma_start3A_466, %dma_start3A_467] : memref<1x104xi32, #tpu.memory_space<vmem>> -> memref<1x104xi32, #tpu.memory_space<vmem>>
      %dma_start3A_469 = tpu.memref_squeeze %dma_start3A_468 : memref<1x104xi32, #tpu.memory_space<vmem>> -> memref<104xi32, #tpu.memory_space<vmem>>
      %dma_start3A_470 = tpu.memref_slice %arg3[%add3A_465] : memref<640000xi32, #tpu.memory_space<hbm>> -> memref<104xi32, #tpu.memory_space<hbm>>
      %dma_start3A_471 = arith.constant 0 : i32
      %dma_start3A_472 = tpu.memref_slice %arg9[%dma_start3A_466, %dma_start3A_471] : memref<1x104xi32, #tpu.memory_space<vmem>> -> memref<1x104xi32, #tpu.memory_space<vmem>>
      %dma_start3A_473 = tpu.memref_squeeze %dma_start3A_472 : memref<1x104xi32, #tpu.memory_space<vmem>> -> memref<104xi32, #tpu.memory_space<vmem>>
      %dma_start3A_474 = tpu.memref_slice %arg3[%add3A_465] : memref<640000xi32, #tpu.memory_space<hbm>> -> memref<104xi32, #tpu.memory_space<hbm>>
      tpu.enqueue_dma source(%dma_start3A_474 : memref<104xi32, #tpu.memory_space<hbm>>) target(%dma_start3A_473 : memref<104xi32, #tpu.memory_space<vmem>>) target_semaphore(%arg19 : memref<!tpu.dma_semaphore, #tpu.memory_space<semaphore_mem>>)
      %dma_wait3A_475 = arith.constant 0 : i32
      %dma_wait3A_476 = arith.constant 0 : i32
      %dma_wait3A_477 = tpu.memref_slice %arg8[%dma_wait3A_475, %dma_wait3A_476] : memref<1x104xi32, #tpu.memory_space<vmem>> -> memref<1x104xi32, #tpu.memory_space<vmem>>
      %dma_wait3A_478 = tpu.memref_squeeze %dma_wait3A_477 : memref<1x104xi32, #tpu.memory_space<vmem>> -> memref<104xi32, #tpu.memory_space<vmem>>
      %dma_wait3A_479 = arith.constant 0 : i32
      %dma_wait3A_480 = arith.constant 0 : i32
      %dma_wait3A_481 = tpu.memref_slice %arg17[%dma_wait3A_479, %dma_wait3A_480] : memref<10000x128xf32, #tpu.memory_space<vmem_shared>> -> memref<10000x128xf32, #tpu.memory_space<vmem_shared>>
      tpu.wait_indirect_dma semaphore(%arg24 : memref<!tpu.dma_semaphore, #tpu.memory_space<semaphore_mem>>) src(%arg11 : memref<104x128xf32, #tpu.memory_space<vmem>>) dst(%dma_wait3A_481 : memref<10000x128xf32, #tpu.memory_space<vmem_shared>>)
      %add3A_482 = arith.constant 1 : i32
      %add3A_483 = arith.addi %add3A_456, %add3A_482 : i32
      %mul3A_484 = arith.constant 104 : i32
      %mul3A_485 = arith.muli %add3A_483, %mul3A_484 : i32
      %add3A_486 = arith.addi %mul3A_2, %mul3A_485 : i32
      %dma_wait3A_487 = tpu.memref_slice %arg3[%add3A_486] : memref<640000xi32, #tpu.memory_space<hbm>> -> memref<104xi32, #tpu.memory_space<hbm>>
      %dma_wait3A_488 = tpu.memref_slice %arg3[%add3A_486] : memref<640000xi32, #tpu.memory_space<hbm>> -> memref<104xi32, #tpu.memory_space<hbm>>
      tpu.wait_dma2 semaphore(%arg18 : memref<!tpu.dma_semaphore, #tpu.memory_space<semaphore_mem>>) src(%dma_wait3A_488 : memref<104xi32, #tpu.memory_space<hbm>>) dst(%arg5 : memref<104xi32, #tpu.memory_space<vmem>>)
      %add3A_489 = arith.constant 320000 : i32
      %add3A_490 = arith.addi %add3A_489, %add3A_486 : i32
      %dma_wait3A_491 = arith.constant 0 : i32
      %dma_wait3A_492 = arith.constant 0 : i32
      %dma_wait3A_493 = tpu.memref_slice %arg8[%dma_wait3A_491, %dma_wait3A_492] : memref<1x104xi32, #tpu.memory_space<vmem>> -> memref<1x104xi32, #tpu.memory_space<vmem>>
      %dma_wait3A_494 = tpu.memref_squeeze %dma_wait3A_493 : memref<1x104xi32, #tpu.memory_space<vmem>> -> memref<104xi32, #tpu.memory_space<vmem>>
      %dma_wait3A_495 = tpu.memref_slice %arg3[%add3A_490] : memref<640000xi32, #tpu.memory_space<hbm>> -> memref<104xi32, #tpu.memory_space<hbm>>
      %dma_wait3A_496 = arith.constant 0 : i32
      %dma_wait3A_497 = tpu.memref_slice %arg8[%dma_wait3A_491, %dma_wait3A_496] : memref<1x104xi32, #tpu.memory_space<vmem>> -> memref<1x104xi32, #tpu.memory_space<vmem>>
      %dma_wait3A_498 = tpu.memref_squeeze %dma_wait3A_497 : memref<1x104xi32, #tpu.memory_space<vmem>> -> memref<104xi32, #tpu.memory_space<vmem>>
      %dma_wait3A_499 = tpu.memref_slice %arg3[%add3A_490] : memref<640000xi32, #tpu.memory_space<hbm>> -> memref<104xi32, #tpu.memory_space<hbm>>
      tpu.wait_dma2 semaphore(%arg18 : memref<!tpu.dma_semaphore, #tpu.memory_space<semaphore_mem>>) src(%dma_wait3A_499 : memref<104xi32, #tpu.memory_space<hbm>>) dst(%dma_wait3A_498 : memref<104xi32, #tpu.memory_space<vmem>>)
      %dma_start3A_500 = arith.constant 0 : i32
      %dma_start3A_501 = arith.constant 0 : i32
      %dma_start3A_502 = tpu.memref_slice %arg2[%dma_start3A_500, %dma_start3A_501] : memref<10000x128xf32, #tpu.memory_space<hbm>> -> memref<10000x128xf32, #tpu.memory_space<hbm>>
      tpu.enqueue_indirect_dma source(%dma_start3A_502 : memref<10000x128xf32, #tpu.memory_space<hbm>>) target(%arg11 : memref<104x128xf32, #tpu.memory_space<vmem>>) offsets(%arg5 : memref<104xi32, #tpu.memory_space<vmem>>) semaphore(%arg21 : memref<!tpu.dma_semaphore, #tpu.memory_space<semaphore_mem>>)
      %dma_wait3A_503 = arith.constant 0 : i32
      %dma_wait3A_504 = arith.constant 0 : i32
      %dma_wait3A_505 = tpu.memref_slice %arg2[%dma_wait3A_503, %dma_wait3A_504] : memref<10000x128xf32, #tpu.memory_space<hbm>> -> memref<10000x128xf32, #tpu.memory_space<hbm>>
      tpu.wait_indirect_dma semaphore(%arg23 : memref<!tpu.dma_semaphore, #tpu.memory_space<semaphore_mem>>) src(%dma_wait3A_505 : memref<10000x128xf32, #tpu.memory_space<hbm>>) dst(%arg13 : memref<104x128xf32, #tpu.memory_space<vmem>>)
      %dma_start3A_506 = arith.constant 0 : i32
      %dma_start3A_507 = arith.constant 0 : i32
      %dma_start3A_508 = tpu.memref_slice %arg10[%dma_start3A_506, %dma_start3A_507] : memref<1x104xi32, #tpu.memory_space<vmem>> -> memref<1x104xi32, #tpu.memory_space<vmem>>
      %dma_start3A_509 = tpu.memref_squeeze %dma_start3A_508 : memref<1x104xi32, #tpu.memory_space<vmem>> -> memref<104xi32, #tpu.memory_space<vmem>>
      %dma_start3A_510 = arith.constant 0 : i32
      %dma_start3A_511 = arith.constant 0 : i32
      %dma_start3A_512 = tpu.memref_slice %arg17[%dma_start3A_510, %dma_start3A_511] : memref<10000x128xf32, #tpu.memory_space<vmem_shared>> -> memref<10000x128xf32, #tpu.memory_space<vmem_shared>>
      tpu.enqueue_indirect_dma source(%arg13 : memref<104x128xf32, #tpu.memory_space<vmem>>) target(%dma_start3A_512 : memref<10000x128xf32, #tpu.memory_space<vmem_shared>>) offsets(%dma_start3A_509 : memref<104xi32, #tpu.memory_space<vmem>>) semaphore(%arg26 : memref<!tpu.dma_semaphore, #tpu.memory_space<semaphore_mem>>) {add = true}
      %add3A_513 = arith.constant 1 : i32
      %add3A_514 = arith.addi %add3A_454, %add3A_513 : i32
      %add3A_515 = arith.constant 2 : i32
      %add3A_516 = arith.addi %add3A_514, %add3A_515 : i32
      %mul3A_517 = arith.constant 104 : i32
      %mul3A_518 = arith.muli %add3A_516, %mul3A_517 : i32
      %add3A_519 = arith.addi %mul3A_2, %mul3A_518 : i32
      %dma_start3A_520 = tpu.memref_slice %arg3[%add3A_519] : memref<640000xi32, #tpu.memory_space<hbm>> -> memref<104xi32, #tpu.memory_space<hbm>>
      %dma_start3A_521 = tpu.memref_slice %arg3[%add3A_519] : memref<640000xi32, #tpu.memory_space<hbm>> -> memref<104xi32, #tpu.memory_space<hbm>>
      tpu.enqueue_dma source(%dma_start3A_521 : memref<104xi32, #tpu.memory_space<hbm>>) target(%arg7 : memref<104xi32, #tpu.memory_space<vmem>>) target_semaphore(%arg20 : memref<!tpu.dma_semaphore, #tpu.memory_space<semaphore_mem>>)
      %add3A_522 = arith.constant 320000 : i32
      %add3A_523 = arith.addi %add3A_522, %add3A_519 : i32
      %dma_start3A_524 = arith.constant 0 : i32
      %dma_start3A_525 = arith.constant 0 : i32
      %dma_start3A_526 = tpu.memref_slice %arg10[%dma_start3A_524, %dma_start3A_525] : memref<1x104xi32, #tpu.memory_space<vmem>> -> memref<1x104xi32, #tpu.memory_space<vmem>>
      %dma_start3A_527 = tpu.memref_squeeze %dma_start3A_526 : memref<1x104xi32, #tpu.memory_space<vmem>> -> memref<104xi32, #tpu.memory_space<vmem>>
      %dma_start3A_528 = tpu.memref_slice %arg3[%add3A_523] : memref<640000xi32, #tpu.memory_space<hbm>> -> memref<104xi32, #tpu.memory_space<hbm>>
      %dma_start3A_529 = arith.constant 0 : i32
      %dma_start3A_530 = tpu.memref_slice %arg10[%dma_start3A_524, %dma_start3A_529] : memref<1x104xi32, #tpu.memory_space<vmem>> -> memref<1x104xi32, #tpu.memory_space<vmem>>
      %dma_start3A_531 = tpu.memref_squeeze %dma_start3A_530 : memref<1x104xi32, #tpu.memory_space<vmem>> -> memref<104xi32, #tpu.memory_space<vmem>>
      %dma_start3A_532 = tpu.memref_slice %arg3[%add3A_523] : memref<640000xi32, #tpu.memory_space<hbm>> -> memref<104xi32, #tpu.memory_space<hbm>>
      tpu.enqueue_dma source(%dma_start3A_532 : memref<104xi32, #tpu.memory_space<hbm>>) target(%dma_start3A_531 : memref<104xi32, #tpu.memory_space<vmem>>) target_semaphore(%arg20 : memref<!tpu.dma_semaphore, #tpu.memory_space<semaphore_mem>>)
      %dma_wait3A_533 = arith.constant 0 : i32
      %dma_wait3A_534 = arith.constant 0 : i32
      %dma_wait3A_535 = tpu.memref_slice %arg9[%dma_wait3A_533, %dma_wait3A_534] : memref<1x104xi32, #tpu.memory_space<vmem>> -> memref<1x104xi32, #tpu.memory_space<vmem>>
      %dma_wait3A_536 = tpu.memref_squeeze %dma_wait3A_535 : memref<1x104xi32, #tpu.memory_space<vmem>> -> memref<104xi32, #tpu.memory_space<vmem>>
      %dma_wait3A_537 = arith.constant 0 : i32
      %dma_wait3A_538 = arith.constant 0 : i32
      %dma_wait3A_539 = tpu.memref_slice %arg17[%dma_wait3A_537, %dma_wait3A_538] : memref<10000x128xf32, #tpu.memory_space<vmem_shared>> -> memref<10000x128xf32, #tpu.memory_space<vmem_shared>>
      tpu.wait_indirect_dma semaphore(%arg25 : memref<!tpu.dma_semaphore, #tpu.memory_space<semaphore_mem>>) src(%arg12 : memref<104x128xf32, #tpu.memory_space<vmem>>) dst(%dma_wait3A_539 : memref<10000x128xf32, #tpu.memory_space<vmem_shared>>)
      %add3A_540 = arith.constant 1 : i32
      %add3A_541 = arith.addi %add3A_514, %add3A_540 : i32
      %mul3A_542 = arith.constant 104 : i32
      %mul3A_543 = arith.muli %add3A_541, %mul3A_542 : i32
      %add3A_544 = arith.addi %mul3A_2, %mul3A_543 : i32
      %dma_wait3A_545 = tpu.memref_slice %arg3[%add3A_544] : memref<640000xi32, #tpu.memory_space<hbm>> -> memref<104xi32, #tpu.memory_space<hbm>>
      %dma_wait3A_546 = tpu.memref_slice %arg3[%add3A_544] : memref<640000xi32, #tpu.memory_space<hbm>> -> memref<104xi32, #tpu.memory_space<hbm>>
      tpu.wait_dma2 semaphore(%arg19 : memref<!tpu.dma_semaphore, #tpu.memory_space<semaphore_mem>>) src(%dma_wait3A_546 : memref<104xi32, #tpu.memory_space<hbm>>) dst(%arg6 : memref<104xi32, #tpu.memory_space<vmem>>)
      %add3A_547 = arith.constant 320000 : i32
      %add3A_548 = arith.addi %add3A_547, %add3A_544 : i32
      %dma_wait3A_549 = arith.constant 0 : i32
      %dma_wait3A_550 = arith.constant 0 : i32
      %dma_wait3A_551 = tpu.memref_slice %arg9[%dma_wait3A_549, %dma_wait3A_550] : memref<1x104xi32, #tpu.memory_space<vmem>> -> memref<1x104xi32, #tpu.memory_space<vmem>>
      %dma_wait3A_552 = tpu.memref_squeeze %dma_wait3A_551 : memref<1x104xi32, #tpu.memory_space<vmem>> -> memref<104xi32, #tpu.memory_space<vmem>>
      %dma_wait3A_553 = tpu.memref_slice %arg3[%add3A_548] : memref<640000xi32, #tpu.memory_space<hbm>> -> memref<104xi32, #tpu.memory_space<hbm>>
      %dma_wait3A_554 = arith.constant 0 : i32
      %dma_wait3A_555 = tpu.memref_slice %arg9[%dma_wait3A_549, %dma_wait3A_554] : memref<1x104xi32, #tpu.memory_space<vmem>> -> memref<1x104xi32, #tpu.memory_space<vmem>>
      %dma_wait3A_556 = tpu.memref_squeeze %dma_wait3A_555 : memref<1x104xi32, #tpu.memory_space<vmem>> -> memref<104xi32, #tpu.memory_space<vmem>>
      %dma_wait3A_557 = tpu.memref_slice %arg3[%add3A_548] : memref<640000xi32, #tpu.memory_space<hbm>> -> memref<104xi32, #tpu.memory_space<hbm>>
      tpu.wait_dma2 semaphore(%arg19 : memref<!tpu.dma_semaphore, #tpu.memory_space<semaphore_mem>>) src(%dma_wait3A_557 : memref<104xi32, #tpu.memory_space<hbm>>) dst(%dma_wait3A_556 : memref<104xi32, #tpu.memory_space<vmem>>)
      %dma_start3A_558 = arith.constant 0 : i32
      %dma_start3A_559 = arith.constant 0 : i32
      %dma_start3A_560 = tpu.memref_slice %arg2[%dma_start3A_558, %dma_start3A_559] : memref<10000x128xf32, #tpu.memory_space<hbm>> -> memref<10000x128xf32, #tpu.memory_space<hbm>>
      tpu.enqueue_indirect_dma source(%dma_start3A_560 : memref<10000x128xf32, #tpu.memory_space<hbm>>) target(%arg12 : memref<104x128xf32, #tpu.memory_space<vmem>>) offsets(%arg6 : memref<104xi32, #tpu.memory_space<vmem>>) semaphore(%arg22 : memref<!tpu.dma_semaphore, #tpu.memory_space<semaphore_mem>>)
      %dma_wait3A_561 = arith.constant 0 : i32
      %dma_wait3A_562 = arith.constant 0 : i32
      %dma_wait3A_563 = tpu.memref_slice %arg2[%dma_wait3A_561, %dma_wait3A_562] : memref<10000x128xf32, #tpu.memory_space<hbm>> -> memref<10000x128xf32, #tpu.memory_space<hbm>>
      tpu.wait_indirect_dma semaphore(%arg21 : memref<!tpu.dma_semaphore, #tpu.memory_space<semaphore_mem>>) src(%dma_wait3A_563 : memref<10000x128xf32, #tpu.memory_space<hbm>>) dst(%arg11 : memref<104x128xf32, #tpu.memory_space<vmem>>)
      %dma_start3A_564 = arith.constant 0 : i32
      %dma_start3A_565 = arith.constant 0 : i32
      %dma_start3A_566 = tpu.memref_slice %arg8[%dma_start3A_564, %dma_start3A_565] : memref<1x104xi32, #tpu.memory_space<vmem>> -> memref<1x104xi32, #tpu.memory_space<vmem>>
      %dma_start3A_567 = tpu.memref_squeeze %dma_start3A_566 : memref<1x104xi32, #tpu.memory_space<vmem>> -> memref<104xi32, #tpu.memory_space<vmem>>
      %dma_start3A_568 = arith.constant 0 : i32
      %dma_start3A_569 = arith.constant 0 : i32
      %dma_start3A_570 = tpu.memref_slice %arg17[%dma_start3A_568, %dma_start3A_569] : memref<10000x128xf32, #tpu.memory_space<vmem_shared>> -> memref<10000x128xf32, #tpu.memory_space<vmem_shared>>
      tpu.enqueue_indirect_dma source(%arg11 : memref<104x128xf32, #tpu.memory_space<vmem>>) target(%dma_start3A_570 : memref<10000x128xf32, #tpu.memory_space<vmem_shared>>) offsets(%dma_start3A_567 : memref<104xi32, #tpu.memory_space<vmem>>) semaphore(%arg24 : memref<!tpu.dma_semaphore, #tpu.memory_space<semaphore_mem>>) {add = true}
      %add3A_571 = arith.constant 2 : i32
      %add3A_572 = arith.addi %add3A_454, %add3A_571 : i32
      %add3A_573 = arith.constant 2 : i32
      %add3A_574 = arith.addi %add3A_572, %add3A_573 : i32
      %mul3A_575 = arith.constant 104 : i32
      %mul3A_576 = arith.muli %add3A_574, %mul3A_575 : i32
      %add3A_577 = arith.addi %mul3A_2, %mul3A_576 : i32
      %dma_start3A_578 = tpu.memref_slice %arg3[%add3A_577] : memref<640000xi32, #tpu.memory_space<hbm>> -> memref<104xi32, #tpu.memory_space<hbm>>
      %dma_start3A_579 = tpu.memref_slice %arg3[%add3A_577] : memref<640000xi32, #tpu.memory_space<hbm>> -> memref<104xi32, #tpu.memory_space<hbm>>
      tpu.enqueue_dma source(%dma_start3A_579 : memref<104xi32, #tpu.memory_space<hbm>>) target(%arg5 : memref<104xi32, #tpu.memory_space<vmem>>) target_semaphore(%arg18 : memref<!tpu.dma_semaphore, #tpu.memory_space<semaphore_mem>>)
      %add3A_580 = arith.constant 320000 : i32
      %add3A_581 = arith.addi %add3A_580, %add3A_577 : i32
      %dma_start3A_582 = arith.constant 0 : i32
      %dma_start3A_583 = arith.constant 0 : i32
      %dma_start3A_584 = tpu.memref_slice %arg8[%dma_start3A_582, %dma_start3A_583] : memref<1x104xi32, #tpu.memory_space<vmem>> -> memref<1x104xi32, #tpu.memory_space<vmem>>
      %dma_start3A_585 = tpu.memref_squeeze %dma_start3A_584 : memref<1x104xi32, #tpu.memory_space<vmem>> -> memref<104xi32, #tpu.memory_space<vmem>>
      %dma_start3A_586 = tpu.memref_slice %arg3[%add3A_581] : memref<640000xi32, #tpu.memory_space<hbm>> -> memref<104xi32, #tpu.memory_space<hbm>>
      %dma_start3A_587 = arith.constant 0 : i32
      %dma_start3A_588 = tpu.memref_slice %arg8[%dma_start3A_582, %dma_start3A_587] : memref<1x104xi32, #tpu.memory_space<vmem>> -> memref<1x104xi32, #tpu.memory_space<vmem>>
      %dma_start3A_589 = tpu.memref_squeeze %dma_start3A_588 : memref<1x104xi32, #tpu.memory_space<vmem>> -> memref<104xi32, #tpu.memory_space<vmem>>
      %dma_start3A_590 = tpu.memref_slice %arg3[%add3A_581] : memref<640000xi32, #tpu.memory_space<hbm>> -> memref<104xi32, #tpu.memory_space<hbm>>
      tpu.enqueue_dma source(%dma_start3A_590 : memref<104xi32, #tpu.memory_space<hbm>>) target(%dma_start3A_589 : memref<104xi32, #tpu.memory_space<vmem>>) target_semaphore(%arg18 : memref<!tpu.dma_semaphore, #tpu.memory_space<semaphore_mem>>)
      %dma_wait3A_591 = arith.constant 0 : i32
      %dma_wait3A_592 = arith.constant 0 : i32
      %dma_wait3A_593 = tpu.memref_slice %arg10[%dma_wait3A_591, %dma_wait3A_592] : memref<1x104xi32, #tpu.memory_space<vmem>> -> memref<1x104xi32, #tpu.memory_space<vmem>>
      %dma_wait3A_594 = tpu.memref_squeeze %dma_wait3A_593 : memref<1x104xi32, #tpu.memory_space<vmem>> -> memref<104xi32, #tpu.memory_space<vmem>>
      %dma_wait3A_595 = arith.constant 0 : i32
      %dma_wait3A_596 = arith.constant 0 : i32
      %dma_wait3A_597 = tpu.memref_slice %arg17[%dma_wait3A_595, %dma_wait3A_596] : memref<10000x128xf32, #tpu.memory_space<vmem_shared>> -> memref<10000x128xf32, #tpu.memory_space<vmem_shared>>
      tpu.wait_indirect_dma semaphore(%arg26 : memref<!tpu.dma_semaphore, #tpu.memory_space<semaphore_mem>>) src(%arg13 : memref<104x128xf32, #tpu.memory_space<vmem>>) dst(%dma_wait3A_597 : memref<10000x128xf32, #tpu.memory_space<vmem_shared>>)
      %add3A_598 = arith.constant 1 : i32
      %add3A_599 = arith.addi %add3A_572, %add3A_598 : i32
      %mul3A_600 = arith.constant 104 : i32
      %mul3A_601 = arith.muli %add3A_599, %mul3A_600 : i32
      %add3A_602 = arith.addi %mul3A_2, %mul3A_601 : i32
      %dma_wait3A_603 = tpu.memref_slice %arg3[%add3A_602] : memref<640000xi32, #tpu.memory_space<hbm>> -> memref<104xi32, #tpu.memory_space<hbm>>
      %dma_wait3A_604 = tpu.memref_slice %arg3[%add3A_602] : memref<640000xi32, #tpu.memory_space<hbm>> -> memref<104xi32, #tpu.memory_space<hbm>>
      tpu.wait_dma2 semaphore(%arg20 : memref<!tpu.dma_semaphore, #tpu.memory_space<semaphore_mem>>) src(%dma_wait3A_604 : memref<104xi32, #tpu.memory_space<hbm>>) dst(%arg7 : memref<104xi32, #tpu.memory_space<vmem>>)
      %add3A_605 = arith.constant 320000 : i32
      %add3A_606 = arith.addi %add3A_605, %add3A_602 : i32
      %dma_wait3A_607 = arith.constant 0 : i32
      %dma_wait3A_608 = arith.constant 0 : i32
      %dma_wait3A_609 = tpu.memref_slice %arg10[%dma_wait3A_607, %dma_wait3A_608] : memref<1x104xi32, #tpu.memory_space<vmem>> -> memref<1x104xi32, #tpu.memory_space<vmem>>
      %dma_wait3A_610 = tpu.memref_squeeze %dma_wait3A_609 : memref<1x104xi32, #tpu.memory_space<vmem>> -> memref<104xi32, #tpu.memory_space<vmem>>
      %dma_wait3A_611 = tpu.memref_slice %arg3[%add3A_606] : memref<640000xi32, #tpu.memory_space<hbm>> -> memref<104xi32, #tpu.memory_space<hbm>>
      %dma_wait3A_612 = arith.constant 0 : i32
      %dma_wait3A_613 = tpu.memref_slice %arg10[%dma_wait3A_607, %dma_wait3A_612] : memref<1x104xi32, #tpu.memory_space<vmem>> -> memref<1x104xi32, #tpu.memory_space<vmem>>
      %dma_wait3A_614 = tpu.memref_squeeze %dma_wait3A_613 : memref<1x104xi32, #tpu.memory_space<vmem>> -> memref<104xi32, #tpu.memory_space<vmem>>
      %dma_wait3A_615 = tpu.memref_slice %arg3[%add3A_606] : memref<640000xi32, #tpu.memory_space<hbm>> -> memref<104xi32, #tpu.memory_space<hbm>>
      tpu.wait_dma2 semaphore(%arg20 : memref<!tpu.dma_semaphore, #tpu.memory_space<semaphore_mem>>) src(%dma_wait3A_615 : memref<104xi32, #tpu.memory_space<hbm>>) dst(%dma_wait3A_614 : memref<104xi32, #tpu.memory_space<vmem>>)
      %dma_start3A_616 = arith.constant 0 : i32
      %dma_start3A_617 = arith.constant 0 : i32
      %dma_start3A_618 = tpu.memref_slice %arg2[%dma_start3A_616, %dma_start3A_617] : memref<10000x128xf32, #tpu.memory_space<hbm>> -> memref<10000x128xf32, #tpu.memory_space<hbm>>
      tpu.enqueue_indirect_dma source(%dma_start3A_618 : memref<10000x128xf32, #tpu.memory_space<hbm>>) target(%arg13 : memref<104x128xf32, #tpu.memory_space<vmem>>) offsets(%arg7 : memref<104xi32, #tpu.memory_space<vmem>>) semaphore(%arg23 : memref<!tpu.dma_semaphore, #tpu.memory_space<semaphore_mem>>)
      %dma_wait3A_619 = arith.constant 0 : i32
      %dma_wait3A_620 = arith.constant 0 : i32
      %dma_wait3A_621 = tpu.memref_slice %arg2[%dma_wait3A_619, %dma_wait3A_620] : memref<10000x128xf32, #tpu.memory_space<hbm>> -> memref<10000x128xf32, #tpu.memory_space<hbm>>
      tpu.wait_indirect_dma semaphore(%arg22 : memref<!tpu.dma_semaphore, #tpu.memory_space<semaphore_mem>>) src(%dma_wait3A_621 : memref<10000x128xf32, #tpu.memory_space<hbm>>) dst(%arg12 : memref<104x128xf32, #tpu.memory_space<vmem>>)
      %dma_start3A_622 = arith.constant 0 : i32
      %dma_start3A_623 = arith.constant 0 : i32
      %dma_start3A_624 = tpu.memref_slice %arg9[%dma_start3A_622, %dma_start3A_623] : memref<1x104xi32, #tpu.memory_space<vmem>> -> memref<1x104xi32, #tpu.memory_space<vmem>>
      %dma_start3A_625 = tpu.memref_squeeze %dma_start3A_624 : memref<1x104xi32, #tpu.memory_space<vmem>> -> memref<104xi32, #tpu.memory_space<vmem>>
      %dma_start3A_626 = arith.constant 0 : i32
      %dma_start3A_627 = arith.constant 0 : i32
      %dma_start3A_628 = tpu.memref_slice %arg17[%dma_start3A_626, %dma_start3A_627] : memref<10000x128xf32, #tpu.memory_space<vmem_shared>> -> memref<10000x128xf32, #tpu.memory_space<vmem_shared>>
      tpu.enqueue_indirect_dma source(%arg12 : memref<104x128xf32, #tpu.memory_space<vmem>>) target(%dma_start3A_628 : memref<10000x128xf32, #tpu.memory_space<vmem_shared>>) offsets(%dma_start3A_625 : memref<104xi32, #tpu.memory_space<vmem>>) semaphore(%arg25 : memref<!tpu.dma_semaphore, #tpu.memory_space<semaphore_mem>>) {add = true}
    }
    %scan3A_241 = arith.constant 30 : i32
    %add3A_242 = arith.constant 9776 : i32
    %add3A_243 = arith.addi %mul3A_2, %add3A_242 : i32
    %dma_start3A_244 = tpu.memref_slice %arg3[%add3A_243] : memref<640000xi32, #tpu.memory_space<hbm>> -> memref<104xi32, #tpu.memory_space<hbm>>
    %dma_start3A_245 = tpu.memref_slice %arg3[%add3A_243] : memref<640000xi32, #tpu.memory_space<hbm>> -> memref<104xi32, #tpu.memory_space<hbm>>
    tpu.enqueue_dma source(%dma_start3A_245 : memref<104xi32, #tpu.memory_space<hbm>>) target(%arg6 : memref<104xi32, #tpu.memory_space<vmem>>) target_semaphore(%arg19 : memref<!tpu.dma_semaphore, #tpu.memory_space<semaphore_mem>>)
    %add3A_246 = arith.constant 320000 : i32
    %add3A_247 = arith.addi %add3A_246, %add3A_243 : i32
    %dma_start3A_248 = arith.constant 0 : i32
    %dma_start3A_249 = arith.constant 0 : i32
    %dma_start3A_250 = tpu.memref_slice %arg9[%dma_start3A_248, %dma_start3A_249] : memref<1x104xi32, #tpu.memory_space<vmem>> -> memref<1x104xi32, #tpu.memory_space<vmem>>
    %dma_start3A_251 = tpu.memref_squeeze %dma_start3A_250 : memref<1x104xi32, #tpu.memory_space<vmem>> -> memref<104xi32, #tpu.memory_space<vmem>>
    %dma_start3A_252 = tpu.memref_slice %arg3[%add3A_247] : memref<640000xi32, #tpu.memory_space<hbm>> -> memref<104xi32, #tpu.memory_space<hbm>>
    %dma_start3A_253 = arith.constant 0 : i32
    %dma_start3A_254 = tpu.memref_slice %arg9[%dma_start3A_248, %dma_start3A_253] : memref<1x104xi32, #tpu.memory_space<vmem>> -> memref<1x104xi32, #tpu.memory_space<vmem>>
    %dma_start3A_255 = tpu.memref_squeeze %dma_start3A_254 : memref<1x104xi32, #tpu.memory_space<vmem>> -> memref<104xi32, #tpu.memory_space<vmem>>
    %dma_start3A_256 = tpu.memref_slice %arg3[%add3A_247] : memref<640000xi32, #tpu.memory_space<hbm>> -> memref<104xi32, #tpu.memory_space<hbm>>
    tpu.enqueue_dma source(%dma_start3A_256 : memref<104xi32, #tpu.memory_space<hbm>>) target(%dma_start3A_255 : memref<104xi32, #tpu.memory_space<vmem>>) target_semaphore(%arg19 : memref<!tpu.dma_semaphore, #tpu.memory_space<semaphore_mem>>)
    %dma_wait3A_257 = arith.constant 0 : i32
    %dma_wait3A_258 = arith.constant 0 : i32
    %dma_wait3A_259 = tpu.memref_slice %arg8[%dma_wait3A_257, %dma_wait3A_258] : memref<1x104xi32, #tpu.memory_space<vmem>> -> memref<1x104xi32, #tpu.memory_space<vmem>>
    %dma_wait3A_260 = tpu.memref_squeeze %dma_wait3A_259 : memref<1x104xi32, #tpu.memory_space<vmem>> -> memref<104xi32, #tpu.memory_space<vmem>>
    %dma_wait3A_261 = arith.constant 0 : i32
    %dma_wait3A_262 = arith.constant 0 : i32
    %dma_wait3A_263 = tpu.memref_slice %arg17[%dma_wait3A_261, %dma_wait3A_262] : memref<10000x128xf32, #tpu.memory_space<vmem_shared>> -> memref<10000x128xf32, #tpu.memory_space<vmem_shared>>
    tpu.wait_indirect_dma semaphore(%arg24 : memref<!tpu.dma_semaphore, #tpu.memory_space<semaphore_mem>>) src(%arg11 : memref<104x128xf32, #tpu.memory_space<vmem>>) dst(%dma_wait3A_263 : memref<10000x128xf32, #tpu.memory_space<vmem_shared>>)
    %add3A_264 = arith.constant 9672 : i32
    %add3A_265 = arith.addi %mul3A_2, %add3A_264 : i32
    %dma_wait3A_266 = tpu.memref_slice %arg3[%add3A_265] : memref<640000xi32, #tpu.memory_space<hbm>> -> memref<104xi32, #tpu.memory_space<hbm>>
    %dma_wait3A_267 = tpu.memref_slice %arg3[%add3A_265] : memref<640000xi32, #tpu.memory_space<hbm>> -> memref<104xi32, #tpu.memory_space<hbm>>
    tpu.wait_dma2 semaphore(%arg18 : memref<!tpu.dma_semaphore, #tpu.memory_space<semaphore_mem>>) src(%dma_wait3A_267 : memref<104xi32, #tpu.memory_space<hbm>>) dst(%arg5 : memref<104xi32, #tpu.memory_space<vmem>>)
    %add3A_268 = arith.constant 320000 : i32
    %add3A_269 = arith.addi %add3A_268, %add3A_265 : i32
    %dma_wait3A_270 = arith.constant 0 : i32
    %dma_wait3A_271 = arith.constant 0 : i32
    %dma_wait3A_272 = tpu.memref_slice %arg8[%dma_wait3A_270, %dma_wait3A_271] : memref<1x104xi32, #tpu.memory_space<vmem>> -> memref<1x104xi32, #tpu.memory_space<vmem>>
    %dma_wait3A_273 = tpu.memref_squeeze %dma_wait3A_272 : memref<1x104xi32, #tpu.memory_space<vmem>> -> memref<104xi32, #tpu.memory_space<vmem>>
    %dma_wait3A_274 = tpu.memref_slice %arg3[%add3A_269] : memref<640000xi32, #tpu.memory_space<hbm>> -> memref<104xi32, #tpu.memory_space<hbm>>
    %dma_wait3A_275 = arith.constant 0 : i32
    %dma_wait3A_276 = tpu.memref_slice %arg8[%dma_wait3A_270, %dma_wait3A_275] : memref<1x104xi32, #tpu.memory_space<vmem>> -> memref<1x104xi32, #tpu.memory_space<vmem>>
    %dma_wait3A_277 = tpu.memref_squeeze %dma_wait3A_276 : memref<1x104xi32, #tpu.memory_space<vmem>> -> memref<104xi32, #tpu.memory_space<vmem>>
    %dma_wait3A_278 = tpu.memref_slice %arg3[%add3A_269] : memref<640000xi32, #tpu.memory_space<hbm>> -> memref<104xi32, #tpu.memory_space<hbm>>
    tpu.wait_dma2 semaphore(%arg18 : memref<!tpu.dma_semaphore, #tpu.memory_space<semaphore_mem>>) src(%dma_wait3A_278 : memref<104xi32, #tpu.memory_space<hbm>>) dst(%dma_wait3A_277 : memref<104xi32, #tpu.memory_space<vmem>>)
    %dma_start3A_279 = arith.constant 0 : i32
    %dma_start3A_280 = arith.constant 0 : i32
    %dma_start3A_281 = tpu.memref_slice %arg2[%dma_start3A_279, %dma_start3A_280] : memref<10000x128xf32, #tpu.memory_space<hbm>> -> memref<10000x128xf32, #tpu.memory_space<hbm>>
    tpu.enqueue_indirect_dma source(%dma_start3A_281 : memref<10000x128xf32, #tpu.memory_space<hbm>>) target(%arg11 : memref<104x128xf32, #tpu.memory_space<vmem>>) offsets(%arg5 : memref<104xi32, #tpu.memory_space<vmem>>) semaphore(%arg21 : memref<!tpu.dma_semaphore, #tpu.memory_space<semaphore_mem>>)
    %dma_wait3A_282 = arith.constant 0 : i32
    %dma_wait3A_283 = arith.constant 0 : i32
    %dma_wait3A_284 = tpu.memref_slice %arg2[%dma_wait3A_282, %dma_wait3A_283] : memref<10000x128xf32, #tpu.memory_space<hbm>> -> memref<10000x128xf32, #tpu.memory_space<hbm>>
    tpu.wait_indirect_dma semaphore(%arg23 : memref<!tpu.dma_semaphore, #tpu.memory_space<semaphore_mem>>) src(%dma_wait3A_284 : memref<10000x128xf32, #tpu.memory_space<hbm>>) dst(%arg13 : memref<104x128xf32, #tpu.memory_space<vmem>>)
    %dma_start3A_285 = arith.constant 0 : i32
    %dma_start3A_286 = arith.constant 0 : i32
    %dma_start3A_287 = tpu.memref_slice %arg10[%dma_start3A_285, %dma_start3A_286] : memref<1x104xi32, #tpu.memory_space<vmem>> -> memref<1x104xi32, #tpu.memory_space<vmem>>
    %dma_start3A_288 = tpu.memref_squeeze %dma_start3A_287 : memref<1x104xi32, #tpu.memory_space<vmem>> -> memref<104xi32, #tpu.memory_space<vmem>>
    %dma_start3A_289 = arith.constant 0 : i32
    %dma_start3A_290 = arith.constant 0 : i32
    %dma_start3A_291 = tpu.memref_slice %arg17[%dma_start3A_289, %dma_start3A_290] : memref<10000x128xf32, #tpu.memory_space<vmem_shared>> -> memref<10000x128xf32, #tpu.memory_space<vmem_shared>>
    tpu.enqueue_indirect_dma source(%arg13 : memref<104x128xf32, #tpu.memory_space<vmem>>) target(%dma_start3A_291 : memref<10000x128xf32, #tpu.memory_space<vmem_shared>>) offsets(%dma_start3A_288 : memref<104xi32, #tpu.memory_space<vmem>>) semaphore(%arg26 : memref<!tpu.dma_semaphore, #tpu.memory_space<semaphore_mem>>) {add = true}
    %add3A_292 = arith.constant 9880 : i32
    %add3A_293 = arith.addi %mul3A_2, %add3A_292 : i32
    %dma_start3A_294 = tpu.memref_slice %arg3[%add3A_293] : memref<640000xi32, #tpu.memory_space<hbm>> -> memref<104xi32, #tpu.memory_space<hbm>>
    %dma_start3A_295 = tpu.memref_slice %arg3[%add3A_293] : memref<640000xi32, #tpu.memory_space<hbm>> -> memref<104xi32, #tpu.memory_space<hbm>>
    tpu.enqueue_dma source(%dma_start3A_295 : memref<104xi32, #tpu.memory_space<hbm>>) target(%arg7 : memref<104xi32, #tpu.memory_space<vmem>>) target_semaphore(%arg20 : memref<!tpu.dma_semaphore, #tpu.memory_space<semaphore_mem>>)
    %add3A_296 = arith.constant 320000 : i32
    %add3A_297 = arith.addi %add3A_296, %add3A_293 : i32
    %dma_start3A_298 = arith.constant 0 : i32
    %dma_start3A_299 = arith.constant 0 : i32
    %dma_start3A_300 = tpu.memref_slice %arg10[%dma_start3A_298, %dma_start3A_299] : memref<1x104xi32, #tpu.memory_space<vmem>> -> memref<1x104xi32, #tpu.memory_space<vmem>>
    %dma_start3A_301 = tpu.memref_squeeze %dma_start3A_300 : memref<1x104xi32, #tpu.memory_space<vmem>> -> memref<104xi32, #tpu.memory_space<vmem>>
    %dma_start3A_302 = tpu.memref_slice %arg3[%add3A_297] : memref<640000xi32, #tpu.memory_space<hbm>> -> memref<104xi32, #tpu.memory_space<hbm>>
    %dma_start3A_303 = arith.constant 0 : i32
    %dma_start3A_304 = tpu.memref_slice %arg10[%dma_start3A_298, %dma_start3A_303] : memref<1x104xi32, #tpu.memory_space<vmem>> -> memref<1x104xi32, #tpu.memory_space<vmem>>
    %dma_start3A_305 = tpu.memref_squeeze %dma_start3A_304 : memref<1x104xi32, #tpu.memory_space<vmem>> -> memref<104xi32, #tpu.memory_space<vmem>>
    %dma_start3A_306 = tpu.memref_slice %arg3[%add3A_297] : memref<640000xi32, #tpu.memory_space<hbm>> -> memref<104xi32, #tpu.memory_space<hbm>>
    tpu.enqueue_dma source(%dma_start3A_306 : memref<104xi32, #tpu.memory_space<hbm>>) target(%dma_start3A_305 : memref<104xi32, #tpu.memory_space<vmem>>) target_semaphore(%arg20 : memref<!tpu.dma_semaphore, #tpu.memory_space<semaphore_mem>>)
    %dma_wait3A_307 = arith.constant 0 : i32
    %dma_wait3A_308 = arith.constant 0 : i32
    %dma_wait3A_309 = tpu.memref_slice %arg9[%dma_wait3A_307, %dma_wait3A_308] : memref<1x104xi32, #tpu.memory_space<vmem>> -> memref<1x104xi32, #tpu.memory_space<vmem>>
    %dma_wait3A_310 = tpu.memref_squeeze %dma_wait3A_309 : memref<1x104xi32, #tpu.memory_space<vmem>> -> memref<104xi32, #tpu.memory_space<vmem>>
    %dma_wait3A_311 = arith.constant 0 : i32
    %dma_wait3A_312 = arith.constant 0 : i32
    %dma_wait3A_313 = tpu.memref_slice %arg17[%dma_wait3A_311, %dma_wait3A_312] : memref<10000x128xf32, #tpu.memory_space<vmem_shared>> -> memref<10000x128xf32, #tpu.memory_space<vmem_shared>>
    tpu.wait_indirect_dma semaphore(%arg25 : memref<!tpu.dma_semaphore, #tpu.memory_space<semaphore_mem>>) src(%arg12 : memref<104x128xf32, #tpu.memory_space<vmem>>) dst(%dma_wait3A_313 : memref<10000x128xf32, #tpu.memory_space<vmem_shared>>)
    %add3A_314 = arith.constant 9776 : i32
    %add3A_315 = arith.addi %mul3A_2, %add3A_314 : i32
    %dma_wait3A_316 = tpu.memref_slice %arg3[%add3A_315] : memref<640000xi32, #tpu.memory_space<hbm>> -> memref<104xi32, #tpu.memory_space<hbm>>
    %dma_wait3A_317 = tpu.memref_slice %arg3[%add3A_315] : memref<640000xi32, #tpu.memory_space<hbm>> -> memref<104xi32, #tpu.memory_space<hbm>>
    tpu.wait_dma2 semaphore(%arg19 : memref<!tpu.dma_semaphore, #tpu.memory_space<semaphore_mem>>) src(%dma_wait3A_317 : memref<104xi32, #tpu.memory_space<hbm>>) dst(%arg6 : memref<104xi32, #tpu.memory_space<vmem>>)
    %add3A_318 = arith.constant 320000 : i32
    %add3A_319 = arith.addi %add3A_318, %add3A_315 : i32
    %dma_wait3A_320 = arith.constant 0 : i32
    %dma_wait3A_321 = arith.constant 0 : i32
    %dma_wait3A_322 = tpu.memref_slice %arg9[%dma_wait3A_320, %dma_wait3A_321] : memref<1x104xi32, #tpu.memory_space<vmem>> -> memref<1x104xi32, #tpu.memory_space<vmem>>
    %dma_wait3A_323 = tpu.memref_squeeze %dma_wait3A_322 : memref<1x104xi32, #tpu.memory_space<vmem>> -> memref<104xi32, #tpu.memory_space<vmem>>
    %dma_wait3A_324 = tpu.memref_slice %arg3[%add3A_319] : memref<640000xi32, #tpu.memory_space<hbm>> -> memref<104xi32, #tpu.memory_space<hbm>>
    %dma_wait3A_325 = arith.constant 0 : i32
    %dma_wait3A_326 = tpu.memref_slice %arg9[%dma_wait3A_320, %dma_wait3A_325] : memref<1x104xi32, #tpu.memory_space<vmem>> -> memref<1x104xi32, #tpu.memory_space<vmem>>
    %dma_wait3A_327 = tpu.memref_squeeze %dma_wait3A_326 : memref<1x104xi32, #tpu.memory_space<vmem>> -> memref<104xi32, #tpu.memory_space<vmem>>
    %dma_wait3A_328 = tpu.memref_slice %arg3[%add3A_319] : memref<640000xi32, #tpu.memory_space<hbm>> -> memref<104xi32, #tpu.memory_space<hbm>>
    tpu.wait_dma2 semaphore(%arg19 : memref<!tpu.dma_semaphore, #tpu.memory_space<semaphore_mem>>) src(%dma_wait3A_328 : memref<104xi32, #tpu.memory_space<hbm>>) dst(%dma_wait3A_327 : memref<104xi32, #tpu.memory_space<vmem>>)
    %dma_start3A_329 = arith.constant 0 : i32
    %dma_start3A_330 = arith.constant 0 : i32
    %dma_start3A_331 = tpu.memref_slice %arg2[%dma_start3A_329, %dma_start3A_330] : memref<10000x128xf32, #tpu.memory_space<hbm>> -> memref<10000x128xf32, #tpu.memory_space<hbm>>
    tpu.enqueue_indirect_dma source(%dma_start3A_331 : memref<10000x128xf32, #tpu.memory_space<hbm>>) target(%arg12 : memref<104x128xf32, #tpu.memory_space<vmem>>) offsets(%arg6 : memref<104xi32, #tpu.memory_space<vmem>>) semaphore(%arg22 : memref<!tpu.dma_semaphore, #tpu.memory_space<semaphore_mem>>)
    %dma_wait3A_332 = arith.constant 0 : i32
    %dma_wait3A_333 = arith.constant 0 : i32
    %dma_wait3A_334 = tpu.memref_slice %arg2[%dma_wait3A_332, %dma_wait3A_333] : memref<10000x128xf32, #tpu.memory_space<hbm>> -> memref<10000x128xf32, #tpu.memory_space<hbm>>
    tpu.wait_indirect_dma semaphore(%arg21 : memref<!tpu.dma_semaphore, #tpu.memory_space<semaphore_mem>>) src(%dma_wait3A_334 : memref<10000x128xf32, #tpu.memory_space<hbm>>) dst(%arg11 : memref<104x128xf32, #tpu.memory_space<vmem>>)
    %dma_start3A_335 = arith.constant 0 : i32
    %dma_start3A_336 = arith.constant 0 : i32
    %dma_start3A_337 = tpu.memref_slice %arg8[%dma_start3A_335, %dma_start3A_336] : memref<1x104xi32, #tpu.memory_space<vmem>> -> memref<1x104xi32, #tpu.memory_space<vmem>>
    %dma_start3A_338 = tpu.memref_squeeze %dma_start3A_337 : memref<1x104xi32, #tpu.memory_space<vmem>> -> memref<104xi32, #tpu.memory_space<vmem>>
    %dma_start3A_339 = arith.constant 0 : i32
    %dma_start3A_340 = arith.constant 0 : i32
    %dma_start3A_341 = tpu.memref_slice %arg17[%dma_start3A_339, %dma_start3A_340] : memref<10000x128xf32, #tpu.memory_space<vmem_shared>> -> memref<10000x128xf32, #tpu.memory_space<vmem_shared>>
    tpu.enqueue_indirect_dma source(%arg11 : memref<104x128xf32, #tpu.memory_space<vmem>>) target(%dma_start3A_341 : memref<10000x128xf32, #tpu.memory_space<vmem_shared>>) offsets(%dma_start3A_338 : memref<104xi32, #tpu.memory_space<vmem>>) semaphore(%arg24 : memref<!tpu.dma_semaphore, #tpu.memory_space<semaphore_mem>>) {add = true}
    %dma_wait3A_342 = arith.constant 0 : i32
    %dma_wait3A_343 = arith.constant 0 : i32
    %dma_wait3A_344 = tpu.memref_slice %arg10[%dma_wait3A_342, %dma_wait3A_343] : memref<1x104xi32, #tpu.memory_space<vmem>> -> memref<1x104xi32, #tpu.memory_space<vmem>>
    %dma_wait3A_345 = tpu.memref_squeeze %dma_wait3A_344 : memref<1x104xi32, #tpu.memory_space<vmem>> -> memref<104xi32, #tpu.memory_space<vmem>>
    %dma_wait3A_346 = arith.constant 0 : i32
    %dma_wait3A_347 = arith.constant 0 : i32
    %dma_wait3A_348 = tpu.memref_slice %arg17[%dma_wait3A_346, %dma_wait3A_347] : memref<10000x128xf32, #tpu.memory_space<vmem_shared>> -> memref<10000x128xf32, #tpu.memory_space<vmem_shared>>
    tpu.wait_indirect_dma semaphore(%arg26 : memref<!tpu.dma_semaphore, #tpu.memory_space<semaphore_mem>>) src(%arg13 : memref<104x128xf32, #tpu.memory_space<vmem>>) dst(%dma_wait3A_348 : memref<10000x128xf32, #tpu.memory_space<vmem_shared>>)
    %add3A_349 = arith.constant 9880 : i32
    %add3A_350 = arith.addi %mul3A_2, %add3A_349 : i32
    %dma_wait3A_351 = tpu.memref_slice %arg3[%add3A_350] : memref<640000xi32, #tpu.memory_space<hbm>> -> memref<104xi32, #tpu.memory_space<hbm>>
    %dma_wait3A_352 = tpu.memref_slice %arg3[%add3A_350] : memref<640000xi32, #tpu.memory_space<hbm>> -> memref<104xi32, #tpu.memory_space<hbm>>
    tpu.wait_dma2 semaphore(%arg20 : memref<!tpu.dma_semaphore, #tpu.memory_space<semaphore_mem>>) src(%dma_wait3A_352 : memref<104xi32, #tpu.memory_space<hbm>>) dst(%arg7 : memref<104xi32, #tpu.memory_space<vmem>>)
    %add3A_353 = arith.constant 320000 : i32
    %add3A_354 = arith.addi %add3A_353, %add3A_350 : i32
    %dma_wait3A_355 = arith.constant 0 : i32
    %dma_wait3A_356 = arith.constant 0 : i32
    %dma_wait3A_357 = tpu.memref_slice %arg10[%dma_wait3A_355, %dma_wait3A_356] : memref<1x104xi32, #tpu.memory_space<vmem>> -> memref<1x104xi32, #tpu.memory_space<vmem>>
    %dma_wait3A_358 = tpu.memref_squeeze %dma_wait3A_357 : memref<1x104xi32, #tpu.memory_space<vmem>> -> memref<104xi32, #tpu.memory_space<vmem>>
    %dma_wait3A_359 = tpu.memref_slice %arg3[%add3A_354] : memref<640000xi32, #tpu.memory_space<hbm>> -> memref<104xi32, #tpu.memory_space<hbm>>
    %dma_wait3A_360 = arith.constant 0 : i32
    %dma_wait3A_361 = tpu.memref_slice %arg10[%dma_wait3A_355, %dma_wait3A_360] : memref<1x104xi32, #tpu.memory_space<vmem>> -> memref<1x104xi32, #tpu.memory_space<vmem>>
    %dma_wait3A_362 = tpu.memref_squeeze %dma_wait3A_361 : memref<1x104xi32, #tpu.memory_space<vmem>> -> memref<104xi32, #tpu.memory_space<vmem>>
    %dma_wait3A_363 = tpu.memref_slice %arg3[%add3A_354] : memref<640000xi32, #tpu.memory_space<hbm>> -> memref<104xi32, #tpu.memory_space<hbm>>
    tpu.wait_dma2 semaphore(%arg20 : memref<!tpu.dma_semaphore, #tpu.memory_space<semaphore_mem>>) src(%dma_wait3A_363 : memref<104xi32, #tpu.memory_space<hbm>>) dst(%dma_wait3A_362 : memref<104xi32, #tpu.memory_space<vmem>>)
    %dma_start3A_364 = arith.constant 0 : i32
    %dma_start3A_365 = arith.constant 0 : i32
    %dma_start3A_366 = tpu.memref_slice %arg2[%dma_start3A_364, %dma_start3A_365] : memref<10000x128xf32, #tpu.memory_space<hbm>> -> memref<10000x128xf32, #tpu.memory_space<hbm>>
    tpu.enqueue_indirect_dma source(%dma_start3A_366 : memref<10000x128xf32, #tpu.memory_space<hbm>>) target(%arg13 : memref<104x128xf32, #tpu.memory_space<vmem>>) offsets(%arg7 : memref<104xi32, #tpu.memory_space<vmem>>) semaphore(%arg23 : memref<!tpu.dma_semaphore, #tpu.memory_space<semaphore_mem>>)
    %dma_wait3A_367 = arith.constant 0 : i32
    %dma_wait3A_368 = arith.constant 0 : i32
    %dma_wait3A_369 = tpu.memref_slice %arg2[%dma_wait3A_367, %dma_wait3A_368] : memref<10000x128xf32, #tpu.memory_space<hbm>> -> memref<10000x128xf32, #tpu.memory_space<hbm>>
    tpu.wait_indirect_dma semaphore(%arg22 : memref<!tpu.dma_semaphore, #tpu.memory_space<semaphore_mem>>) src(%dma_wait3A_369 : memref<10000x128xf32, #tpu.memory_space<hbm>>) dst(%arg12 : memref<104x128xf32, #tpu.memory_space<vmem>>)
    %dma_start3A_370 = arith.constant 0 : i32
    %dma_start3A_371 = arith.constant 0 : i32
    %dma_start3A_372 = tpu.memref_slice %arg9[%dma_start3A_370, %dma_start3A_371] : memref<1x104xi32, #tpu.memory_space<vmem>> -> memref<1x104xi32, #tpu.memory_space<vmem>>
    %dma_start3A_373 = tpu.memref_squeeze %dma_start3A_372 : memref<1x104xi32, #tpu.memory_space<vmem>> -> memref<104xi32, #tpu.memory_space<vmem>>
    %dma_start3A_374 = arith.constant 0 : i32
    %dma_start3A_375 = arith.constant 0 : i32
    %dma_start3A_376 = tpu.memref_slice %arg17[%dma_start3A_374, %dma_start3A_375] : memref<10000x128xf32, #tpu.memory_space<vmem_shared>> -> memref<10000x128xf32, #tpu.memory_space<vmem_shared>>
    tpu.enqueue_indirect_dma source(%arg12 : memref<104x128xf32, #tpu.memory_space<vmem>>) target(%dma_start3A_376 : memref<10000x128xf32, #tpu.memory_space<vmem_shared>>) offsets(%dma_start3A_373 : memref<104xi32, #tpu.memory_space<vmem>>) semaphore(%arg25 : memref<!tpu.dma_semaphore, #tpu.memory_space<semaphore_mem>>) {add = true}
    %dma_wait3A_377 = arith.constant 0 : i32
    %dma_wait3A_378 = arith.constant 0 : i32
    %dma_wait3A_379 = tpu.memref_slice %arg8[%dma_wait3A_377, %dma_wait3A_378] : memref<1x104xi32, #tpu.memory_space<vmem>> -> memref<1x104xi32, #tpu.memory_space<vmem>>
    %dma_wait3A_380 = tpu.memref_squeeze %dma_wait3A_379 : memref<1x104xi32, #tpu.memory_space<vmem>> -> memref<104xi32, #tpu.memory_space<vmem>>
    %dma_wait3A_381 = arith.constant 0 : i32
    %dma_wait3A_382 = arith.constant 0 : i32
    %dma_wait3A_383 = tpu.memref_slice %arg17[%dma_wait3A_381, %dma_wait3A_382] : memref<10000x128xf32, #tpu.memory_space<vmem_shared>> -> memref<10000x128xf32, #tpu.memory_space<vmem_shared>>
    tpu.wait_indirect_dma semaphore(%arg24 : memref<!tpu.dma_semaphore, #tpu.memory_space<semaphore_mem>>) src(%arg11 : memref<104x128xf32, #tpu.memory_space<vmem>>) dst(%dma_wait3A_383 : memref<10000x128xf32, #tpu.memory_space<vmem_shared>>)
    %dma_wait3A_384 = arith.constant 0 : i32
    %dma_wait3A_385 = arith.constant 0 : i32
    %dma_wait3A_386 = tpu.memref_slice %arg2[%dma_wait3A_384, %dma_wait3A_385] : memref<10000x128xf32, #tpu.memory_space<hbm>> -> memref<10000x128xf32, #tpu.memory_space<hbm>>
    tpu.wait_indirect_dma semaphore(%arg23 : memref<!tpu.dma_semaphore, #tpu.memory_space<semaphore_mem>>) src(%dma_wait3A_386 : memref<10000x128xf32, #tpu.memory_space<hbm>>) dst(%arg13 : memref<104x128xf32, #tpu.memory_space<vmem>>)
    %dma_start3A_387 = arith.constant 0 : i32
    %dma_start3A_388 = arith.constant 0 : i32
    %dma_start3A_389 = tpu.memref_slice %arg10[%dma_start3A_387, %dma_start3A_388] : memref<1x104xi32, #tpu.memory_space<vmem>> -> memref<1x104xi32, #tpu.memory_space<vmem>>
    %dma_start3A_390 = tpu.memref_squeeze %dma_start3A_389 : memref<1x104xi32, #tpu.memory_space<vmem>> -> memref<104xi32, #tpu.memory_space<vmem>>
    %dma_start3A_391 = arith.constant 0 : i32
    %dma_start3A_392 = arith.constant 0 : i32
    %dma_start3A_393 = tpu.memref_slice %arg17[%dma_start3A_391, %dma_start3A_392] : memref<10000x128xf32, #tpu.memory_space<vmem_shared>> -> memref<10000x128xf32, #tpu.memory_space<vmem_shared>>
    tpu.enqueue_indirect_dma source(%arg13 : memref<104x128xf32, #tpu.memory_space<vmem>>) target(%dma_start3A_393 : memref<10000x128xf32, #tpu.memory_space<vmem_shared>>) offsets(%dma_start3A_390 : memref<104xi32, #tpu.memory_space<vmem>>) semaphore(%arg26 : memref<!tpu.dma_semaphore, #tpu.memory_space<semaphore_mem>>) {add = true}
    %add3A_394 = arith.constant 9984 : i32
    %add3A_395 = arith.addi %mul3A_2, %add3A_394 : i32
    "tpu.region"() ({
      %run_scoped3A_450 = tpu.sem_alloc : memref<!tpu.dma_semaphore, #tpu.memory_space<semaphore_mem>>
      %dma_start3A_451 = arith.constant 0 : i32
      %dma_start3A_452 = tpu.memref_slice %arg14[%dma_start3A_451] : memref<16xi32, #tpu.memory_space<vmem>> -> memref<16xi32, #tpu.memory_space<vmem>>
      %dma_start3A_453 = tpu.memref_slice %arg3[%add3A_395] : memref<640000xi32, #tpu.memory_space<hbm>> -> memref<16xi32, #tpu.memory_space<hbm>>
      %dma_start3A_454 = arith.constant 0 : i32
      %dma_start3A_455 = tpu.memref_slice %arg14[%dma_start3A_454] : memref<16xi32, #tpu.memory_space<vmem>> -> memref<16xi32, #tpu.memory_space<vmem>>
      %dma_start3A_456 = tpu.memref_slice %arg3[%add3A_395] : memref<640000xi32, #tpu.memory_space<hbm>> -> memref<16xi32, #tpu.memory_space<hbm>>
      tpu.enqueue_dma source(%dma_start3A_456 : memref<16xi32, #tpu.memory_space<hbm>>) target(%dma_start3A_455 : memref<16xi32, #tpu.memory_space<vmem>>) target_semaphore(%run_scoped3A_450 : memref<!tpu.dma_semaphore, #tpu.memory_space<semaphore_mem>>)
      %dma_wait3A_457 = arith.constant 0 : i32
      %dma_wait3A_458 = tpu.memref_slice %arg14[%dma_wait3A_457] : memref<16xi32, #tpu.memory_space<vmem>> -> memref<16xi32, #tpu.memory_space<vmem>>
      %dma_wait3A_459 = tpu.memref_slice %arg3[%add3A_395] : memref<640000xi32, #tpu.memory_space<hbm>> -> memref<16xi32, #tpu.memory_space<hbm>>
      %dma_wait3A_460 = arith.constant 0 : i32
      %dma_wait3A_461 = tpu.memref_slice %arg14[%dma_wait3A_460] : memref<16xi32, #tpu.memory_space<vmem>> -> memref<16xi32, #tpu.memory_space<vmem>>
      %dma_wait3A_462 = tpu.memref_slice %arg3[%add3A_395] : memref<640000xi32, #tpu.memory_space<hbm>> -> memref<16xi32, #tpu.memory_space<hbm>>
      tpu.wait_dma2 semaphore(%run_scoped3A_450 : memref<!tpu.dma_semaphore, #tpu.memory_space<semaphore_mem>>) src(%dma_wait3A_462 : memref<16xi32, #tpu.memory_space<hbm>>) dst(%dma_wait3A_461 : memref<16xi32, #tpu.memory_space<vmem>>)
      tpu.yield
    }) : () -> ()
    %add3A_396 = arith.constant 320000 : i32
    %add3A_397 = arith.addi %add3A_396, %add3A_395 : i32
    %run_scoped3A = arith.constant 0 : i32
    "tpu.region"() ({
      %run_scoped3A_450 = tpu.sem_alloc : memref<!tpu.dma_semaphore, #tpu.memory_space<semaphore_mem>>
      %dma_start3A_451 = arith.constant 0 : i32
      %dma_start3A_452 = tpu.memref_slice %arg15[%run_scoped3A, %dma_start3A_451] : memref<1x16xi32, #tpu.memory_space<vmem>> -> memref<1x16xi32, #tpu.memory_space<vmem>>
      %dma_start3A_453 = tpu.memref_squeeze %dma_start3A_452 : memref<1x16xi32, #tpu.memory_space<vmem>> -> memref<16xi32, #tpu.memory_space<vmem>>
      %dma_start3A_454 = tpu.memref_slice %arg3[%add3A_397] : memref<640000xi32, #tpu.memory_space<hbm>> -> memref<16xi32, #tpu.memory_space<hbm>>
      %dma_start3A_455 = arith.constant 0 : i32
      %dma_start3A_456 = tpu.memref_slice %arg15[%run_scoped3A, %dma_start3A_455] : memref<1x16xi32, #tpu.memory_space<vmem>> -> memref<1x16xi32, #tpu.memory_space<vmem>>
      %dma_start3A_457 = tpu.memref_squeeze %dma_start3A_456 : memref<1x16xi32, #tpu.memory_space<vmem>> -> memref<16xi32, #tpu.memory_space<vmem>>
      %dma_start3A_458 = tpu.memref_slice %arg3[%add3A_397] : memref<640000xi32, #tpu.memory_space<hbm>> -> memref<16xi32, #tpu.memory_space<hbm>>
      tpu.enqueue_dma source(%dma_start3A_458 : memref<16xi32, #tpu.memory_space<hbm>>) target(%dma_start3A_457 : memref<16xi32, #tpu.memory_space<vmem>>) target_semaphore(%run_scoped3A_450 : memref<!tpu.dma_semaphore, #tpu.memory_space<semaphore_mem>>)
      %dma_wait3A_459 = arith.constant 0 : i32
      %dma_wait3A_460 = tpu.memref_slice %arg15[%run_scoped3A, %dma_wait3A_459] : memref<1x16xi32, #tpu.memory_space<vmem>> -> memref<1x16xi32, #tpu.memory_space<vmem>>
      %dma_wait3A_461 = tpu.memref_squeeze %dma_wait3A_460 : memref<1x16xi32, #tpu.memory_space<vmem>> -> memref<16xi32, #tpu.memory_space<vmem>>
      %dma_wait3A_462 = tpu.memref_slice %arg3[%add3A_397] : memref<640000xi32, #tpu.memory_space<hbm>> -> memref<16xi32, #tpu.memory_space<hbm>>
      %dma_wait3A_463 = arith.constant 0 : i32
      %dma_wait3A_464 = tpu.memref_slice %arg15[%run_scoped3A, %dma_wait3A_463] : memref<1x16xi32, #tpu.memory_space<vmem>> -> memref<1x16xi32, #tpu.memory_space<vmem>>
      %dma_wait3A_465 = tpu.memref_squeeze %dma_wait3A_464 : memref<1x16xi32, #tpu.memory_space<vmem>> -> memref<16xi32, #tpu.memory_space<vmem>>
      %dma_wait3A_466 = tpu.memref_slice %arg3[%add3A_397] : memref<640000xi32, #tpu.memory_space<hbm>> -> memref<16xi32, #tpu.memory_space<hbm>>
      tpu.wait_dma2 semaphore(%run_scoped3A_450 : memref<!tpu.dma_semaphore, #tpu.memory_space<semaphore_mem>>) src(%dma_wait3A_466 : memref<16xi32, #tpu.memory_space<hbm>>) dst(%dma_wait3A_465 : memref<16xi32, #tpu.memory_space<vmem>>)
      tpu.yield
    }) : () -> ()
    %dma_start3A_398 = arith.constant 0 : i32
    %dma_start3A_399 = arith.constant 0 : i32
    %dma_start3A_400 = tpu.memref_slice %arg16[%dma_start3A_398, %dma_start3A_399] : memref<16x128xf32, #tpu.memory_space<vmem>> -> memref<16x128xf32, #tpu.memory_space<vmem>>
    %dma_start3A_401 = arith.constant 0 : i32
    %dma_start3A_402 = tpu.memref_slice %arg14[%dma_start3A_401] : memref<16xi32, #tpu.memory_space<vmem>> -> memref<16xi32, #tpu.memory_space<vmem>>
    %dma_start3A_403 = arith.constant 0 : i32
    %dma_start3A_404 = arith.constant 0 : i32
    %dma_start3A_405 = tpu.memref_slice %arg2[%dma_start3A_403, %dma_start3A_404] : memref<10000x128xf32, #tpu.memory_space<hbm>> -> memref<10000x128xf32, #tpu.memory_space<hbm>>
    tpu.enqueue_indirect_dma source(%dma_start3A_405 : memref<10000x128xf32, #tpu.memory_space<hbm>>) target(%dma_start3A_400 : memref<16x128xf32, #tpu.memory_space<vmem>>) offsets(%dma_start3A_402 : memref<16xi32, #tpu.memory_space<vmem>>) semaphore(%arg27 : memref<!tpu.dma_semaphore, #tpu.memory_space<semaphore_mem>>)
    %dma_wait3A_406 = arith.constant 0 : i32
    %dma_wait3A_407 = arith.constant 0 : i32
    %dma_wait3A_408 = tpu.memref_slice %arg16[%dma_wait3A_406, %dma_wait3A_407] : memref<16x128xf32, #tpu.memory_space<vmem>> -> memref<16x128xf32, #tpu.memory_space<vmem>>
    %dma_wait3A_409 = arith.constant 0 : i32
    %dma_wait3A_410 = tpu.memref_slice %arg14[%dma_wait3A_409] : memref<16xi32, #tpu.memory_space<vmem>> -> memref<16xi32, #tpu.memory_space<vmem>>
    %dma_wait3A_411 = arith.constant 0 : i32
    %dma_wait3A_412 = arith.constant 0 : i32
    %dma_wait3A_413 = tpu.memref_slice %arg2[%dma_wait3A_411, %dma_wait3A_412] : memref<10000x128xf32, #tpu.memory_space<hbm>> -> memref<10000x128xf32, #tpu.memory_space<hbm>>
    tpu.wait_indirect_dma semaphore(%arg27 : memref<!tpu.dma_semaphore, #tpu.memory_space<semaphore_mem>>) src(%dma_wait3A_413 : memref<10000x128xf32, #tpu.memory_space<hbm>>) dst(%dma_wait3A_408 : memref<16x128xf32, #tpu.memory_space<vmem>>)
    %run_scoped3A_414 = arith.constant 0 : i32
    "tpu.region"() ({
      %run_scoped3A_450 = tpu.sem_alloc : memref<!tpu.dma_semaphore, #tpu.memory_space<semaphore_mem>>
      %dma_start3A_451 = arith.constant 0 : i32
      %dma_start3A_452 = arith.constant 0 : i32
      %dma_start3A_453 = tpu.memref_slice %arg16[%dma_start3A_451, %dma_start3A_452] : memref<16x128xf32, #tpu.memory_space<vmem>> -> memref<16x128xf32, #tpu.memory_space<vmem>>
      %dma_start3A_454 = arith.constant 0 : i32
      %dma_start3A_455 = tpu.memref_slice %arg15[%run_scoped3A_414, %dma_start3A_454] : memref<1x16xi32, #tpu.memory_space<vmem>> -> memref<1x16xi32, #tpu.memory_space<vmem>>
      %dma_start3A_456 = tpu.memref_squeeze %dma_start3A_455 : memref<1x16xi32, #tpu.memory_space<vmem>> -> memref<16xi32, #tpu.memory_space<vmem>>
      %dma_start3A_457 = arith.constant 0 : i32
      %dma_start3A_458 = arith.constant 0 : i32
      %dma_start3A_459 = tpu.memref_slice %arg17[%dma_start3A_457, %dma_start3A_458] : memref<10000x128xf32, #tpu.memory_space<vmem_shared>> -> memref<10000x128xf32, #tpu.memory_space<vmem_shared>>
      tpu.enqueue_indirect_dma source(%dma_start3A_453 : memref<16x128xf32, #tpu.memory_space<vmem>>) target(%dma_start3A_459 : memref<10000x128xf32, #tpu.memory_space<vmem_shared>>) offsets(%dma_start3A_456 : memref<16xi32, #tpu.memory_space<vmem>>) semaphore(%run_scoped3A_450 : memref<!tpu.dma_semaphore, #tpu.memory_space<semaphore_mem>>) {add = true}
      %dma_wait3A_460 = arith.constant 0 : i32
      %dma_wait3A_461 = arith.constant 0 : i32
      %dma_wait3A_462 = tpu.memref_slice %arg16[%dma_wait3A_460, %dma_wait3A_461] : memref<16x128xf32, #tpu.memory_space<vmem>> -> memref<16x128xf32, #tpu.memory_space<vmem>>
      %dma_wait3A_463 = arith.constant 0 : i32
      %dma_wait3A_464 = tpu.memref_slice %arg15[%run_scoped3A_414, %dma_wait3A_463] : memref<1x16xi32, #tpu.memory_space<vmem>> -> memref<1x16xi32, #tpu.memory_space<vmem>>
      %dma_wait3A_465 = tpu.memref_squeeze %dma_wait3A_464 : memref<1x16xi32, #tpu.memory_space<vmem>> -> memref<16xi32, #tpu.memory_space<vmem>>
      %dma_wait3A_466 = arith.constant 0 : i32
      %dma_wait3A_467 = arith.constant 0 : i32
      %dma_wait3A_468 = tpu.memref_slice %arg17[%dma_wait3A_466, %dma_wait3A_467] : memref<10000x128xf32, #tpu.memory_space<vmem_shared>> -> memref<10000x128xf32, #tpu.memory_space<vmem_shared>>
      tpu.wait_indirect_dma semaphore(%run_scoped3A_450 : memref<!tpu.dma_semaphore, #tpu.memory_space<semaphore_mem>>) src(%dma_wait3A_462 : memref<16x128xf32, #tpu.memory_space<vmem>>) dst(%dma_wait3A_468 : memref<10000x128xf32, #tpu.memory_space<vmem_shared>>)
      tpu.yield
    }) : () -> ()
    %dma_wait3A_415 = arith.constant 0 : i32
    %dma_wait3A_416 = arith.constant 0 : i32
    %dma_wait3A_417 = tpu.memref_slice %arg9[%dma_wait3A_415, %dma_wait3A_416] : memref<1x104xi32, #tpu.memory_space<vmem>> -> memref<1x104xi32, #tpu.memory_space<vmem>>
    %dma_wait3A_418 = tpu.memref_squeeze %dma_wait3A_417 : memref<1x104xi32, #tpu.memory_space<vmem>> -> memref<104xi32, #tpu.memory_space<vmem>>
    %dma_wait3A_419 = arith.constant 0 : i32
    %dma_wait3A_420 = arith.constant 0 : i32
    %dma_wait3A_421 = tpu.memref_slice %arg17[%dma_wait3A_419, %dma_wait3A_420] : memref<10000x128xf32, #tpu.memory_space<vmem_shared>> -> memref<10000x128xf32, #tpu.memory_space<vmem_shared>>
    tpu.wait_indirect_dma semaphore(%arg25 : memref<!tpu.dma_semaphore, #tpu.memory_space<semaphore_mem>>) src(%arg12 : memref<104x128xf32, #tpu.memory_space<vmem>>) dst(%dma_wait3A_421 : memref<10000x128xf32, #tpu.memory_space<vmem_shared>>)
    %dma_wait3A_422 = arith.constant 0 : i32
    %dma_wait3A_423 = arith.constant 0 : i32
    %dma_wait3A_424 = tpu.memref_slice %arg10[%dma_wait3A_422, %dma_wait3A_423] : memref<1x104xi32, #tpu.memory_space<vmem>> -> memref<1x104xi32, #tpu.memory_space<vmem>>
    %dma_wait3A_425 = tpu.memref_squeeze %dma_wait3A_424 : memref<1x104xi32, #tpu.memory_space<vmem>> -> memref<104xi32, #tpu.memory_space<vmem>>
    %dma_wait3A_426 = arith.constant 0 : i32
    %dma_wait3A_427 = arith.constant 0 : i32
    %dma_wait3A_428 = tpu.memref_slice %arg17[%dma_wait3A_426, %dma_wait3A_427] : memref<10000x128xf32, #tpu.memory_space<vmem_shared>> -> memref<10000x128xf32, #tpu.memory_space<vmem_shared>>
    tpu.wait_indirect_dma semaphore(%arg26 : memref<!tpu.dma_semaphore, #tpu.memory_space<semaphore_mem>>) src(%arg13 : memref<104x128xf32, #tpu.memory_space<vmem>>) dst(%dma_wait3A_428 : memref<10000x128xf32, #tpu.memory_space<vmem_shared>>)
    %barrier3A_429 = arith.constant 0 : index
    tpu.barrier barrier_id(%barrier3A_429)
    %sub3A = arith.constant 96 : i32
    %sub3A_430 = arith.subi %sub3A, %arg1 : i32
    %sub3A_431 = arith.constant 16 : i32
    %sub3A_432 = arith.constant 1 : i32
    %sub3A_433 = arith.subi %sub3A_431, %sub3A_432 : i32
    %add3A_434 = arith.addi %sub3A_430, %sub3A_433 : i32
    %div3A = arith.constant 16 : i32
    %div3A_435 = arith.divsi %add3A_434, %div3A : i32
    %while3A = arith.constant 16 : i32
    %while3A_436 = arith.constant 0 : i32
    %while3A_437 = arith.subi %div3A_435, %while3A_436 : i32
    %while3A_438 = arith.addi %while3A_436, %while3A_437 : i32
    %while3A_439 = arith.constant 1 : i32
    %while3A_440 = arith.divsi %while3A_437, %while3A_439 : i32
    %while3A_441 = arith.muli %while3A_440, %while3A_439 : i32
    %while3A_442 = arith.addi %while3A_436, %while3A_441 : i32
    %while3A_443 = arith.constant 1 : i32
    scf.for %while3A_450 = %while3A_436 to %while3A_442 step %while3A_443  : i32 {
      %mul3A_451 = arith.muli %while3A_450, %while3A : i32
      %add3A_452 = arith.addi %arg1, %mul3A_451 : i32
      %mul3A_453 = arith.constant 104 : i32
      %mul3A_454 = arith.muli %add3A_452, %mul3A_453 : i32
      %mul3A_455 = arith.constant 104 : i32
      %mul3A_456 = arith.muli %add3A_452, %mul3A_455 : i32
      "tpu.region"() ({
        %run_scoped3A_457 = tpu.sem_alloc : memref<!tpu.dma_semaphore, #tpu.memory_space<semaphore_mem>>
        %dma_start3A_458 = arith.constant 0 : i32
        %dma_start3A_459 = tpu.memref_slice %arg4[%arg0, %mul3A_456, %dma_start3A_458] : memref<2x10000x128xf32, #tpu.memory_space<hbm>> -> memref<1x104x128xf32, #tpu.memory_space<hbm>>
        %dma_start3A_460 = tpu.memref_squeeze %dma_start3A_459 : memref<1x104x128xf32, #tpu.memory_space<hbm>> -> memref<104x128xf32, #tpu.memory_space<hbm>>
        %dma_start3A_461 = arith.constant 0 : i32
        %dma_start3A_462 = tpu.memref_slice %arg17[%mul3A_454, %dma_start3A_461] : memref<10000x128xf32, #tpu.memory_space<vmem_shared>> -> memref<104x128xf32, #tpu.memory_space<vmem_shared>>
        tpu.enqueue_dma source(%dma_start3A_462 : memref<104x128xf32, #tpu.memory_space<vmem_shared>>) target(%dma_start3A_460 : memref<104x128xf32, #tpu.memory_space<hbm>>) target_semaphore(%run_scoped3A_457 : memref<!tpu.dma_semaphore, #tpu.memory_space<semaphore_mem>>)
        %dma_wait3A_463 = arith.constant 0 : i32
        %dma_wait3A_464 = tpu.memref_slice %arg4[%arg0, %mul3A_456, %dma_wait3A_463] : memref<2x10000x128xf32, #tpu.memory_space<hbm>> -> memref<1x104x128xf32, #tpu.memory_space<hbm>>
        %dma_wait3A_465 = tpu.memref_squeeze %dma_wait3A_464 : memref<1x104x128xf32, #tpu.memory_space<hbm>> -> memref<104x128xf32, #tpu.memory_space<hbm>>
        %dma_wait3A_466 = arith.constant 0 : i32
        %dma_wait3A_467 = tpu.memref_slice %arg17[%mul3A_454, %dma_wait3A_466] : memref<10000x128xf32, #tpu.memory_space<vmem_shared>> -> memref<104x128xf32, #tpu.memory_space<vmem_shared>>
        tpu.wait_dma2 semaphore(%run_scoped3A_457 : memref<!tpu.dma_semaphore, #tpu.memory_space<semaphore_mem>>) src(%dma_wait3A_467 : memref<104x128xf32, #tpu.memory_space<vmem_shared>>) dst(%dma_wait3A_465 : memref<104x128xf32, #tpu.memory_space<hbm>>)
        tpu.yield
      }) : () -> ()
    }
    %while3A_444 = arith.constant 1 : i32
    scf.for %while3A_450 = %while3A_442 to %while3A_438 step %while3A_444  : i32 {
      %mul3A_451 = arith.muli %while3A_450, %while3A : i32
      %add3A_452 = arith.addi %arg1, %mul3A_451 : i32
      %mul3A_453 = arith.constant 104 : i32
      %mul3A_454 = arith.muli %add3A_452, %mul3A_453 : i32
      %mul3A_455 = arith.constant 104 : i32
      %mul3A_456 = arith.muli %add3A_452, %mul3A_455 : i32
      "tpu.region"() ({
        %run_scoped3A_457 = tpu.sem_alloc : memref<!tpu.dma_semaphore, #tpu.memory_space<semaphore_mem>>
        %dma_start3A_458 = arith.constant 0 : i32
        %dma_start3A_459 = tpu.memref_slice %arg4[%arg0, %mul3A_456, %dma_start3A_458] : memref<2x10000x128xf32, #tpu.memory_space<hbm>> -> memref<1x104x128xf32, #tpu.memory_space<hbm>>
        %dma_start3A_460 = tpu.memref_squeeze %dma_start3A_459 : memref<1x104x128xf32, #tpu.memory_space<hbm>> -> memref<104x128xf32, #tpu.memory_space<hbm>>
        %dma_start3A_461 = arith.constant 0 : i32
        %dma_start3A_462 = tpu.memref_slice %arg17[%mul3A_454, %dma_start3A_461] : memref<10000x128xf32, #tpu.memory_space<vmem_shared>> -> memref<104x128xf32, #tpu.memory_space<vmem_shared>>
        tpu.enqueue_dma source(%dma_start3A_462 : memref<104x128xf32, #tpu.memory_space<vmem_shared>>) target(%dma_start3A_460 : memref<104x128xf32, #tpu.memory_space<hbm>>) target_semaphore(%run_scoped3A_457 : memref<!tpu.dma_semaphore, #tpu.memory_space<semaphore_mem>>)
        %dma_wait3A_463 = arith.constant 0 : i32
        %dma_wait3A_464 = tpu.memref_slice %arg4[%arg0, %mul3A_456, %dma_wait3A_463] : memref<2x10000x128xf32, #tpu.memory_space<hbm>> -> memref<1x104x128xf32, #tpu.memory_space<hbm>>
        %dma_wait3A_465 = tpu.memref_squeeze %dma_wait3A_464 : memref<1x104x128xf32, #tpu.memory_space<hbm>> -> memref<104x128xf32, #tpu.memory_space<hbm>>
        %dma_wait3A_466 = arith.constant 0 : i32
        %dma_wait3A_467 = tpu.memref_slice %arg17[%mul3A_454, %dma_wait3A_466] : memref<10000x128xf32, #tpu.memory_space<vmem_shared>> -> memref<104x128xf32, #tpu.memory_space<vmem_shared>>
        tpu.wait_dma2 semaphore(%run_scoped3A_457 : memref<!tpu.dma_semaphore, #tpu.memory_space<semaphore_mem>>) src(%dma_wait3A_467 : memref<104x128xf32, #tpu.memory_space<vmem_shared>>) dst(%dma_wait3A_465 : memref<104x128xf32, #tpu.memory_space<hbm>>)
        tpu.yield
      }) : () -> ()
    }
    %eq3A_445 = arith.constant 0 : i32
    %eq3A_446 = arith.cmpi eq, %arg1, %eq3A_445 : i32
    %convert_element_type3A_447 = arith.extui %eq3A_446 : i1 to i32
    %cond3A_448 = arith.constant 0 : i32
    %cond3A_449 = arith.cmpi ne, %convert_element_type3A_447, %cond3A_448 : i32
    scf.if %cond3A_449 {
      "tpu.region"() ({
        %run_scoped3A_450 = tpu.sem_alloc : memref<!tpu.dma_semaphore, #tpu.memory_space<semaphore_mem>>
        %dma_start3A_451 = arith.constant 9984 : i32
        %dma_start3A_452 = arith.constant 0 : i32
        %dma_start3A_453 = tpu.memref_slice %arg4[%arg0, %dma_start3A_451, %dma_start3A_452] : memref<2x10000x128xf32, #tpu.memory_space<hbm>> -> memref<1x16x128xf32, #tpu.memory_space<hbm>>
        %dma_start3A_454 = tpu.memref_squeeze %dma_start3A_453 : memref<1x16x128xf32, #tpu.memory_space<hbm>> -> memref<16x128xf32, #tpu.memory_space<hbm>>
        %dma_start3A_455 = arith.constant 9984 : i32
        %dma_start3A_456 = arith.constant 0 : i32
        %dma_start3A_457 = tpu.memref_slice %arg17[%dma_start3A_455, %dma_start3A_456] : memref<10000x128xf32, #tpu.memory_space<vmem_shared>> -> memref<16x128xf32, #tpu.memory_space<vmem_shared>>
        tpu.enqueue_dma source(%dma_start3A_457 : memref<16x128xf32, #tpu.memory_space<vmem_shared>>) target(%dma_start3A_454 : memref<16x128xf32, #tpu.memory_space<hbm>>) target_semaphore(%run_scoped3A_450 : memref<!tpu.dma_semaphore, #tpu.memory_space<semaphore_mem>>)
        %dma_wait3A_458 = arith.constant 9984 : i32
        %dma_wait3A_459 = arith.constant 0 : i32
        %dma_wait3A_460 = tpu.memref_slice %arg4[%arg0, %dma_wait3A_458, %dma_wait3A_459] : memref<2x10000x128xf32, #tpu.memory_space<hbm>> -> memref<1x16x128xf32, #tpu.memory_space<hbm>>
        %dma_wait3A_461 = tpu.memref_squeeze %dma_wait3A_460 : memref<1x16x128xf32, #tpu.memory_space<hbm>> -> memref<16x128xf32, #tpu.memory_space<hbm>>
        %dma_wait3A_462 = arith.constant 9984 : i32
        %dma_wait3A_463 = arith.constant 0 : i32
        %dma_wait3A_464 = tpu.memref_slice %arg17[%dma_wait3A_462, %dma_wait3A_463] : memref<10000x128xf32, #tpu.memory_space<vmem_shared>> -> memref<16x128xf32, #tpu.memory_space<vmem_shared>>
        tpu.wait_dma2 semaphore(%run_scoped3A_450 : memref<!tpu.dma_semaphore, #tpu.memory_space<semaphore_mem>>) src(%dma_wait3A_464 : memref<16x128xf32, #tpu.memory_space<vmem_shared>>) dst(%dma_wait3A_461 : memref<16x128xf32, #tpu.memory_space<hbm>>)
        tpu.yield
      }) : () -> ()
    } else {
    }
    return
  }
}

#map = affine_map<(d0, d1) -> (0, 0)>
#map1 = affine_map<(d0, d1) -> (0)>
module attributes {stable_mosaic.version = 14 : i64} {
  func.func @k(%arg0: i32, %arg1: i32, %arg2: memref<100000x128xf32, #tpu.memory_space<hbm>>, %arg3: memref<10000xi32, #tpu.memory_space<hbm>>, %arg4: memref<10000x128xf32, #tpu.memory_space<hbm>>, %arg5: memref<128xi32, #tpu.memory_space<vmem>>, %arg6: memref<128xi32, #tpu.memory_space<vmem>>, %arg7: memref<128xi32, #tpu.memory_space<vmem>>, %arg8: memref<128x128xf32, #tpu.memory_space<vmem>>, %arg9: memref<128x128xf32, #tpu.memory_space<vmem>>, %arg10: memref<128x128xf32, #tpu.memory_space<vmem>>, %arg11: memref<16xi32, #tpu.memory_space<vmem>>, %arg12: memref<16x128xf32, #tpu.memory_space<vmem>>, %arg13: memref<!tpu.dma_semaphore, #tpu.memory_space<semaphore_mem>>, %arg14: memref<!tpu.dma_semaphore, #tpu.memory_space<semaphore_mem>>, %arg15: memref<!tpu.dma_semaphore, #tpu.memory_space<semaphore_mem>>, %arg16: memref<!tpu.dma_semaphore, #tpu.memory_space<semaphore_mem>>, %arg17: memref<!tpu.dma_semaphore, #tpu.memory_space<semaphore_mem>>, %arg18: memref<!tpu.dma_semaphore, #tpu.memory_space<semaphore_mem>>, %arg19: memref<!tpu.dma_semaphore, #tpu.memory_space<semaphore_mem>>, %arg20: memref<!tpu.dma_semaphore, #tpu.memory_space<semaphore_mem>>, %arg21: memref<!tpu.dma_semaphore, #tpu.memory_space<semaphore_mem>>, %arg22: memref<!tpu.dma_semaphore, #tpu.memory_space<semaphore_mem>>) attributes {dimension_semantics = [#tpu.dimension_semantics<core_parallel>, #tpu.dimension_semantics<subcore_parallel>], iteration_bounds = array<i64: 2, 16>, scalar_prefetch = 0 : i64, scratch_operands = 18 : i64, tpu.core_type = #tpu.core_type<sc_vector_subcore>, window_params = [{transform_indices = #map}, {transform_indices = #map1}, {transform_indices = #map}]} {
    %mul3A = arith.constant 2 : i32
    %mul3A_0 = arith.muli %arg1, %mul3A : i32
    %add3A = arith.addi %mul3A_0, %arg0 : i32
    %add3A_1 = arith.constant 0 : i32
    %add3A_2 = arith.addi %add3A, %add3A_1 : i32
    %lt3A = arith.constant 78 : i32
    %lt3A_3 = arith.cmpi slt, %add3A_2, %lt3A : i32
    %convert_element_type3A = arith.extui %lt3A_3 : i1 to i32
    %cond3A = arith.constant 0 : i32
    %cond3A_4 = arith.cmpi ne, %convert_element_type3A, %cond3A : i32
    scf.if %cond3A_4 {
      %add3A_86 = arith.constant 0 : i32
      %add3A_87 = arith.addi %add3A, %add3A_86 : i32
      %mul3A_88 = arith.constant 128 : i32
      %mul3A_89 = arith.muli %add3A_87, %mul3A_88 : i32
      %dma_start3A = tpu.memref_slice %arg3[%mul3A_89] : memref<10000xi32, #tpu.memory_space<hbm>> -> memref<128xi32, #tpu.memory_space<hbm>>
      %dma_start3A_90 = tpu.memref_slice %arg3[%mul3A_89] : memref<10000xi32, #tpu.memory_space<hbm>> -> memref<128xi32, #tpu.memory_space<hbm>>
      tpu.enqueue_dma source(%dma_start3A_90 : memref<128xi32, #tpu.memory_space<hbm>>) target(%arg5 : memref<128xi32, #tpu.memory_space<vmem>>) target_semaphore(%arg13 : memref<!tpu.dma_semaphore, #tpu.memory_space<semaphore_mem>>)
    } else {
    }
    %add3A_5 = arith.constant 32 : i32
    %add3A_6 = arith.addi %add3A, %add3A_5 : i32
    %lt3A_7 = arith.constant 78 : i32
    %lt3A_8 = arith.cmpi slt, %add3A_6, %lt3A_7 : i32
    %convert_element_type3A_9 = arith.extui %lt3A_8 : i1 to i32
    %cond3A_10 = arith.constant 0 : i32
    %cond3A_11 = arith.cmpi ne, %convert_element_type3A_9, %cond3A_10 : i32
    scf.if %cond3A_11 {
      %add3A_86 = arith.constant 32 : i32
      %add3A_87 = arith.addi %add3A, %add3A_86 : i32
      %mul3A_88 = arith.constant 128 : i32
      %mul3A_89 = arith.muli %add3A_87, %mul3A_88 : i32
      %dma_start3A = tpu.memref_slice %arg3[%mul3A_89] : memref<10000xi32, #tpu.memory_space<hbm>> -> memref<128xi32, #tpu.memory_space<hbm>>
      %dma_start3A_90 = tpu.memref_slice %arg3[%mul3A_89] : memref<10000xi32, #tpu.memory_space<hbm>> -> memref<128xi32, #tpu.memory_space<hbm>>
      tpu.enqueue_dma source(%dma_start3A_90 : memref<128xi32, #tpu.memory_space<hbm>>) target(%arg6 : memref<128xi32, #tpu.memory_space<vmem>>) target_semaphore(%arg14 : memref<!tpu.dma_semaphore, #tpu.memory_space<semaphore_mem>>)
    } else {
    }
    %add3A_12 = arith.constant 64 : i32
    %add3A_13 = arith.addi %add3A, %add3A_12 : i32
    %lt3A_14 = arith.constant 78 : i32
    %lt3A_15 = arith.cmpi slt, %add3A_13, %lt3A_14 : i32
    %convert_element_type3A_16 = arith.extui %lt3A_15 : i1 to i32
    %cond3A_17 = arith.constant 0 : i32
    %cond3A_18 = arith.cmpi ne, %convert_element_type3A_16, %cond3A_17 : i32
    scf.if %cond3A_18 {
      %add3A_86 = arith.constant 64 : i32
      %add3A_87 = arith.addi %add3A, %add3A_86 : i32
      %mul3A_88 = arith.constant 128 : i32
      %mul3A_89 = arith.muli %add3A_87, %mul3A_88 : i32
      %dma_start3A = tpu.memref_slice %arg3[%mul3A_89] : memref<10000xi32, #tpu.memory_space<hbm>> -> memref<128xi32, #tpu.memory_space<hbm>>
      %dma_start3A_90 = tpu.memref_slice %arg3[%mul3A_89] : memref<10000xi32, #tpu.memory_space<hbm>> -> memref<128xi32, #tpu.memory_space<hbm>>
      tpu.enqueue_dma source(%dma_start3A_90 : memref<128xi32, #tpu.memory_space<hbm>>) target(%arg7 : memref<128xi32, #tpu.memory_space<vmem>>) target_semaphore(%arg15 : memref<!tpu.dma_semaphore, #tpu.memory_space<semaphore_mem>>)
    } else {
    }
    %add3A_19 = arith.constant 0 : i32
    %add3A_20 = arith.addi %add3A, %add3A_19 : i32
    %lt3A_21 = arith.constant 78 : i32
    %lt3A_22 = arith.cmpi slt, %add3A_20, %lt3A_21 : i32
    %convert_element_type3A_23 = arith.extui %lt3A_22 : i1 to i32
    %cond3A_24 = arith.constant 0 : i32
    %cond3A_25 = arith.cmpi ne, %convert_element_type3A_23, %cond3A_24 : i32
    scf.if %cond3A_25 {
      %add3A_86 = arith.constant 0 : i32
      %add3A_87 = arith.addi %add3A, %add3A_86 : i32
      %mul3A_88 = arith.constant 128 : i32
      %mul3A_89 = arith.muli %add3A_87, %mul3A_88 : i32
      %dma_wait3A = tpu.memref_slice %arg3[%mul3A_89] : memref<10000xi32, #tpu.memory_space<hbm>> -> memref<128xi32, #tpu.memory_space<hbm>>
      %dma_wait3A_90 = tpu.memref_slice %arg3[%mul3A_89] : memref<10000xi32, #tpu.memory_space<hbm>> -> memref<128xi32, #tpu.memory_space<hbm>>
      tpu.wait_dma2 semaphore(%arg13 : memref<!tpu.dma_semaphore, #tpu.memory_space<semaphore_mem>>) src(%dma_wait3A_90 : memref<128xi32, #tpu.memory_space<hbm>>) dst(%arg5 : memref<128xi32, #tpu.memory_space<vmem>>)
      %dma_start3A = arith.constant 0 : i32
      %dma_start3A_91 = arith.constant 0 : i32
      %dma_start3A_92 = tpu.memref_slice %arg2[%dma_start3A, %dma_start3A_91] : memref<100000x128xf32, #tpu.memory_space<hbm>> -> memref<100000x128xf32, #tpu.memory_space<hbm>>
      tpu.enqueue_indirect_dma source(%dma_start3A_92 : memref<100000x128xf32, #tpu.memory_space<hbm>>) target(%arg8 : memref<128x128xf32, #tpu.memory_space<vmem>>) offsets(%arg5 : memref<128xi32, #tpu.memory_space<vmem>>) semaphore(%arg16 : memref<!tpu.dma_semaphore, #tpu.memory_space<semaphore_mem>>)
    } else {
    }
    %add3A_26 = arith.constant 32 : i32
    %add3A_27 = arith.addi %add3A, %add3A_26 : i32
    %lt3A_28 = arith.constant 78 : i32
    %lt3A_29 = arith.cmpi slt, %add3A_27, %lt3A_28 : i32
    %convert_element_type3A_30 = arith.extui %lt3A_29 : i1 to i32
    %cond3A_31 = arith.constant 0 : i32
    %cond3A_32 = arith.cmpi ne, %convert_element_type3A_30, %cond3A_31 : i32
    scf.if %cond3A_32 {
      %add3A_86 = arith.constant 32 : i32
      %add3A_87 = arith.addi %add3A, %add3A_86 : i32
      %mul3A_88 = arith.constant 128 : i32
      %mul3A_89 = arith.muli %add3A_87, %mul3A_88 : i32
      %dma_wait3A = tpu.memref_slice %arg3[%mul3A_89] : memref<10000xi32, #tpu.memory_space<hbm>> -> memref<128xi32, #tpu.memory_space<hbm>>
      %dma_wait3A_90 = tpu.memref_slice %arg3[%mul3A_89] : memref<10000xi32, #tpu.memory_space<hbm>> -> memref<128xi32, #tpu.memory_space<hbm>>
      tpu.wait_dma2 semaphore(%arg14 : memref<!tpu.dma_semaphore, #tpu.memory_space<semaphore_mem>>) src(%dma_wait3A_90 : memref<128xi32, #tpu.memory_space<hbm>>) dst(%arg6 : memref<128xi32, #tpu.memory_space<vmem>>)
      %dma_start3A = arith.constant 0 : i32
      %dma_start3A_91 = arith.constant 0 : i32
      %dma_start3A_92 = tpu.memref_slice %arg2[%dma_start3A, %dma_start3A_91] : memref<100000x128xf32, #tpu.memory_space<hbm>> -> memref<100000x128xf32, #tpu.memory_space<hbm>>
      tpu.enqueue_indirect_dma source(%dma_start3A_92 : memref<100000x128xf32, #tpu.memory_space<hbm>>) target(%arg9 : memref<128x128xf32, #tpu.memory_space<vmem>>) offsets(%arg6 : memref<128xi32, #tpu.memory_space<vmem>>) semaphore(%arg17 : memref<!tpu.dma_semaphore, #tpu.memory_space<semaphore_mem>>)
    } else {
    }
    %add3A_33 = arith.constant 64 : i32
    %add3A_34 = arith.addi %add3A, %add3A_33 : i32
    %lt3A_35 = arith.constant 78 : i32
    %lt3A_36 = arith.cmpi slt, %add3A_34, %lt3A_35 : i32
    %convert_element_type3A_37 = arith.extui %lt3A_36 : i1 to i32
    %cond3A_38 = arith.constant 0 : i32
    %cond3A_39 = arith.cmpi ne, %convert_element_type3A_37, %cond3A_38 : i32
    scf.if %cond3A_39 {
      %add3A_86 = arith.constant 64 : i32
      %add3A_87 = arith.addi %add3A, %add3A_86 : i32
      %mul3A_88 = arith.constant 128 : i32
      %mul3A_89 = arith.muli %add3A_87, %mul3A_88 : i32
      %dma_wait3A = tpu.memref_slice %arg3[%mul3A_89] : memref<10000xi32, #tpu.memory_space<hbm>> -> memref<128xi32, #tpu.memory_space<hbm>>
      %dma_wait3A_90 = tpu.memref_slice %arg3[%mul3A_89] : memref<10000xi32, #tpu.memory_space<hbm>> -> memref<128xi32, #tpu.memory_space<hbm>>
      tpu.wait_dma2 semaphore(%arg15 : memref<!tpu.dma_semaphore, #tpu.memory_space<semaphore_mem>>) src(%dma_wait3A_90 : memref<128xi32, #tpu.memory_space<hbm>>) dst(%arg7 : memref<128xi32, #tpu.memory_space<vmem>>)
      %dma_start3A = arith.constant 0 : i32
      %dma_start3A_91 = arith.constant 0 : i32
      %dma_start3A_92 = tpu.memref_slice %arg2[%dma_start3A, %dma_start3A_91] : memref<100000x128xf32, #tpu.memory_space<hbm>> -> memref<100000x128xf32, #tpu.memory_space<hbm>>
      tpu.enqueue_indirect_dma source(%dma_start3A_92 : memref<100000x128xf32, #tpu.memory_space<hbm>>) target(%arg10 : memref<128x128xf32, #tpu.memory_space<vmem>>) offsets(%arg7 : memref<128xi32, #tpu.memory_space<vmem>>) semaphore(%arg18 : memref<!tpu.dma_semaphore, #tpu.memory_space<semaphore_mem>>)
    } else {
    }
    %add3A_40 = arith.constant 0 : i32
    %add3A_41 = arith.addi %add3A, %add3A_40 : i32
    %lt3A_42 = arith.constant 78 : i32
    %lt3A_43 = arith.cmpi slt, %add3A_41, %lt3A_42 : i32
    %convert_element_type3A_44 = arith.extui %lt3A_43 : i1 to i32
    %cond3A_45 = arith.constant 0 : i32
    %cond3A_46 = arith.cmpi ne, %convert_element_type3A_44, %cond3A_45 : i32
    scf.if %cond3A_46 {
      %add3A_86 = arith.constant 0 : i32
      %add3A_87 = arith.addi %add3A, %add3A_86 : i32
      %mul3A_88 = arith.constant 128 : i32
      %mul3A_89 = arith.muli %add3A_87, %mul3A_88 : i32
      %dma_wait3A = arith.constant 0 : i32
      %dma_wait3A_90 = arith.constant 0 : i32
      %dma_wait3A_91 = tpu.memref_slice %arg2[%dma_wait3A, %dma_wait3A_90] : memref<100000x128xf32, #tpu.memory_space<hbm>> -> memref<100000x128xf32, #tpu.memory_space<hbm>>
      tpu.wait_indirect_dma semaphore(%arg16 : memref<!tpu.dma_semaphore, #tpu.memory_space<semaphore_mem>>) src(%dma_wait3A_91 : memref<100000x128xf32, #tpu.memory_space<hbm>>) dst(%arg8 : memref<128x128xf32, #tpu.memory_space<vmem>>)
      %dma_start3A = arith.constant 0 : i32
      %dma_start3A_92 = tpu.memref_slice %arg4[%mul3A_89, %dma_start3A] : memref<10000x128xf32, #tpu.memory_space<hbm>> -> memref<128x128xf32, #tpu.memory_space<hbm>>
      %dma_start3A_93 = arith.constant 0 : i32
      %dma_start3A_94 = tpu.memref_slice %arg4[%mul3A_89, %dma_start3A_93] : memref<10000x128xf32, #tpu.memory_space<hbm>> -> memref<128x128xf32, #tpu.memory_space<hbm>>
      tpu.enqueue_dma source(%arg8 : memref<128x128xf32, #tpu.memory_space<vmem>>) target(%dma_start3A_94 : memref<128x128xf32, #tpu.memory_space<hbm>>) target_semaphore(%arg19 : memref<!tpu.dma_semaphore, #tpu.memory_space<semaphore_mem>>)
    } else {
    }
    %add3A_47 = arith.constant 32 : i32
    %add3A_48 = arith.addi %add3A, %add3A_47 : i32
    %lt3A_49 = arith.constant 78 : i32
    %lt3A_50 = arith.cmpi slt, %add3A_48, %lt3A_49 : i32
    %convert_element_type3A_51 = arith.extui %lt3A_50 : i1 to i32
    %cond3A_52 = arith.constant 0 : i32
    %cond3A_53 = arith.cmpi ne, %convert_element_type3A_51, %cond3A_52 : i32
    scf.if %cond3A_53 {
      %add3A_86 = arith.constant 32 : i32
      %add3A_87 = arith.addi %add3A, %add3A_86 : i32
      %mul3A_88 = arith.constant 128 : i32
      %mul3A_89 = arith.muli %add3A_87, %mul3A_88 : i32
      %dma_wait3A = arith.constant 0 : i32
      %dma_wait3A_90 = arith.constant 0 : i32
      %dma_wait3A_91 = tpu.memref_slice %arg2[%dma_wait3A, %dma_wait3A_90] : memref<100000x128xf32, #tpu.memory_space<hbm>> -> memref<100000x128xf32, #tpu.memory_space<hbm>>
      tpu.wait_indirect_dma semaphore(%arg17 : memref<!tpu.dma_semaphore, #tpu.memory_space<semaphore_mem>>) src(%dma_wait3A_91 : memref<100000x128xf32, #tpu.memory_space<hbm>>) dst(%arg9 : memref<128x128xf32, #tpu.memory_space<vmem>>)
      %dma_start3A = arith.constant 0 : i32
      %dma_start3A_92 = tpu.memref_slice %arg4[%mul3A_89, %dma_start3A] : memref<10000x128xf32, #tpu.memory_space<hbm>> -> memref<128x128xf32, #tpu.memory_space<hbm>>
      %dma_start3A_93 = arith.constant 0 : i32
      %dma_start3A_94 = tpu.memref_slice %arg4[%mul3A_89, %dma_start3A_93] : memref<10000x128xf32, #tpu.memory_space<hbm>> -> memref<128x128xf32, #tpu.memory_space<hbm>>
      tpu.enqueue_dma source(%arg9 : memref<128x128xf32, #tpu.memory_space<vmem>>) target(%dma_start3A_94 : memref<128x128xf32, #tpu.memory_space<hbm>>) target_semaphore(%arg20 : memref<!tpu.dma_semaphore, #tpu.memory_space<semaphore_mem>>)
    } else {
    }
    %add3A_54 = arith.constant 64 : i32
    %add3A_55 = arith.addi %add3A, %add3A_54 : i32
    %lt3A_56 = arith.constant 78 : i32
    %lt3A_57 = arith.cmpi slt, %add3A_55, %lt3A_56 : i32
    %convert_element_type3A_58 = arith.extui %lt3A_57 : i1 to i32
    %cond3A_59 = arith.constant 0 : i32
    %cond3A_60 = arith.cmpi ne, %convert_element_type3A_58, %cond3A_59 : i32
    scf.if %cond3A_60 {
      %add3A_86 = arith.constant 64 : i32
      %add3A_87 = arith.addi %add3A, %add3A_86 : i32
      %mul3A_88 = arith.constant 128 : i32
      %mul3A_89 = arith.muli %add3A_87, %mul3A_88 : i32
      %dma_wait3A = arith.constant 0 : i32
      %dma_wait3A_90 = arith.constant 0 : i32
      %dma_wait3A_91 = tpu.memref_slice %arg2[%dma_wait3A, %dma_wait3A_90] : memref<100000x128xf32, #tpu.memory_space<hbm>> -> memref<100000x128xf32, #tpu.memory_space<hbm>>
      tpu.wait_indirect_dma semaphore(%arg18 : memref<!tpu.dma_semaphore, #tpu.memory_space<semaphore_mem>>) src(%dma_wait3A_91 : memref<100000x128xf32, #tpu.memory_space<hbm>>) dst(%arg10 : memref<128x128xf32, #tpu.memory_space<vmem>>)
      %dma_start3A = arith.constant 0 : i32
      %dma_start3A_92 = tpu.memref_slice %arg4[%mul3A_89, %dma_start3A] : memref<10000x128xf32, #tpu.memory_space<hbm>> -> memref<128x128xf32, #tpu.memory_space<hbm>>
      %dma_start3A_93 = arith.constant 0 : i32
      %dma_start3A_94 = tpu.memref_slice %arg4[%mul3A_89, %dma_start3A_93] : memref<10000x128xf32, #tpu.memory_space<hbm>> -> memref<128x128xf32, #tpu.memory_space<hbm>>
      tpu.enqueue_dma source(%arg10 : memref<128x128xf32, #tpu.memory_space<vmem>>) target(%dma_start3A_94 : memref<128x128xf32, #tpu.memory_space<hbm>>) target_semaphore(%arg21 : memref<!tpu.dma_semaphore, #tpu.memory_space<semaphore_mem>>)
    } else {
    }
    %eq3A = arith.constant 14 : i32
    %eq3A_61 = arith.cmpi eq, %add3A, %eq3A : i32
    %convert_element_type3A_62 = arith.extui %eq3A_61 : i1 to i32
    %cond3A_63 = arith.constant 0 : i32
    %cond3A_64 = arith.cmpi ne, %convert_element_type3A_62, %cond3A_63 : i32
    scf.if %cond3A_64 {
      "tpu.region"() ({
        %run_scoped3A = tpu.sem_alloc : memref<!tpu.dma_semaphore, #tpu.memory_space<semaphore_mem>>
        %dma_start3A_100 = arith.constant 0 : i32
        %dma_start3A_101 = tpu.memref_slice %arg11[%dma_start3A_100] : memref<16xi32, #tpu.memory_space<vmem>> -> memref<16xi32, #tpu.memory_space<vmem>>
        %dma_start3A_102 = arith.constant 9984 : i32
        %dma_start3A_103 = tpu.memref_slice %arg3[%dma_start3A_102] : memref<10000xi32, #tpu.memory_space<hbm>> -> memref<16xi32, #tpu.memory_space<hbm>>
        %dma_start3A_104 = arith.constant 0 : i32
        %dma_start3A_105 = tpu.memref_slice %arg11[%dma_start3A_104] : memref<16xi32, #tpu.memory_space<vmem>> -> memref<16xi32, #tpu.memory_space<vmem>>
        %dma_start3A_106 = arith.constant 9984 : i32
        %dma_start3A_107 = tpu.memref_slice %arg3[%dma_start3A_106] : memref<10000xi32, #tpu.memory_space<hbm>> -> memref<16xi32, #tpu.memory_space<hbm>>
        tpu.enqueue_dma source(%dma_start3A_107 : memref<16xi32, #tpu.memory_space<hbm>>) target(%dma_start3A_105 : memref<16xi32, #tpu.memory_space<vmem>>) target_semaphore(%run_scoped3A : memref<!tpu.dma_semaphore, #tpu.memory_space<semaphore_mem>>)
        %dma_wait3A_108 = arith.constant 0 : i32
        %dma_wait3A_109 = tpu.memref_slice %arg11[%dma_wait3A_108] : memref<16xi32, #tpu.memory_space<vmem>> -> memref<16xi32, #tpu.memory_space<vmem>>
        %dma_wait3A_110 = arith.constant 9984 : i32
        %dma_wait3A_111 = tpu.memref_slice %arg3[%dma_wait3A_110] : memref<10000xi32, #tpu.memory_space<hbm>> -> memref<16xi32, #tpu.memory_space<hbm>>
        %dma_wait3A_112 = arith.constant 0 : i32
        %dma_wait3A_113 = tpu.memref_slice %arg11[%dma_wait3A_112] : memref<16xi32, #tpu.memory_space<vmem>> -> memref<16xi32, #tpu.memory_space<vmem>>
        %dma_wait3A_114 = arith.constant 9984 : i32
        %dma_wait3A_115 = tpu.memref_slice %arg3[%dma_wait3A_114] : memref<10000xi32, #tpu.memory_space<hbm>> -> memref<16xi32, #tpu.memory_space<hbm>>
        tpu.wait_dma2 semaphore(%run_scoped3A : memref<!tpu.dma_semaphore, #tpu.memory_space<semaphore_mem>>) src(%dma_wait3A_115 : memref<16xi32, #tpu.memory_space<hbm>>) dst(%dma_wait3A_113 : memref<16xi32, #tpu.memory_space<vmem>>)
        tpu.yield
      }) : () -> ()
      %dma_start3A = arith.constant 0 : i32
      %dma_start3A_86 = arith.constant 0 : i32
      %dma_start3A_87 = tpu.memref_slice %arg12[%dma_start3A, %dma_start3A_86] : memref<16x128xf32, #tpu.memory_space<vmem>> -> memref<16x128xf32, #tpu.memory_space<vmem>>
      %dma_start3A_88 = arith.constant 0 : i32
      %dma_start3A_89 = tpu.memref_slice %arg11[%dma_start3A_88] : memref<16xi32, #tpu.memory_space<vmem>> -> memref<16xi32, #tpu.memory_space<vmem>>
      %dma_start3A_90 = arith.constant 0 : i32
      %dma_start3A_91 = arith.constant 0 : i32
      %dma_start3A_92 = tpu.memref_slice %arg2[%dma_start3A_90, %dma_start3A_91] : memref<100000x128xf32, #tpu.memory_space<hbm>> -> memref<100000x128xf32, #tpu.memory_space<hbm>>
      tpu.enqueue_indirect_dma source(%dma_start3A_92 : memref<100000x128xf32, #tpu.memory_space<hbm>>) target(%dma_start3A_87 : memref<16x128xf32, #tpu.memory_space<vmem>>) offsets(%dma_start3A_89 : memref<16xi32, #tpu.memory_space<vmem>>) semaphore(%arg22 : memref<!tpu.dma_semaphore, #tpu.memory_space<semaphore_mem>>)
      %dma_wait3A = arith.constant 0 : i32
      %dma_wait3A_93 = arith.constant 0 : i32
      %dma_wait3A_94 = tpu.memref_slice %arg12[%dma_wait3A, %dma_wait3A_93] : memref<16x128xf32, #tpu.memory_space<vmem>> -> memref<16x128xf32, #tpu.memory_space<vmem>>
      %dma_wait3A_95 = arith.constant 0 : i32
      %dma_wait3A_96 = tpu.memref_slice %arg11[%dma_wait3A_95] : memref<16xi32, #tpu.memory_space<vmem>> -> memref<16xi32, #tpu.memory_space<vmem>>
      %dma_wait3A_97 = arith.constant 0 : i32
      %dma_wait3A_98 = arith.constant 0 : i32
      %dma_wait3A_99 = tpu.memref_slice %arg2[%dma_wait3A_97, %dma_wait3A_98] : memref<100000x128xf32, #tpu.memory_space<hbm>> -> memref<100000x128xf32, #tpu.memory_space<hbm>>
      tpu.wait_indirect_dma semaphore(%arg22 : memref<!tpu.dma_semaphore, #tpu.memory_space<semaphore_mem>>) src(%dma_wait3A_99 : memref<100000x128xf32, #tpu.memory_space<hbm>>) dst(%dma_wait3A_94 : memref<16x128xf32, #tpu.memory_space<vmem>>)
      "tpu.region"() ({
        %run_scoped3A = tpu.sem_alloc : memref<!tpu.dma_semaphore, #tpu.memory_space<semaphore_mem>>
        %dma_start3A_100 = arith.constant 0 : i32
        %dma_start3A_101 = arith.constant 0 : i32
        %dma_start3A_102 = tpu.memref_slice %arg12[%dma_start3A_100, %dma_start3A_101] : memref<16x128xf32, #tpu.memory_space<vmem>> -> memref<16x128xf32, #tpu.memory_space<vmem>>
        %dma_start3A_103 = arith.constant 9984 : i32
        %dma_start3A_104 = arith.constant 0 : i32
        %dma_start3A_105 = tpu.memref_slice %arg4[%dma_start3A_103, %dma_start3A_104] : memref<10000x128xf32, #tpu.memory_space<hbm>> -> memref<16x128xf32, #tpu.memory_space<hbm>>
        %dma_start3A_106 = arith.constant 9984 : i32
        %dma_start3A_107 = arith.constant 0 : i32
        %dma_start3A_108 = tpu.memref_slice %arg4[%dma_start3A_106, %dma_start3A_107] : memref<10000x128xf32, #tpu.memory_space<hbm>> -> memref<16x128xf32, #tpu.memory_space<hbm>>
        %dma_start3A_109 = arith.constant 0 : i32
        %dma_start3A_110 = arith.constant 0 : i32
        %dma_start3A_111 = tpu.memref_slice %arg12[%dma_start3A_109, %dma_start3A_110] : memref<16x128xf32, #tpu.memory_space<vmem>> -> memref<16x128xf32, #tpu.memory_space<vmem>>
        tpu.enqueue_dma source(%dma_start3A_111 : memref<16x128xf32, #tpu.memory_space<vmem>>) target(%dma_start3A_108 : memref<16x128xf32, #tpu.memory_space<hbm>>) target_semaphore(%run_scoped3A : memref<!tpu.dma_semaphore, #tpu.memory_space<semaphore_mem>>)
        %dma_wait3A_112 = arith.constant 0 : i32
        %dma_wait3A_113 = arith.constant 0 : i32
        %dma_wait3A_114 = tpu.memref_slice %arg12[%dma_wait3A_112, %dma_wait3A_113] : memref<16x128xf32, #tpu.memory_space<vmem>> -> memref<16x128xf32, #tpu.memory_space<vmem>>
        %dma_wait3A_115 = arith.constant 9984 : i32
        %dma_wait3A_116 = arith.constant 0 : i32
        %dma_wait3A_117 = tpu.memref_slice %arg4[%dma_wait3A_115, %dma_wait3A_116] : memref<10000x128xf32, #tpu.memory_space<hbm>> -> memref<16x128xf32, #tpu.memory_space<hbm>>
        %dma_wait3A_118 = arith.constant 9984 : i32
        %dma_wait3A_119 = arith.constant 0 : i32
        %dma_wait3A_120 = tpu.memref_slice %arg4[%dma_wait3A_118, %dma_wait3A_119] : memref<10000x128xf32, #tpu.memory_space<hbm>> -> memref<16x128xf32, #tpu.memory_space<hbm>>
        %dma_wait3A_121 = arith.constant 0 : i32
        %dma_wait3A_122 = arith.constant 0 : i32
        %dma_wait3A_123 = tpu.memref_slice %arg12[%dma_wait3A_121, %dma_wait3A_122] : memref<16x128xf32, #tpu.memory_space<vmem>> -> memref<16x128xf32, #tpu.memory_space<vmem>>
        tpu.wait_dma2 semaphore(%run_scoped3A : memref<!tpu.dma_semaphore, #tpu.memory_space<semaphore_mem>>) src(%dma_wait3A_123 : memref<16x128xf32, #tpu.memory_space<vmem>>) dst(%dma_wait3A_120 : memref<16x128xf32, #tpu.memory_space<hbm>>)
        tpu.yield
      }) : () -> ()
    } else {
    }
    %add3A_65 = arith.constant 0 : i32
    %add3A_66 = arith.addi %add3A, %add3A_65 : i32
    %lt3A_67 = arith.constant 78 : i32
    %lt3A_68 = arith.cmpi slt, %add3A_66, %lt3A_67 : i32
    %convert_element_type3A_69 = arith.extui %lt3A_68 : i1 to i32
    %cond3A_70 = arith.constant 0 : i32
    %cond3A_71 = arith.cmpi ne, %convert_element_type3A_69, %cond3A_70 : i32
    scf.if %cond3A_71 {
      %add3A_86 = arith.constant 0 : i32
      %add3A_87 = arith.addi %add3A, %add3A_86 : i32
      %mul3A_88 = arith.constant 128 : i32
      %mul3A_89 = arith.muli %add3A_87, %mul3A_88 : i32
      %dma_wait3A = arith.constant 0 : i32
      %dma_wait3A_90 = tpu.memref_slice %arg4[%mul3A_89, %dma_wait3A] : memref<10000x128xf32, #tpu.memory_space<hbm>> -> memref<128x128xf32, #tpu.memory_space<hbm>>
      %dma_wait3A_91 = arith.constant 0 : i32
      %dma_wait3A_92 = tpu.memref_slice %arg4[%mul3A_89, %dma_wait3A_91] : memref<10000x128xf32, #tpu.memory_space<hbm>> -> memref<128x128xf32, #tpu.memory_space<hbm>>
      tpu.wait_dma2 semaphore(%arg19 : memref<!tpu.dma_semaphore, #tpu.memory_space<semaphore_mem>>) src(%arg8 : memref<128x128xf32, #tpu.memory_space<vmem>>) dst(%dma_wait3A_92 : memref<128x128xf32, #tpu.memory_space<hbm>>)
    } else {
    }
    %add3A_72 = arith.constant 32 : i32
    %add3A_73 = arith.addi %add3A, %add3A_72 : i32
    %lt3A_74 = arith.constant 78 : i32
    %lt3A_75 = arith.cmpi slt, %add3A_73, %lt3A_74 : i32
    %convert_element_type3A_76 = arith.extui %lt3A_75 : i1 to i32
    %cond3A_77 = arith.constant 0 : i32
    %cond3A_78 = arith.cmpi ne, %convert_element_type3A_76, %cond3A_77 : i32
    scf.if %cond3A_78 {
      %add3A_86 = arith.constant 32 : i32
      %add3A_87 = arith.addi %add3A, %add3A_86 : i32
      %mul3A_88 = arith.constant 128 : i32
      %mul3A_89 = arith.muli %add3A_87, %mul3A_88 : i32
      %dma_wait3A = arith.constant 0 : i32
      %dma_wait3A_90 = tpu.memref_slice %arg4[%mul3A_89, %dma_wait3A] : memref<10000x128xf32, #tpu.memory_space<hbm>> -> memref<128x128xf32, #tpu.memory_space<hbm>>
      %dma_wait3A_91 = arith.constant 0 : i32
      %dma_wait3A_92 = tpu.memref_slice %arg4[%mul3A_89, %dma_wait3A_91] : memref<10000x128xf32, #tpu.memory_space<hbm>> -> memref<128x128xf32, #tpu.memory_space<hbm>>
      tpu.wait_dma2 semaphore(%arg20 : memref<!tpu.dma_semaphore, #tpu.memory_space<semaphore_mem>>) src(%arg9 : memref<128x128xf32, #tpu.memory_space<vmem>>) dst(%dma_wait3A_92 : memref<128x128xf32, #tpu.memory_space<hbm>>)
    } else {
    }
    %add3A_79 = arith.constant 64 : i32
    %add3A_80 = arith.addi %add3A, %add3A_79 : i32
    %lt3A_81 = arith.constant 78 : i32
    %lt3A_82 = arith.cmpi slt, %add3A_80, %lt3A_81 : i32
    %convert_element_type3A_83 = arith.extui %lt3A_82 : i1 to i32
    %cond3A_84 = arith.constant 0 : i32
    %cond3A_85 = arith.cmpi ne, %convert_element_type3A_83, %cond3A_84 : i32
    scf.if %cond3A_85 {
      %add3A_86 = arith.constant 64 : i32
      %add3A_87 = arith.addi %add3A, %add3A_86 : i32
      %mul3A_88 = arith.constant 128 : i32
      %mul3A_89 = arith.muli %add3A_87, %mul3A_88 : i32
      %dma_wait3A = arith.constant 0 : i32
      %dma_wait3A_90 = tpu.memref_slice %arg4[%mul3A_89, %dma_wait3A] : memref<10000x128xf32, #tpu.memory_space<hbm>> -> memref<128x128xf32, #tpu.memory_space<hbm>>
      %dma_wait3A_91 = arith.constant 0 : i32
      %dma_wait3A_92 = tpu.memref_slice %arg4[%mul3A_89, %dma_wait3A_91] : memref<10000x128xf32, #tpu.memory_space<hbm>> -> memref<128x128xf32, #tpu.memory_space<hbm>>
      tpu.wait_dma2 semaphore(%arg21 : memref<!tpu.dma_semaphore, #tpu.memory_space<semaphore_mem>>) src(%arg10 : memref<128x128xf32, #tpu.memory_space<vmem>>) dst(%dma_wait3A_92 : memref<128x128xf32, #tpu.memory_space<hbm>>)
    } else {
    }
    return
  }
}

#map = affine_map<(d0, d1) -> (0, 0)>
#map1 = affine_map<(d0, d1) -> (0)>
#map2 = affine_map<(d0, d1) -> (0, 0, 0)>
module attributes {stable_mosaic.version = 14 : i64} {
  func.func @k(%arg0: i32, %arg1: i32, %arg2: memref<10000x128xf32, #tpu.memory_space<hbm>>, %arg3: memref<640000xi32, #tpu.memory_space<hbm>>, %arg4: memref<2x10000x128xf32, #tpu.memory_space<hbm>>, %arg5: memref<104xi32, #tpu.memory_space<vmem>>, %arg6: memref<104xi32, #tpu.memory_space<vmem>>, %arg7: memref<104xi32, #tpu.memory_space<vmem>>, %arg8: memref<1x104xi32, #tpu.memory_space<vmem>>, %arg9: memref<1x104xi32, #tpu.memory_space<vmem>>, %arg10: memref<1x104xi32, #tpu.memory_space<vmem>>, %arg11: memref<104x128xf32, #tpu.memory_space<vmem>>, %arg12: memref<104x128xf32, #tpu.memory_space<vmem>>, %arg13: memref<104x128xf32, #tpu.memory_space<vmem>>, %arg14: memref<16xi32, #tpu.memory_space<vmem>>, %arg15: memref<1x16xi32, #tpu.memory_space<vmem>>, %arg16: memref<16x128xf32, #tpu.memory_space<vmem>>, %arg17: memref<10000x128xf32, #tpu.memory_space<vmem_shared>>, %arg18: memref<!tpu.dma_semaphore, #tpu.memory_space<semaphore_mem>>, %arg19: memref<!tpu.dma_semaphore, #tpu.memory_space<semaphore_mem>>, %arg20: memref<!tpu.dma_semaphore, #tpu.memory_space<semaphore_mem>>, %arg21: memref<!tpu.dma_semaphore, #tpu.memory_space<semaphore_mem>>, %arg22: memref<!tpu.dma_semaphore, #tpu.memory_space<semaphore_mem>>, %arg23: memref<!tpu.dma_semaphore, #tpu.memory_space<semaphore_mem>>, %arg24: memref<!tpu.dma_semaphore, #tpu.memory_space<semaphore_mem>>, %arg25: memref<!tpu.dma_semaphore, #tpu.memory_space<semaphore_mem>>, %arg26: memref<!tpu.dma_semaphore, #tpu.memory_space<semaphore_mem>>, %arg27: memref<!tpu.dma_semaphore, #tpu.memory_space<semaphore_mem>>) attributes {dimension_semantics = [#tpu.dimension_semantics<core_parallel>, #tpu.dimension_semantics<subcore_parallel>], iteration_bounds = array<i64: 2, 16>, scalar_prefetch = 0 : i64, scratch_operands = 23 : i64, tpu.core_type = #tpu.core_type<sc_vector_subcore>, window_params = [{transform_indices = #map}, {transform_indices = #map1}, {transform_indices = #map2}]} {
    %mul3A = arith.constant 2 : i32
    %mul3A_0 = arith.muli %arg1, %mul3A : i32
    %add3A = arith.addi %mul3A_0, %arg0 : i32
    %mul3A_1 = arith.constant 10000 : i32
    %mul3A_2 = arith.muli %add3A, %mul3A_1 : i32
    %add3A_3 = arith.constant 0 : i32
    %add3A_4 = arith.addi %mul3A_2, %add3A_3 : i32
    %dma_start3A = tpu.memref_slice %arg3[%add3A_4] : memref<640000xi32, #tpu.memory_space<hbm>> -> memref<104xi32, #tpu.memory_space<hbm>>
    %dma_start3A_5 = tpu.memref_slice %arg3[%add3A_4] : memref<640000xi32, #tpu.memory_space<hbm>> -> memref<104xi32, #tpu.memory_space<hbm>>
    tpu.enqueue_dma source(%dma_start3A_5 : memref<104xi32, #tpu.memory_space<hbm>>) target(%arg5 : memref<104xi32, #tpu.memory_space<vmem>>) target_semaphore(%arg18 : memref<!tpu.dma_semaphore, #tpu.memory_space<semaphore_mem>>)
    %add3A_6 = arith.constant 320000 : i32
    %add3A_7 = arith.addi %add3A_6, %add3A_4 : i32
    %dma_start3A_8 = arith.constant 0 : i32
    %dma_start3A_9 = arith.constant 0 : i32
    %dma_start3A_10 = tpu.memref_slice %arg8[%dma_start3A_8, %dma_start3A_9] : memref<1x104xi32, #tpu.memory_space<vmem>> -> memref<1x104xi32, #tpu.memory_space<vmem>>
    %dma_start3A_11 = tpu.memref_squeeze %dma_start3A_10 : memref<1x104xi32, #tpu.memory_space<vmem>> -> memref<104xi32, #tpu.memory_space<vmem>>
    %dma_start3A_12 = tpu.memref_slice %arg3[%add3A_7] : memref<640000xi32, #tpu.memory_space<hbm>> -> memref<104xi32, #tpu.memory_space<hbm>>
    %dma_start3A_13 = arith.constant 0 : i32
    %dma_start3A_14 = tpu.memref_slice %arg8[%dma_start3A_8, %dma_start3A_13] : memref<1x104xi32, #tpu.memory_space<vmem>> -> memref<1x104xi32, #tpu.memory_space<vmem>>
    %dma_start3A_15 = tpu.memref_squeeze %dma_start3A_14 : memref<1x104xi32, #tpu.memory_space<vmem>> -> memref<104xi32, #tpu.memory_space<vmem>>
    %dma_start3A_16 = tpu.memref_slice %arg3[%add3A_7] : memref<640000xi32, #tpu.memory_space<hbm>> -> memref<104xi32, #tpu.memory_space<hbm>>
    tpu.enqueue_dma source(%dma_start3A_16 : memref<104xi32, #tpu.memory_space<hbm>>) target(%dma_start3A_15 : memref<104xi32, #tpu.memory_space<vmem>>) target_semaphore(%arg18 : memref<!tpu.dma_semaphore, #tpu.memory_space<semaphore_mem>>)
    %add3A_17 = arith.constant 104 : i32
    %add3A_18 = arith.addi %mul3A_2, %add3A_17 : i32
    %dma_start3A_19 = tpu.memref_slice %arg3[%add3A_18] : memref<640000xi32, #tpu.memory_space<hbm>> -> memref<104xi32, #tpu.memory_space<hbm>>
    %dma_start3A_20 = tpu.memref_slice %arg3[%add3A_18] : memref<640000xi32, #tpu.memory_space<hbm>> -> memref<104xi32, #tpu.memory_space<hbm>>
    tpu.enqueue_dma source(%dma_start3A_20 : memref<104xi32, #tpu.memory_space<hbm>>) target(%arg6 : memref<104xi32, #tpu.memory_space<vmem>>) target_semaphore(%arg19 : memref<!tpu.dma_semaphore, #tpu.memory_space<semaphore_mem>>)
    %add3A_21 = arith.constant 320000 : i32
    %add3A_22 = arith.addi %add3A_21, %add3A_18 : i32
    %dma_start3A_23 = arith.constant 0 : i32
    %dma_start3A_24 = arith.constant 0 : i32
    %dma_start3A_25 = tpu.memref_slice %arg9[%dma_start3A_23, %dma_start3A_24] : memref<1x104xi32, #tpu.memory_space<vmem>> -> memref<1x104xi32, #tpu.memory_space<vmem>>
    %dma_start3A_26 = tpu.memref_squeeze %dma_start3A_25 : memref<1x104xi32, #tpu.memory_space<vmem>> -> memref<104xi32, #tpu.memory_space<vmem>>
    %dma_start3A_27 = tpu.memref_slice %arg3[%add3A_22] : memref<640000xi32, #tpu.memory_space<hbm>> -> memref<104xi32, #tpu.memory_space<hbm>>
    %dma_start3A_28 = arith.constant 0 : i32
    %dma_start3A_29 = tpu.memref_slice %arg9[%dma_start3A_23, %dma_start3A_28] : memref<1x104xi32, #tpu.memory_space<vmem>> -> memref<1x104xi32, #tpu.memory_space<vmem>>
    %dma_start3A_30 = tpu.memref_squeeze %dma_start3A_29 : memref<1x104xi32, #tpu.memory_space<vmem>> -> memref<104xi32, #tpu.memory_space<vmem>>
    %dma_start3A_31 = tpu.memref_slice %arg3[%add3A_22] : memref<640000xi32, #tpu.memory_space<hbm>> -> memref<104xi32, #tpu.memory_space<hbm>>
    tpu.enqueue_dma source(%dma_start3A_31 : memref<104xi32, #tpu.memory_space<hbm>>) target(%dma_start3A_30 : memref<104xi32, #tpu.memory_space<vmem>>) target_semaphore(%arg19 : memref<!tpu.dma_semaphore, #tpu.memory_space<semaphore_mem>>)
    %scan3A = arith.constant 0 : i32
    %scan3A_32 = arith.constant 104 : i32
    %scan3A_33 = arith.addi %scan3A, %scan3A_32 : i32
    %scan3A_34 = arith.constant 1 : i32
    scf.for %scan3A_450 = %scan3A to %scan3A_33 step %scan3A_34  : i32 {
      %mul3A_451 = arith.constant 1 : i32
      %mul3A_452 = arith.muli %scan3A_450, %mul3A_451 : i32
      %add3A_453 = arith.constant 0 : i32
      %add3A_454 = arith.addi %add3A_453, %mul3A_452 : i32
      %scan3A_455 = arith.constant 0 : i32
      %scan3A_456 = arith.constant 8 : i32
      %scan3A_457 = arith.addi %scan3A_455, %scan3A_456 : i32
      %scan3A_458 = arith.constant 1 : i32
      scf.for %scan3A_460 = %scan3A_455 to %scan3A_457 step %scan3A_458  : i32 {
        %mul3A_461 = arith.constant 16 : i32
        %mul3A_462 = arith.muli %scan3A_460, %mul3A_461 : i32
        %add3A_463 = arith.constant 0 : i32
        %add3A_464 = arith.addi %add3A_463, %mul3A_462 : i32
        %broadcast_in_dim3A = arith.constant 0.000000e+00 : f32
        %broadcast_in_dim3A_465 = vector.broadcast %broadcast_in_dim3A : f32 to vector<16xf32>
        %swap3A = arith.index_cast %add3A_454 : i32 to index
        %swap3A_466 = arith.index_cast %add3A_464 : i32 to index
        %swap3A_467 = tpu.vector_load %arg13[%swap3A, %swap3A_466] {strides = array<i32>} : memref<104x128xf32, #tpu.memory_space<vmem>>, vector<1x16xf32>,
        %swap3A_468 = vector.shape_cast %swap3A_467 : vector<1x16xf32> to vector<16xf32>
        %swap3A_469 = vector.shape_cast %broadcast_in_dim3A_465 : vector<16xf32> to vector<1x16xf32>
        tpu.vector_store %arg13[%swap3A, %swap3A_466], %swap3A_469 {strides = array<i32>} : memref<104x128xf32, #tpu.memory_space<vmem>>, vector<1x16xf32>,
      }
      %scan3A_459 = arith.constant 8 : i32
    }
    %scan3A_35 = arith.constant 104 : i32
    %add3A_36 = arith.constant 0 : i32
    %add3A_37 = arith.addi %mul3A_2, %add3A_36 : i32
    %dma_wait3A = tpu.memref_slice %arg3[%add3A_37] : memref<640000xi32, #tpu.memory_space<hbm>> -> memref<104xi32, #tpu.memory_space<hbm>>
    %dma_wait3A_38 = tpu.memref_slice %arg3[%add3A_37] : memref<640000xi32, #tpu.memory_space<hbm>> -> memref<104xi32, #tpu.memory_space<hbm>>
    tpu.wait_dma2 semaphore(%arg18 : memref<!tpu.dma_semaphore, #tpu.memory_space<semaphore_mem>>) src(%dma_wait3A_38 : memref<104xi32, #tpu.memory_space<hbm>>) dst(%arg5 : memref<104xi32, #tpu.memory_space<vmem>>)
    %add3A_39 = arith.constant 320000 : i32
    %add3A_40 = arith.addi %add3A_39, %add3A_37 : i32
    %dma_wait3A_41 = arith.constant 0 : i32
    %dma_wait3A_42 = arith.constant 0 : i32
    %dma_wait3A_43 = tpu.memref_slice %arg8[%dma_wait3A_41, %dma_wait3A_42] : memref<1x104xi32, #tpu.memory_space<vmem>> -> memref<1x104xi32, #tpu.memory_space<vmem>>
    %dma_wait3A_44 = tpu.memref_squeeze %dma_wait3A_43 : memref<1x104xi32, #tpu.memory_space<vmem>> -> memref<104xi32, #tpu.memory_space<vmem>>
    %dma_wait3A_45 = tpu.memref_slice %arg3[%add3A_40] : memref<640000xi32, #tpu.memory_space<hbm>> -> memref<104xi32, #tpu.memory_space<hbm>>
    %dma_wait3A_46 = arith.constant 0 : i32
    %dma_wait3A_47 = tpu.memref_slice %arg8[%dma_wait3A_41, %dma_wait3A_46] : memref<1x104xi32, #tpu.memory_space<vmem>> -> memref<1x104xi32, #tpu.memory_space<vmem>>
    %dma_wait3A_48 = tpu.memref_squeeze %dma_wait3A_47 : memref<1x104xi32, #tpu.memory_space<vmem>> -> memref<104xi32, #tpu.memory_space<vmem>>
    %dma_wait3A_49 = tpu.memref_slice %arg3[%add3A_40] : memref<640000xi32, #tpu.memory_space<hbm>> -> memref<104xi32, #tpu.memory_space<hbm>>
    tpu.wait_dma2 semaphore(%arg18 : memref<!tpu.dma_semaphore, #tpu.memory_space<semaphore_mem>>) src(%dma_wait3A_49 : memref<104xi32, #tpu.memory_space<hbm>>) dst(%dma_wait3A_48 : memref<104xi32, #tpu.memory_space<vmem>>)
    %dma_start3A_50 = arith.constant 0 : i32
    %dma_start3A_51 = arith.constant 0 : i32
    %dma_start3A_52 = tpu.memref_slice %arg2[%dma_start3A_50, %dma_start3A_51] : memref<10000x128xf32, #tpu.memory_space<hbm>> -> memref<10000x128xf32, #tpu.memory_space<hbm>>
    tpu.enqueue_indirect_dma source(%dma_start3A_52 : memref<10000x128xf32, #tpu.memory_space<hbm>>) target(%arg11 : memref<104x128xf32, #tpu.memory_space<vmem>>) offsets(%arg5 : memref<104xi32, #tpu.memory_space<vmem>>) semaphore(%arg21 : memref<!tpu.dma_semaphore, #tpu.memory_space<semaphore_mem>>)
    %add3A_53 = arith.constant 0 : i32
    %add3A_54 = arith.addi %arg1, %add3A_53 : i32
    %mul3A_55 = arith.constant 104 : i32
    %mul3A_56 = arith.muli %add3A_54, %mul3A_55 : i32
    %dma_start3A_57 = arith.constant 0 : i32
    %dma_start3A_58 = tpu.memref_slice %arg17[%mul3A_56, %dma_start3A_57] : memref<10000x128xf32, #tpu.memory_space<vmem_shared>> -> memref<104x128xf32, #tpu.memory_space<vmem_shared>>
    %dma_start3A_59 = arith.constant 0 : i32
    %dma_start3A_60 = tpu.memref_slice %arg17[%mul3A_56, %dma_start3A_59] : memref<10000x128xf32, #tpu.memory_space<vmem_shared>> -> memref<104x128xf32, #tpu.memory_space<vmem_shared>>
    tpu.enqueue_dma source(%arg13 : memref<104x128xf32, #tpu.memory_space<vmem>>) target(%dma_start3A_60 : memref<104x128xf32, #tpu.memory_space<vmem_shared>>) target_semaphore(%arg27 : memref<!tpu.dma_semaphore, #tpu.memory_space<semaphore_mem>>)
    %add3A_61 = arith.constant 16 : i32
    %add3A_62 = arith.addi %arg1, %add3A_61 : i32
    %mul3A_63 = arith.constant 104 : i32
    %mul3A_64 = arith.muli %add3A_62, %mul3A_63 : i32
    %dma_start3A_65 = arith.constant 0 : i32
    %dma_start3A_66 = tpu.memref_slice %arg17[%mul3A_64, %dma_start3A_65] : memref<10000x128xf32, #tpu.memory_space<vmem_shared>> -> memref<104x128xf32, #tpu.memory_space<vmem_shared>>
    %dma_start3A_67 = arith.constant 0 : i32
    %dma_start3A_68 = tpu.memref_slice %arg17[%mul3A_64, %dma_start3A_67] : memref<10000x128xf32, #tpu.memory_space<vmem_shared>> -> memref<104x128xf32, #tpu.memory_space<vmem_shared>>
    tpu.enqueue_dma source(%arg13 : memref<104x128xf32, #tpu.memory_space<vmem>>) target(%dma_start3A_68 : memref<104x128xf32, #tpu.memory_space<vmem_shared>>) target_semaphore(%arg27 : memref<!tpu.dma_semaphore, #tpu.memory_space<semaphore_mem>>)
    %add3A_69 = arith.constant 32 : i32
    %add3A_70 = arith.addi %arg1, %add3A_69 : i32
    %mul3A_71 = arith.constant 104 : i32
    %mul3A_72 = arith.muli %add3A_70, %mul3A_71 : i32
    %dma_start3A_73 = arith.constant 0 : i32
    %dma_start3A_74 = tpu.memref_slice %arg17[%mul3A_72, %dma_start3A_73] : memref<10000x128xf32, #tpu.memory_space<vmem_shared>> -> memref<104x128xf32, #tpu.memory_space<vmem_shared>>
    %dma_start3A_75 = arith.constant 0 : i32
    %dma_start3A_76 = tpu.memref_slice %arg17[%mul3A_72, %dma_start3A_75] : memref<10000x128xf32, #tpu.memory_space<vmem_shared>> -> memref<104x128xf32, #tpu.memory_space<vmem_shared>>
    tpu.enqueue_dma source(%arg13 : memref<104x128xf32, #tpu.memory_space<vmem>>) target(%dma_start3A_76 : memref<104x128xf32, #tpu.memory_space<vmem_shared>>) target_semaphore(%arg27 : memref<!tpu.dma_semaphore, #tpu.memory_space<semaphore_mem>>)
    %add3A_77 = arith.constant 48 : i32
    %add3A_78 = arith.addi %arg1, %add3A_77 : i32
    %mul3A_79 = arith.constant 104 : i32
    %mul3A_80 = arith.muli %add3A_78, %mul3A_79 : i32
    %dma_start3A_81 = arith.constant 0 : i32
    %dma_start3A_82 = tpu.memref_slice %arg17[%mul3A_80, %dma_start3A_81] : memref<10000x128xf32, #tpu.memory_space<vmem_shared>> -> memref<104x128xf32, #tpu.memory_space<vmem_shared>>
    %dma_start3A_83 = arith.constant 0 : i32
    %dma_start3A_84 = tpu.memref_slice %arg17[%mul3A_80, %dma_start3A_83] : memref<10000x128xf32, #tpu.memory_space<vmem_shared>> -> memref<104x128xf32, #tpu.memory_space<vmem_shared>>
    tpu.enqueue_dma source(%arg13 : memref<104x128xf32, #tpu.memory_space<vmem>>) target(%dma_start3A_84 : memref<104x128xf32, #tpu.memory_space<vmem_shared>>) target_semaphore(%arg27 : memref<!tpu.dma_semaphore, #tpu.memory_space<semaphore_mem>>)
    %add3A_85 = arith.constant 64 : i32
    %add3A_86 = arith.addi %arg1, %add3A_85 : i32
    %mul3A_87 = arith.constant 104 : i32
    %mul3A_88 = arith.muli %add3A_86, %mul3A_87 : i32
    %dma_start3A_89 = arith.constant 0 : i32
    %dma_start3A_90 = tpu.memref_slice %arg17[%mul3A_88, %dma_start3A_89] : memref<10000x128xf32, #tpu.memory_space<vmem_shared>> -> memref<104x128xf32, #tpu.memory_space<vmem_shared>>
    %dma_start3A_91 = arith.constant 0 : i32
    %dma_start3A_92 = tpu.memref_slice %arg17[%mul3A_88, %dma_start3A_91] : memref<10000x128xf32, #tpu.memory_space<vmem_shared>> -> memref<104x128xf32, #tpu.memory_space<vmem_shared>>
    tpu.enqueue_dma source(%arg13 : memref<104x128xf32, #tpu.memory_space<vmem>>) target(%dma_start3A_92 : memref<104x128xf32, #tpu.memory_space<vmem_shared>>) target_semaphore(%arg27 : memref<!tpu.dma_semaphore, #tpu.memory_space<semaphore_mem>>)
    %add3A_93 = arith.constant 80 : i32
    %add3A_94 = arith.addi %arg1, %add3A_93 : i32
    %mul3A_95 = arith.constant 104 : i32
    %mul3A_96 = arith.muli %add3A_94, %mul3A_95 : i32
    %dma_start3A_97 = arith.constant 0 : i32
    %dma_start3A_98 = tpu.memref_slice %arg17[%mul3A_96, %dma_start3A_97] : memref<10000x128xf32, #tpu.memory_space<vmem_shared>> -> memref<104x128xf32, #tpu.memory_space<vmem_shared>>
    %dma_start3A_99 = arith.constant 0 : i32
    %dma_start3A_100 = tpu.memref_slice %arg17[%mul3A_96, %dma_start3A_99] : memref<10000x128xf32, #tpu.memory_space<vmem_shared>> -> memref<104x128xf32, #tpu.memory_space<vmem_shared>>
    tpu.enqueue_dma source(%arg13 : memref<104x128xf32, #tpu.memory_space<vmem>>) target(%dma_start3A_100 : memref<104x128xf32, #tpu.memory_space<vmem_shared>>) target_semaphore(%arg27 : memref<!tpu.dma_semaphore, #tpu.memory_space<semaphore_mem>>)
    %eq3A = arith.constant 0 : i32
    %eq3A_101 = arith.cmpi eq, %arg1, %eq3A : i32
    %convert_element_type3A = arith.extui %eq3A_101 : i1 to i32
    %cond3A = arith.constant 0 : i32
    %cond3A_102 = arith.cmpi ne, %convert_element_type3A, %cond3A : i32
    scf.if %cond3A_102 {
      "tpu.region"() ({
        %run_scoped3A_450 = tpu.sem_alloc : memref<!tpu.dma_semaphore, #tpu.memory_space<semaphore_mem>>
        %dma_start3A_451 = arith.constant 0 : i32
        %dma_start3A_452 = arith.constant 0 : i32
        %dma_start3A_453 = tpu.memref_slice %arg13[%dma_start3A_451, %dma_start3A_452] : memref<104x128xf32, #tpu.memory_space<vmem>> -> memref<16x128xf32, #tpu.memory_space<vmem>>
        %dma_start3A_454 = arith.constant 9984 : i32
        %dma_start3A_455 = arith.constant 0 : i32
        %dma_start3A_456 = tpu.memref_slice %arg17[%dma_start3A_454, %dma_start3A_455] : memref<10000x128xf32, #tpu.memory_space<vmem_shared>> -> memref<16x128xf32, #tpu.memory_space<vmem_shared>>
        %dma_start3A_457 = arith.constant 9984 : i32
        %dma_start3A_458 = arith.constant 0 : i32
        %dma_start3A_459 = tpu.memref_slice %arg17[%dma_start3A_457, %dma_start3A_458] : memref<10000x128xf32, #tpu.memory_space<vmem_shared>> -> memref<16x128xf32, #tpu.memory_space<vmem_shared>>
        %dma_start3A_460 = arith.constant 0 : i32
        %dma_start3A_461 = arith.constant 0 : i32
        %dma_start3A_462 = tpu.memref_slice %arg13[%dma_start3A_460, %dma_start3A_461] : memref<104x128xf32, #tpu.memory_space<vmem>> -> memref<16x128xf32, #tpu.memory_space<vmem>>
        tpu.enqueue_dma source(%dma_start3A_462 : memref<16x128xf32, #tpu.memory_space<vmem>>) target(%dma_start3A_459 : memref<16x128xf32, #tpu.memory_space<vmem_shared>>) target_semaphore(%run_scoped3A_450 : memref<!tpu.dma_semaphore, #tpu.memory_space<semaphore_mem>>)
        %dma_wait3A_463 = arith.constant 0 : i32
        %dma_wait3A_464 = arith.constant 0 : i32
        %dma_wait3A_465 = tpu.memref_slice %arg13[%dma_wait3A_463, %dma_wait3A_464] : memref<104x128xf32, #tpu.memory_space<vmem>> -> memref<16x128xf32, #tpu.memory_space<vmem>>
        %dma_wait3A_466 = arith.constant 9984 : i32
        %dma_wait3A_467 = arith.constant 0 : i32
        %dma_wait3A_468 = tpu.memref_slice %arg17[%dma_wait3A_466, %dma_wait3A_467] : memref<10000x128xf32, #tpu.memory_space<vmem_shared>> -> memref<16x128xf32, #tpu.memory_space<vmem_shared>>
        %dma_wait3A_469 = arith.constant 9984 : i32
        %dma_wait3A_470 = arith.constant 0 : i32
        %dma_wait3A_471 = tpu.memref_slice %arg17[%dma_wait3A_469, %dma_wait3A_470] : memref<10000x128xf32, #tpu.memory_space<vmem_shared>> -> memref<16x128xf32, #tpu.memory_space<vmem_shared>>
        %dma_wait3A_472 = arith.constant 0 : i32
        %dma_wait3A_473 = arith.constant 0 : i32
        %dma_wait3A_474 = tpu.memref_slice %arg13[%dma_wait3A_472, %dma_wait3A_473] : memref<104x128xf32, #tpu.memory_space<vmem>> -> memref<16x128xf32, #tpu.memory_space<vmem>>
        tpu.wait_dma2 semaphore(%run_scoped3A_450 : memref<!tpu.dma_semaphore, #tpu.memory_space<semaphore_mem>>) src(%dma_wait3A_474 : memref<16x128xf32, #tpu.memory_space<vmem>>) dst(%dma_wait3A_471 : memref<16x128xf32, #tpu.memory_space<vmem_shared>>)
        tpu.yield
      }) : () -> ()
    } else {
    }
    %add3A_103 = arith.constant 0 : i32
    %add3A_104 = arith.addi %arg1, %add3A_103 : i32
    %mul3A_105 = arith.constant 104 : i32
    %mul3A_106 = arith.muli %add3A_104, %mul3A_105 : i32
    %dma_wait3A_107 = arith.constant 0 : i32
    %dma_wait3A_108 = tpu.memref_slice %arg17[%mul3A_106, %dma_wait3A_107] : memref<10000x128xf32, #tpu.memory_space<vmem_shared>> -> memref<104x128xf32, #tpu.memory_space<vmem_shared>>
    %dma_wait3A_109 = arith.constant 0 : i32
    %dma_wait3A_110 = tpu.memref_slice %arg17[%mul3A_106, %dma_wait3A_109] : memref<10000x128xf32, #tpu.memory_space<vmem_shared>> -> memref<104x128xf32, #tpu.memory_space<vmem_shared>>
    tpu.wait_dma2 semaphore(%arg27 : memref<!tpu.dma_semaphore, #tpu.memory_space<semaphore_mem>>) src(%arg13 : memref<104x128xf32, #tpu.memory_space<vmem>>) dst(%dma_wait3A_110 : memref<104x128xf32, #tpu.memory_space<vmem_shared>>)
    %add3A_111 = arith.constant 16 : i32
    %add3A_112 = arith.addi %arg1, %add3A_111 : i32
    %mul3A_113 = arith.constant 104 : i32
    %mul3A_114 = arith.muli %add3A_112, %mul3A_113 : i32
    %dma_wait3A_115 = arith.constant 0 : i32
    %dma_wait3A_116 = tpu.memref_slice %arg17[%mul3A_114, %dma_wait3A_115] : memref<10000x128xf32, #tpu.memory_space<vmem_shared>> -> memref<104x128xf32, #tpu.memory_space<vmem_shared>>
    %dma_wait3A_117 = arith.constant 0 : i32
    %dma_wait3A_118 = tpu.memref_slice %arg17[%mul3A_114, %dma_wait3A_117] : memref<10000x128xf32, #tpu.memory_space<vmem_shared>> -> memref<104x128xf32, #tpu.memory_space<vmem_shared>>
    tpu.wait_dma2 semaphore(%arg27 : memref<!tpu.dma_semaphore, #tpu.memory_space<semaphore_mem>>) src(%arg13 : memref<104x128xf32, #tpu.memory_space<vmem>>) dst(%dma_wait3A_118 : memref<104x128xf32, #tpu.memory_space<vmem_shared>>)
    %add3A_119 = arith.constant 32 : i32
    %add3A_120 = arith.addi %arg1, %add3A_119 : i32
    %mul3A_121 = arith.constant 104 : i32
    %mul3A_122 = arith.muli %add3A_120, %mul3A_121 : i32
    %dma_wait3A_123 = arith.constant 0 : i32
    %dma_wait3A_124 = tpu.memref_slice %arg17[%mul3A_122, %dma_wait3A_123] : memref<10000x128xf32, #tpu.memory_space<vmem_shared>> -> memref<104x128xf32, #tpu.memory_space<vmem_shared>>
    %dma_wait3A_125 = arith.constant 0 : i32
    %dma_wait3A_126 = tpu.memref_slice %arg17[%mul3A_122, %dma_wait3A_125] : memref<10000x128xf32, #tpu.memory_space<vmem_shared>> -> memref<104x128xf32, #tpu.memory_space<vmem_shared>>
    tpu.wait_dma2 semaphore(%arg27 : memref<!tpu.dma_semaphore, #tpu.memory_space<semaphore_mem>>) src(%arg13 : memref<104x128xf32, #tpu.memory_space<vmem>>) dst(%dma_wait3A_126 : memref<104x128xf32, #tpu.memory_space<vmem_shared>>)
    %add3A_127 = arith.constant 48 : i32
    %add3A_128 = arith.addi %arg1, %add3A_127 : i32
    %mul3A_129 = arith.constant 104 : i32
    %mul3A_130 = arith.muli %add3A_128, %mul3A_129 : i32
    %dma_wait3A_131 = arith.constant 0 : i32
    %dma_wait3A_132 = tpu.memref_slice %arg17[%mul3A_130, %dma_wait3A_131] : memref<10000x128xf32, #tpu.memory_space<vmem_shared>> -> memref<104x128xf32, #tpu.memory_space<vmem_shared>>
    %dma_wait3A_133 = arith.constant 0 : i32
    %dma_wait3A_134 = tpu.memref_slice %arg17[%mul3A_130, %dma_wait3A_133] : memref<10000x128xf32, #tpu.memory_space<vmem_shared>> -> memref<104x128xf32, #tpu.memory_space<vmem_shared>>
    tpu.wait_dma2 semaphore(%arg27 : memref<!tpu.dma_semaphore, #tpu.memory_space<semaphore_mem>>) src(%arg13 : memref<104x128xf32, #tpu.memory_space<vmem>>) dst(%dma_wait3A_134 : memref<104x128xf32, #tpu.memory_space<vmem_shared>>)
    %add3A_135 = arith.constant 64 : i32
    %add3A_136 = arith.addi %arg1, %add3A_135 : i32
    %mul3A_137 = arith.constant 104 : i32
    %mul3A_138 = arith.muli %add3A_136, %mul3A_137 : i32
    %dma_wait3A_139 = arith.constant 0 : i32
    %dma_wait3A_140 = tpu.memref_slice %arg17[%mul3A_138, %dma_wait3A_139] : memref<10000x128xf32, #tpu.memory_space<vmem_shared>> -> memref<104x128xf32, #tpu.memory_space<vmem_shared>>
    %dma_wait3A_141 = arith.constant 0 : i32
    %dma_wait3A_142 = tpu.memref_slice %arg17[%mul3A_138, %dma_wait3A_141] : memref<10000x128xf32, #tpu.memory_space<vmem_shared>> -> memref<104x128xf32, #tpu.memory_space<vmem_shared>>
    tpu.wait_dma2 semaphore(%arg27 : memref<!tpu.dma_semaphore, #tpu.memory_space<semaphore_mem>>) src(%arg13 : memref<104x128xf32, #tpu.memory_space<vmem>>) dst(%dma_wait3A_142 : memref<104x128xf32, #tpu.memory_space<vmem_shared>>)
    %add3A_143 = arith.constant 80 : i32
    %add3A_144 = arith.addi %arg1, %add3A_143 : i32
    %mul3A_145 = arith.constant 104 : i32
    %mul3A_146 = arith.muli %add3A_144, %mul3A_145 : i32
    %dma_wait3A_147 = arith.constant 0 : i32
    %dma_wait3A_148 = tpu.memref_slice %arg17[%mul3A_146, %dma_wait3A_147] : memref<10000x128xf32, #tpu.memory_space<vmem_shared>> -> memref<104x128xf32, #tpu.memory_space<vmem_shared>>
    %dma_wait3A_149 = arith.constant 0 : i32
    %dma_wait3A_150 = tpu.memref_slice %arg17[%mul3A_146, %dma_wait3A_149] : memref<10000x128xf32, #tpu.memory_space<vmem_shared>> -> memref<104x128xf32, #tpu.memory_space<vmem_shared>>
    tpu.wait_dma2 semaphore(%arg27 : memref<!tpu.dma_semaphore, #tpu.memory_space<semaphore_mem>>) src(%arg13 : memref<104x128xf32, #tpu.memory_space<vmem>>) dst(%dma_wait3A_150 : memref<104x128xf32, #tpu.memory_space<vmem_shared>>)
    %barrier3A = arith.constant 0 : index
    tpu.barrier barrier_id(%barrier3A)
    %add3A_151 = arith.constant 208 : i32
    %add3A_152 = arith.addi %mul3A_2, %add3A_151 : i32
    %dma_start3A_153 = tpu.memref_slice %arg3[%add3A_152] : memref<640000xi32, #tpu.memory_space<hbm>> -> memref<104xi32, #tpu.memory_space<hbm>>
    %dma_start3A_154 = tpu.memref_slice %arg3[%add3A_152] : memref<640000xi32, #tpu.memory_space<hbm>> -> memref<104xi32, #tpu.memory_space<hbm>>
    tpu.enqueue_dma source(%dma_start3A_154 : memref<104xi32, #tpu.memory_space<hbm>>) target(%arg7 : memref<104xi32, #tpu.memory_space<vmem>>) target_semaphore(%arg20 : memref<!tpu.dma_semaphore, #tpu.memory_space<semaphore_mem>>)
    %add3A_155 = arith.constant 320000 : i32
    %add3A_156 = arith.addi %add3A_155, %add3A_152 : i32
    %dma_start3A_157 = arith.constant 0 : i32
    %dma_start3A_158 = arith.constant 0 : i32
    %dma_start3A_159 = tpu.memref_slice %arg10[%dma_start3A_157, %dma_start3A_158] : memref<1x104xi32, #tpu.memory_space<vmem>> -> memref<1x104xi32, #tpu.memory_space<vmem>>
    %dma_start3A_160 = tpu.memref_squeeze %dma_start3A_159 : memref<1x104xi32, #tpu.memory_space<vmem>> -> memref<104xi32, #tpu.memory_space<vmem>>
    %dma_start3A_161 = tpu.memref_slice %arg3[%add3A_156] : memref<640000xi32, #tpu.memory_space<hbm>> -> memref<104xi32, #tpu.memory_space<hbm>>
    %dma_start3A_162 = arith.constant 0 : i32
    %dma_start3A_163 = tpu.memref_slice %arg10[%dma_start3A_157, %dma_start3A_162] : memref<1x104xi32, #tpu.memory_space<vmem>> -> memref<1x104xi32, #tpu.memory_space<vmem>>
    %dma_start3A_164 = tpu.memref_squeeze %dma_start3A_163 : memref<1x104xi32, #tpu.memory_space<vmem>> -> memref<104xi32, #tpu.memory_space<vmem>>
    %dma_start3A_165 = tpu.memref_slice %arg3[%add3A_156] : memref<640000xi32, #tpu.memory_space<hbm>> -> memref<104xi32, #tpu.memory_space<hbm>>
    tpu.enqueue_dma source(%dma_start3A_165 : memref<104xi32, #tpu.memory_space<hbm>>) target(%dma_start3A_164 : memref<104xi32, #tpu.memory_space<vmem>>) target_semaphore(%arg20 : memref<!tpu.dma_semaphore, #tpu.memory_space<semaphore_mem>>)
    %add3A_166 = arith.constant 104 : i32
    %add3A_167 = arith.addi %mul3A_2, %add3A_166 : i32
    %dma_wait3A_168 = tpu.memref_slice %arg3[%add3A_167] : memref<640000xi32, #tpu.memory_space<hbm>> -> memref<104xi32, #tpu.memory_space<hbm>>
    %dma_wait3A_169 = tpu.memref_slice %arg3[%add3A_167] : memref<640000xi32, #tpu.memory_space<hbm>> -> memref<104xi32, #tpu.memory_space<hbm>>
    tpu.wait_dma2 semaphore(%arg19 : memref<!tpu.dma_semaphore, #tpu.memory_space<semaphore_mem>>) src(%dma_wait3A_169 : memref<104xi32, #tpu.memory_space<hbm>>) dst(%arg6 : memref<104xi32, #tpu.memory_space<vmem>>)
    %add3A_170 = arith.constant 320000 : i32
    %add3A_171 = arith.addi %add3A_170, %add3A_167 : i32
    %dma_wait3A_172 = arith.constant 0 : i32
    %dma_wait3A_173 = arith.constant 0 : i32
    %dma_wait3A_174 = tpu.memref_slice %arg9[%dma_wait3A_172, %dma_wait3A_173] : memref<1x104xi32, #tpu.memory_space<vmem>> -> memref<1x104xi32, #tpu.memory_space<vmem>>
    %dma_wait3A_175 = tpu.memref_squeeze %dma_wait3A_174 : memref<1x104xi32, #tpu.memory_space<vmem>> -> memref<104xi32, #tpu.memory_space<vmem>>
    %dma_wait3A_176 = tpu.memref_slice %arg3[%add3A_171] : memref<640000xi32, #tpu.memory_space<hbm>> -> memref<104xi32, #tpu.memory_space<hbm>>
    %dma_wait3A_177 = arith.constant 0 : i32
    %dma_wait3A_178 = tpu.memref_slice %arg9[%dma_wait3A_172, %dma_wait3A_177] : memref<1x104xi32, #tpu.memory_space<vmem>> -> memref<1x104xi32, #tpu.memory_space<vmem>>
    %dma_wait3A_179 = tpu.memref_squeeze %dma_wait3A_178 : memref<1x104xi32, #tpu.memory_space<vmem>> -> memref<104xi32, #tpu.memory_space<vmem>>
    %dma_wait3A_180 = tpu.memref_slice %arg3[%add3A_171] : memref<640000xi32, #tpu.memory_space<hbm>> -> memref<104xi32, #tpu.memory_space<hbm>>
    tpu.wait_dma2 semaphore(%arg19 : memref<!tpu.dma_semaphore, #tpu.memory_space<semaphore_mem>>) src(%dma_wait3A_180 : memref<104xi32, #tpu.memory_space<hbm>>) dst(%dma_wait3A_179 : memref<104xi32, #tpu.memory_space<vmem>>)
    %dma_start3A_181 = arith.constant 0 : i32
    %dma_start3A_182 = arith.constant 0 : i32
    %dma_start3A_183 = tpu.memref_slice %arg2[%dma_start3A_181, %dma_start3A_182] : memref<10000x128xf32, #tpu.memory_space<hbm>> -> memref<10000x128xf32, #tpu.memory_space<hbm>>
    tpu.enqueue_indirect_dma source(%dma_start3A_183 : memref<10000x128xf32, #tpu.memory_space<hbm>>) target(%arg12 : memref<104x128xf32, #tpu.memory_space<vmem>>) offsets(%arg6 : memref<104xi32, #tpu.memory_space<vmem>>) semaphore(%arg22 : memref<!tpu.dma_semaphore, #tpu.memory_space<semaphore_mem>>)
    %dma_wait3A_184 = arith.constant 0 : i32
    %dma_wait3A_185 = arith.constant 0 : i32
    %dma_wait3A_186 = tpu.memref_slice %arg2[%dma_wait3A_184, %dma_wait3A_185] : memref<10000x128xf32, #tpu.memory_space<hbm>> -> memref<10000x128xf32, #tpu.memory_space<hbm>>
    tpu.wait_indirect_dma semaphore(%arg21 : memref<!tpu.dma_semaphore, #tpu.memory_space<semaphore_mem>>) src(%dma_wait3A_186 : memref<10000x128xf32, #tpu.memory_space<hbm>>) dst(%arg11 : memref<104x128xf32, #tpu.memory_space<vmem>>)
    %dma_start3A_187 = arith.constant 0 : i32
    %dma_start3A_188 = arith.constant 0 : i32
    %dma_start3A_189 = tpu.memref_slice %arg8[%dma_start3A_187, %dma_start3A_188] : memref<1x104xi32, #tpu.memory_space<vmem>> -> memref<1x104xi32, #tpu.memory_space<vmem>>
    %dma_start3A_190 = tpu.memref_squeeze %dma_start3A_189 : memref<1x104xi32, #tpu.memory_space<vmem>> -> memref<104xi32, #tpu.memory_space<vmem>>
    %dma_start3A_191 = arith.constant 0 : i32
    %dma_start3A_192 = arith.constant 0 : i32
    %dma_start3A_193 = tpu.memref_slice %arg17[%dma_start3A_191, %dma_start3A_192] : memref<10000x128xf32, #tpu.memory_space<vmem_shared>> -> memref<10000x128xf32, #tpu.memory_space<vmem_shared>>
    tpu.enqueue_indirect_dma source(%arg11 : memref<104x128xf32, #tpu.memory_space<vmem>>) target(%dma_start3A_193 : memref<10000x128xf32, #tpu.memory_space<vmem_shared>>) offsets(%dma_start3A_190 : memref<104xi32, #tpu.memory_space<vmem>>) semaphore(%arg24 : memref<!tpu.dma_semaphore, #tpu.memory_space<semaphore_mem>>) {add = true}
    %add3A_194 = arith.constant 312 : i32
    %add3A_195 = arith.addi %mul3A_2, %add3A_194 : i32
    %dma_start3A_196 = tpu.memref_slice %arg3[%add3A_195] : memref<640000xi32, #tpu.memory_space<hbm>> -> memref<104xi32, #tpu.memory_space<hbm>>
    %dma_start3A_197 = tpu.memref_slice %arg3[%add3A_195] : memref<640000xi32, #tpu.memory_space<hbm>> -> memref<104xi32, #tpu.memory_space<hbm>>
    tpu.enqueue_dma source(%dma_start3A_197 : memref<104xi32, #tpu.memory_space<hbm>>) target(%arg5 : memref<104xi32, #tpu.memory_space<vmem>>) target_semaphore(%arg18 : memref<!tpu.dma_semaphore, #tpu.memory_space<semaphore_mem>>)
    %add3A_198 = arith.constant 320000 : i32
    %add3A_199 = arith.addi %add3A_198, %add3A_195 : i32
    %dma_start3A_200 = arith.constant 0 : i32
    %dma_start3A_201 = arith.constant 0 : i32
    %dma_start3A_202 = tpu.memref_slice %arg8[%dma_start3A_200, %dma_start3A_201] : memref<1x104xi32, #tpu.memory_space<vmem>> -> memref<1x104xi32, #tpu.memory_space<vmem>>
    %dma_start3A_203 = tpu.memref_squeeze %dma_start3A_202 : memref<1x104xi32, #tpu.memory_space<vmem>> -> memref<104xi32, #tpu.memory_space<vmem>>
    %dma_start3A_204 = tpu.memref_slice %arg3[%add3A_199] : memref<640000xi32, #tpu.memory_space<hbm>> -> memref<104xi32, #tpu.memory_space<hbm>>
    %dma_start3A_205 = arith.constant 0 : i32
    %dma_start3A_206 = tpu.memref_slice %arg8[%dma_start3A_200, %dma_start3A_205] : memref<1x104xi32, #tpu.memory_space<vmem>> -> memref<1x104xi32, #tpu.memory_space<vmem>>
    %dma_start3A_207 = tpu.memref_squeeze %dma_start3A_206 : memref<1x104xi32, #tpu.memory_space<vmem>> -> memref<104xi32, #tpu.memory_space<vmem>>
    %dma_start3A_208 = tpu.memref_slice %arg3[%add3A_199] : memref<640000xi32, #tpu.memory_space<hbm>> -> memref<104xi32, #tpu.memory_space<hbm>>
    tpu.enqueue_dma source(%dma_start3A_208 : memref<104xi32, #tpu.memory_space<hbm>>) target(%dma_start3A_207 : memref<104xi32, #tpu.memory_space<vmem>>) target_semaphore(%arg18 : memref<!tpu.dma_semaphore, #tpu.memory_space<semaphore_mem>>)
    %add3A_209 = arith.constant 208 : i32
    %add3A_210 = arith.addi %mul3A_2, %add3A_209 : i32
    %dma_wait3A_211 = tpu.memref_slice %arg3[%add3A_210] : memref<640000xi32, #tpu.memory_space<hbm>> -> memref<104xi32, #tpu.memory_space<hbm>>
    %dma_wait3A_212 = tpu.memref_slice %arg3[%add3A_210] : memref<640000xi32, #tpu.memory_space<hbm>> -> memref<104xi32, #tpu.memory_space<hbm>>
    tpu.wait_dma2 semaphore(%arg20 : memref<!tpu.dma_semaphore, #tpu.memory_space<semaphore_mem>>) src(%dma_wait3A_212 : memref<104xi32, #tpu.memory_space<hbm>>) dst(%arg7 : memref<104xi32, #tpu.memory_space<vmem>>)
    %add3A_213 = arith.constant 320000 : i32
    %add3A_214 = arith.addi %add3A_213, %add3A_210 : i32
    %dma_wait3A_215 = arith.constant 0 : i32
    %dma_wait3A_216 = arith.constant 0 : i32
    %dma_wait3A_217 = tpu.memref_slice %arg10[%dma_wait3A_215, %dma_wait3A_216] : memref<1x104xi32, #tpu.memory_space<vmem>> -> memref<1x104xi32, #tpu.memory_space<vmem>>
    %dma_wait3A_218 = tpu.memref_squeeze %dma_wait3A_217 : memref<1x104xi32, #tpu.memory_space<vmem>> -> memref<104xi32, #tpu.memory_space<vmem>>
    %dma_wait3A_219 = tpu.memref_slice %arg3[%add3A_214] : memref<640000xi32, #tpu.memory_space<hbm>> -> memref<104xi32, #tpu.memory_space<hbm>>
    %dma_wait3A_220 = arith.constant 0 : i32
    %dma_wait3A_221 = tpu.memref_slice %arg10[%dma_wait3A_215, %dma_wait3A_220] : memref<1x104xi32, #tpu.memory_space<vmem>> -> memref<1x104xi32, #tpu.memory_space<vmem>>
    %dma_wait3A_222 = tpu.memref_squeeze %dma_wait3A_221 : memref<1x104xi32, #tpu.memory_space<vmem>> -> memref<104xi32, #tpu.memory_space<vmem>>
    %dma_wait3A_223 = tpu.memref_slice %arg3[%add3A_214] : memref<640000xi32, #tpu.memory_space<hbm>> -> memref<104xi32, #tpu.memory_space<hbm>>
    tpu.wait_dma2 semaphore(%arg20 : memref<!tpu.dma_semaphore, #tpu.memory_space<semaphore_mem>>) src(%dma_wait3A_223 : memref<104xi32, #tpu.memory_space<hbm>>) dst(%dma_wait3A_222 : memref<104xi32, #tpu.memory_space<vmem>>)
    %dma_start3A_224 = arith.constant 0 : i32
    %dma_start3A_225 = arith.constant 0 : i32
    %dma_start3A_226 = tpu.memref_slice %arg2[%dma_start3A_224, %dma_start3A_225] : memref<10000x128xf32, #tpu.memory_space<hbm>> -> memref<10000x128xf32, #tpu.memory_space<hbm>>
    tpu.enqueue_indirect_dma source(%dma_start3A_226 : memref<10000x128xf32, #tpu.memory_space<hbm>>) target(%arg13 : memref<104x128xf32, #tpu.memory_space<vmem>>) offsets(%arg7 : memref<104xi32, #tpu.memory_space<vmem>>) semaphore(%arg23 : memref<!tpu.dma_semaphore, #tpu.memory_space<semaphore_mem>>)
    %dma_wait3A_227 = arith.constant 0 : i32
    %dma_wait3A_228 = arith.constant 0 : i32
    %dma_wait3A_229 = tpu.memref_slice %arg2[%dma_wait3A_227, %dma_wait3A_228] : memref<10000x128xf32, #tpu.memory_space<hbm>> -> memref<10000x128xf32, #tpu.memory_space<hbm>>
    tpu.wait_indirect_dma semaphore(%arg22 : memref<!tpu.dma_semaphore, #tpu.memory_space<semaphore_mem>>) src(%dma_wait3A_229 : memref<10000x128xf32, #tpu.memory_space<hbm>>) dst(%arg12 : memref<104x128xf32, #tpu.memory_space<vmem>>)
    %dma_start3A_230 = arith.constant 0 : i32
    %dma_start3A_231 = arith.constant 0 : i32
    %dma_start3A_232 = tpu.memref_slice %arg9[%dma_start3A_230, %dma_start3A_231] : memref<1x104xi32, #tpu.memory_space<vmem>> -> memref<1x104xi32, #tpu.memory_space<vmem>>
    %dma_start3A_233 = tpu.memref_squeeze %dma_start3A_232 : memref<1x104xi32, #tpu.memory_space<vmem>> -> memref<104xi32, #tpu.memory_space<vmem>>
    %dma_start3A_234 = arith.constant 0 : i32
    %dma_start3A_235 = arith.constant 0 : i32
    %dma_start3A_236 = tpu.memref_slice %arg17[%dma_start3A_234, %dma_start3A_235] : memref<10000x128xf32, #tpu.memory_space<vmem_shared>> -> memref<10000x128xf32, #tpu.memory_space<vmem_shared>>
    tpu.enqueue_indirect_dma source(%arg12 : memref<104x128xf32, #tpu.memory_space<vmem>>) target(%dma_start3A_236 : memref<10000x128xf32, #tpu.memory_space<vmem_shared>>) offsets(%dma_start3A_233 : memref<104xi32, #tpu.memory_space<vmem>>) semaphore(%arg25 : memref<!tpu.dma_semaphore, #tpu.memory_space<semaphore_mem>>) {add = true}
    %scan3A_237 = arith.constant 0 : i32
    %scan3A_238 = arith.constant 30 : i32
    %scan3A_239 = arith.addi %scan3A_237, %scan3A_238 : i32
    %scan3A_240 = arith.constant 1 : i32
    scf.for %scan3A_450 = %scan3A_237 to %scan3A_239 step %scan3A_240  : i32 {
      %mul3A_451 = arith.constant 3 : i32
      %mul3A_452 = arith.muli %scan3A_450, %mul3A_451 : i32
      %add3A_453 = arith.constant 2 : i32
      %add3A_454 = arith.addi %add3A_453, %mul3A_452 : i32
      %add3A_455 = arith.constant 0 : i32
      %add3A_456 = arith.addi %add3A_454, %add3A_455 : i32
      %add3A_457 = arith.constant 2 : i32
      %add3A_458 = arith.addi %add3A_456, %add3A_457 : i32
      %mul3A_459 = arith.constant 104 : i32
      %mul3A_460 = arith.muli %add3A_458, %mul3A_459 : i32
      %add3A_461 = arith.addi %mul3A_2, %mul3A_460 : i32
      %dma_start3A_462 = tpu.memref_slice %arg3[%add3A_461] : memref<640000xi32, #tpu.memory_space<hbm>> -> memref<104xi32, #tpu.memory_space<hbm>>
      %dma_start3A_463 = tpu.memref_slice %arg3[%add3A_461] : memref<640000xi32, #tpu.memory_space<hbm>> -> memref<104xi32, #tpu.memory_space<hbm>>
      tpu.enqueue_dma source(%dma_start3A_463 : memref<104xi32, #tpu.memory_space<hbm>>) target(%arg6 : memref<104xi32, #tpu.memory_space<vmem>>) target_semaphore(%arg19 : memref<!tpu.dma_semaphore, #tpu.memory_space<semaphore_mem>>)
      %add3A_464 = arith.constant 320000 : i32
      %add3A_465 = arith.addi %add3A_464, %add3A_461 : i32
      %dma_start3A_466 = arith.constant 0 : i32
      %dma_start3A_467 = arith.constant 0 : i32
      %dma_start3A_468 = tpu.memref_slice %arg9[%dma_start3A_466, %dma_start3A_467] : memref<1x104xi32, #tpu.memory_space<vmem>> -> memref<1x104xi32, #tpu.memory_space<vmem>>
      %dma_start3A_469 = tpu.memref_squeeze %dma_start3A_468 : memref<1x104xi32, #tpu.memory_space<vmem>> -> memref<104xi32, #tpu.memory_space<vmem>>
      %dma_start3A_470 = tpu.memref_slice %arg3[%add3A_465] : memref<640000xi32, #tpu.memory_space<hbm>> -> memref<104xi32, #tpu.memory_space<hbm>>
      %dma_start3A_471 = arith.constant 0 : i32
      %dma_start3A_472 = tpu.memref_slice %arg9[%dma_start3A_466, %dma_start3A_471] : memref<1x104xi32, #tpu.memory_space<vmem>> -> memref<1x104xi32, #tpu.memory_space<vmem>>
      %dma_start3A_473 = tpu.memref_squeeze %dma_start3A_472 : memref<1x104xi32, #tpu.memory_space<vmem>> -> memref<104xi32, #tpu.memory_space<vmem>>
      %dma_start3A_474 = tpu.memref_slice %arg3[%add3A_465] : memref<640000xi32, #tpu.memory_space<hbm>> -> memref<104xi32, #tpu.memory_space<hbm>>
      tpu.enqueue_dma source(%dma_start3A_474 : memref<104xi32, #tpu.memory_space<hbm>>) target(%dma_start3A_473 : memref<104xi32, #tpu.memory_space<vmem>>) target_semaphore(%arg19 : memref<!tpu.dma_semaphore, #tpu.memory_space<semaphore_mem>>)
      %dma_wait3A_475 = arith.constant 0 : i32
      %dma_wait3A_476 = arith.constant 0 : i32
      %dma_wait3A_477 = tpu.memref_slice %arg8[%dma_wait3A_475, %dma_wait3A_476] : memref<1x104xi32, #tpu.memory_space<vmem>> -> memref<1x104xi32, #tpu.memory_space<vmem>>
      %dma_wait3A_478 = tpu.memref_squeeze %dma_wait3A_477 : memref<1x104xi32, #tpu.memory_space<vmem>> -> memref<104xi32, #tpu.memory_space<vmem>>
      %dma_wait3A_479 = arith.constant 0 : i32
      %dma_wait3A_480 = arith.constant 0 : i32
      %dma_wait3A_481 = tpu.memref_slice %arg17[%dma_wait3A_479, %dma_wait3A_480] : memref<10000x128xf32, #tpu.memory_space<vmem_shared>> -> memref<10000x128xf32, #tpu.memory_space<vmem_shared>>
      tpu.wait_indirect_dma semaphore(%arg24 : memref<!tpu.dma_semaphore, #tpu.memory_space<semaphore_mem>>) src(%arg11 : memref<104x128xf32, #tpu.memory_space<vmem>>) dst(%dma_wait3A_481 : memref<10000x128xf32, #tpu.memory_space<vmem_shared>>)
      %add3A_482 = arith.constant 1 : i32
      %add3A_483 = arith.addi %add3A_456, %add3A_482 : i32
      %mul3A_484 = arith.constant 104 : i32
      %mul3A_485 = arith.muli %add3A_483, %mul3A_484 : i32
      %add3A_486 = arith.addi %mul3A_2, %mul3A_485 : i32
      %dma_wait3A_487 = tpu.memref_slice %arg3[%add3A_486] : memref<640000xi32, #tpu.memory_space<hbm>> -> memref<104xi32, #tpu.memory_space<hbm>>
      %dma_wait3A_488 = tpu.memref_slice %arg3[%add3A_486] : memref<640000xi32, #tpu.memory_space<hbm>> -> memref<104xi32, #tpu.memory_space<hbm>>
      tpu.wait_dma2 semaphore(%arg18 : memref<!tpu.dma_semaphore, #tpu.memory_space<semaphore_mem>>) src(%dma_wait3A_488 : memref<104xi32, #tpu.memory_space<hbm>>) dst(%arg5 : memref<104xi32, #tpu.memory_space<vmem>>)
      %add3A_489 = arith.constant 320000 : i32
      %add3A_490 = arith.addi %add3A_489, %add3A_486 : i32
      %dma_wait3A_491 = arith.constant 0 : i32
      %dma_wait3A_492 = arith.constant 0 : i32
      %dma_wait3A_493 = tpu.memref_slice %arg8[%dma_wait3A_491, %dma_wait3A_492] : memref<1x104xi32, #tpu.memory_space<vmem>> -> memref<1x104xi32, #tpu.memory_space<vmem>>
      %dma_wait3A_494 = tpu.memref_squeeze %dma_wait3A_493 : memref<1x104xi32, #tpu.memory_space<vmem>> -> memref<104xi32, #tpu.memory_space<vmem>>
      %dma_wait3A_495 = tpu.memref_slice %arg3[%add3A_490] : memref<640000xi32, #tpu.memory_space<hbm>> -> memref<104xi32, #tpu.memory_space<hbm>>
      %dma_wait3A_496 = arith.constant 0 : i32
      %dma_wait3A_497 = tpu.memref_slice %arg8[%dma_wait3A_491, %dma_wait3A_496] : memref<1x104xi32, #tpu.memory_space<vmem>> -> memref<1x104xi32, #tpu.memory_space<vmem>>
      %dma_wait3A_498 = tpu.memref_squeeze %dma_wait3A_497 : memref<1x104xi32, #tpu.memory_space<vmem>> -> memref<104xi32, #tpu.memory_space<vmem>>
      %dma_wait3A_499 = tpu.memref_slice %arg3[%add3A_490] : memref<640000xi32, #tpu.memory_space<hbm>> -> memref<104xi32, #tpu.memory_space<hbm>>
      tpu.wait_dma2 semaphore(%arg18 : memref<!tpu.dma_semaphore, #tpu.memory_space<semaphore_mem>>) src(%dma_wait3A_499 : memref<104xi32, #tpu.memory_space<hbm>>) dst(%dma_wait3A_498 : memref<104xi32, #tpu.memory_space<vmem>>)
      %dma_start3A_500 = arith.constant 0 : i32
      %dma_start3A_501 = arith.constant 0 : i32
      %dma_start3A_502 = tpu.memref_slice %arg2[%dma_start3A_500, %dma_start3A_501] : memref<10000x128xf32, #tpu.memory_space<hbm>> -> memref<10000x128xf32, #tpu.memory_space<hbm>>
      tpu.enqueue_indirect_dma source(%dma_start3A_502 : memref<10000x128xf32, #tpu.memory_space<hbm>>) target(%arg11 : memref<104x128xf32, #tpu.memory_space<vmem>>) offsets(%arg5 : memref<104xi32, #tpu.memory_space<vmem>>) semaphore(%arg21 : memref<!tpu.dma_semaphore, #tpu.memory_space<semaphore_mem>>)
      %dma_wait3A_503 = arith.constant 0 : i32
      %dma_wait3A_504 = arith.constant 0 : i32
      %dma_wait3A_505 = tpu.memref_slice %arg2[%dma_wait3A_503, %dma_wait3A_504] : memref<10000x128xf32, #tpu.memory_space<hbm>> -> memref<10000x128xf32, #tpu.memory_space<hbm>>
      tpu.wait_indirect_dma semaphore(%arg23 : memref<!tpu.dma_semaphore, #tpu.memory_space<semaphore_mem>>) src(%dma_wait3A_505 : memref<10000x128xf32, #tpu.memory_space<hbm>>) dst(%arg13 : memref<104x128xf32, #tpu.memory_space<vmem>>)
      %dma_start3A_506 = arith.constant 0 : i32
      %dma_start3A_507 = arith.constant 0 : i32
      %dma_start3A_508 = tpu.memref_slice %arg10[%dma_start3A_506, %dma_start3A_507] : memref<1x104xi32, #tpu.memory_space<vmem>> -> memref<1x104xi32, #tpu.memory_space<vmem>>
      %dma_start3A_509 = tpu.memref_squeeze %dma_start3A_508 : memref<1x104xi32, #tpu.memory_space<vmem>> -> memref<104xi32, #tpu.memory_space<vmem>>
      %dma_start3A_510 = arith.constant 0 : i32
      %dma_start3A_511 = arith.constant 0 : i32
      %dma_start3A_512 = tpu.memref_slice %arg17[%dma_start3A_510, %dma_start3A_511] : memref<10000x128xf32, #tpu.memory_space<vmem_shared>> -> memref<10000x128xf32, #tpu.memory_space<vmem_shared>>
      tpu.enqueue_indirect_dma source(%arg13 : memref<104x128xf32, #tpu.memory_space<vmem>>) target(%dma_start3A_512 : memref<10000x128xf32, #tpu.memory_space<vmem_shared>>) offsets(%dma_start3A_509 : memref<104xi32, #tpu.memory_space<vmem>>) semaphore(%arg26 : memref<!tpu.dma_semaphore, #tpu.memory_space<semaphore_mem>>) {add = true}
      %add3A_513 = arith.constant 1 : i32
      %add3A_514 = arith.addi %add3A_454, %add3A_513 : i32
      %add3A_515 = arith.constant 2 : i32
      %add3A_516 = arith.addi %add3A_514, %add3A_515 : i32
      %mul3A_517 = arith.constant 104 : i32
      %mul3A_518 = arith.muli %add3A_516, %mul3A_517 : i32
      %add3A_519 = arith.addi %mul3A_2, %mul3A_518 : i32
      %dma_start3A_520 = tpu.memref_slice %arg3[%add3A_519] : memref<640000xi32, #tpu.memory_space<hbm>> -> memref<104xi32, #tpu.memory_space<hbm>>
      %dma_start3A_521 = tpu.memref_slice %arg3[%add3A_519] : memref<640000xi32, #tpu.memory_space<hbm>> -> memref<104xi32, #tpu.memory_space<hbm>>
      tpu.enqueue_dma source(%dma_start3A_521 : memref<104xi32, #tpu.memory_space<hbm>>) target(%arg7 : memref<104xi32, #tpu.memory_space<vmem>>) target_semaphore(%arg20 : memref<!tpu.dma_semaphore, #tpu.memory_space<semaphore_mem>>)
      %add3A_522 = arith.constant 320000 : i32
      %add3A_523 = arith.addi %add3A_522, %add3A_519 : i32
      %dma_start3A_524 = arith.constant 0 : i32
      %dma_start3A_525 = arith.constant 0 : i32
      %dma_start3A_526 = tpu.memref_slice %arg10[%dma_start3A_524, %dma_start3A_525] : memref<1x104xi32, #tpu.memory_space<vmem>> -> memref<1x104xi32, #tpu.memory_space<vmem>>
      %dma_start3A_527 = tpu.memref_squeeze %dma_start3A_526 : memref<1x104xi32, #tpu.memory_space<vmem>> -> memref<104xi32, #tpu.memory_space<vmem>>
      %dma_start3A_528 = tpu.memref_slice %arg3[%add3A_523] : memref<640000xi32, #tpu.memory_space<hbm>> -> memref<104xi32, #tpu.memory_space<hbm>>
      %dma_start3A_529 = arith.constant 0 : i32
      %dma_start3A_530 = tpu.memref_slice %arg10[%dma_start3A_524, %dma_start3A_529] : memref<1x104xi32, #tpu.memory_space<vmem>> -> memref<1x104xi32, #tpu.memory_space<vmem>>
      %dma_start3A_531 = tpu.memref_squeeze %dma_start3A_530 : memref<1x104xi32, #tpu.memory_space<vmem>> -> memref<104xi32, #tpu.memory_space<vmem>>
      %dma_start3A_532 = tpu.memref_slice %arg3[%add3A_523] : memref<640000xi32, #tpu.memory_space<hbm>> -> memref<104xi32, #tpu.memory_space<hbm>>
      tpu.enqueue_dma source(%dma_start3A_532 : memref<104xi32, #tpu.memory_space<hbm>>) target(%dma_start3A_531 : memref<104xi32, #tpu.memory_space<vmem>>) target_semaphore(%arg20 : memref<!tpu.dma_semaphore, #tpu.memory_space<semaphore_mem>>)
      %dma_wait3A_533 = arith.constant 0 : i32
      %dma_wait3A_534 = arith.constant 0 : i32
      %dma_wait3A_535 = tpu.memref_slice %arg9[%dma_wait3A_533, %dma_wait3A_534] : memref<1x104xi32, #tpu.memory_space<vmem>> -> memref<1x104xi32, #tpu.memory_space<vmem>>
      %dma_wait3A_536 = tpu.memref_squeeze %dma_wait3A_535 : memref<1x104xi32, #tpu.memory_space<vmem>> -> memref<104xi32, #tpu.memory_space<vmem>>
      %dma_wait3A_537 = arith.constant 0 : i32
      %dma_wait3A_538 = arith.constant 0 : i32
      %dma_wait3A_539 = tpu.memref_slice %arg17[%dma_wait3A_537, %dma_wait3A_538] : memref<10000x128xf32, #tpu.memory_space<vmem_shared>> -> memref<10000x128xf32, #tpu.memory_space<vmem_shared>>
      tpu.wait_indirect_dma semaphore(%arg25 : memref<!tpu.dma_semaphore, #tpu.memory_space<semaphore_mem>>) src(%arg12 : memref<104x128xf32, #tpu.memory_space<vmem>>) dst(%dma_wait3A_539 : memref<10000x128xf32, #tpu.memory_space<vmem_shared>>)
      %add3A_540 = arith.constant 1 : i32
      %add3A_541 = arith.addi %add3A_514, %add3A_540 : i32
      %mul3A_542 = arith.constant 104 : i32
      %mul3A_543 = arith.muli %add3A_541, %mul3A_542 : i32
      %add3A_544 = arith.addi %mul3A_2, %mul3A_543 : i32
      %dma_wait3A_545 = tpu.memref_slice %arg3[%add3A_544] : memref<640000xi32, #tpu.memory_space<hbm>> -> memref<104xi32, #tpu.memory_space<hbm>>
      %dma_wait3A_546 = tpu.memref_slice %arg3[%add3A_544] : memref<640000xi32, #tpu.memory_space<hbm>> -> memref<104xi32, #tpu.memory_space<hbm>>
      tpu.wait_dma2 semaphore(%arg19 : memref<!tpu.dma_semaphore, #tpu.memory_space<semaphore_mem>>) src(%dma_wait3A_546 : memref<104xi32, #tpu.memory_space<hbm>>) dst(%arg6 : memref<104xi32, #tpu.memory_space<vmem>>)
      %add3A_547 = arith.constant 320000 : i32
      %add3A_548 = arith.addi %add3A_547, %add3A_544 : i32
      %dma_wait3A_549 = arith.constant 0 : i32
      %dma_wait3A_550 = arith.constant 0 : i32
      %dma_wait3A_551 = tpu.memref_slice %arg9[%dma_wait3A_549, %dma_wait3A_550] : memref<1x104xi32, #tpu.memory_space<vmem>> -> memref<1x104xi32, #tpu.memory_space<vmem>>
      %dma_wait3A_552 = tpu.memref_squeeze %dma_wait3A_551 : memref<1x104xi32, #tpu.memory_space<vmem>> -> memref<104xi32, #tpu.memory_space<vmem>>
      %dma_wait3A_553 = tpu.memref_slice %arg3[%add3A_548] : memref<640000xi32, #tpu.memory_space<hbm>> -> memref<104xi32, #tpu.memory_space<hbm>>
      %dma_wait3A_554 = arith.constant 0 : i32
      %dma_wait3A_555 = tpu.memref_slice %arg9[%dma_wait3A_549, %dma_wait3A_554] : memref<1x104xi32, #tpu.memory_space<vmem>> -> memref<1x104xi32, #tpu.memory_space<vmem>>
      %dma_wait3A_556 = tpu.memref_squeeze %dma_wait3A_555 : memref<1x104xi32, #tpu.memory_space<vmem>> -> memref<104xi32, #tpu.memory_space<vmem>>
      %dma_wait3A_557 = tpu.memref_slice %arg3[%add3A_548] : memref<640000xi32, #tpu.memory_space<hbm>> -> memref<104xi32, #tpu.memory_space<hbm>>
      tpu.wait_dma2 semaphore(%arg19 : memref<!tpu.dma_semaphore, #tpu.memory_space<semaphore_mem>>) src(%dma_wait3A_557 : memref<104xi32, #tpu.memory_space<hbm>>) dst(%dma_wait3A_556 : memref<104xi32, #tpu.memory_space<vmem>>)
      %dma_start3A_558 = arith.constant 0 : i32
      %dma_start3A_559 = arith.constant 0 : i32
      %dma_start3A_560 = tpu.memref_slice %arg2[%dma_start3A_558, %dma_start3A_559] : memref<10000x128xf32, #tpu.memory_space<hbm>> -> memref<10000x128xf32, #tpu.memory_space<hbm>>
      tpu.enqueue_indirect_dma source(%dma_start3A_560 : memref<10000x128xf32, #tpu.memory_space<hbm>>) target(%arg12 : memref<104x128xf32, #tpu.memory_space<vmem>>) offsets(%arg6 : memref<104xi32, #tpu.memory_space<vmem>>) semaphore(%arg22 : memref<!tpu.dma_semaphore, #tpu.memory_space<semaphore_mem>>)
      %dma_wait3A_561 = arith.constant 0 : i32
      %dma_wait3A_562 = arith.constant 0 : i32
      %dma_wait3A_563 = tpu.memref_slice %arg2[%dma_wait3A_561, %dma_wait3A_562] : memref<10000x128xf32, #tpu.memory_space<hbm>> -> memref<10000x128xf32, #tpu.memory_space<hbm>>
      tpu.wait_indirect_dma semaphore(%arg21 : memref<!tpu.dma_semaphore, #tpu.memory_space<semaphore_mem>>) src(%dma_wait3A_563 : memref<10000x128xf32, #tpu.memory_space<hbm>>) dst(%arg11 : memref<104x128xf32, #tpu.memory_space<vmem>>)
      %dma_start3A_564 = arith.constant 0 : i32
      %dma_start3A_565 = arith.constant 0 : i32
      %dma_start3A_566 = tpu.memref_slice %arg8[%dma_start3A_564, %dma_start3A_565] : memref<1x104xi32, #tpu.memory_space<vmem>> -> memref<1x104xi32, #tpu.memory_space<vmem>>
      %dma_start3A_567 = tpu.memref_squeeze %dma_start3A_566 : memref<1x104xi32, #tpu.memory_space<vmem>> -> memref<104xi32, #tpu.memory_space<vmem>>
      %dma_start3A_568 = arith.constant 0 : i32
      %dma_start3A_569 = arith.constant 0 : i32
      %dma_start3A_570 = tpu.memref_slice %arg17[%dma_start3A_568, %dma_start3A_569] : memref<10000x128xf32, #tpu.memory_space<vmem_shared>> -> memref<10000x128xf32, #tpu.memory_space<vmem_shared>>
      tpu.enqueue_indirect_dma source(%arg11 : memref<104x128xf32, #tpu.memory_space<vmem>>) target(%dma_start3A_570 : memref<10000x128xf32, #tpu.memory_space<vmem_shared>>) offsets(%dma_start3A_567 : memref<104xi32, #tpu.memory_space<vmem>>) semaphore(%arg24 : memref<!tpu.dma_semaphore, #tpu.memory_space<semaphore_mem>>) {add = true}
      %add3A_571 = arith.constant 2 : i32
      %add3A_572 = arith.addi %add3A_454, %add3A_571 : i32
      %add3A_573 = arith.constant 2 : i32
      %add3A_574 = arith.addi %add3A_572, %add3A_573 : i32
      %mul3A_575 = arith.constant 104 : i32
      %mul3A_576 = arith.muli %add3A_574, %mul3A_575 : i32
      %add3A_577 = arith.addi %mul3A_2, %mul3A_576 : i32
      %dma_start3A_578 = tpu.memref_slice %arg3[%add3A_577] : memref<640000xi32, #tpu.memory_space<hbm>> -> memref<104xi32, #tpu.memory_space<hbm>>
      %dma_start3A_579 = tpu.memref_slice %arg3[%add3A_577] : memref<640000xi32, #tpu.memory_space<hbm>> -> memref<104xi32, #tpu.memory_space<hbm>>
      tpu.enqueue_dma source(%dma_start3A_579 : memref<104xi32, #tpu.memory_space<hbm>>) target(%arg5 : memref<104xi32, #tpu.memory_space<vmem>>) target_semaphore(%arg18 : memref<!tpu.dma_semaphore, #tpu.memory_space<semaphore_mem>>)
      %add3A_580 = arith.constant 320000 : i32
      %add3A_581 = arith.addi %add3A_580, %add3A_577 : i32
      %dma_start3A_582 = arith.constant 0 : i32
      %dma_start3A_583 = arith.constant 0 : i32
      %dma_start3A_584 = tpu.memref_slice %arg8[%dma_start3A_582, %dma_start3A_583] : memref<1x104xi32, #tpu.memory_space<vmem>> -> memref<1x104xi32, #tpu.memory_space<vmem>>
      %dma_start3A_585 = tpu.memref_squeeze %dma_start3A_584 : memref<1x104xi32, #tpu.memory_space<vmem>> -> memref<104xi32, #tpu.memory_space<vmem>>
      %dma_start3A_586 = tpu.memref_slice %arg3[%add3A_581] : memref<640000xi32, #tpu.memory_space<hbm>> -> memref<104xi32, #tpu.memory_space<hbm>>
      %dma_start3A_587 = arith.constant 0 : i32
      %dma_start3A_588 = tpu.memref_slice %arg8[%dma_start3A_582, %dma_start3A_587] : memref<1x104xi32, #tpu.memory_space<vmem>> -> memref<1x104xi32, #tpu.memory_space<vmem>>
      %dma_start3A_589 = tpu.memref_squeeze %dma_start3A_588 : memref<1x104xi32, #tpu.memory_space<vmem>> -> memref<104xi32, #tpu.memory_space<vmem>>
      %dma_start3A_590 = tpu.memref_slice %arg3[%add3A_581] : memref<640000xi32, #tpu.memory_space<hbm>> -> memref<104xi32, #tpu.memory_space<hbm>>
      tpu.enqueue_dma source(%dma_start3A_590 : memref<104xi32, #tpu.memory_space<hbm>>) target(%dma_start3A_589 : memref<104xi32, #tpu.memory_space<vmem>>) target_semaphore(%arg18 : memref<!tpu.dma_semaphore, #tpu.memory_space<semaphore_mem>>)
      %dma_wait3A_591 = arith.constant 0 : i32
      %dma_wait3A_592 = arith.constant 0 : i32
      %dma_wait3A_593 = tpu.memref_slice %arg10[%dma_wait3A_591, %dma_wait3A_592] : memref<1x104xi32, #tpu.memory_space<vmem>> -> memref<1x104xi32, #tpu.memory_space<vmem>>
      %dma_wait3A_594 = tpu.memref_squeeze %dma_wait3A_593 : memref<1x104xi32, #tpu.memory_space<vmem>> -> memref<104xi32, #tpu.memory_space<vmem>>
      %dma_wait3A_595 = arith.constant 0 : i32
      %dma_wait3A_596 = arith.constant 0 : i32
      %dma_wait3A_597 = tpu.memref_slice %arg17[%dma_wait3A_595, %dma_wait3A_596] : memref<10000x128xf32, #tpu.memory_space<vmem_shared>> -> memref<10000x128xf32, #tpu.memory_space<vmem_shared>>
      tpu.wait_indirect_dma semaphore(%arg26 : memref<!tpu.dma_semaphore, #tpu.memory_space<semaphore_mem>>) src(%arg13 : memref<104x128xf32, #tpu.memory_space<vmem>>) dst(%dma_wait3A_597 : memref<10000x128xf32, #tpu.memory_space<vmem_shared>>)
      %add3A_598 = arith.constant 1 : i32
      %add3A_599 = arith.addi %add3A_572, %add3A_598 : i32
      %mul3A_600 = arith.constant 104 : i32
      %mul3A_601 = arith.muli %add3A_599, %mul3A_600 : i32
      %add3A_602 = arith.addi %mul3A_2, %mul3A_601 : i32
      %dma_wait3A_603 = tpu.memref_slice %arg3[%add3A_602] : memref<640000xi32, #tpu.memory_space<hbm>> -> memref<104xi32, #tpu.memory_space<hbm>>
      %dma_wait3A_604 = tpu.memref_slice %arg3[%add3A_602] : memref<640000xi32, #tpu.memory_space<hbm>> -> memref<104xi32, #tpu.memory_space<hbm>>
      tpu.wait_dma2 semaphore(%arg20 : memref<!tpu.dma_semaphore, #tpu.memory_space<semaphore_mem>>) src(%dma_wait3A_604 : memref<104xi32, #tpu.memory_space<hbm>>) dst(%arg7 : memref<104xi32, #tpu.memory_space<vmem>>)
      %add3A_605 = arith.constant 320000 : i32
      %add3A_606 = arith.addi %add3A_605, %add3A_602 : i32
      %dma_wait3A_607 = arith.constant 0 : i32
      %dma_wait3A_608 = arith.constant 0 : i32
      %dma_wait3A_609 = tpu.memref_slice %arg10[%dma_wait3A_607, %dma_wait3A_608] : memref<1x104xi32, #tpu.memory_space<vmem>> -> memref<1x104xi32, #tpu.memory_space<vmem>>
      %dma_wait3A_610 = tpu.memref_squeeze %dma_wait3A_609 : memref<1x104xi32, #tpu.memory_space<vmem>> -> memref<104xi32, #tpu.memory_space<vmem>>
      %dma_wait3A_611 = tpu.memref_slice %arg3[%add3A_606] : memref<640000xi32, #tpu.memory_space<hbm>> -> memref<104xi32, #tpu.memory_space<hbm>>
      %dma_wait3A_612 = arith.constant 0 : i32
      %dma_wait3A_613 = tpu.memref_slice %arg10[%dma_wait3A_607, %dma_wait3A_612] : memref<1x104xi32, #tpu.memory_space<vmem>> -> memref<1x104xi32, #tpu.memory_space<vmem>>
      %dma_wait3A_614 = tpu.memref_squeeze %dma_wait3A_613 : memref<1x104xi32, #tpu.memory_space<vmem>> -> memref<104xi32, #tpu.memory_space<vmem>>
      %dma_wait3A_615 = tpu.memref_slice %arg3[%add3A_606] : memref<640000xi32, #tpu.memory_space<hbm>> -> memref<104xi32, #tpu.memory_space<hbm>>
      tpu.wait_dma2 semaphore(%arg20 : memref<!tpu.dma_semaphore, #tpu.memory_space<semaphore_mem>>) src(%dma_wait3A_615 : memref<104xi32, #tpu.memory_space<hbm>>) dst(%dma_wait3A_614 : memref<104xi32, #tpu.memory_space<vmem>>)
      %dma_start3A_616 = arith.constant 0 : i32
      %dma_start3A_617 = arith.constant 0 : i32
      %dma_start3A_618 = tpu.memref_slice %arg2[%dma_start3A_616, %dma_start3A_617] : memref<10000x128xf32, #tpu.memory_space<hbm>> -> memref<10000x128xf32, #tpu.memory_space<hbm>>
      tpu.enqueue_indirect_dma source(%dma_start3A_618 : memref<10000x128xf32, #tpu.memory_space<hbm>>) target(%arg13 : memref<104x128xf32, #tpu.memory_space<vmem>>) offsets(%arg7 : memref<104xi32, #tpu.memory_space<vmem>>) semaphore(%arg23 : memref<!tpu.dma_semaphore, #tpu.memory_space<semaphore_mem>>)
      %dma_wait3A_619 = arith.constant 0 : i32
      %dma_wait3A_620 = arith.constant 0 : i32
      %dma_wait3A_621 = tpu.memref_slice %arg2[%dma_wait3A_619, %dma_wait3A_620] : memref<10000x128xf32, #tpu.memory_space<hbm>> -> memref<10000x128xf32, #tpu.memory_space<hbm>>
      tpu.wait_indirect_dma semaphore(%arg22 : memref<!tpu.dma_semaphore, #tpu.memory_space<semaphore_mem>>) src(%dma_wait3A_621 : memref<10000x128xf32, #tpu.memory_space<hbm>>) dst(%arg12 : memref<104x128xf32, #tpu.memory_space<vmem>>)
      %dma_start3A_622 = arith.constant 0 : i32
      %dma_start3A_623 = arith.constant 0 : i32
      %dma_start3A_624 = tpu.memref_slice %arg9[%dma_start3A_622, %dma_start3A_623] : memref<1x104xi32, #tpu.memory_space<vmem>> -> memref<1x104xi32, #tpu.memory_space<vmem>>
      %dma_start3A_625 = tpu.memref_squeeze %dma_start3A_624 : memref<1x104xi32, #tpu.memory_space<vmem>> -> memref<104xi32, #tpu.memory_space<vmem>>
      %dma_start3A_626 = arith.constant 0 : i32
      %dma_start3A_627 = arith.constant 0 : i32
      %dma_start3A_628 = tpu.memref_slice %arg17[%dma_start3A_626, %dma_start3A_627] : memref<10000x128xf32, #tpu.memory_space<vmem_shared>> -> memref<10000x128xf32, #tpu.memory_space<vmem_shared>>
      tpu.enqueue_indirect_dma source(%arg12 : memref<104x128xf32, #tpu.memory_space<vmem>>) target(%dma_start3A_628 : memref<10000x128xf32, #tpu.memory_space<vmem_shared>>) offsets(%dma_start3A_625 : memref<104xi32, #tpu.memory_space<vmem>>) semaphore(%arg25 : memref<!tpu.dma_semaphore, #tpu.memory_space<semaphore_mem>>) {add = true}
    }
    %scan3A_241 = arith.constant 30 : i32
    %add3A_242 = arith.constant 9776 : i32
    %add3A_243 = arith.addi %mul3A_2, %add3A_242 : i32
    %dma_start3A_244 = tpu.memref_slice %arg3[%add3A_243] : memref<640000xi32, #tpu.memory_space<hbm>> -> memref<104xi32, #tpu.memory_space<hbm>>
    %dma_start3A_245 = tpu.memref_slice %arg3[%add3A_243] : memref<640000xi32, #tpu.memory_space<hbm>> -> memref<104xi32, #tpu.memory_space<hbm>>
    tpu.enqueue_dma source(%dma_start3A_245 : memref<104xi32, #tpu.memory_space<hbm>>) target(%arg6 : memref<104xi32, #tpu.memory_space<vmem>>) target_semaphore(%arg19 : memref<!tpu.dma_semaphore, #tpu.memory_space<semaphore_mem>>)
    %add3A_246 = arith.constant 320000 : i32
    %add3A_247 = arith.addi %add3A_246, %add3A_243 : i32
    %dma_start3A_248 = arith.constant 0 : i32
    %dma_start3A_249 = arith.constant 0 : i32
    %dma_start3A_250 = tpu.memref_slice %arg9[%dma_start3A_248, %dma_start3A_249] : memref<1x104xi32, #tpu.memory_space<vmem>> -> memref<1x104xi32, #tpu.memory_space<vmem>>
    %dma_start3A_251 = tpu.memref_squeeze %dma_start3A_250 : memref<1x104xi32, #tpu.memory_space<vmem>> -> memref<104xi32, #tpu.memory_space<vmem>>
    %dma_start3A_252 = tpu.memref_slice %arg3[%add3A_247] : memref<640000xi32, #tpu.memory_space<hbm>> -> memref<104xi32, #tpu.memory_space<hbm>>
    %dma_start3A_253 = arith.constant 0 : i32
    %dma_start3A_254 = tpu.memref_slice %arg9[%dma_start3A_248, %dma_start3A_253] : memref<1x104xi32, #tpu.memory_space<vmem>> -> memref<1x104xi32, #tpu.memory_space<vmem>>
    %dma_start3A_255 = tpu.memref_squeeze %dma_start3A_254 : memref<1x104xi32, #tpu.memory_space<vmem>> -> memref<104xi32, #tpu.memory_space<vmem>>
    %dma_start3A_256 = tpu.memref_slice %arg3[%add3A_247] : memref<640000xi32, #tpu.memory_space<hbm>> -> memref<104xi32, #tpu.memory_space<hbm>>
    tpu.enqueue_dma source(%dma_start3A_256 : memref<104xi32, #tpu.memory_space<hbm>>) target(%dma_start3A_255 : memref<104xi32, #tpu.memory_space<vmem>>) target_semaphore(%arg19 : memref<!tpu.dma_semaphore, #tpu.memory_space<semaphore_mem>>)
    %dma_wait3A_257 = arith.constant 0 : i32
    %dma_wait3A_258 = arith.constant 0 : i32
    %dma_wait3A_259 = tpu.memref_slice %arg8[%dma_wait3A_257, %dma_wait3A_258] : memref<1x104xi32, #tpu.memory_space<vmem>> -> memref<1x104xi32, #tpu.memory_space<vmem>>
    %dma_wait3A_260 = tpu.memref_squeeze %dma_wait3A_259 : memref<1x104xi32, #tpu.memory_space<vmem>> -> memref<104xi32, #tpu.memory_space<vmem>>
    %dma_wait3A_261 = arith.constant 0 : i32
    %dma_wait3A_262 = arith.constant 0 : i32
    %dma_wait3A_263 = tpu.memref_slice %arg17[%dma_wait3A_261, %dma_wait3A_262] : memref<10000x128xf32, #tpu.memory_space<vmem_shared>> -> memref<10000x128xf32, #tpu.memory_space<vmem_shared>>
    tpu.wait_indirect_dma semaphore(%arg24 : memref<!tpu.dma_semaphore, #tpu.memory_space<semaphore_mem>>) src(%arg11 : memref<104x128xf32, #tpu.memory_space<vmem>>) dst(%dma_wait3A_263 : memref<10000x128xf32, #tpu.memory_space<vmem_shared>>)
    %add3A_264 = arith.constant 9672 : i32
    %add3A_265 = arith.addi %mul3A_2, %add3A_264 : i32
    %dma_wait3A_266 = tpu.memref_slice %arg3[%add3A_265] : memref<640000xi32, #tpu.memory_space<hbm>> -> memref<104xi32, #tpu.memory_space<hbm>>
    %dma_wait3A_267 = tpu.memref_slice %arg3[%add3A_265] : memref<640000xi32, #tpu.memory_space<hbm>> -> memref<104xi32, #tpu.memory_space<hbm>>
    tpu.wait_dma2 semaphore(%arg18 : memref<!tpu.dma_semaphore, #tpu.memory_space<semaphore_mem>>) src(%dma_wait3A_267 : memref<104xi32, #tpu.memory_space<hbm>>) dst(%arg5 : memref<104xi32, #tpu.memory_space<vmem>>)
    %add3A_268 = arith.constant 320000 : i32
    %add3A_269 = arith.addi %add3A_268, %add3A_265 : i32
    %dma_wait3A_270 = arith.constant 0 : i32
    %dma_wait3A_271 = arith.constant 0 : i32
    %dma_wait3A_272 = tpu.memref_slice %arg8[%dma_wait3A_270, %dma_wait3A_271] : memref<1x104xi32, #tpu.memory_space<vmem>> -> memref<1x104xi32, #tpu.memory_space<vmem>>
    %dma_wait3A_273 = tpu.memref_squeeze %dma_wait3A_272 : memref<1x104xi32, #tpu.memory_space<vmem>> -> memref<104xi32, #tpu.memory_space<vmem>>
    %dma_wait3A_274 = tpu.memref_slice %arg3[%add3A_269] : memref<640000xi32, #tpu.memory_space<hbm>> -> memref<104xi32, #tpu.memory_space<hbm>>
    %dma_wait3A_275 = arith.constant 0 : i32
    %dma_wait3A_276 = tpu.memref_slice %arg8[%dma_wait3A_270, %dma_wait3A_275] : memref<1x104xi32, #tpu.memory_space<vmem>> -> memref<1x104xi32, #tpu.memory_space<vmem>>
    %dma_wait3A_277 = tpu.memref_squeeze %dma_wait3A_276 : memref<1x104xi32, #tpu.memory_space<vmem>> -> memref<104xi32, #tpu.memory_space<vmem>>
    %dma_wait3A_278 = tpu.memref_slice %arg3[%add3A_269] : memref<640000xi32, #tpu.memory_space<hbm>> -> memref<104xi32, #tpu.memory_space<hbm>>
    tpu.wait_dma2 semaphore(%arg18 : memref<!tpu.dma_semaphore, #tpu.memory_space<semaphore_mem>>) src(%dma_wait3A_278 : memref<104xi32, #tpu.memory_space<hbm>>) dst(%dma_wait3A_277 : memref<104xi32, #tpu.memory_space<vmem>>)
    %dma_start3A_279 = arith.constant 0 : i32
    %dma_start3A_280 = arith.constant 0 : i32
    %dma_start3A_281 = tpu.memref_slice %arg2[%dma_start3A_279, %dma_start3A_280] : memref<10000x128xf32, #tpu.memory_space<hbm>> -> memref<10000x128xf32, #tpu.memory_space<hbm>>
    tpu.enqueue_indirect_dma source(%dma_start3A_281 : memref<10000x128xf32, #tpu.memory_space<hbm>>) target(%arg11 : memref<104x128xf32, #tpu.memory_space<vmem>>) offsets(%arg5 : memref<104xi32, #tpu.memory_space<vmem>>) semaphore(%arg21 : memref<!tpu.dma_semaphore, #tpu.memory_space<semaphore_mem>>)
    %dma_wait3A_282 = arith.constant 0 : i32
    %dma_wait3A_283 = arith.constant 0 : i32
    %dma_wait3A_284 = tpu.memref_slice %arg2[%dma_wait3A_282, %dma_wait3A_283] : memref<10000x128xf32, #tpu.memory_space<hbm>> -> memref<10000x128xf32, #tpu.memory_space<hbm>>
    tpu.wait_indirect_dma semaphore(%arg23 : memref<!tpu.dma_semaphore, #tpu.memory_space<semaphore_mem>>) src(%dma_wait3A_284 : memref<10000x128xf32, #tpu.memory_space<hbm>>) dst(%arg13 : memref<104x128xf32, #tpu.memory_space<vmem>>)
    %dma_start3A_285 = arith.constant 0 : i32
    %dma_start3A_286 = arith.constant 0 : i32
    %dma_start3A_287 = tpu.memref_slice %arg10[%dma_start3A_285, %dma_start3A_286] : memref<1x104xi32, #tpu.memory_space<vmem>> -> memref<1x104xi32, #tpu.memory_space<vmem>>
    %dma_start3A_288 = tpu.memref_squeeze %dma_start3A_287 : memref<1x104xi32, #tpu.memory_space<vmem>> -> memref<104xi32, #tpu.memory_space<vmem>>
    %dma_start3A_289 = arith.constant 0 : i32
    %dma_start3A_290 = arith.constant 0 : i32
    %dma_start3A_291 = tpu.memref_slice %arg17[%dma_start3A_289, %dma_start3A_290] : memref<10000x128xf32, #tpu.memory_space<vmem_shared>> -> memref<10000x128xf32, #tpu.memory_space<vmem_shared>>
    tpu.enqueue_indirect_dma source(%arg13 : memref<104x128xf32, #tpu.memory_space<vmem>>) target(%dma_start3A_291 : memref<10000x128xf32, #tpu.memory_space<vmem_shared>>) offsets(%dma_start3A_288 : memref<104xi32, #tpu.memory_space<vmem>>) semaphore(%arg26 : memref<!tpu.dma_semaphore, #tpu.memory_space<semaphore_mem>>) {add = true}
    %add3A_292 = arith.constant 9880 : i32
    %add3A_293 = arith.addi %mul3A_2, %add3A_292 : i32
    %dma_start3A_294 = tpu.memref_slice %arg3[%add3A_293] : memref<640000xi32, #tpu.memory_space<hbm>> -> memref<104xi32, #tpu.memory_space<hbm>>
    %dma_start3A_295 = tpu.memref_slice %arg3[%add3A_293] : memref<640000xi32, #tpu.memory_space<hbm>> -> memref<104xi32, #tpu.memory_space<hbm>>
    tpu.enqueue_dma source(%dma_start3A_295 : memref<104xi32, #tpu.memory_space<hbm>>) target(%arg7 : memref<104xi32, #tpu.memory_space<vmem>>) target_semaphore(%arg20 : memref<!tpu.dma_semaphore, #tpu.memory_space<semaphore_mem>>)
    %add3A_296 = arith.constant 320000 : i32
    %add3A_297 = arith.addi %add3A_296, %add3A_293 : i32
    %dma_start3A_298 = arith.constant 0 : i32
    %dma_start3A_299 = arith.constant 0 : i32
    %dma_start3A_300 = tpu.memref_slice %arg10[%dma_start3A_298, %dma_start3A_299] : memref<1x104xi32, #tpu.memory_space<vmem>> -> memref<1x104xi32, #tpu.memory_space<vmem>>
    %dma_start3A_301 = tpu.memref_squeeze %dma_start3A_300 : memref<1x104xi32, #tpu.memory_space<vmem>> -> memref<104xi32, #tpu.memory_space<vmem>>
    %dma_start3A_302 = tpu.memref_slice %arg3[%add3A_297] : memref<640000xi32, #tpu.memory_space<hbm>> -> memref<104xi32, #tpu.memory_space<hbm>>
    %dma_start3A_303 = arith.constant 0 : i32
    %dma_start3A_304 = tpu.memref_slice %arg10[%dma_start3A_298, %dma_start3A_303] : memref<1x104xi32, #tpu.memory_space<vmem>> -> memref<1x104xi32, #tpu.memory_space<vmem>>
    %dma_start3A_305 = tpu.memref_squeeze %dma_start3A_304 : memref<1x104xi32, #tpu.memory_space<vmem>> -> memref<104xi32, #tpu.memory_space<vmem>>
    %dma_start3A_306 = tpu.memref_slice %arg3[%add3A_297] : memref<640000xi32, #tpu.memory_space<hbm>> -> memref<104xi32, #tpu.memory_space<hbm>>
    tpu.enqueue_dma source(%dma_start3A_306 : memref<104xi32, #tpu.memory_space<hbm>>) target(%dma_start3A_305 : memref<104xi32, #tpu.memory_space<vmem>>) target_semaphore(%arg20 : memref<!tpu.dma_semaphore, #tpu.memory_space<semaphore_mem>>)
    %dma_wait3A_307 = arith.constant 0 : i32
    %dma_wait3A_308 = arith.constant 0 : i32
    %dma_wait3A_309 = tpu.memref_slice %arg9[%dma_wait3A_307, %dma_wait3A_308] : memref<1x104xi32, #tpu.memory_space<vmem>> -> memref<1x104xi32, #tpu.memory_space<vmem>>
    %dma_wait3A_310 = tpu.memref_squeeze %dma_wait3A_309 : memref<1x104xi32, #tpu.memory_space<vmem>> -> memref<104xi32, #tpu.memory_space<vmem>>
    %dma_wait3A_311 = arith.constant 0 : i32
    %dma_wait3A_312 = arith.constant 0 : i32
    %dma_wait3A_313 = tpu.memref_slice %arg17[%dma_wait3A_311, %dma_wait3A_312] : memref<10000x128xf32, #tpu.memory_space<vmem_shared>> -> memref<10000x128xf32, #tpu.memory_space<vmem_shared>>
    tpu.wait_indirect_dma semaphore(%arg25 : memref<!tpu.dma_semaphore, #tpu.memory_space<semaphore_mem>>) src(%arg12 : memref<104x128xf32, #tpu.memory_space<vmem>>) dst(%dma_wait3A_313 : memref<10000x128xf32, #tpu.memory_space<vmem_shared>>)
    %add3A_314 = arith.constant 9776 : i32
    %add3A_315 = arith.addi %mul3A_2, %add3A_314 : i32
    %dma_wait3A_316 = tpu.memref_slice %arg3[%add3A_315] : memref<640000xi32, #tpu.memory_space<hbm>> -> memref<104xi32, #tpu.memory_space<hbm>>
    %dma_wait3A_317 = tpu.memref_slice %arg3[%add3A_315] : memref<640000xi32, #tpu.memory_space<hbm>> -> memref<104xi32, #tpu.memory_space<hbm>>
    tpu.wait_dma2 semaphore(%arg19 : memref<!tpu.dma_semaphore, #tpu.memory_space<semaphore_mem>>) src(%dma_wait3A_317 : memref<104xi32, #tpu.memory_space<hbm>>) dst(%arg6 : memref<104xi32, #tpu.memory_space<vmem>>)
    %add3A_318 = arith.constant 320000 : i32
    %add3A_319 = arith.addi %add3A_318, %add3A_315 : i32
    %dma_wait3A_320 = arith.constant 0 : i32
    %dma_wait3A_321 = arith.constant 0 : i32
    %dma_wait3A_322 = tpu.memref_slice %arg9[%dma_wait3A_320, %dma_wait3A_321] : memref<1x104xi32, #tpu.memory_space<vmem>> -> memref<1x104xi32, #tpu.memory_space<vmem>>
    %dma_wait3A_323 = tpu.memref_squeeze %dma_wait3A_322 : memref<1x104xi32, #tpu.memory_space<vmem>> -> memref<104xi32, #tpu.memory_space<vmem>>
    %dma_wait3A_324 = tpu.memref_slice %arg3[%add3A_319] : memref<640000xi32, #tpu.memory_space<hbm>> -> memref<104xi32, #tpu.memory_space<hbm>>
    %dma_wait3A_325 = arith.constant 0 : i32
    %dma_wait3A_326 = tpu.memref_slice %arg9[%dma_wait3A_320, %dma_wait3A_325] : memref<1x104xi32, #tpu.memory_space<vmem>> -> memref<1x104xi32, #tpu.memory_space<vmem>>
    %dma_wait3A_327 = tpu.memref_squeeze %dma_wait3A_326 : memref<1x104xi32, #tpu.memory_space<vmem>> -> memref<104xi32, #tpu.memory_space<vmem>>
    %dma_wait3A_328 = tpu.memref_slice %arg3[%add3A_319] : memref<640000xi32, #tpu.memory_space<hbm>> -> memref<104xi32, #tpu.memory_space<hbm>>
    tpu.wait_dma2 semaphore(%arg19 : memref<!tpu.dma_semaphore, #tpu.memory_space<semaphore_mem>>) src(%dma_wait3A_328 : memref<104xi32, #tpu.memory_space<hbm>>) dst(%dma_wait3A_327 : memref<104xi32, #tpu.memory_space<vmem>>)
    %dma_start3A_329 = arith.constant 0 : i32
    %dma_start3A_330 = arith.constant 0 : i32
    %dma_start3A_331 = tpu.memref_slice %arg2[%dma_start3A_329, %dma_start3A_330] : memref<10000x128xf32, #tpu.memory_space<hbm>> -> memref<10000x128xf32, #tpu.memory_space<hbm>>
    tpu.enqueue_indirect_dma source(%dma_start3A_331 : memref<10000x128xf32, #tpu.memory_space<hbm>>) target(%arg12 : memref<104x128xf32, #tpu.memory_space<vmem>>) offsets(%arg6 : memref<104xi32, #tpu.memory_space<vmem>>) semaphore(%arg22 : memref<!tpu.dma_semaphore, #tpu.memory_space<semaphore_mem>>)
    %dma_wait3A_332 = arith.constant 0 : i32
    %dma_wait3A_333 = arith.constant 0 : i32
    %dma_wait3A_334 = tpu.memref_slice %arg2[%dma_wait3A_332, %dma_wait3A_333] : memref<10000x128xf32, #tpu.memory_space<hbm>> -> memref<10000x128xf32, #tpu.memory_space<hbm>>
    tpu.wait_indirect_dma semaphore(%arg21 : memref<!tpu.dma_semaphore, #tpu.memory_space<semaphore_mem>>) src(%dma_wait3A_334 : memref<10000x128xf32, #tpu.memory_space<hbm>>) dst(%arg11 : memref<104x128xf32, #tpu.memory_space<vmem>>)
    %dma_start3A_335 = arith.constant 0 : i32
    %dma_start3A_336 = arith.constant 0 : i32
    %dma_start3A_337 = tpu.memref_slice %arg8[%dma_start3A_335, %dma_start3A_336] : memref<1x104xi32, #tpu.memory_space<vmem>> -> memref<1x104xi32, #tpu.memory_space<vmem>>
    %dma_start3A_338 = tpu.memref_squeeze %dma_start3A_337 : memref<1x104xi32, #tpu.memory_space<vmem>> -> memref<104xi32, #tpu.memory_space<vmem>>
    %dma_start3A_339 = arith.constant 0 : i32
    %dma_start3A_340 = arith.constant 0 : i32
    %dma_start3A_341 = tpu.memref_slice %arg17[%dma_start3A_339, %dma_start3A_340] : memref<10000x128xf32, #tpu.memory_space<vmem_shared>> -> memref<10000x128xf32, #tpu.memory_space<vmem_shared>>
    tpu.enqueue_indirect_dma source(%arg11 : memref<104x128xf32, #tpu.memory_space<vmem>>) target(%dma_start3A_341 : memref<10000x128xf32, #tpu.memory_space<vmem_shared>>) offsets(%dma_start3A_338 : memref<104xi32, #tpu.memory_space<vmem>>) semaphore(%arg24 : memref<!tpu.dma_semaphore, #tpu.memory_space<semaphore_mem>>) {add = true}
    %dma_wait3A_342 = arith.constant 0 : i32
    %dma_wait3A_343 = arith.constant 0 : i32
    %dma_wait3A_344 = tpu.memref_slice %arg10[%dma_wait3A_342, %dma_wait3A_343] : memref<1x104xi32, #tpu.memory_space<vmem>> -> memref<1x104xi32, #tpu.memory_space<vmem>>
    %dma_wait3A_345 = tpu.memref_squeeze %dma_wait3A_344 : memref<1x104xi32, #tpu.memory_space<vmem>> -> memref<104xi32, #tpu.memory_space<vmem>>
    %dma_wait3A_346 = arith.constant 0 : i32
    %dma_wait3A_347 = arith.constant 0 : i32
    %dma_wait3A_348 = tpu.memref_slice %arg17[%dma_wait3A_346, %dma_wait3A_347] : memref<10000x128xf32, #tpu.memory_space<vmem_shared>> -> memref<10000x128xf32, #tpu.memory_space<vmem_shared>>
    tpu.wait_indirect_dma semaphore(%arg26 : memref<!tpu.dma_semaphore, #tpu.memory_space<semaphore_mem>>) src(%arg13 : memref<104x128xf32, #tpu.memory_space<vmem>>) dst(%dma_wait3A_348 : memref<10000x128xf32, #tpu.memory_space<vmem_shared>>)
    %add3A_349 = arith.constant 9880 : i32
    %add3A_350 = arith.addi %mul3A_2, %add3A_349 : i32
    %dma_wait3A_351 = tpu.memref_slice %arg3[%add3A_350] : memref<640000xi32, #tpu.memory_space<hbm>> -> memref<104xi32, #tpu.memory_space<hbm>>
    %dma_wait3A_352 = tpu.memref_slice %arg3[%add3A_350] : memref<640000xi32, #tpu.memory_space<hbm>> -> memref<104xi32, #tpu.memory_space<hbm>>
    tpu.wait_dma2 semaphore(%arg20 : memref<!tpu.dma_semaphore, #tpu.memory_space<semaphore_mem>>) src(%dma_wait3A_352 : memref<104xi32, #tpu.memory_space<hbm>>) dst(%arg7 : memref<104xi32, #tpu.memory_space<vmem>>)
    %add3A_353 = arith.constant 320000 : i32
    %add3A_354 = arith.addi %add3A_353, %add3A_350 : i32
    %dma_wait3A_355 = arith.constant 0 : i32
    %dma_wait3A_356 = arith.constant 0 : i32
    %dma_wait3A_357 = tpu.memref_slice %arg10[%dma_wait3A_355, %dma_wait3A_356] : memref<1x104xi32, #tpu.memory_space<vmem>> -> memref<1x104xi32, #tpu.memory_space<vmem>>
    %dma_wait3A_358 = tpu.memref_squeeze %dma_wait3A_357 : memref<1x104xi32, #tpu.memory_space<vmem>> -> memref<104xi32, #tpu.memory_space<vmem>>
    %dma_wait3A_359 = tpu.memref_slice %arg3[%add3A_354] : memref<640000xi32, #tpu.memory_space<hbm>> -> memref<104xi32, #tpu.memory_space<hbm>>
    %dma_wait3A_360 = arith.constant 0 : i32
    %dma_wait3A_361 = tpu.memref_slice %arg10[%dma_wait3A_355, %dma_wait3A_360] : memref<1x104xi32, #tpu.memory_space<vmem>> -> memref<1x104xi32, #tpu.memory_space<vmem>>
    %dma_wait3A_362 = tpu.memref_squeeze %dma_wait3A_361 : memref<1x104xi32, #tpu.memory_space<vmem>> -> memref<104xi32, #tpu.memory_space<vmem>>
    %dma_wait3A_363 = tpu.memref_slice %arg3[%add3A_354] : memref<640000xi32, #tpu.memory_space<hbm>> -> memref<104xi32, #tpu.memory_space<hbm>>
    tpu.wait_dma2 semaphore(%arg20 : memref<!tpu.dma_semaphore, #tpu.memory_space<semaphore_mem>>) src(%dma_wait3A_363 : memref<104xi32, #tpu.memory_space<hbm>>) dst(%dma_wait3A_362 : memref<104xi32, #tpu.memory_space<vmem>>)
    %dma_start3A_364 = arith.constant 0 : i32
    %dma_start3A_365 = arith.constant 0 : i32
    %dma_start3A_366 = tpu.memref_slice %arg2[%dma_start3A_364, %dma_start3A_365] : memref<10000x128xf32, #tpu.memory_space<hbm>> -> memref<10000x128xf32, #tpu.memory_space<hbm>>
    tpu.enqueue_indirect_dma source(%dma_start3A_366 : memref<10000x128xf32, #tpu.memory_space<hbm>>) target(%arg13 : memref<104x128xf32, #tpu.memory_space<vmem>>) offsets(%arg7 : memref<104xi32, #tpu.memory_space<vmem>>) semaphore(%arg23 : memref<!tpu.dma_semaphore, #tpu.memory_space<semaphore_mem>>)
    %dma_wait3A_367 = arith.constant 0 : i32
    %dma_wait3A_368 = arith.constant 0 : i32
    %dma_wait3A_369 = tpu.memref_slice %arg2[%dma_wait3A_367, %dma_wait3A_368] : memref<10000x128xf32, #tpu.memory_space<hbm>> -> memref<10000x128xf32, #tpu.memory_space<hbm>>
    tpu.wait_indirect_dma semaphore(%arg22 : memref<!tpu.dma_semaphore, #tpu.memory_space<semaphore_mem>>) src(%dma_wait3A_369 : memref<10000x128xf32, #tpu.memory_space<hbm>>) dst(%arg12 : memref<104x128xf32, #tpu.memory_space<vmem>>)
    %dma_start3A_370 = arith.constant 0 : i32
    %dma_start3A_371 = arith.constant 0 : i32
    %dma_start3A_372 = tpu.memref_slice %arg9[%dma_start3A_370, %dma_start3A_371] : memref<1x104xi32, #tpu.memory_space<vmem>> -> memref<1x104xi32, #tpu.memory_space<vmem>>
    %dma_start3A_373 = tpu.memref_squeeze %dma_start3A_372 : memref<1x104xi32, #tpu.memory_space<vmem>> -> memref<104xi32, #tpu.memory_space<vmem>>
    %dma_start3A_374 = arith.constant 0 : i32
    %dma_start3A_375 = arith.constant 0 : i32
    %dma_start3A_376 = tpu.memref_slice %arg17[%dma_start3A_374, %dma_start3A_375] : memref<10000x128xf32, #tpu.memory_space<vmem_shared>> -> memref<10000x128xf32, #tpu.memory_space<vmem_shared>>
    tpu.enqueue_indirect_dma source(%arg12 : memref<104x128xf32, #tpu.memory_space<vmem>>) target(%dma_start3A_376 : memref<10000x128xf32, #tpu.memory_space<vmem_shared>>) offsets(%dma_start3A_373 : memref<104xi32, #tpu.memory_space<vmem>>) semaphore(%arg25 : memref<!tpu.dma_semaphore, #tpu.memory_space<semaphore_mem>>) {add = true}
    %dma_wait3A_377 = arith.constant 0 : i32
    %dma_wait3A_378 = arith.constant 0 : i32
    %dma_wait3A_379 = tpu.memref_slice %arg8[%dma_wait3A_377, %dma_wait3A_378] : memref<1x104xi32, #tpu.memory_space<vmem>> -> memref<1x104xi32, #tpu.memory_space<vmem>>
    %dma_wait3A_380 = tpu.memref_squeeze %dma_wait3A_379 : memref<1x104xi32, #tpu.memory_space<vmem>> -> memref<104xi32, #tpu.memory_space<vmem>>
    %dma_wait3A_381 = arith.constant 0 : i32
    %dma_wait3A_382 = arith.constant 0 : i32
    %dma_wait3A_383 = tpu.memref_slice %arg17[%dma_wait3A_381, %dma_wait3A_382] : memref<10000x128xf32, #tpu.memory_space<vmem_shared>> -> memref<10000x128xf32, #tpu.memory_space<vmem_shared>>
    tpu.wait_indirect_dma semaphore(%arg24 : memref<!tpu.dma_semaphore, #tpu.memory_space<semaphore_mem>>) src(%arg11 : memref<104x128xf32, #tpu.memory_space<vmem>>) dst(%dma_wait3A_383 : memref<10000x128xf32, #tpu.memory_space<vmem_shared>>)
    %dma_wait3A_384 = arith.constant 0 : i32
    %dma_wait3A_385 = arith.constant 0 : i32
    %dma_wait3A_386 = tpu.memref_slice %arg2[%dma_wait3A_384, %dma_wait3A_385] : memref<10000x128xf32, #tpu.memory_space<hbm>> -> memref<10000x128xf32, #tpu.memory_space<hbm>>
    tpu.wait_indirect_dma semaphore(%arg23 : memref<!tpu.dma_semaphore, #tpu.memory_space<semaphore_mem>>) src(%dma_wait3A_386 : memref<10000x128xf32, #tpu.memory_space<hbm>>) dst(%arg13 : memref<104x128xf32, #tpu.memory_space<vmem>>)
    %dma_start3A_387 = arith.constant 0 : i32
    %dma_start3A_388 = arith.constant 0 : i32
    %dma_start3A_389 = tpu.memref_slice %arg10[%dma_start3A_387, %dma_start3A_388] : memref<1x104xi32, #tpu.memory_space<vmem>> -> memref<1x104xi32, #tpu.memory_space<vmem>>
    %dma_start3A_390 = tpu.memref_squeeze %dma_start3A_389 : memref<1x104xi32, #tpu.memory_space<vmem>> -> memref<104xi32, #tpu.memory_space<vmem>>
    %dma_start3A_391 = arith.constant 0 : i32
    %dma_start3A_392 = arith.constant 0 : i32
    %dma_start3A_393 = tpu.memref_slice %arg17[%dma_start3A_391, %dma_start3A_392] : memref<10000x128xf32, #tpu.memory_space<vmem_shared>> -> memref<10000x128xf32, #tpu.memory_space<vmem_shared>>
    tpu.enqueue_indirect_dma source(%arg13 : memref<104x128xf32, #tpu.memory_space<vmem>>) target(%dma_start3A_393 : memref<10000x128xf32, #tpu.memory_space<vmem_shared>>) offsets(%dma_start3A_390 : memref<104xi32, #tpu.memory_space<vmem>>) semaphore(%arg26 : memref<!tpu.dma_semaphore, #tpu.memory_space<semaphore_mem>>) {add = true}
    %add3A_394 = arith.constant 9984 : i32
    %add3A_395 = arith.addi %mul3A_2, %add3A_394 : i32
    "tpu.region"() ({
      %run_scoped3A_450 = tpu.sem_alloc : memref<!tpu.dma_semaphore, #tpu.memory_space<semaphore_mem>>
      %dma_start3A_451 = arith.constant 0 : i32
      %dma_start3A_452 = tpu.memref_slice %arg14[%dma_start3A_451] : memref<16xi32, #tpu.memory_space<vmem>> -> memref<16xi32, #tpu.memory_space<vmem>>
      %dma_start3A_453 = tpu.memref_slice %arg3[%add3A_395] : memref<640000xi32, #tpu.memory_space<hbm>> -> memref<16xi32, #tpu.memory_space<hbm>>
      %dma_start3A_454 = arith.constant 0 : i32
      %dma_start3A_455 = tpu.memref_slice %arg14[%dma_start3A_454] : memref<16xi32, #tpu.memory_space<vmem>> -> memref<16xi32, #tpu.memory_space<vmem>>
      %dma_start3A_456 = tpu.memref_slice %arg3[%add3A_395] : memref<640000xi32, #tpu.memory_space<hbm>> -> memref<16xi32, #tpu.memory_space<hbm>>
      tpu.enqueue_dma source(%dma_start3A_456 : memref<16xi32, #tpu.memory_space<hbm>>) target(%dma_start3A_455 : memref<16xi32, #tpu.memory_space<vmem>>) target_semaphore(%run_scoped3A_450 : memref<!tpu.dma_semaphore, #tpu.memory_space<semaphore_mem>>)
      %dma_wait3A_457 = arith.constant 0 : i32
      %dma_wait3A_458 = tpu.memref_slice %arg14[%dma_wait3A_457] : memref<16xi32, #tpu.memory_space<vmem>> -> memref<16xi32, #tpu.memory_space<vmem>>
      %dma_wait3A_459 = tpu.memref_slice %arg3[%add3A_395] : memref<640000xi32, #tpu.memory_space<hbm>> -> memref<16xi32, #tpu.memory_space<hbm>>
      %dma_wait3A_460 = arith.constant 0 : i32
      %dma_wait3A_461 = tpu.memref_slice %arg14[%dma_wait3A_460] : memref<16xi32, #tpu.memory_space<vmem>> -> memref<16xi32, #tpu.memory_space<vmem>>
      %dma_wait3A_462 = tpu.memref_slice %arg3[%add3A_395] : memref<640000xi32, #tpu.memory_space<hbm>> -> memref<16xi32, #tpu.memory_space<hbm>>
      tpu.wait_dma2 semaphore(%run_scoped3A_450 : memref<!tpu.dma_semaphore, #tpu.memory_space<semaphore_mem>>) src(%dma_wait3A_462 : memref<16xi32, #tpu.memory_space<hbm>>) dst(%dma_wait3A_461 : memref<16xi32, #tpu.memory_space<vmem>>)
      tpu.yield
    }) : () -> ()
    %add3A_396 = arith.constant 320000 : i32
    %add3A_397 = arith.addi %add3A_396, %add3A_395 : i32
    %run_scoped3A = arith.constant 0 : i32
    "tpu.region"() ({
      %run_scoped3A_450 = tpu.sem_alloc : memref<!tpu.dma_semaphore, #tpu.memory_space<semaphore_mem>>
      %dma_start3A_451 = arith.constant 0 : i32
      %dma_start3A_452 = tpu.memref_slice %arg15[%run_scoped3A, %dma_start3A_451] : memref<1x16xi32, #tpu.memory_space<vmem>> -> memref<1x16xi32, #tpu.memory_space<vmem>>
      %dma_start3A_453 = tpu.memref_squeeze %dma_start3A_452 : memref<1x16xi32, #tpu.memory_space<vmem>> -> memref<16xi32, #tpu.memory_space<vmem>>
      %dma_start3A_454 = tpu.memref_slice %arg3[%add3A_397] : memref<640000xi32, #tpu.memory_space<hbm>> -> memref<16xi32, #tpu.memory_space<hbm>>
      %dma_start3A_455 = arith.constant 0 : i32
      %dma_start3A_456 = tpu.memref_slice %arg15[%run_scoped3A, %dma_start3A_455] : memref<1x16xi32, #tpu.memory_space<vmem>> -> memref<1x16xi32, #tpu.memory_space<vmem>>
      %dma_start3A_457 = tpu.memref_squeeze %dma_start3A_456 : memref<1x16xi32, #tpu.memory_space<vmem>> -> memref<16xi32, #tpu.memory_space<vmem>>
      %dma_start3A_458 = tpu.memref_slice %arg3[%add3A_397] : memref<640000xi32, #tpu.memory_space<hbm>> -> memref<16xi32, #tpu.memory_space<hbm>>
      tpu.enqueue_dma source(%dma_start3A_458 : memref<16xi32, #tpu.memory_space<hbm>>) target(%dma_start3A_457 : memref<16xi32, #tpu.memory_space<vmem>>) target_semaphore(%run_scoped3A_450 : memref<!tpu.dma_semaphore, #tpu.memory_space<semaphore_mem>>)
      %dma_wait3A_459 = arith.constant 0 : i32
      %dma_wait3A_460 = tpu.memref_slice %arg15[%run_scoped3A, %dma_wait3A_459] : memref<1x16xi32, #tpu.memory_space<vmem>> -> memref<1x16xi32, #tpu.memory_space<vmem>>
      %dma_wait3A_461 = tpu.memref_squeeze %dma_wait3A_460 : memref<1x16xi32, #tpu.memory_space<vmem>> -> memref<16xi32, #tpu.memory_space<vmem>>
      %dma_wait3A_462 = tpu.memref_slice %arg3[%add3A_397] : memref<640000xi32, #tpu.memory_space<hbm>> -> memref<16xi32, #tpu.memory_space<hbm>>
      %dma_wait3A_463 = arith.constant 0 : i32
      %dma_wait3A_464 = tpu.memref_slice %arg15[%run_scoped3A, %dma_wait3A_463] : memref<1x16xi32, #tpu.memory_space<vmem>> -> memref<1x16xi32, #tpu.memory_space<vmem>>
      %dma_wait3A_465 = tpu.memref_squeeze %dma_wait3A_464 : memref<1x16xi32, #tpu.memory_space<vmem>> -> memref<16xi32, #tpu.memory_space<vmem>>
      %dma_wait3A_466 = tpu.memref_slice %arg3[%add3A_397] : memref<640000xi32, #tpu.memory_space<hbm>> -> memref<16xi32, #tpu.memory_space<hbm>>
      tpu.wait_dma2 semaphore(%run_scoped3A_450 : memref<!tpu.dma_semaphore, #tpu.memory_space<semaphore_mem>>) src(%dma_wait3A_466 : memref<16xi32, #tpu.memory_space<hbm>>) dst(%dma_wait3A_465 : memref<16xi32, #tpu.memory_space<vmem>>)
      tpu.yield
    }) : () -> ()
    %dma_start3A_398 = arith.constant 0 : i32
    %dma_start3A_399 = arith.constant 0 : i32
    %dma_start3A_400 = tpu.memref_slice %arg16[%dma_start3A_398, %dma_start3A_399] : memref<16x128xf32, #tpu.memory_space<vmem>> -> memref<16x128xf32, #tpu.memory_space<vmem>>
    %dma_start3A_401 = arith.constant 0 : i32
    %dma_start3A_402 = tpu.memref_slice %arg14[%dma_start3A_401] : memref<16xi32, #tpu.memory_space<vmem>> -> memref<16xi32, #tpu.memory_space<vmem>>
    %dma_start3A_403 = arith.constant 0 : i32
    %dma_start3A_404 = arith.constant 0 : i32
    %dma_start3A_405 = tpu.memref_slice %arg2[%dma_start3A_403, %dma_start3A_404] : memref<10000x128xf32, #tpu.memory_space<hbm>> -> memref<10000x128xf32, #tpu.memory_space<hbm>>
    tpu.enqueue_indirect_dma source(%dma_start3A_405 : memref<10000x128xf32, #tpu.memory_space<hbm>>) target(%dma_start3A_400 : memref<16x128xf32, #tpu.memory_space<vmem>>) offsets(%dma_start3A_402 : memref<16xi32, #tpu.memory_space<vmem>>) semaphore(%arg27 : memref<!tpu.dma_semaphore, #tpu.memory_space<semaphore_mem>>)
    %dma_wait3A_406 = arith.constant 0 : i32
    %dma_wait3A_407 = arith.constant 0 : i32
    %dma_wait3A_408 = tpu.memref_slice %arg16[%dma_wait3A_406, %dma_wait3A_407] : memref<16x128xf32, #tpu.memory_space<vmem>> -> memref<16x128xf32, #tpu.memory_space<vmem>>
    %dma_wait3A_409 = arith.constant 0 : i32
    %dma_wait3A_410 = tpu.memref_slice %arg14[%dma_wait3A_409] : memref<16xi32, #tpu.memory_space<vmem>> -> memref<16xi32, #tpu.memory_space<vmem>>
    %dma_wait3A_411 = arith.constant 0 : i32
    %dma_wait3A_412 = arith.constant 0 : i32
    %dma_wait3A_413 = tpu.memref_slice %arg2[%dma_wait3A_411, %dma_wait3A_412] : memref<10000x128xf32, #tpu.memory_space<hbm>> -> memref<10000x128xf32, #tpu.memory_space<hbm>>
    tpu.wait_indirect_dma semaphore(%arg27 : memref<!tpu.dma_semaphore, #tpu.memory_space<semaphore_mem>>) src(%dma_wait3A_413 : memref<10000x128xf32, #tpu.memory_space<hbm>>) dst(%dma_wait3A_408 : memref<16x128xf32, #tpu.memory_space<vmem>>)
    %run_scoped3A_414 = arith.constant 0 : i32
    "tpu.region"() ({
      %run_scoped3A_450 = tpu.sem_alloc : memref<!tpu.dma_semaphore, #tpu.memory_space<semaphore_mem>>
      %dma_start3A_451 = arith.constant 0 : i32
      %dma_start3A_452 = arith.constant 0 : i32
      %dma_start3A_453 = tpu.memref_slice %arg16[%dma_start3A_451, %dma_start3A_452] : memref<16x128xf32, #tpu.memory_space<vmem>> -> memref<16x128xf32, #tpu.memory_space<vmem>>
      %dma_start3A_454 = arith.constant 0 : i32
      %dma_start3A_455 = tpu.memref_slice %arg15[%run_scoped3A_414, %dma_start3A_454] : memref<1x16xi32, #tpu.memory_space<vmem>> -> memref<1x16xi32, #tpu.memory_space<vmem>>
      %dma_start3A_456 = tpu.memref_squeeze %dma_start3A_455 : memref<1x16xi32, #tpu.memory_space<vmem>> -> memref<16xi32, #tpu.memory_space<vmem>>
      %dma_start3A_457 = arith.constant 0 : i32
      %dma_start3A_458 = arith.constant 0 : i32
      %dma_start3A_459 = tpu.memref_slice %arg17[%dma_start3A_457, %dma_start3A_458] : memref<10000x128xf32, #tpu.memory_space<vmem_shared>> -> memref<10000x128xf32, #tpu.memory_space<vmem_shared>>
      tpu.enqueue_indirect_dma source(%dma_start3A_453 : memref<16x128xf32, #tpu.memory_space<vmem>>) target(%dma_start3A_459 : memref<10000x128xf32, #tpu.memory_space<vmem_shared>>) offsets(%dma_start3A_456 : memref<16xi32, #tpu.memory_space<vmem>>) semaphore(%run_scoped3A_450 : memref<!tpu.dma_semaphore, #tpu.memory_space<semaphore_mem>>) {add = true}
      %dma_wait3A_460 = arith.constant 0 : i32
      %dma_wait3A_461 = arith.constant 0 : i32
      %dma_wait3A_462 = tpu.memref_slice %arg16[%dma_wait3A_460, %dma_wait3A_461] : memref<16x128xf32, #tpu.memory_space<vmem>> -> memref<16x128xf32, #tpu.memory_space<vmem>>
      %dma_wait3A_463 = arith.constant 0 : i32
      %dma_wait3A_464 = tpu.memref_slice %arg15[%run_scoped3A_414, %dma_wait3A_463] : memref<1x16xi32, #tpu.memory_space<vmem>> -> memref<1x16xi32, #tpu.memory_space<vmem>>
      %dma_wait3A_465 = tpu.memref_squeeze %dma_wait3A_464 : memref<1x16xi32, #tpu.memory_space<vmem>> -> memref<16xi32, #tpu.memory_space<vmem>>
      %dma_wait3A_466 = arith.constant 0 : i32
      %dma_wait3A_467 = arith.constant 0 : i32
      %dma_wait3A_468 = tpu.memref_slice %arg17[%dma_wait3A_466, %dma_wait3A_467] : memref<10000x128xf32, #tpu.memory_space<vmem_shared>> -> memref<10000x128xf32, #tpu.memory_space<vmem_shared>>
      tpu.wait_indirect_dma semaphore(%run_scoped3A_450 : memref<!tpu.dma_semaphore, #tpu.memory_space<semaphore_mem>>) src(%dma_wait3A_462 : memref<16x128xf32, #tpu.memory_space<vmem>>) dst(%dma_wait3A_468 : memref<10000x128xf32, #tpu.memory_space<vmem_shared>>)
      tpu.yield
    }) : () -> ()
    %dma_wait3A_415 = arith.constant 0 : i32
    %dma_wait3A_416 = arith.constant 0 : i32
    %dma_wait3A_417 = tpu.memref_slice %arg9[%dma_wait3A_415, %dma_wait3A_416] : memref<1x104xi32, #tpu.memory_space<vmem>> -> memref<1x104xi32, #tpu.memory_space<vmem>>
    %dma_wait3A_418 = tpu.memref_squeeze %dma_wait3A_417 : memref<1x104xi32, #tpu.memory_space<vmem>> -> memref<104xi32, #tpu.memory_space<vmem>>
    %dma_wait3A_419 = arith.constant 0 : i32
    %dma_wait3A_420 = arith.constant 0 : i32
    %dma_wait3A_421 = tpu.memref_slice %arg17[%dma_wait3A_419, %dma_wait3A_420] : memref<10000x128xf32, #tpu.memory_space<vmem_shared>> -> memref<10000x128xf32, #tpu.memory_space<vmem_shared>>
    tpu.wait_indirect_dma semaphore(%arg25 : memref<!tpu.dma_semaphore, #tpu.memory_space<semaphore_mem>>) src(%arg12 : memref<104x128xf32, #tpu.memory_space<vmem>>) dst(%dma_wait3A_421 : memref<10000x128xf32, #tpu.memory_space<vmem_shared>>)
    %dma_wait3A_422 = arith.constant 0 : i32
    %dma_wait3A_423 = arith.constant 0 : i32
    %dma_wait3A_424 = tpu.memref_slice %arg10[%dma_wait3A_422, %dma_wait3A_423] : memref<1x104xi32, #tpu.memory_space<vmem>> -> memref<1x104xi32, #tpu.memory_space<vmem>>
    %dma_wait3A_425 = tpu.memref_squeeze %dma_wait3A_424 : memref<1x104xi32, #tpu.memory_space<vmem>> -> memref<104xi32, #tpu.memory_space<vmem>>
    %dma_wait3A_426 = arith.constant 0 : i32
    %dma_wait3A_427 = arith.constant 0 : i32
    %dma_wait3A_428 = tpu.memref_slice %arg17[%dma_wait3A_426, %dma_wait3A_427] : memref<10000x128xf32, #tpu.memory_space<vmem_shared>> -> memref<10000x128xf32, #tpu.memory_space<vmem_shared>>
    tpu.wait_indirect_dma semaphore(%arg26 : memref<!tpu.dma_semaphore, #tpu.memory_space<semaphore_mem>>) src(%arg13 : memref<104x128xf32, #tpu.memory_space<vmem>>) dst(%dma_wait3A_428 : memref<10000x128xf32, #tpu.memory_space<vmem_shared>>)
    %barrier3A_429 = arith.constant 0 : index
    tpu.barrier barrier_id(%barrier3A_429)
    %sub3A = arith.constant 96 : i32
    %sub3A_430 = arith.subi %sub3A, %arg1 : i32
    %sub3A_431 = arith.constant 16 : i32
    %sub3A_432 = arith.constant 1 : i32
    %sub3A_433 = arith.subi %sub3A_431, %sub3A_432 : i32
    %add3A_434 = arith.addi %sub3A_430, %sub3A_433 : i32
    %div3A = arith.constant 16 : i32
    %div3A_435 = arith.divsi %add3A_434, %div3A : i32
    %while3A = arith.constant 16 : i32
    %while3A_436 = arith.constant 0 : i32
    %while3A_437 = arith.subi %div3A_435, %while3A_436 : i32
    %while3A_438 = arith.addi %while3A_436, %while3A_437 : i32
    %while3A_439 = arith.constant 1 : i32
    %while3A_440 = arith.divsi %while3A_437, %while3A_439 : i32
    %while3A_441 = arith.muli %while3A_440, %while3A_439 : i32
    %while3A_442 = arith.addi %while3A_436, %while3A_441 : i32
    %while3A_443 = arith.constant 1 : i32
    scf.for %while3A_450 = %while3A_436 to %while3A_442 step %while3A_443  : i32 {
      %mul3A_451 = arith.muli %while3A_450, %while3A : i32
      %add3A_452 = arith.addi %arg1, %mul3A_451 : i32
      %mul3A_453 = arith.constant 104 : i32
      %mul3A_454 = arith.muli %add3A_452, %mul3A_453 : i32
      %mul3A_455 = arith.constant 104 : i32
      %mul3A_456 = arith.muli %add3A_452, %mul3A_455 : i32
      "tpu.region"() ({
        %run_scoped3A_457 = tpu.sem_alloc : memref<!tpu.dma_semaphore, #tpu.memory_space<semaphore_mem>>
        %dma_start3A_458 = arith.constant 0 : i32
        %dma_start3A_459 = tpu.memref_slice %arg4[%arg0, %mul3A_456, %dma_start3A_458] : memref<2x10000x128xf32, #tpu.memory_space<hbm>> -> memref<1x104x128xf32, #tpu.memory_space<hbm>>
        %dma_start3A_460 = tpu.memref_squeeze %dma_start3A_459 : memref<1x104x128xf32, #tpu.memory_space<hbm>> -> memref<104x128xf32, #tpu.memory_space<hbm>>
        %dma_start3A_461 = arith.constant 0 : i32
        %dma_start3A_462 = tpu.memref_slice %arg17[%mul3A_454, %dma_start3A_461] : memref<10000x128xf32, #tpu.memory_space<vmem_shared>> -> memref<104x128xf32, #tpu.memory_space<vmem_shared>>
        tpu.enqueue_dma source(%dma_start3A_462 : memref<104x128xf32, #tpu.memory_space<vmem_shared>>) target(%dma_start3A_460 : memref<104x128xf32, #tpu.memory_space<hbm>>) target_semaphore(%run_scoped3A_457 : memref<!tpu.dma_semaphore, #tpu.memory_space<semaphore_mem>>)
        %dma_wait3A_463 = arith.constant 0 : i32
        %dma_wait3A_464 = tpu.memref_slice %arg4[%arg0, %mul3A_456, %dma_wait3A_463] : memref<2x10000x128xf32, #tpu.memory_space<hbm>> -> memref<1x104x128xf32, #tpu.memory_space<hbm>>
        %dma_wait3A_465 = tpu.memref_squeeze %dma_wait3A_464 : memref<1x104x128xf32, #tpu.memory_space<hbm>> -> memref<104x128xf32, #tpu.memory_space<hbm>>
        %dma_wait3A_466 = arith.constant 0 : i32
        %dma_wait3A_467 = tpu.memref_slice %arg17[%mul3A_454, %dma_wait3A_466] : memref<10000x128xf32, #tpu.memory_space<vmem_shared>> -> memref<104x128xf32, #tpu.memory_space<vmem_shared>>
        tpu.wait_dma2 semaphore(%run_scoped3A_457 : memref<!tpu.dma_semaphore, #tpu.memory_space<semaphore_mem>>) src(%dma_wait3A_467 : memref<104x128xf32, #tpu.memory_space<vmem_shared>>) dst(%dma_wait3A_465 : memref<104x128xf32, #tpu.memory_space<hbm>>)
        tpu.yield
      }) : () -> ()
    }
    %while3A_444 = arith.constant 1 : i32
    scf.for %while3A_450 = %while3A_442 to %while3A_438 step %while3A_444  : i32 {
      %mul3A_451 = arith.muli %while3A_450, %while3A : i32
      %add3A_452 = arith.addi %arg1, %mul3A_451 : i32
      %mul3A_453 = arith.constant 104 : i32
      %mul3A_454 = arith.muli %add3A_452, %mul3A_453 : i32
      %mul3A_455 = arith.constant 104 : i32
      %mul3A_456 = arith.muli %add3A_452, %mul3A_455 : i32
      "tpu.region"() ({
        %run_scoped3A_457 = tpu.sem_alloc : memref<!tpu.dma_semaphore, #tpu.memory_space<semaphore_mem>>
        %dma_start3A_458 = arith.constant 0 : i32
        %dma_start3A_459 = tpu.memref_slice %arg4[%arg0, %mul3A_456, %dma_start3A_458] : memref<2x10000x128xf32, #tpu.memory_space<hbm>> -> memref<1x104x128xf32, #tpu.memory_space<hbm>>
        %dma_start3A_460 = tpu.memref_squeeze %dma_start3A_459 : memref<1x104x128xf32, #tpu.memory_space<hbm>> -> memref<104x128xf32, #tpu.memory_space<hbm>>
        %dma_start3A_461 = arith.constant 0 : i32
        %dma_start3A_462 = tpu.memref_slice %arg17[%mul3A_454, %dma_start3A_461] : memref<10000x128xf32, #tpu.memory_space<vmem_shared>> -> memref<104x128xf32, #tpu.memory_space<vmem_shared>>
        tpu.enqueue_dma source(%dma_start3A_462 : memref<104x128xf32, #tpu.memory_space<vmem_shared>>) target(%dma_start3A_460 : memref<104x128xf32, #tpu.memory_space<hbm>>) target_semaphore(%run_scoped3A_457 : memref<!tpu.dma_semaphore, #tpu.memory_space<semaphore_mem>>)
        %dma_wait3A_463 = arith.constant 0 : i32
        %dma_wait3A_464 = tpu.memref_slice %arg4[%arg0, %mul3A_456, %dma_wait3A_463] : memref<2x10000x128xf32, #tpu.memory_space<hbm>> -> memref<1x104x128xf32, #tpu.memory_space<hbm>>
        %dma_wait3A_465 = tpu.memref_squeeze %dma_wait3A_464 : memref<1x104x128xf32, #tpu.memory_space<hbm>> -> memref<104x128xf32, #tpu.memory_space<hbm>>
        %dma_wait3A_466 = arith.constant 0 : i32
        %dma_wait3A_467 = tpu.memref_slice %arg17[%mul3A_454, %dma_wait3A_466] : memref<10000x128xf32, #tpu.memory_space<vmem_shared>> -> memref<104x128xf32, #tpu.memory_space<vmem_shared>>
        tpu.wait_dma2 semaphore(%run_scoped3A_457 : memref<!tpu.dma_semaphore, #tpu.memory_space<semaphore_mem>>) src(%dma_wait3A_467 : memref<104x128xf32, #tpu.memory_space<vmem_shared>>) dst(%dma_wait3A_465 : memref<104x128xf32, #tpu.memory_space<hbm>>)
        tpu.yield
      }) : () -> ()
    }
    %eq3A_445 = arith.constant 0 : i32
    %eq3A_446 = arith.cmpi eq, %arg1, %eq3A_445 : i32
    %convert_element_type3A_447 = arith.extui %eq3A_446 : i1 to i32
    %cond3A_448 = arith.constant 0 : i32
    %cond3A_449 = arith.cmpi ne, %convert_element_type3A_447, %cond3A_448 : i32
    scf.if %cond3A_449 {
      "tpu.region"() ({
        %run_scoped3A_450 = tpu.sem_alloc : memref<!tpu.dma_semaphore, #tpu.memory_space<semaphore_mem>>
        %dma_start3A_451 = arith.constant 9984 : i32
        %dma_start3A_452 = arith.constant 0 : i32
        %dma_start3A_453 = tpu.memref_slice %arg4[%arg0, %dma_start3A_451, %dma_start3A_452] : memref<2x10000x128xf32, #tpu.memory_space<hbm>> -> memref<1x16x128xf32, #tpu.memory_space<hbm>>
        %dma_start3A_454 = tpu.memref_squeeze %dma_start3A_453 : memref<1x16x128xf32, #tpu.memory_space<hbm>> -> memref<16x128xf32, #tpu.memory_space<hbm>>
        %dma_start3A_455 = arith.constant 9984 : i32
        %dma_start3A_456 = arith.constant 0 : i32
        %dma_start3A_457 = tpu.memref_slice %arg17[%dma_start3A_455, %dma_start3A_456] : memref<10000x128xf32, #tpu.memory_space<vmem_shared>> -> memref<16x128xf32, #tpu.memory_space<vmem_shared>>
        tpu.enqueue_dma source(%dma_start3A_457 : memref<16x128xf32, #tpu.memory_space<vmem_shared>>) target(%dma_start3A_454 : memref<16x128xf32, #tpu.memory_space<hbm>>) target_semaphore(%run_scoped3A_450 : memref<!tpu.dma_semaphore, #tpu.memory_space<semaphore_mem>>)
        %dma_wait3A_458 = arith.constant 9984 : i32
        %dma_wait3A_459 = arith.constant 0 : i32
        %dma_wait3A_460 = tpu.memref_slice %arg4[%arg0, %dma_wait3A_458, %dma_wait3A_459] : memref<2x10000x128xf32, #tpu.memory_space<hbm>> -> memref<1x16x128xf32, #tpu.memory_space<hbm>>
        %dma_wait3A_461 = tpu.memref_squeeze %dma_wait3A_460 : memref<1x16x128xf32, #tpu.memory_space<hbm>> -> memref<16x128xf32, #tpu.memory_space<hbm>>
        %dma_wait3A_462 = arith.constant 9984 : i32
        %dma_wait3A_463 = arith.constant 0 : i32
        %dma_wait3A_464 = tpu.memref_slice %arg17[%dma_wait3A_462, %dma_wait3A_463] : memref<10000x128xf32, #tpu.memory_space<vmem_shared>> -> memref<16x128xf32, #tpu.memory_space<vmem_shared>>
        tpu.wait_dma2 semaphore(%run_scoped3A_450 : memref<!tpu.dma_semaphore, #tpu.memory_space<semaphore_mem>>) src(%dma_wait3A_464 : memref<16x128xf32, #tpu.memory_space<vmem_shared>>) dst(%dma_wait3A_461 : memref<16x128xf32, #tpu.memory_space<hbm>>)
        tpu.yield
      }) : () -> ()
    } else {
    }
    return
  }
}

module attributes {stable_mosaic.version = 14 : i64} {
  func.func @body(%arg0: memref<10000x128xf32, #tpu.memory_space<vmem>>, %arg1: memref<2x10000x128xf32, #tpu.memory_space<vmem>>, %arg2: memref<128x128xf32, #tpu.memory_space<vmem>>, %arg3: memref<1x128xf32, #tpu.memory_space<vmem>>, %arg4: memref<1x128xf32, #tpu.memory_space<vmem>>, %arg5: memref<1x128xf32, #tpu.memory_space<vmem>>, %arg6: memref<128x128xf32, #tpu.memory_space<vmem>>, %arg7: memref<1x128xf32, #tpu.memory_space<vmem>>, %arg8: memref<1x128xf32, #tpu.memory_space<vmem>>, %arg9: memref<1x128xf32, #tpu.memory_space<vmem>>, %arg10: memref<64x128xf32, #tpu.memory_space<vmem>>, %arg11: memref<1x64xf32, #tpu.memory_space<vmem>>, %arg12: memref<1x10000xi32, #tpu.memory_space<vmem>>, %arg13: memref<16x64xf32, #tpu.memory_space<vmem>>, %arg14: memref<10000x128xf32, #tpu.memory_space<vmem>>, %arg15: memref<16x64xf32, #tpu.memory_space<vmem>>) attributes {dimension_semantics = [], scalar_prefetch = 0 : i64, scratch_operands = 0 : i64, tpu.core_type = #tpu.core_type<tc>} {
    %get3A = arith.constant 0 : index
    %get3A_0 = arith.constant 0 : index
    %get3A_1 = vector.load %arg0[%get3A, %get3A_0] : memref<10000x128xf32, #tpu.memory_space<vmem>>, vector<10000x128xf32>
    %get3A_2 = arith.constant 0 : index
    %get3A_3 = arith.constant 0 : index
    %get3A_4 = arith.constant 0 : index
    %get3A_5 = vector.load %arg1[%get3A_2, %get3A_3, %get3A_4] : memref<2x10000x128xf32, #tpu.memory_space<vmem>>, vector<1x10000x128xf32>
    %get3A_6 = vector.shape_cast %get3A_5 : vector<1x10000x128xf32> to vector<10000x128xf32>
    %add3A = arith.addf %get3A_1, %get3A_6 : vector<10000x128xf32>
    %get3A_7 = arith.constant 1 : index
    %get3A_8 = arith.constant 0 : index
    %get3A_9 = arith.constant 0 : index
    %get3A_10 = vector.load %arg1[%get3A_7, %get3A_8, %get3A_9] : memref<2x10000x128xf32, #tpu.memory_space<vmem>>, vector<1x10000x128xf32>
    %get3A_11 = vector.shape_cast %get3A_10 : vector<1x10000x128xf32> to vector<10000x128xf32>
    %add3A_12 = arith.addf %add3A, %get3A_11 : vector<10000x128xf32>
    %get3A_13 = arith.constant 0 : index
    %get3A_14 = arith.constant 0 : index
    %get3A_15 = vector.load %arg2[%get3A_13, %get3A_14] : memref<128x128xf32, #tpu.memory_space<vmem>>, vector<128x128xf32>
    %get3A_16 = arith.constant 0 : index
    %get3A_17 = arith.constant 0 : index
    %get3A_18 = vector.load %arg3[%get3A_16, %get3A_17] : memref<1x128xf32, #tpu.memory_space<vmem>>, vector<1x128xf32>
    %get3A_19 = arith.constant 0 : index
    %get3A_20 = arith.constant 0 : index
    %get3A_21 = vector.load %arg4[%get3A_19, %get3A_20] : memref<1x128xf32, #tpu.memory_space<vmem>>, vector<1x128xf32>
    %get3A_22 = arith.constant 0 : index
    %get3A_23 = arith.constant 0 : index
    %get3A_24 = vector.load %arg5[%get3A_22, %get3A_23] : memref<1x128xf32, #tpu.memory_space<vmem>>, vector<1x128xf32>
    %get3A_25 = arith.constant 0 : index
    %get3A_26 = arith.constant 0 : index
    %get3A_27 = vector.load %arg6[%get3A_25, %get3A_26] : memref<128x128xf32, #tpu.memory_space<vmem>>, vector<128x128xf32>
    %get3A_28 = arith.constant 0 : index
    %get3A_29 = arith.constant 0 : index
    %get3A_30 = vector.load %arg7[%get3A_28, %get3A_29] : memref<1x128xf32, #tpu.memory_space<vmem>>, vector<1x128xf32>
    %get3A_31 = arith.constant 0 : index
    %get3A_32 = arith.constant 0 : index
    %get3A_33 = vector.load %arg8[%get3A_31, %get3A_32] : memref<1x128xf32, #tpu.memory_space<vmem>>, vector<1x128xf32>
    %get3A_34 = arith.constant 0 : index
    %get3A_35 = arith.constant 0 : index
    %get3A_36 = vector.load %arg9[%get3A_34, %get3A_35] : memref<1x128xf32, #tpu.memory_space<vmem>>, vector<1x128xf32>
    %transpose3A = tpu.transpose %get3A_15, [1, 0] : vector<128x128xf32> -> vector<128x128xf32>
    %dot_general3A = arith.constant dense<0.000000e+00> : vector<10000x128xf32>
    %dot_general3A_37 = tpu.matmul %add3A_12, %transpose3A, %dot_general3A {dimension_numbers = #tpu.dot_dimension_numbers<[1], [0], [0], [1], [0, 0, 1, 1], [], []>, transpose_lhs_hint = false} : vector<10000x128xf32>, vector<128x128xf32>, vector<10000x128xf32> -> vector<10000x128xf32>
    %add3A_38 = vector.broadcast %get3A_18 : vector<1x128xf32> to vector<10000x128xf32>
    %add3A_39 = arith.addf %dot_general3A_37, %add3A_38 : vector<10000x128xf32>
    %reduce_sum3A = arith.constant dense<0.000000e+00> : vector<128xf32>
    %reduce_sum3A_40 = vector.multi_reduction <add>, %add3A_39, %reduce_sum3A [0] : vector<10000x128xf32> to vector<128xf32>
    %div3A = arith.constant 1.000000e+04 : f32
    %div3A_41 = vector.broadcast %div3A : f32 to vector<128xf32>
    %div3A_42 = arith.divf %reduce_sum3A_40, %div3A_41 : vector<128xf32>
    %jit3A = arith.constant 0 : i32
    %reduce_sum3A_43 = arith.constant dense<0.000000e+00> : vector<128xf32>
    %reduce_sum3A_44 = vector.multi_reduction <add>, %add3A_39, %reduce_sum3A_43 [0] : vector<10000x128xf32> to vector<128xf32>
    %broadcast_in_dim3A = vector.shape_cast %reduce_sum3A_44 : vector<128xf32> to vector<1x128xf32>
    %div3A_45 = arith.constant 1.000000e+04 : f32
    %div3A_46 = vector.broadcast %div3A_45 : f32 to vector<1x128xf32>
    %div3A_47 = arith.divf %broadcast_in_dim3A, %div3A_46 : vector<1x128xf32>
    %sub3A = vector.broadcast %div3A_47 : vector<1x128xf32> to vector<10000x128xf32>
    %sub3A_48 = arith.subf %add3A_39, %sub3A : vector<10000x128xf32>
    %square3A = arith.mulf %sub3A_48, %sub3A_48 : vector<10000x128xf32>
    %convert_element_type3A = arith.sitofp %jit3A : i32 to f32
    %sub3A_49 = arith.constant 1.000000e+04 : f32
    %sub3A_50 = arith.subf %sub3A_49, %convert_element_type3A : f32
    %reduce_sum3A_51 = arith.constant dense<0.000000e+00> : vector<128xf32>
    %reduce_sum3A_52 = vector.multi_reduction <add>, %square3A, %reduce_sum3A_51 [0] : vector<10000x128xf32> to vector<128xf32>
    %div3A_53 = vector.broadcast %sub3A_50 : f32 to vector<128xf32>
    %div3A_54 = arith.divf %reduce_sum3A_52, %div3A_53 : vector<128xf32>
    %gt3A = arith.constant 0.000000e+00 : f32
    %gt3A_55 = arith.cmpf ogt, %sub3A_50, %gt3A : f32
    %jit3A_56 = arith.constant 0x7FC00000 : f32
    %broadcast_in_dim3A_57 = vector.broadcast %jit3A_56 : f32 to vector<128xf32>
    %select_n3A = arith.select %gt3A_55, %div3A_54, %broadcast_in_dim3A_57 : vector<128xf32>
    %broadcast_in_dim3A_58 = vector.shape_cast %div3A_42 : vector<128xf32> to vector<1x128xf32>
    %sub3A_59 = vector.broadcast %broadcast_in_dim3A_58 : vector<1x128xf32> to vector<10000x128xf32>
    %sub3A_60 = arith.subf %add3A_39, %sub3A_59 : vector<10000x128xf32>
    %add3A_61 = arith.constant 9.99999974E-6 : f32
    %add3A_62 = vector.broadcast %add3A_61 : f32 to vector<128xf32>
    %add3A_63 = arith.addf %select_n3A, %add3A_62 : vector<128xf32>
    %sqrt3A = math.sqrt %add3A_63 : vector<128xf32>
    %broadcast_in_dim3A_64 = vector.shape_cast %sqrt3A : vector<128xf32> to vector<1x128xf32>
    %div3A_65 = vector.broadcast %broadcast_in_dim3A_64 : vector<1x128xf32> to vector<10000x128xf32>
    %div3A_66 = arith.divf %sub3A_60, %div3A_65 : vector<10000x128xf32>
    %mul3A = vector.broadcast %get3A_21 : vector<1x128xf32> to vector<10000x128xf32>
    %mul3A_67 = arith.mulf %div3A_66, %mul3A : vector<10000x128xf32>
    %add3A_68 = vector.broadcast %get3A_24 : vector<1x128xf32> to vector<10000x128xf32>
    %add3A_69 = arith.addf %mul3A_67, %add3A_68 : vector<10000x128xf32>
    %max3A = arith.constant 0.000000e+00 : f32
    %max3A_70 = vector.broadcast %max3A : f32 to vector<10000x128xf32>
    %max3A_71 = arith.maximumf %add3A_69, %max3A_70 : vector<10000x128xf32>
    %transpose3A_72 = tpu.transpose %get3A_27, [1, 0] : vector<128x128xf32> -> vector<128x128xf32>
    %dot_general3A_73 = arith.constant dense<0.000000e+00> : vector<10000x128xf32>
    %dot_general3A_74 = tpu.matmul %max3A_71, %transpose3A_72, %dot_general3A_73 {dimension_numbers = #tpu.dot_dimension_numbers<[1], [0], [0], [1], [0, 0, 1, 1], [], []>, transpose_lhs_hint = false} : vector<10000x128xf32>, vector<128x128xf32>, vector<10000x128xf32> -> vector<10000x128xf32>
    %add3A_75 = vector.broadcast %get3A_30 : vector<1x128xf32> to vector<10000x128xf32>
    %add3A_76 = arith.addf %dot_general3A_74, %add3A_75 : vector<10000x128xf32>
    %reduce_sum3A_77 = arith.constant dense<0.000000e+00> : vector<128xf32>
    %reduce_sum3A_78 = vector.multi_reduction <add>, %add3A_76, %reduce_sum3A_77 [0] : vector<10000x128xf32> to vector<128xf32>
    %div3A_79 = arith.constant 1.000000e+04 : f32
    %div3A_80 = vector.broadcast %div3A_79 : f32 to vector<128xf32>
    %div3A_81 = arith.divf %reduce_sum3A_78, %div3A_80 : vector<128xf32>
    %jit3A_82 = arith.constant 0 : i32
    %reduce_sum3A_83 = arith.constant dense<0.000000e+00> : vector<128xf32>
    %reduce_sum3A_84 = vector.multi_reduction <add>, %add3A_76, %reduce_sum3A_83 [0] : vector<10000x128xf32> to vector<128xf32>
    %broadcast_in_dim3A_85 = vector.shape_cast %reduce_sum3A_84 : vector<128xf32> to vector<1x128xf32>
    %div3A_86 = arith.constant 1.000000e+04 : f32
    %div3A_87 = vector.broadcast %div3A_86 : f32 to vector<1x128xf32>
    %div3A_88 = arith.divf %broadcast_in_dim3A_85, %div3A_87 : vector<1x128xf32>
    %sub3A_89 = vector.broadcast %div3A_88 : vector<1x128xf32> to vector<10000x128xf32>
    %sub3A_90 = arith.subf %add3A_76, %sub3A_89 : vector<10000x128xf32>
    %square3A_91 = arith.mulf %sub3A_90, %sub3A_90 : vector<10000x128xf32>
    %convert_element_type3A_92 = arith.sitofp %jit3A_82 : i32 to f32
    %sub3A_93 = arith.constant 1.000000e+04 : f32
    %sub3A_94 = arith.subf %sub3A_93, %convert_element_type3A_92 : f32
    %reduce_sum3A_95 = arith.constant dense<0.000000e+00> : vector<128xf32>
    %reduce_sum3A_96 = vector.multi_reduction <add>, %square3A_91, %reduce_sum3A_95 [0] : vector<10000x128xf32> to vector<128xf32>
    %div3A_97 = vector.broadcast %sub3A_94 : f32 to vector<128xf32>
    %div3A_98 = arith.divf %reduce_sum3A_96, %div3A_97 : vector<128xf32>
    %gt3A_99 = arith.constant 0.000000e+00 : f32
    %gt3A_100 = arith.cmpf ogt, %sub3A_94, %gt3A_99 : f32
    %jit3A_101 = arith.constant 0x7FC00000 : f32
    %broadcast_in_dim3A_102 = vector.broadcast %jit3A_101 : f32 to vector<128xf32>
    %select_n3A_103 = arith.select %gt3A_100, %div3A_98, %broadcast_in_dim3A_102 : vector<128xf32>
    %broadcast_in_dim3A_104 = vector.shape_cast %div3A_81 : vector<128xf32> to vector<1x128xf32>
    %sub3A_105 = vector.broadcast %broadcast_in_dim3A_104 : vector<1x128xf32> to vector<10000x128xf32>
    %sub3A_106 = arith.subf %add3A_76, %sub3A_105 : vector<10000x128xf32>
    %add3A_107 = arith.constant 9.99999974E-6 : f32
    %add3A_108 = vector.broadcast %add3A_107 : f32 to vector<128xf32>
    %add3A_109 = arith.addf %select_n3A_103, %add3A_108 : vector<128xf32>
    %sqrt3A_110 = math.sqrt %add3A_109 : vector<128xf32>
    %broadcast_in_dim3A_111 = vector.shape_cast %sqrt3A_110 : vector<128xf32> to vector<1x128xf32>
    %div3A_112 = vector.broadcast %broadcast_in_dim3A_111 : vector<1x128xf32> to vector<10000x128xf32>
    %div3A_113 = arith.divf %sub3A_106, %div3A_112 : vector<10000x128xf32>
    %mul3A_114 = vector.broadcast %get3A_33 : vector<1x128xf32> to vector<10000x128xf32>
    %mul3A_115 = arith.mulf %div3A_113, %mul3A_114 : vector<10000x128xf32>
    %add3A_116 = vector.broadcast %get3A_36 : vector<1x128xf32> to vector<10000x128xf32>
    %add3A_117 = arith.addf %mul3A_115, %add3A_116 : vector<10000x128xf32>
    %max3A_118 = arith.constant 0.000000e+00 : f32
    %max3A_119 = vector.broadcast %max3A_118 : f32 to vector<10000x128xf32>
    %max3A_120 = arith.maximumf %add3A_117, %max3A_119 : vector<10000x128xf32>
    %swap3A = arith.constant 0 : index
    %swap3A_121 = arith.constant 0 : index
    %swap3A_122 = vector.load %arg14[%swap3A, %swap3A_121] : memref<10000x128xf32, #tpu.memory_space<vmem>>, vector<10000x128xf32>
    tpu.vector_store %arg14[%swap3A, %swap3A_121], %max3A_120 {strides = array<i32>} : memref<10000x128xf32, #tpu.memory_space<vmem>>, vector<10000x128xf32>,
    %get3A_123 = arith.constant 0 : index
    %get3A_124 = arith.constant 0 : index
    %get3A_125 = vector.load %arg12[%get3A_123, %get3A_124] : memref<1x10000xi32, #tpu.memory_space<vmem>>, vector<1x10000xi32>
    %iota3A = tpu.iota {dimensions = array<i32: 0>} : vector<16x10000xi32>
    %eq3A = vector.broadcast %get3A_125 : vector<1x10000xi32> to vector<16x10000xi32>
    %eq3A_126 = arith.cmpi eq, %eq3A, %iota3A : vector<16x10000xi32>
    %convert_element_type3A_127 = arith.extui %eq3A_126 : vector<16x10000xi1> to vector<16x10000xi32>
    %convert_element_type3A_128 = arith.sitofp %convert_element_type3A_127 : vector<16x10000xi32> to vector<16x10000xf32>
    %reduce_sum3A_129 = arith.constant dense<0.000000e+00> : vector<16xf32>
    %reduce_sum3A_130 = vector.multi_reduction <add>, %convert_element_type3A_128, %reduce_sum3A_129 [1] : vector<16x10000xf32> to vector<16xf32>
    %broadcast_in_dim3A_131 = vector.shape_cast %reduce_sum3A_130 : vector<16xf32> to vector<16x1xf32>
    %dot_general3A_132 = arith.constant dense<0.000000e+00> : vector<16x128xf32>
    %dot_general3A_133 = tpu.matmul %convert_element_type3A_128, %max3A_120, %dot_general3A_132 {dimension_numbers = #tpu.dot_dimension_numbers<[1], [0], [0], [1], [0, 0, 1, 1], [], []>, transpose_lhs_hint = false} : vector<16x10000xf32>, vector<10000x128xf32>, vector<16x128xf32> -> vector<16x128xf32>
    %max3A_134 = arith.constant 1.000000e+00 : f32
    %max3A_135 = vector.broadcast %max3A_134 : f32 to vector<16x1xf32>
    %max3A_136 = arith.maximumf %broadcast_in_dim3A_131, %max3A_135 : vector<16x1xf32>
    %div3A_137 = vector.broadcast %max3A_136 : vector<16x1xf32> to vector<16x128xf32>
    %div3A_138 = arith.divf %dot_general3A_133, %div3A_137 : vector<16x128xf32>
    %get3A_139 = arith.constant 0 : index
    %get3A_140 = arith.constant 0 : index
    %get3A_141 = vector.load %arg13[%get3A_139, %get3A_140] : memref<16x64xf32, #tpu.memory_space<vmem>>, vector<16x64xf32>
    %get3A_142 = arith.constant 0 : index
    %get3A_143 = arith.constant 0 : index
    %get3A_144 = vector.load %arg10[%get3A_142, %get3A_143] : memref<64x128xf32, #tpu.memory_space<vmem>>, vector<64x128xf32>
    %dot_general3A_145 = arith.constant dense<0.000000e+00> : vector<16x64xf32>
    %dot_general3A_146 = tpu.matmul %div3A_138, %get3A_144, %dot_general3A_145 {dimension_numbers = #tpu.dot_dimension_numbers<[1], [1], [0], [0], [0, 0, 1, 0], [], []>, transpose_lhs_hint = false} : vector<16x128xf32>, vector<64x128xf32>, vector<16x64xf32> -> vector<16x64xf32>
    %add3A_147 = arith.addf %get3A_141, %dot_general3A_146 : vector<16x64xf32>
    %get3A_148 = arith.constant 0 : index
    %get3A_149 = arith.constant 0 : index
    %get3A_150 = vector.load %arg11[%get3A_148, %get3A_149] : memref<1x64xf32, #tpu.memory_space<vmem>>, vector<1x64xf32>
    %add3A_151 = vector.broadcast %get3A_150 : vector<1x64xf32> to vector<16x64xf32>
    %add3A_152 = arith.addf %add3A_147, %add3A_151 : vector<16x64xf32>
    %swap3A_153 = arith.constant 0 : index
    %swap3A_154 = arith.constant 0 : index
    %swap3A_155 = vector.load %arg15[%swap3A_153, %swap3A_154] : memref<16x64xf32, #tpu.memory_space<vmem>>, vector<16x64xf32>
    tpu.vector_store %arg15[%swap3A_153, %swap3A_154], %add3A_152 {strides = array<i32>} : memref<16x64xf32, #tpu.memory_space<vmem>>, vector<16x64xf32>,
    return
  }
}

module attributes {stable_mosaic.version = 14 : i64} {
  func.func @body(%arg0: memref<10000x128xf32, #tpu.memory_space<vmem>>, %arg1: memref<128x128xf32, #tpu.memory_space<vmem>>, %arg2: memref<1x128xf32, #tpu.memory_space<vmem>>, %arg3: memref<1x128xf32, #tpu.memory_space<vmem>>, %arg4: memref<1x128xf32, #tpu.memory_space<vmem>>, %arg5: memref<128x128xf32, #tpu.memory_space<vmem>>, %arg6: memref<1x128xf32, #tpu.memory_space<vmem>>, %arg7: memref<1x128xf32, #tpu.memory_space<vmem>>, %arg8: memref<1x128xf32, #tpu.memory_space<vmem>>, %arg9: memref<64x128xf32, #tpu.memory_space<vmem>>, %arg10: memref<1x64xf32, #tpu.memory_space<vmem>>, %arg11: memref<1x10000xi32, #tpu.memory_space<vmem>>, %arg12: memref<10000x128xf32, #tpu.memory_space<vmem>>, %arg13: memref<16x64xf32, #tpu.memory_space<vmem>>) attributes {dimension_semantics = [], scalar_prefetch = 0 : i64, scratch_operands = 0 : i64, tpu.core_type = #tpu.core_type<tc>} {
    %get3A = arith.constant 0 : index
    %get3A_0 = arith.constant 0 : index
    %get3A_1 = vector.load %arg0[%get3A, %get3A_0] : memref<10000x128xf32, #tpu.memory_space<vmem>>, vector<10000x128xf32>
    %get3A_2 = arith.constant 0 : index
    %get3A_3 = arith.constant 0 : index
    %get3A_4 = vector.load %arg1[%get3A_2, %get3A_3] : memref<128x128xf32, #tpu.memory_space<vmem>>, vector<128x128xf32>
    %get3A_5 = arith.constant 0 : index
    %get3A_6 = arith.constant 0 : index
    %get3A_7 = vector.load %arg2[%get3A_5, %get3A_6] : memref<1x128xf32, #tpu.memory_space<vmem>>, vector<1x128xf32>
    %get3A_8 = arith.constant 0 : index
    %get3A_9 = arith.constant 0 : index
    %get3A_10 = vector.load %arg3[%get3A_8, %get3A_9] : memref<1x128xf32, #tpu.memory_space<vmem>>, vector<1x128xf32>
    %get3A_11 = arith.constant 0 : index
    %get3A_12 = arith.constant 0 : index
    %get3A_13 = vector.load %arg4[%get3A_11, %get3A_12] : memref<1x128xf32, #tpu.memory_space<vmem>>, vector<1x128xf32>
    %get3A_14 = arith.constant 0 : index
    %get3A_15 = arith.constant 0 : index
    %get3A_16 = vector.load %arg5[%get3A_14, %get3A_15] : memref<128x128xf32, #tpu.memory_space<vmem>>, vector<128x128xf32>
    %get3A_17 = arith.constant 0 : index
    %get3A_18 = arith.constant 0 : index
    %get3A_19 = vector.load %arg6[%get3A_17, %get3A_18] : memref<1x128xf32, #tpu.memory_space<vmem>>, vector<1x128xf32>
    %get3A_20 = arith.constant 0 : index
    %get3A_21 = arith.constant 0 : index
    %get3A_22 = vector.load %arg7[%get3A_20, %get3A_21] : memref<1x128xf32, #tpu.memory_space<vmem>>, vector<1x128xf32>
    %get3A_23 = arith.constant 0 : index
    %get3A_24 = arith.constant 0 : index
    %get3A_25 = vector.load %arg8[%get3A_23, %get3A_24] : memref<1x128xf32, #tpu.memory_space<vmem>>, vector<1x128xf32>
    %transpose3A = tpu.transpose %get3A_4, [1, 0] : vector<128x128xf32> -> vector<128x128xf32>
    %dot_general3A = arith.constant dense<0.000000e+00> : vector<10000x128xf32>
    %dot_general3A_26 = tpu.matmul %get3A_1, %transpose3A, %dot_general3A {dimension_numbers = #tpu.dot_dimension_numbers<[1], [0], [0], [1], [0, 0, 1, 1], [], []>, transpose_lhs_hint = false} : vector<10000x128xf32>, vector<128x128xf32>, vector<10000x128xf32> -> vector<10000x128xf32>
    %add3A = vector.broadcast %get3A_7 : vector<1x128xf32> to vector<10000x128xf32>
    %add3A_27 = arith.addf %dot_general3A_26, %add3A : vector<10000x128xf32>
    %reduce_sum3A = arith.constant dense<0.000000e+00> : vector<128xf32>
    %reduce_sum3A_28 = vector.multi_reduction <add>, %add3A_27, %reduce_sum3A [0] : vector<10000x128xf32> to vector<128xf32>
    %div3A = arith.constant 1.000000e+04 : f32
    %div3A_29 = vector.broadcast %div3A : f32 to vector<128xf32>
    %div3A_30 = arith.divf %reduce_sum3A_28, %div3A_29 : vector<128xf32>
    %jit3A = arith.constant 0 : i32
    %reduce_sum3A_31 = arith.constant dense<0.000000e+00> : vector<128xf32>
    %reduce_sum3A_32 = vector.multi_reduction <add>, %add3A_27, %reduce_sum3A_31 [0] : vector<10000x128xf32> to vector<128xf32>
    %broadcast_in_dim3A = vector.shape_cast %reduce_sum3A_32 : vector<128xf32> to vector<1x128xf32>
    %div3A_33 = arith.constant 1.000000e+04 : f32
    %div3A_34 = vector.broadcast %div3A_33 : f32 to vector<1x128xf32>
    %div3A_35 = arith.divf %broadcast_in_dim3A, %div3A_34 : vector<1x128xf32>
    %sub3A = vector.broadcast %div3A_35 : vector<1x128xf32> to vector<10000x128xf32>
    %sub3A_36 = arith.subf %add3A_27, %sub3A : vector<10000x128xf32>
    %square3A = arith.mulf %sub3A_36, %sub3A_36 : vector<10000x128xf32>
    %convert_element_type3A = arith.sitofp %jit3A : i32 to f32
    %sub3A_37 = arith.constant 1.000000e+04 : f32
    %sub3A_38 = arith.subf %sub3A_37, %convert_element_type3A : f32
    %reduce_sum3A_39 = arith.constant dense<0.000000e+00> : vector<128xf32>
    %reduce_sum3A_40 = vector.multi_reduction <add>, %square3A, %reduce_sum3A_39 [0] : vector<10000x128xf32> to vector<128xf32>
    %div3A_41 = vector.broadcast %sub3A_38 : f32 to vector<128xf32>
    %div3A_42 = arith.divf %reduce_sum3A_40, %div3A_41 : vector<128xf32>
    %gt3A = arith.constant 0.000000e+00 : f32
    %gt3A_43 = arith.cmpf ogt, %sub3A_38, %gt3A : f32
    %jit3A_44 = arith.constant 0x7FC00000 : f32
    %broadcast_in_dim3A_45 = vector.broadcast %jit3A_44 : f32 to vector<128xf32>
    %select_n3A = arith.select %gt3A_43, %div3A_42, %broadcast_in_dim3A_45 : vector<128xf32>
    %broadcast_in_dim3A_46 = vector.shape_cast %div3A_30 : vector<128xf32> to vector<1x128xf32>
    %sub3A_47 = vector.broadcast %broadcast_in_dim3A_46 : vector<1x128xf32> to vector<10000x128xf32>
    %sub3A_48 = arith.subf %add3A_27, %sub3A_47 : vector<10000x128xf32>
    %add3A_49 = arith.constant 9.99999974E-6 : f32
    %add3A_50 = vector.broadcast %add3A_49 : f32 to vector<128xf32>
    %add3A_51 = arith.addf %select_n3A, %add3A_50 : vector<128xf32>
    %sqrt3A = math.sqrt %add3A_51 : vector<128xf32>
    %broadcast_in_dim3A_52 = vector.shape_cast %sqrt3A : vector<128xf32> to vector<1x128xf32>
    %div3A_53 = vector.broadcast %broadcast_in_dim3A_52 : vector<1x128xf32> to vector<10000x128xf32>
    %div3A_54 = arith.divf %sub3A_48, %div3A_53 : vector<10000x128xf32>
    %mul3A = vector.broadcast %get3A_10 : vector<1x128xf32> to vector<10000x128xf32>
    %mul3A_55 = arith.mulf %div3A_54, %mul3A : vector<10000x128xf32>
    %add3A_56 = vector.broadcast %get3A_13 : vector<1x128xf32> to vector<10000x128xf32>
    %add3A_57 = arith.addf %mul3A_55, %add3A_56 : vector<10000x128xf32>
    %max3A = arith.constant 0.000000e+00 : f32
    %max3A_58 = vector.broadcast %max3A : f32 to vector<10000x128xf32>
    %max3A_59 = arith.maximumf %add3A_57, %max3A_58 : vector<10000x128xf32>
    %transpose3A_60 = tpu.transpose %get3A_16, [1, 0] : vector<128x128xf32> -> vector<128x128xf32>
    %dot_general3A_61 = arith.constant dense<0.000000e+00> : vector<10000x128xf32>
    %dot_general3A_62 = tpu.matmul %max3A_59, %transpose3A_60, %dot_general3A_61 {dimension_numbers = #tpu.dot_dimension_numbers<[1], [0], [0], [1], [0, 0, 1, 1], [], []>, transpose_lhs_hint = false} : vector<10000x128xf32>, vector<128x128xf32>, vector<10000x128xf32> -> vector<10000x128xf32>
    %add3A_63 = vector.broadcast %get3A_19 : vector<1x128xf32> to vector<10000x128xf32>
    %add3A_64 = arith.addf %dot_general3A_62, %add3A_63 : vector<10000x128xf32>
    %reduce_sum3A_65 = arith.constant dense<0.000000e+00> : vector<128xf32>
    %reduce_sum3A_66 = vector.multi_reduction <add>, %add3A_64, %reduce_sum3A_65 [0] : vector<10000x128xf32> to vector<128xf32>
    %div3A_67 = arith.constant 1.000000e+04 : f32
    %div3A_68 = vector.broadcast %div3A_67 : f32 to vector<128xf32>
    %div3A_69 = arith.divf %reduce_sum3A_66, %div3A_68 : vector<128xf32>
    %jit3A_70 = arith.constant 0 : i32
    %reduce_sum3A_71 = arith.constant dense<0.000000e+00> : vector<128xf32>
    %reduce_sum3A_72 = vector.multi_reduction <add>, %add3A_64, %reduce_sum3A_71 [0] : vector<10000x128xf32> to vector<128xf32>
    %broadcast_in_dim3A_73 = vector.shape_cast %reduce_sum3A_72 : vector<128xf32> to vector<1x128xf32>
    %div3A_74 = arith.constant 1.000000e+04 : f32
    %div3A_75 = vector.broadcast %div3A_74 : f32 to vector<1x128xf32>
    %div3A_76 = arith.divf %broadcast_in_dim3A_73, %div3A_75 : vector<1x128xf32>
    %sub3A_77 = vector.broadcast %div3A_76 : vector<1x128xf32> to vector<10000x128xf32>
    %sub3A_78 = arith.subf %add3A_64, %sub3A_77 : vector<10000x128xf32>
    %square3A_79 = arith.mulf %sub3A_78, %sub3A_78 : vector<10000x128xf32>
    %convert_element_type3A_80 = arith.sitofp %jit3A_70 : i32 to f32
    %sub3A_81 = arith.constant 1.000000e+04 : f32
    %sub3A_82 = arith.subf %sub3A_81, %convert_element_type3A_80 : f32
    %reduce_sum3A_83 = arith.constant dense<0.000000e+00> : vector<128xf32>
    %reduce_sum3A_84 = vector.multi_reduction <add>, %square3A_79, %reduce_sum3A_83 [0] : vector<10000x128xf32> to vector<128xf32>
    %div3A_85 = vector.broadcast %sub3A_82 : f32 to vector<128xf32>
    %div3A_86 = arith.divf %reduce_sum3A_84, %div3A_85 : vector<128xf32>
    %gt3A_87 = arith.constant 0.000000e+00 : f32
    %gt3A_88 = arith.cmpf ogt, %sub3A_82, %gt3A_87 : f32
    %jit3A_89 = arith.constant 0x7FC00000 : f32
    %broadcast_in_dim3A_90 = vector.broadcast %jit3A_89 : f32 to vector<128xf32>
    %select_n3A_91 = arith.select %gt3A_88, %div3A_86, %broadcast_in_dim3A_90 : vector<128xf32>
    %broadcast_in_dim3A_92 = vector.shape_cast %div3A_69 : vector<128xf32> to vector<1x128xf32>
    %sub3A_93 = vector.broadcast %broadcast_in_dim3A_92 : vector<1x128xf32> to vector<10000x128xf32>
    %sub3A_94 = arith.subf %add3A_64, %sub3A_93 : vector<10000x128xf32>
    %add3A_95 = arith.constant 9.99999974E-6 : f32
    %add3A_96 = vector.broadcast %add3A_95 : f32 to vector<128xf32>
    %add3A_97 = arith.addf %select_n3A_91, %add3A_96 : vector<128xf32>
    %sqrt3A_98 = math.sqrt %add3A_97 : vector<128xf32>
    %broadcast_in_dim3A_99 = vector.shape_cast %sqrt3A_98 : vector<128xf32> to vector<1x128xf32>
    %div3A_100 = vector.broadcast %broadcast_in_dim3A_99 : vector<1x128xf32> to vector<10000x128xf32>
    %div3A_101 = arith.divf %sub3A_94, %div3A_100 : vector<10000x128xf32>
    %mul3A_102 = vector.broadcast %get3A_22 : vector<1x128xf32> to vector<10000x128xf32>
    %mul3A_103 = arith.mulf %div3A_101, %mul3A_102 : vector<10000x128xf32>
    %add3A_104 = vector.broadcast %get3A_25 : vector<1x128xf32> to vector<10000x128xf32>
    %add3A_105 = arith.addf %mul3A_103, %add3A_104 : vector<10000x128xf32>
    %max3A_106 = arith.constant 0.000000e+00 : f32
    %max3A_107 = vector.broadcast %max3A_106 : f32 to vector<10000x128xf32>
    %max3A_108 = arith.maximumf %add3A_105, %max3A_107 : vector<10000x128xf32>
    %swap3A = arith.constant 0 : index
    %swap3A_109 = arith.constant 0 : index
    %swap3A_110 = vector.load %arg12[%swap3A, %swap3A_109] : memref<10000x128xf32, #tpu.memory_space<vmem>>, vector<10000x128xf32>
    tpu.vector_store %arg12[%swap3A, %swap3A_109], %max3A_108 {strides = array<i32>} : memref<10000x128xf32, #tpu.memory_space<vmem>>, vector<10000x128xf32>,
    %get3A_111 = arith.constant 0 : index
    %get3A_112 = arith.constant 0 : index
    %get3A_113 = vector.load %arg11[%get3A_111, %get3A_112] : memref<1x10000xi32, #tpu.memory_space<vmem>>, vector<1x10000xi32>
    %iota3A = tpu.iota {dimensions = array<i32: 0>} : vector<16x10000xi32>
    %eq3A = vector.broadcast %get3A_113 : vector<1x10000xi32> to vector<16x10000xi32>
    %eq3A_114 = arith.cmpi eq, %eq3A, %iota3A : vector<16x10000xi32>
    %convert_element_type3A_115 = arith.extui %eq3A_114 : vector<16x10000xi1> to vector<16x10000xi32>
    %convert_element_type3A_116 = arith.sitofp %convert_element_type3A_115 : vector<16x10000xi32> to vector<16x10000xf32>
    %reduce_sum3A_117 = arith.constant dense<0.000000e+00> : vector<16xf32>
    %reduce_sum3A_118 = vector.multi_reduction <add>, %convert_element_type3A_116, %reduce_sum3A_117 [1] : vector<16x10000xf32> to vector<16xf32>
    %broadcast_in_dim3A_119 = vector.shape_cast %reduce_sum3A_118 : vector<16xf32> to vector<16x1xf32>
    %dot_general3A_120 = arith.constant dense<0.000000e+00> : vector<16x128xf32>
    %dot_general3A_121 = tpu.matmul %convert_element_type3A_116, %max3A_108, %dot_general3A_120 {dimension_numbers = #tpu.dot_dimension_numbers<[1], [0], [0], [1], [0, 0, 1, 1], [], []>, transpose_lhs_hint = false} : vector<16x10000xf32>, vector<10000x128xf32>, vector<16x128xf32> -> vector<16x128xf32>
    %max3A_122 = arith.constant 1.000000e+00 : f32
    %max3A_123 = vector.broadcast %max3A_122 : f32 to vector<16x1xf32>
    %max3A_124 = arith.maximumf %broadcast_in_dim3A_119, %max3A_123 : vector<16x1xf32>
    %div3A_125 = vector.broadcast %max3A_124 : vector<16x1xf32> to vector<16x128xf32>
    %div3A_126 = arith.divf %dot_general3A_121, %div3A_125 : vector<16x128xf32>
    %gt3A_127 = arith.constant 0.000000e+00 : f32
    %gt3A_128 = vector.broadcast %gt3A_127 : f32 to vector<16x1xf32>
    %gt3A_129 = arith.cmpf ogt, %broadcast_in_dim3A_119, %gt3A_128 : vector<16x1xf32>
    %convert_element_type3A_130 = arith.extui %gt3A_129 : vector<16x1xi1> to vector<16x1xi32>
    %convert_element_type3A_131 = arith.sitofp %convert_element_type3A_130 : vector<16x1xi32> to vector<16x1xf32>
    %get3A_132 = arith.constant 0 : index
    %get3A_133 = arith.constant 0 : index
    %get3A_134 = vector.load %arg9[%get3A_132, %get3A_133] : memref<64x128xf32, #tpu.memory_space<vmem>>, vector<64x128xf32>
    %dot_general3A_135 = arith.constant dense<0.000000e+00> : vector<16x64xf32>
    %dot_general3A_136 = tpu.matmul %div3A_126, %get3A_134, %dot_general3A_135 {dimension_numbers = #tpu.dot_dimension_numbers<[1], [1], [0], [0], [0, 0, 1, 0], [], []>, transpose_lhs_hint = false} : vector<16x128xf32>, vector<64x128xf32>, vector<16x64xf32> -> vector<16x64xf32>
    %get3A_137 = arith.constant 0 : index
    %get3A_138 = arith.constant 0 : index
    %get3A_139 = vector.load %arg10[%get3A_137, %get3A_138] : memref<1x64xf32, #tpu.memory_space<vmem>>, vector<1x64xf32>
    %mul3A_140 = vector.broadcast %convert_element_type3A_131 : vector<16x1xf32> to vector<16x64xf32>
    %mul3A_141 = vector.broadcast %get3A_139 : vector<1x64xf32> to vector<16x64xf32>
    %mul3A_142 = arith.mulf %mul3A_140, %mul3A_141 : vector<16x64xf32>
    %add3A_143 = arith.addf %dot_general3A_136, %mul3A_142 : vector<16x64xf32>
    %swap3A_144 = arith.constant 0 : index
    %swap3A_145 = arith.constant 0 : index
    %swap3A_146 = vector.load %arg13[%swap3A_144, %swap3A_145] : memref<16x64xf32, #tpu.memory_space<vmem>>, vector<16x64xf32>
    tpu.vector_store %arg13[%swap3A_144, %swap3A_145], %add3A_143 {strides = array<i32>} : memref<16x64xf32, #tpu.memory_space<vmem>>, vector<16x64xf32>,
    return
  }
}

module attributes {stable_mosaic.version = 14 : i64} {
  func.func @body(%arg0: memref<10000x128xf32, #tpu.memory_space<vmem>>, %arg1: memref<2x10000x128xf32, #tpu.memory_space<vmem>>, %arg2: memref<128x128xf32, #tpu.memory_space<vmem>>, %arg3: memref<1x128xf32, #tpu.memory_space<vmem>>, %arg4: memref<1x128xf32, #tpu.memory_space<vmem>>, %arg5: memref<1x128xf32, #tpu.memory_space<vmem>>, %arg6: memref<128x128xf32, #tpu.memory_space<vmem>>, %arg7: memref<1x128xf32, #tpu.memory_space<vmem>>, %arg8: memref<1x128xf32, #tpu.memory_space<vmem>>, %arg9: memref<1x128xf32, #tpu.memory_space<vmem>>, %arg10: memref<64x128xf32, #tpu.memory_space<vmem>>, %arg11: memref<1x64xf32, #tpu.memory_space<vmem>>, %arg12: memref<1x10000xi32, #tpu.memory_space<vmem>>, %arg13: memref<16x64xf32, #tpu.memory_space<vmem>>, %arg14: memref<16x64xf32, #tpu.memory_space<vmem>>) attributes {dimension_semantics = [], scalar_prefetch = 0 : i64, scratch_operands = 0 : i64, tpu.core_type = #tpu.core_type<tc>} {
    %get3A = arith.constant 0 : index
    %get3A_0 = arith.constant 0 : index
    %get3A_1 = vector.load %arg0[%get3A, %get3A_0] : memref<10000x128xf32, #tpu.memory_space<vmem>>, vector<10000x128xf32>
    %get3A_2 = arith.constant 0 : index
    %get3A_3 = arith.constant 0 : index
    %get3A_4 = arith.constant 0 : index
    %get3A_5 = vector.load %arg1[%get3A_2, %get3A_3, %get3A_4] : memref<2x10000x128xf32, #tpu.memory_space<vmem>>, vector<1x10000x128xf32>
    %get3A_6 = vector.shape_cast %get3A_5 : vector<1x10000x128xf32> to vector<10000x128xf32>
    %add3A = arith.addf %get3A_1, %get3A_6 : vector<10000x128xf32>
    %get3A_7 = arith.constant 1 : index
    %get3A_8 = arith.constant 0 : index
    %get3A_9 = arith.constant 0 : index
    %get3A_10 = vector.load %arg1[%get3A_7, %get3A_8, %get3A_9] : memref<2x10000x128xf32, #tpu.memory_space<vmem>>, vector<1x10000x128xf32>
    %get3A_11 = vector.shape_cast %get3A_10 : vector<1x10000x128xf32> to vector<10000x128xf32>
    %add3A_12 = arith.addf %add3A, %get3A_11 : vector<10000x128xf32>
    %get3A_13 = arith.constant 0 : index
    %get3A_14 = arith.constant 0 : index
    %get3A_15 = vector.load %arg2[%get3A_13, %get3A_14] : memref<128x128xf32, #tpu.memory_space<vmem>>, vector<128x128xf32>
    %get3A_16 = arith.constant 0 : index
    %get3A_17 = arith.constant 0 : index
    %get3A_18 = vector.load %arg3[%get3A_16, %get3A_17] : memref<1x128xf32, #tpu.memory_space<vmem>>, vector<1x128xf32>
    %get3A_19 = arith.constant 0 : index
    %get3A_20 = arith.constant 0 : index
    %get3A_21 = vector.load %arg4[%get3A_19, %get3A_20] : memref<1x128xf32, #tpu.memory_space<vmem>>, vector<1x128xf32>
    %get3A_22 = arith.constant 0 : index
    %get3A_23 = arith.constant 0 : index
    %get3A_24 = vector.load %arg5[%get3A_22, %get3A_23] : memref<1x128xf32, #tpu.memory_space<vmem>>, vector<1x128xf32>
    %get3A_25 = arith.constant 0 : index
    %get3A_26 = arith.constant 0 : index
    %get3A_27 = vector.load %arg6[%get3A_25, %get3A_26] : memref<128x128xf32, #tpu.memory_space<vmem>>, vector<128x128xf32>
    %get3A_28 = arith.constant 0 : index
    %get3A_29 = arith.constant 0 : index
    %get3A_30 = vector.load %arg7[%get3A_28, %get3A_29] : memref<1x128xf32, #tpu.memory_space<vmem>>, vector<1x128xf32>
    %get3A_31 = arith.constant 0 : index
    %get3A_32 = arith.constant 0 : index
    %get3A_33 = vector.load %arg8[%get3A_31, %get3A_32] : memref<1x128xf32, #tpu.memory_space<vmem>>, vector<1x128xf32>
    %get3A_34 = arith.constant 0 : index
    %get3A_35 = arith.constant 0 : index
    %get3A_36 = vector.load %arg9[%get3A_34, %get3A_35] : memref<1x128xf32, #tpu.memory_space<vmem>>, vector<1x128xf32>
    %transpose3A = tpu.transpose %get3A_15, [1, 0] : vector<128x128xf32> -> vector<128x128xf32>
    %dot_general3A = arith.constant dense<0.000000e+00> : vector<10000x128xf32>
    %dot_general3A_37 = tpu.matmul %add3A_12, %transpose3A, %dot_general3A {dimension_numbers = #tpu.dot_dimension_numbers<[1], [0], [0], [1], [0, 0, 1, 1], [], []>, transpose_lhs_hint = false} : vector<10000x128xf32>, vector<128x128xf32>, vector<10000x128xf32> -> vector<10000x128xf32>
    %add3A_38 = vector.broadcast %get3A_18 : vector<1x128xf32> to vector<10000x128xf32>
    %add3A_39 = arith.addf %dot_general3A_37, %add3A_38 : vector<10000x128xf32>
    %reduce_sum3A = arith.constant dense<0.000000e+00> : vector<128xf32>
    %reduce_sum3A_40 = vector.multi_reduction <add>, %add3A_39, %reduce_sum3A [0] : vector<10000x128xf32> to vector<128xf32>
    %div3A = arith.constant 1.000000e+04 : f32
    %div3A_41 = vector.broadcast %div3A : f32 to vector<128xf32>
    %div3A_42 = arith.divf %reduce_sum3A_40, %div3A_41 : vector<128xf32>
    %jit3A = arith.constant 0 : i32
    %reduce_sum3A_43 = arith.constant dense<0.000000e+00> : vector<128xf32>
    %reduce_sum3A_44 = vector.multi_reduction <add>, %add3A_39, %reduce_sum3A_43 [0] : vector<10000x128xf32> to vector<128xf32>
    %broadcast_in_dim3A = vector.shape_cast %reduce_sum3A_44 : vector<128xf32> to vector<1x128xf32>
    %div3A_45 = arith.constant 1.000000e+04 : f32
    %div3A_46 = vector.broadcast %div3A_45 : f32 to vector<1x128xf32>
    %div3A_47 = arith.divf %broadcast_in_dim3A, %div3A_46 : vector<1x128xf32>
    %sub3A = vector.broadcast %div3A_47 : vector<1x128xf32> to vector<10000x128xf32>
    %sub3A_48 = arith.subf %add3A_39, %sub3A : vector<10000x128xf32>
    %square3A = arith.mulf %sub3A_48, %sub3A_48 : vector<10000x128xf32>
    %convert_element_type3A = arith.sitofp %jit3A : i32 to f32
    %sub3A_49 = arith.constant 1.000000e+04 : f32
    %sub3A_50 = arith.subf %sub3A_49, %convert_element_type3A : f32
    %reduce_sum3A_51 = arith.constant dense<0.000000e+00> : vector<128xf32>
    %reduce_sum3A_52 = vector.multi_reduction <add>, %square3A, %reduce_sum3A_51 [0] : vector<10000x128xf32> to vector<128xf32>
    %div3A_53 = vector.broadcast %sub3A_50 : f32 to vector<128xf32>
    %div3A_54 = arith.divf %reduce_sum3A_52, %div3A_53 : vector<128xf32>
    %gt3A = arith.constant 0.000000e+00 : f32
    %gt3A_55 = arith.cmpf ogt, %sub3A_50, %gt3A : f32
    %jit3A_56 = arith.constant 0x7FC00000 : f32
    %broadcast_in_dim3A_57 = vector.broadcast %jit3A_56 : f32 to vector<128xf32>
    %select_n3A = arith.select %gt3A_55, %div3A_54, %broadcast_in_dim3A_57 : vector<128xf32>
    %broadcast_in_dim3A_58 = vector.shape_cast %div3A_42 : vector<128xf32> to vector<1x128xf32>
    %sub3A_59 = vector.broadcast %broadcast_in_dim3A_58 : vector<1x128xf32> to vector<10000x128xf32>
    %sub3A_60 = arith.subf %add3A_39, %sub3A_59 : vector<10000x128xf32>
    %add3A_61 = arith.constant 9.99999974E-6 : f32
    %add3A_62 = vector.broadcast %add3A_61 : f32 to vector<128xf32>
    %add3A_63 = arith.addf %select_n3A, %add3A_62 : vector<128xf32>
    %sqrt3A = math.sqrt %add3A_63 : vector<128xf32>
    %broadcast_in_dim3A_64 = vector.shape_cast %sqrt3A : vector<128xf32> to vector<1x128xf32>
    %div3A_65 = vector.broadcast %broadcast_in_dim3A_64 : vector<1x128xf32> to vector<10000x128xf32>
    %div3A_66 = arith.divf %sub3A_60, %div3A_65 : vector<10000x128xf32>
    %mul3A = vector.broadcast %get3A_21 : vector<1x128xf32> to vector<10000x128xf32>
    %mul3A_67 = arith.mulf %div3A_66, %mul3A : vector<10000x128xf32>
    %add3A_68 = vector.broadcast %get3A_24 : vector<1x128xf32> to vector<10000x128xf32>
    %add3A_69 = arith.addf %mul3A_67, %add3A_68 : vector<10000x128xf32>
    %max3A = arith.constant 0.000000e+00 : f32
    %max3A_70 = vector.broadcast %max3A : f32 to vector<10000x128xf32>
    %max3A_71 = arith.maximumf %add3A_69, %max3A_70 : vector<10000x128xf32>
    %transpose3A_72 = tpu.transpose %get3A_27, [1, 0] : vector<128x128xf32> -> vector<128x128xf32>
    %dot_general3A_73 = arith.constant dense<0.000000e+00> : vector<10000x128xf32>
    %dot_general3A_74 = tpu.matmul %max3A_71, %transpose3A_72, %dot_general3A_73 {dimension_numbers = #tpu.dot_dimension_numbers<[1], [0], [0], [1], [0, 0, 1, 1], [], []>, transpose_lhs_hint = false} : vector<10000x128xf32>, vector<128x128xf32>, vector<10000x128xf32> -> vector<10000x128xf32>
    %add3A_75 = vector.broadcast %get3A_30 : vector<1x128xf32> to vector<10000x128xf32>
    %add3A_76 = arith.addf %dot_general3A_74, %add3A_75 : vector<10000x128xf32>
    %reduce_sum3A_77 = arith.constant dense<0.000000e+00> : vector<128xf32>
    %reduce_sum3A_78 = vector.multi_reduction <add>, %add3A_76, %reduce_sum3A_77 [0] : vector<10000x128xf32> to vector<128xf32>
    %div3A_79 = arith.constant 1.000000e+04 : f32
    %div3A_80 = vector.broadcast %div3A_79 : f32 to vector<128xf32>
    %div3A_81 = arith.divf %reduce_sum3A_78, %div3A_80 : vector<128xf32>
    %jit3A_82 = arith.constant 0 : i32
    %reduce_sum3A_83 = arith.constant dense<0.000000e+00> : vector<128xf32>
    %reduce_sum3A_84 = vector.multi_reduction <add>, %add3A_76, %reduce_sum3A_83 [0] : vector<10000x128xf32> to vector<128xf32>
    %broadcast_in_dim3A_85 = vector.shape_cast %reduce_sum3A_84 : vector<128xf32> to vector<1x128xf32>
    %div3A_86 = arith.constant 1.000000e+04 : f32
    %div3A_87 = vector.broadcast %div3A_86 : f32 to vector<1x128xf32>
    %div3A_88 = arith.divf %broadcast_in_dim3A_85, %div3A_87 : vector<1x128xf32>
    %sub3A_89 = vector.broadcast %div3A_88 : vector<1x128xf32> to vector<10000x128xf32>
    %sub3A_90 = arith.subf %add3A_76, %sub3A_89 : vector<10000x128xf32>
    %square3A_91 = arith.mulf %sub3A_90, %sub3A_90 : vector<10000x128xf32>
    %convert_element_type3A_92 = arith.sitofp %jit3A_82 : i32 to f32
    %sub3A_93 = arith.constant 1.000000e+04 : f32
    %sub3A_94 = arith.subf %sub3A_93, %convert_element_type3A_92 : f32
    %reduce_sum3A_95 = arith.constant dense<0.000000e+00> : vector<128xf32>
    %reduce_sum3A_96 = vector.multi_reduction <add>, %square3A_91, %reduce_sum3A_95 [0] : vector<10000x128xf32> to vector<128xf32>
    %div3A_97 = vector.broadcast %sub3A_94 : f32 to vector<128xf32>
    %div3A_98 = arith.divf %reduce_sum3A_96, %div3A_97 : vector<128xf32>
    %gt3A_99 = arith.constant 0.000000e+00 : f32
    %gt3A_100 = arith.cmpf ogt, %sub3A_94, %gt3A_99 : f32
    %jit3A_101 = arith.constant 0x7FC00000 : f32
    %broadcast_in_dim3A_102 = vector.broadcast %jit3A_101 : f32 to vector<128xf32>
    %select_n3A_103 = arith.select %gt3A_100, %div3A_98, %broadcast_in_dim3A_102 : vector<128xf32>
    %broadcast_in_dim3A_104 = vector.shape_cast %div3A_81 : vector<128xf32> to vector<1x128xf32>
    %sub3A_105 = vector.broadcast %broadcast_in_dim3A_104 : vector<1x128xf32> to vector<10000x128xf32>
    %sub3A_106 = arith.subf %add3A_76, %sub3A_105 : vector<10000x128xf32>
    %add3A_107 = arith.constant 9.99999974E-6 : f32
    %add3A_108 = vector.broadcast %add3A_107 : f32 to vector<128xf32>
    %add3A_109 = arith.addf %select_n3A_103, %add3A_108 : vector<128xf32>
    %sqrt3A_110 = math.sqrt %add3A_109 : vector<128xf32>
    %broadcast_in_dim3A_111 = vector.shape_cast %sqrt3A_110 : vector<128xf32> to vector<1x128xf32>
    %div3A_112 = vector.broadcast %broadcast_in_dim3A_111 : vector<1x128xf32> to vector<10000x128xf32>
    %div3A_113 = arith.divf %sub3A_106, %div3A_112 : vector<10000x128xf32>
    %mul3A_114 = vector.broadcast %get3A_33 : vector<1x128xf32> to vector<10000x128xf32>
    %mul3A_115 = arith.mulf %div3A_113, %mul3A_114 : vector<10000x128xf32>
    %add3A_116 = vector.broadcast %get3A_36 : vector<1x128xf32> to vector<10000x128xf32>
    %add3A_117 = arith.addf %mul3A_115, %add3A_116 : vector<10000x128xf32>
    %max3A_118 = arith.constant 0.000000e+00 : f32
    %max3A_119 = vector.broadcast %max3A_118 : f32 to vector<10000x128xf32>
    %max3A_120 = arith.maximumf %add3A_117, %max3A_119 : vector<10000x128xf32>
    %get3A_121 = arith.constant 0 : index
    %get3A_122 = arith.constant 0 : index
    %get3A_123 = vector.load %arg12[%get3A_121, %get3A_122] : memref<1x10000xi32, #tpu.memory_space<vmem>>, vector<1x10000xi32>
    %iota3A = tpu.iota {dimensions = array<i32: 0>} : vector<16x10000xi32>
    %eq3A = vector.broadcast %get3A_123 : vector<1x10000xi32> to vector<16x10000xi32>
    %eq3A_124 = arith.cmpi eq, %eq3A, %iota3A : vector<16x10000xi32>
    %convert_element_type3A_125 = arith.extui %eq3A_124 : vector<16x10000xi1> to vector<16x10000xi32>
    %convert_element_type3A_126 = arith.sitofp %convert_element_type3A_125 : vector<16x10000xi32> to vector<16x10000xf32>
    %reduce_sum3A_127 = arith.constant dense<0.000000e+00> : vector<16xf32>
    %reduce_sum3A_128 = vector.multi_reduction <add>, %convert_element_type3A_126, %reduce_sum3A_127 [1] : vector<16x10000xf32> to vector<16xf32>
    %broadcast_in_dim3A_129 = vector.shape_cast %reduce_sum3A_128 : vector<16xf32> to vector<16x1xf32>
    %dot_general3A_130 = arith.constant dense<0.000000e+00> : vector<16x128xf32>
    %dot_general3A_131 = tpu.matmul %convert_element_type3A_126, %max3A_120, %dot_general3A_130 {dimension_numbers = #tpu.dot_dimension_numbers<[1], [0], [0], [1], [0, 0, 1, 1], [], []>, transpose_lhs_hint = false} : vector<16x10000xf32>, vector<10000x128xf32>, vector<16x128xf32> -> vector<16x128xf32>
    %max3A_132 = arith.constant 1.000000e+00 : f32
    %max3A_133 = vector.broadcast %max3A_132 : f32 to vector<16x1xf32>
    %max3A_134 = arith.maximumf %broadcast_in_dim3A_129, %max3A_133 : vector<16x1xf32>
    %div3A_135 = vector.broadcast %max3A_134 : vector<16x1xf32> to vector<16x128xf32>
    %div3A_136 = arith.divf %dot_general3A_131, %div3A_135 : vector<16x128xf32>
    %get3A_137 = arith.constant 0 : index
    %get3A_138 = arith.constant 0 : index
    %get3A_139 = vector.load %arg13[%get3A_137, %get3A_138] : memref<16x64xf32, #tpu.memory_space<vmem>>, vector<16x64xf32>
    %get3A_140 = arith.constant 0 : index
    %get3A_141 = arith.constant 0 : index
    %get3A_142 = vector.load %arg10[%get3A_140, %get3A_141] : memref<64x128xf32, #tpu.memory_space<vmem>>, vector<64x128xf32>
    %dot_general3A_143 = arith.constant dense<0.000000e+00> : vector<16x64xf32>
    %dot_general3A_144 = tpu.matmul %div3A_136, %get3A_142, %dot_general3A_143 {dimension_numbers = #tpu.dot_dimension_numbers<[1], [1], [0], [0], [0, 0, 1, 0], [], []>, transpose_lhs_hint = false} : vector<16x128xf32>, vector<64x128xf32>, vector<16x64xf32> -> vector<16x64xf32>
    %add3A_145 = arith.addf %get3A_139, %dot_general3A_144 : vector<16x64xf32>
    %get3A_146 = arith.constant 0 : index
    %get3A_147 = arith.constant 0 : index
    %get3A_148 = vector.load %arg11[%get3A_146, %get3A_147] : memref<1x64xf32, #tpu.memory_space<vmem>>, vector<1x64xf32>
    %add3A_149 = vector.broadcast %get3A_148 : vector<1x64xf32> to vector<16x64xf32>
    %add3A_150 = arith.addf %add3A_145, %add3A_149 : vector<16x64xf32>
    %reduce_max3A = arith.constant dense<0xFF800000> : vector<16xf32>
    %reduce_max3A_151 = vector.multi_reduction <maximumf>, %add3A_150, %reduce_max3A [1] : vector<16x64xf32> to vector<16xf32>
    %broadcast_in_dim3A_152 = vector.shape_cast %reduce_max3A_151 : vector<16xf32> to vector<16x1xf32>
    %sub3A_153 = vector.broadcast %broadcast_in_dim3A_152 : vector<16x1xf32> to vector<16x64xf32>
    %sub3A_154 = arith.subf %add3A_150, %sub3A_153 : vector<16x64xf32>
    %exp3A = math.exp %sub3A_154 : vector<16x64xf32>
    %reduce_sum3A_155 = arith.constant dense<0.000000e+00> : vector<16xf32>
    %reduce_sum3A_156 = vector.multi_reduction <add>, %exp3A, %reduce_sum3A_155 [1] : vector<16x64xf32> to vector<16xf32>
    %broadcast_in_dim3A_157 = vector.shape_cast %reduce_sum3A_156 : vector<16xf32> to vector<16x1xf32>
    %div3A_158 = vector.broadcast %broadcast_in_dim3A_157 : vector<16x1xf32> to vector<16x64xf32>
    %div3A_159 = arith.divf %exp3A, %div3A_158 : vector<16x64xf32>
    %swap3A = arith.constant 0 : index
    %swap3A_160 = arith.constant 0 : index
    %swap3A_161 = vector.load %arg14[%swap3A, %swap3A_160] : memref<16x64xf32, #tpu.memory_space<vmem>>, vector<16x64xf32>
    tpu.vector_store %arg14[%swap3A, %swap3A_160], %div3A_159 {strides = array<i32>} : memref<16x64xf32, #tpu.memory_space<vmem>>, vector<16x64xf32>,
    return
  }
}

</mosaic_0001>

<sc_bundles>
// kernel: kernel.11.cloned.1.call-start
scs
__scs_entry_jumppad:
0x0: {  	(pc) =	sbr.rel $0x88, $3  }
0x1: {  	(tag) =	ssettag $0x0;
	lr =	simm.s32 $0x1  }
0x2: {  	[smem:$0x3F7F] =	sst lr;
	_ =	strace $0xD0000000  }
0x3: {  	_ = 	snop  }
0x4: {  	_ = 	snop  }
0x5: {  	_ = 	snop  }
0x6: {  	_ = 	snop  }
0x7: {  	_ = 	snop  }
__scs_overlays_trampoline_lowered:
0x8: {  	[smem:$0x3F8E] =	sst s0  }
0x9: {  	[smem:$0x3F8F] =	sst s1  }
0xa: {  	[smem:$0x3F90] =	sst s2  }
0xb: {  	[smem:$0x3F91] =	sst s3  }
0xc: {  	[smem:$0x3F92] =	sst s4  }
0xd: {  	[smem:$0x3F93] =	sst s5  }
0xe: {  	[smem:$0x3F94] =	sst s6  }
0xf: {  	[smem:$0x3F95] =	sst s7  }
0x10: {  	[smem:$0x3F96] =	sst s8  }
0x11: {  	[smem:$0x3F97] =	sst s9;
	s0 =	simm.s32 @!p0 $0x0  }
0x12: {  	s1 =	sld [smem:$0x3F7D];
	s0 =	simm.s32 @p0 $0x1  }
0x13: {  	[smem:$0x3F98] =	sst s0;
	s0 =	simm.s32 @!p1 $0x0  }
0x14: {  	s2 =	sld [smem:$0x3F7C];
	s0 =	simm.s32 @p1 $0x1  }
0x15: {  	[smem:$0x3F99] =	sst s0;
	s0 =	simm.s32 @!p2 $0x0  }
0x16: {  	s3 =	sld [smem:$0x3FDB];
	s0 =	simm.s32 @p2 $0x1  }
0x17: {  	s4 =	simm.s32 $0x1BF5;
	[smem:$0x3F9B] =	sst s0  }
0x18: {  	s0 =	sld [smem:$0x3F7E];
	_ =	swait.ge [sflag:s4], $0x0  }
0x19: {  	s7 =	sld [smem:$0x3F7F]  }
0x1a: {  	s8 =	sadd.s32 $0xFFFFE003, lr  }
0x1b: {  	s9 =	sadd.s32 $0xFFFFFEF7, lr;
	s5 =	simm.s32 $0xFFFFFFFF;
	p2 =	slt.u32 s8, $0xFFFFF086  }
0x1c: {  	p1 =	slt.u32 s9, $0xF7A;
	s5 =	simm.s32 @!p2 $0x0  }
0x1d: {  	s5 =	simm.s32 @p1 $0x1;
	p0 =	seq.s32 s7, s2  }
0x1e: {  	s7 =	smul.u32 @!p0 $0xF7A, s2;
	p2 =	seq.s32 @!p0 s5, $0x0  }
0x1f: {  	s9 =	smul.u32 $0xF7A, s1;
	s8 =	simm.s32 @!p0 $0x1BF5;
	p2 =	por !p2, p0  }
0x20: {  	[sflag:s8] =	ssyncset.s32 @!p0 $0xFFFFF086;
	s6 =	sadd.s32 @!p0 s3, s7;
	s7 =	simm.s32 @!p0 $0x108  }
0x21: {  	s3 =	sadd.s32 s3, s9;
	s6 =	sadd.s32 @!p0 $0x88, s6;
	s7 =	simm.s32 @p2 $0x1082  }
0x22: {  	[simem:s7], [sflag:s8] =	dma.local @!p0 [hbm:s6], $0xF7A  }
0x23: {  	s9 =	sor.u32 $0xD0000000, s2;
	s6 =	simm.s32 $0x108;
	_ =	swait.ge @!p0 [sflag:s8], $0x0  }
0x24: {  	s3 =	sadd.s32 $0x88, s3;
	s6 =	simm.s32 @!p1 $0x1082;
	[sflag:s4] =	ssyncset.s32 $0xFFFFF086  }
0x25: {  	[simem:s6], [sflag:s4] =	dma.local [hbm:s3], $0xF7A  }
0x26: {  	[smem:$0x3F7F] =	sst s1;
	(tag) =	ssettag s2;
	_ =	strace s9  }
0x27: {  	s1 =	sld [smem:$0x3F8F]  }
0x28: {  	s2 =	sld [smem:$0x3F90]  }
0x29: {  	s4 =	sld [smem:$0x3F92]  }
0x2a: {  	p0 =	seq.s32 s5, $0x0;
	s5 =	sld [smem:$0x3F93]  }
0x2b: {  	s6 =	sld [smem:$0x3F94]  }
0x2c: {  	s7 =	sld [smem:$0x3F95]  }
0x2d: {  	s3 =	simm.s32 $0x108;
	s8 =	sld [smem:$0x3F96]  }
0x2e: {  	s3 =	simm.s32 @!p0 $0x1082;
	s9 =	sld [smem:$0x3F97]  }
0x2f: {  	lr =	sadd.s32 s0, s3;
	s0 =	sld [smem:$0x3F8E]  }
0x30: {  	s3 =	sld [smem:$0x3F91]  }
0x31: {  	[smem:$0x3F9A] =	sst s10  }
0x32: {  	s10 =	sld [smem:$0x3F98];
	_ =	sdelay $0x3  }
0x33: {  	p0 =	seq.s32 s10, $0x1;
	s10 =	sld [smem:$0x3F9A];
	_ =	sdelay $0x3  }
0x34: {  	[smem:$0x3F9A] =	sst s10  }
0x35: {  	s10 =	sld [smem:$0x3F99];
	_ =	sdelay $0x3  }
0x36: {  	p1 =	seq.s32 s10, $0x1;
	s10 =	sld [smem:$0x3F9A];
	_ =	sdelay $0x3  }
0x37: {  	[smem:$0x3F9A] =	sst s10  }
0x38: {  	s10 =	sld [smem:$0x3F9B]  }
0x39: {  	_ = 	snop;
	(pc) =	sbr.ind lr, $3  }
0x3a: {  	_ = 	snop  }
0x3b: {  	_ = 	snop  }
0x3c: {  	p2 =	seq.s32 s10, $0x1;
	s10 =	sld [smem:$0x3F9A]  }
0x3d: {  	_ =	shalt  }
0x3e: {  	_ =	shalt  }
0x3f: {  	_ =	shalt  }
0x40: {  	_ =	shalt  }
0x41: {  	_ =	shalt  }
0x42: {  	_ =	shalt  }
0x43: {  	_ =	shalt  }
0x44: {  	_ =	shalt  }
0x45: {  	_ =	shalt  }
0x46: {  	_ =	shalt  }
0x47: {  	_ =	shalt  }
0x48: {  	_ =	shalt  }
0x49: {  	_ =	shalt  }
0x4a: {  	_ =	shalt  }
0x4b: {  	_ =	shalt  }
0x4c: {  	_ =	shalt  }
0x4d: {  	_ =	shalt  }
0x4e: {  	_ =	shalt  }
0x4f: {  	_ =	shalt  }
0x50: {  	_ =	shalt  }
0x51: {  	_ =	shalt  }
0x52: {  	_ =	shalt  }
0x53: {  	_ =	shalt  }
0x54: {  	_ =	shalt  }
0x55: {  	_ =	shalt  }
0x56: {  	_ =	shalt  }
0x57: {  	_ =	shalt  }
0x58: {  	_ =	shalt  }
0x59: {  	_ =	shalt  }
0x5a: {  	_ =	shalt  }
0x5b: {  	_ =	shalt  }
0x5c: {  	_ =	shalt  }
0x5d: {  	_ =	shalt  }
0x5e: {  	_ =	shalt  }
0x5f: {  	_ =	shalt  }
0x60: {  	_ =	shalt  }
0x61: {  	_ =	shalt  }
0x62: {  	_ =	shalt  }
0x63: {  	_ =	shalt  }
0x64: {  	_ =	shalt  }
0x65: {  	_ =	shalt  }
0x66: {  	_ =	shalt  }
0x67: {  	_ =	shalt  }
0x68: {  	_ =	shalt  }
0x69: {  	_ =	shalt  }
0x6a: {  	_ =	shalt  }
0x6b: {  	_ =	shalt  }
0x6c: {  	_ =	shalt  }
0x6d: {  	_ =	shalt  }
0x6e: {  	_ =	shalt  }
0x6f: {  	_ =	shalt  }
0x70: {  	_ =	shalt  }
0x71: {  	_ =	shalt  }
0x72: {  	_ =	shalt  }
0x73: {  	_ =	shalt  }
0x74: {  	_ =	shalt  }
0x75: {  	_ =	shalt  }
0x76: {  	_ =	shalt  }
0x77: {  	_ =	shalt  }
0x78: {  	_ =	shalt  }
0x79: {  	_ =	shalt  }
0x7a: {  	_ =	shalt  }
0x7b: {  	_ =	shalt  }
0x7c: {  	_ =	shalt  }
0x7d: {  	_ =	shalt  }
0x7e: {  	_ =	shalt  }
0x7f: {  	_ =	shalt  }
0x80: {  	_ =	shalt  }
0x81: {  	_ =	shalt  }
0x82: {  	_ =	shalt  }
0x83: {  	_ =	shalt  }
0x84: {  	_ =	shalt  }
0x85: {  	_ =	shalt  }
0x86: {  	_ =	shalt  }
0x87: {  	_ =	shalt  }
.Lfunc_end0:
.L_simem_size_0:
called_computation.1_lowered:
.L_overlay_start_0:
0x88: {  	s2 =	sld [smem:$0x3FD9]  }
0x89: {  	s3 =	sld [smem:$0x3FFE];
	_ =	sdelay $0x1  }
0x8a: {  	s1 =	srdreg.scid  }
0x8b: {  	s0 =	sand.u32 $0x1, s1  }
0x8c: {  	s16 =	sshll.u32 s0, $0xA;
	s2 =	sadd.s32 s3, s2  }
0x8d: {  	s2 =	sadd.s32 s2, s16  }
0x8e: {  	[smem:$0x3FA6] =	sst s2  }
0x8f: {  	_ = 	snop  }
0x90: {  	(tm) =	ssettm $0x1  }
0x91: {  	s17 =	sld [smem:$0x3FFB];
	_ =	sdelay $0x3  }
0x92: {  	_ =	strace s17  }
0x93: {  	s2 =	sld [smem:$0x3FFC];
	_ =	sdelay $0x3  }
0x94: {  	_ =	strace s2  }
0x95: {  	s2 =	sld [smem:$0x3FFD];
	_ =	sdelay $0x3  }
0x96: {  	_ =	strace s2  }
0x97: {  	_ =	strace $0x8FFFFFFF  }
0x98: {  	s18 =	sld [smem:$0x3FDB];
	_ =	sdelay $0x1  }
0x99: {  	s19 =	simm.s32 $_scs_section_size  }
0x9a: {  	s4 =	simm.s32 $_size__tile_overlayer_lowered;
	s5 =	simm.s32 $_tile_overlayer_lowered  }
0x9b: {  	s22 =	simm.s32 $0x1BFF;
	s21 =	sshll.u32 s5, $0x1;
	s2 =	sadd.s32 s19, s18  }
0x9c: {  	s6 =	simm.s32 $0x0;
	s20 =	sshll.u32 s4, $0x1;
	s4 =	sadd.s32 s21, s2  }
0x9d: {  	[timem:s6], [sflag:s22] =	dma.local [hbm:s4], s20  }
0x9e: {  	_ =	swait.ge [sflag:s22], s20  }
0x9f: {  	s3 =	ssub.s32 $0x0, s20;
	[sflag:s22] =	ssyncset.done $0x0  }
0xa0: {  	[sflag:s22] =	ssyncadd.s32 s3;
	_ =	sdelay $0x1  }
0xa1: {  	s23 =	simm.s32 $0x1B8B  }
0xa2: {  	_ =	swait.ge [sflag:s23], $0x1  }
0xa3: {  	[sflag:s23] =	ssyncset.done $0x0  }
0xa4: {  	s25 =	simm.s32 $0x1B8E;
	s24 =	sld [smem:$0x3FFE];
	[sflag:s23] =	ssyncadd.s32 $0xFFFFFFFF  }
0xa5: {  	s26 =	simm.s32 $execute0_lowered;
	[smem:$0x3FD2] =	sst s25  }
0xa6: {  	s4 =	sshll.u32 s26, $0x1;
	_ =	strace $0x80000049;
	[dreg:$0x1] =	wrdreg $0xFFFFFFFF  }
0xa7: {  	s28 =	simm.s32 $_size_execute0_lowered;
	s2 =	sadd.s32 s2, s4;
	[dreg:$0x0] =	wrdreg $0x0  }
0xa8: {  	s4 =	sshll.u32 s28, $0x1;
	[dreg:$0x2] =	wrdreg s2  }
0xa9: {  	[dreg:$0x3] =	wrdreg s4  }
0xaa: {  	[dreg:$0x4] =	wrdreg $0xC0  }
0xab: {  	_ =	task [dreg:s6], $0x5FFFF  }
0xac: {  	[dreg:$0x1] =	wrdreg $0xFFFFFFFF  }
0xad: {  	[dreg:$0x0] =	wrdreg $0x60  }
0xae: {  	[dreg:$0x2] =	wrdreg s24  }
0xaf: {  	[dreg:$0x3] =	wrdreg $0xA8000  }
0xb0: {  	[dreg:$0x4] =	wrdreg $0x9  }
0xb1: {  	_ =	task.clear_ibuf [dreg:s6], $0x5FFFF;
	_ =	strace $0x90000049  }
0xb2: {  	s29 =	simm.s32 $0x9;
	_ =	strace $0x8000004B  }
0xb3: {  	_ =	swait.ge [sflag:s29], $0x1  }
0xb4: {  	[sflag:s29] =	ssyncadd.s32 $0xFFFFFFFF  }
0xb5: {  	_ =	strace $0x9000004B  }
0xb6: {  	_ =	sfence  }
0xb7: {  	s30 =	sld [smem:$0x0];
	_ =	sdelay $0x2  }
0xb8: {  	s31 =	sshll.u32 s1, $0xD;
	s1 =	sshrl.u32 s1, $0x2  }
0xb9: {  	s3 =	sand.u32 $0x4000, s31;
	s1 =	sadd.s32 s1, s30  }
0xba: {  	s0 =	sor.u32 s3, s0;
	s1 =	sshll.u32 s1, $0x11  }
0xbb: {  	s0 =	sor.u32 s1, s0  }
0xbc: {  	s0 =	sadd.s32 $0x8F2B, s0  }
0xbd: {  	[sflag:s0] =	ssyncadd.remote.s32 $0x1  }
0xbe: {  	_ =	sfence.sel $0xFFFF  }
0xbf: {  	[dreg:$0x0] =	wrdreg $0xFFFFFFFF;
	(pc) =	sbr.abs _section_cstart, $3  }
0xc0: {  	[dreg:$0x1] =	wrdreg $0xFFFFFFFF  }
0xc1: {  	_ =	task.clear_ibuf [dreg:s6], $0x2FFFF;
	_ =	strace $0x9FFFFFFF  }
0xc2: {  	(tm) =	ssettm $0x7FFFFFFF  }
0xc3: {  	_ =	shalt  }
tec
execute0_lowered:
.L_overlay_start_1:
0x0: {  	(tag) =	ssettag $0x1  }
0x1: {  	s0 =	rddreg [dreg:$0x0]  }
0x2: {  	s1 =	rddreg [dreg:$0x1]  }
0x3: {  	s2 =	srdreg.scid;
	s21 =	stileid.u32  }
0x4: {  	s3 =	simm.s32 $0x0;
	s28 =	simm.s32 $0x280;
	s29 =	simm.s32 $0x2  }
0x5: {  	s30 =	simm.s32 $0x3700;
	s31 =	simm.s32 $0x4;
	s10 =	sand.u32 $0x1, s2  }
0x6: {  	s14 =	sshll.u32 s21, $0x1;
	[smem:$0x7FF] =	sst s3;
	s8 =	smul.u32 $0x3400, s21  }
0x7: {  	s4 =	sadd.s32 $0x2D000, s0;
	s11 =	sadd.s32 $0x40A00, s0;
	s25 =	smul.u32 $0x4E20, s21  }
0x8: {  	s22 =	sor.u32 $0x40, s21;
	p0 =	sne.s32 s21, $0x0;
	s12 =	smul.u32 $0x138800, s10  }
0x9: {  	s5 =	ssub.s32 $0x2, s10;
	s2 =	sor.u32 s10, s14;
	s10 =	smul.u32 $0x2710, s10  }
0xa: {  	_ =	strace $0x8000004A;
	s6 =	sshrl.u32 s5, $0x1;
	s7 =	smul.u32 $0x2710, s2  }
0xb: {  	s2 =	ssub.s32 s5, s6;
	s6 =	sor.u32 $0x10, s21;
	s18 =	sshrl.u32 s12, $0x3  }
0xc: {  	s8 =	sadd.s32 s12, s8;
	s10 =	sadd.s32 s10, s25;
	s15 =	sshrl.u32 s7, $0x3  }
0xd: {  	s16 =	sadd.s32 $0x68, s7;
	s13 =	sadd.s32 $0x4E268, s7;
	s9 =	smul.u32 $0x3400, s6  }
0xe: {  	s14 =	sshrl.u32 s8, $0x3;
	s8 =	sor.u32 $0x20, s21;
	s2 =	smax.u32 s2, $0x1  }
0xf: {  	s24 =	sadd.s32 s4, s15;
	s17 =	sshrl.u32 s16, $0x3;
	s16 =	smul.u32 $0x3400, s8  }
0x10: {  	s14 =	sadd.s32 s11, s14;
	s13 =	sshrl.u32 s13, $0x3;
	[dreg:$0x15] =	wrdreg s2  }
0x11: {  	s5 =	sadd.s32 s4, s17;
	s15 =	sadd.s32 s12, s9;
	[dreg:$0x8] =	wrdreg s14  }
0x12: {  	s9 =	sor.u32 $0x30, s21;
	s17 =	smul.u32 $0x3400, s22;
	[dreg:$0x6] =	wrdreg s24  }
0x13: {  	s13 =	sadd.s32 s4, s13;
	[dreg:$0x7] =	wrdreg s5;
	s5 =	sadd.s32 s11, s18  }
0x14: {  	s19 =	sshrl.u32 s15, $0x3;
	s20 =	smul.u32 $0x3400, s9;
	s23 =	sadd.s32 s12, s16  }
0x15: {  	s16 =	sadd.s32 $0x4E338, s7;
	[dreg:$0xe] =	wrdreg s13;
	s14 =	sadd.s32 s11, s19  }
0x16: {  	s18 =	sadd.s32 s12, s17;
	s19 =	sadd.s32 $0x270, s10;
	s17 =	sshrl.u32 s16, $0x3  }
0x17: {  	s13 =	sadd.s32 $0x27000, s5;
	s16 =	smul.u32 $0xD000, s22;
	[dreg:$0x9] =	wrdreg s14  }
0x18: {  	s14 =	sshrl.u32 s23, $0x3;
	s15 =	sadd.s32 s12, s20;
	s23 =	sor.u32 $0x50, s21  }
0x19: {  	s20 =	sshrl.u32 s19, $0x3;
	s19 =	sadd.s32 $0x4E408, s10;
	[dreg:$0x14] =	wrdreg s13  }
0x1a: {  	s15 =	sshrl.u32 s15, $0x3;
	s26 =	smul.u32 $0x3400, s23;
	s14 =	sadd.s32 s11, s14  }
0x1b: {  	s25 =	sadd.s32 s20, s4;
	s20 =	sshrl.u32 s19, $0x3;
	[dreg:$0xa] =	wrdreg s14  }
0x1c: {  	s15 =	sadd.s32 s11, s15;
	s14 =	sshrl.u32 s18, $0x3;
	[dreg:$0x3] =	wrdreg s25  }
0x1d: {  	s18 =	sadd.s32 $0x2698, s7;
	s25 =	sadd.s32 $0x1A0, s10;
	[dreg:$0xb] =	wrdreg s15  }
0x1e: {  	s12 =	sadd.s32 s12, s26;
	s14 =	sadd.s32 s11, s14;
	s26 =	sadd.s32 $0x4E470, s10  }
0x1f: {  	s15 =	sadd.s32 $0x138, s7;
	s7 =	sadd.s32 $0x50898, s7;
	[dreg:$0xc] =	wrdreg s14  }
0x20: {  	s12 =	sshrl.u32 s12, $0x3;
	s14 =	sadd.s32 $0x208, s10;
	s7 =	sshrl.u32 s7, $0x3  }
0x21: {  	s10 =	sadd.s32 $0x4E3A0, s10;
	s11 =	sadd.s32 s11, s12;
	s12 =	sshrl.u32 s26, $0x3  }
0x22: {  	s7 =	sadd.s32 s4, s7;
	s10 =	sshrl.u32 s10, $0x3;
	s26 =	smul.u32 $0xD000, s21  }
0x23: {  	s21 =	sadd.s32 $0x138000, s1;
	[dreg:$0xd] =	wrdreg s11;
	s11 =	sadd.s32 s12, s4  }
0x24: {  	s12 =	sshrl.u32 s14, $0x3;
	[dreg:$0x12] =	wrdreg s7;
	s7 =	sshrl.u32 s25, $0x3  }
0x25: {  	s19 =	sadd.s32 s10, s4;
	s10 =	smul.u32 $0xD000, s6;
	[smem:$0x7FD] =	sst s21  }
0x26: {  	s14 =	smul.u32 $0xD000, s9;
	s9 =	sadd.s32 $0x9C40, s24;
	[dreg:$0x4] =	wrdreg s11  }
0x27: {  	s25 =	smul.u32 $0xD000, s23;
	s23 =	sadd.s32 $0xA106, s24;
	[dreg:$0x1b] =	wrdreg s9  }
0x28: {  	s12 =	sadd.s32 s12, s4;
	s11 =	sshrl.u32 s15, $0x3;
	[smem:$0x7FA] =	sst s23  }
0x29: {  	s23 =	simm.s32 $0x68;
	s9 =	simm.s32 $0x9;
	[dreg:$0x5] =	wrdreg s12  }
0x2a: {  	s11 =	sadd.s32 s4, s11;
	s12 =	smul.u32 $0xD000, s8;
	s15 =	sshrl.u32 s10, $0x2  }
0x2b: {  	s6 =	sshrl.u32 s25, $0x2;
	s25 =	sadd.s32 $0x4E0, s24;
	[dreg:$0xf] =	wrdreg s11  }
0x2c: {  	s11 =	sadd.s32 s4, s17;
	s17 =	sadd.s32 s20, s4;
	s20 =	sadd.s32 $0x5E00, s0  }
0x2d: {  	s2 =	sadd.s32 s15, s1;
	s0 =	sshrl.u32 s14, $0x2;
	s6 =	sadd.s32 s6, s1  }
0x2e: {  	s15 =	sadd.s32 $0x1A, s24;
	[smem:$0x7FB] =	sst s25;
	s25 =	simm.s32 $0x6B00  }
0x2f: {  	[dreg:$0x10] =	wrdreg s11;
	s11 =	sshrl.u32 s18, $0x3;
	s18 =	sadd.s32 s7, s4  }
0x30: {  	s22 =	sshrl.u32 s12, $0x2;
	s2 =	sshrl.u32 s2, $0x3;
	[smem:$0x7F7] =	sst s15  }
0x31: {  	s0 =	sadd.s32 s0, s1;
	s8 =	sshrl.u32 s6, $0x3;
	[dreg:$0x16] =	wrdreg s2  }
0x32: {  	s15 =	simm.s32 $0x80;
	s11 =	sadd.s32 s4, s11;
	[dreg:$0x1a] =	wrdreg s8  }
0x33: {  	s5 =	sadd.s32 s22, s1;
	s0 =	sshrl.u32 s0, $0x3;
	[dreg:$0x11] =	wrdreg s11  }
0x34: {  	s4 =	sshrl.u32 s16, $0x2;
	s16 =	sadd.s32 $0x9C5A, s24;
	[dreg:$0x18] =	wrdreg s0  }
0x35: {  	s22 =	sadd.s32 $0x4C6, s24;
	s11 =	sshrl.u32 s26, $0x2;
	[smem:$0x7F8] =	sst s16  }
0x36: {  	s4 =	sadd.s32 s4, s1;
	s26 =	sshrl.u32 s5, $0x3;
	[smem:$0x7F9] =	sst s22  }
0x37: {  	s6 =	simm.s32 $0x6;
	[dreg:$0x17] =	wrdreg s26;
	s5 =	sshrl.u32 s4, $0x3  }
0x38: {  	s2 =	simm.s32 $0x5;
	s7 =	sadd.s32 s11, s1;
	[dreg:$0x19] =	wrdreg s5  }
0x39: {  	s8 =	simm.s32 $0x8;
	s26 =	sadd.s32 $0xA120, s24;
	[dreg:$0x13] =	wrdreg s7  }
0x3a: {  	s16 =	simm.s32 $0x200;
	s10 =	sadd.s32 $0x34000, s7;
	[smem:$0x7FC] =	sst s26  }
0x3b: {  	s22 =	simm.s32 $0x1;
	s11 =	sadd.s32 $0x68000, s7;
	[dreg:$0x1c] =	wrdreg s10  }
0x3c: {  	s0 =	simm.s32 $0x3;
	s12 =	sadd.s32 $0x9C000, s7;
	[dreg:$0x1d] =	wrdreg s11  }
0x3d: {  	s24 =	simm.s32 $0x300;
	s13 =	sadd.s32 $0xD0000, s7;
	[dreg:$0x1e] =	wrdreg s12  }
0x3e: {  	s4 =	simm.s32 $0x100;
	s14 =	sadd.s32 $0x104000, s7;
	[dreg:$0x1f] =	wrdreg s13  }
0x3f: {  	s26 =	simm.s32 $0xA;
	s5 =	simm.s32 $0x7;
	[smem:$0x7F6] =	sst s14  }
0x40: {  	v0 =	vimm.f32 $0.0e+00;
	s14 =	simm.s32 $0x180;
	s11 =	simm.s32 $0xB;
	s12 =	simm.s32 $0x0  }
.LBB2_1:
0x41: {  	s7 =	rddreg [dreg:$0x6]  }
0x42: {  	[tilespmem:s3], [sflag:$0x1] =	stream.linear.gather [hbm4b:s7+s3], $0x68, $0x38;
	[tilespmem:$0x1E080] =	vst v63  }
0x43: {  	s13 =	rddreg [dreg:$0x1b]  }
0x44: {  	[tilespmem:s14], [sflag:$0x1] =	stream.linear.gather [hbm4b:s13+s3], $0x68, $0x38;
	[tilespmem:$0x1E080] =	vst v63  }
0x45: {  	s10 =	rddreg [dreg:$0x7]  }
0x46: {  	[tilespmem:s15], [sflag:$0x2] =	stream.linear.gather [hbm4b:s10+s3], $0x68, $0x38;
	[tilespmem:$0x1E080] =	vst v63  }
0x47: {  	s13 =	rddreg [dreg:$0xe]  }
0x48: {  	[tilespmem:s16], [sflag:$0x2] =	stream.linear.gather [hbm4b:s13+s3], $0x68, $0x38;
	[tilespmem:$0x1E080] =	vst v63  }
0x49: {  	s10 =	simm.s32 $0x70;
	s13 =	simm.s32 $0x3C0  }
.LBB2_2:
0x4a: {  	p1 =	sne.s32 s13, $0xCFC0;
	[tilespmem:s10+$0x6B00] =	vst v0  }
0x4b: {  	[tilespmem:s10+$0x6A90] =	vst v0  }
0x4c: {  	[tilespmem:s10+$0x6AA0] =	vst v0  }
.Ltmp0:
0x4d: {  	[tilespmem:s10+$0x6AB0] =	vst v0;
	(pc) =	sbr.rel @p1 .LBB2_2-.Ltmp0, $4  }
0x4e: {  	[tilespmem:s10+$0x6AC0] =	vst v0  }
0x4f: {  	[tilespmem:s10+$0x6AD0] =	vst v0  }
0x50: {  	[tilespmem:s10+$0x6AE0] =	vst v0  }
0x51: {  	[tilespmem:s10+$0x6AF0] =	vst v0;
	s10 =	sshra.s32 s13, $0x2;
	s13 =	sadd.s32 $0x200, s13  }
0x52: {  	[tilespmem:s10+$0x6B00] =	vst v0  }
0x53: {  	[tilespmem:s10+$0x6A90] =	vst v0  }
0x54: {  	[tilespmem:s10+$0x6AA0] =	vst v0  }
0x55: {  	[tilespmem:s10+$0x6AB0] =	vst v0  }
0x56: {  	[tilespmem:s10+$0x6AC0] =	vst v0  }
0x57: {  	[tilespmem:s10+$0x6AD0] =	vst v0  }
0x58: {  	[tilespmem:s10+$0x6AE0] =	vst v0  }
0x59: {  	[tilespmem:s10+$0x6AF0] =	vst v0  }
0x5a: {  	_ =	swait.ge [sflag:s22], $0x68  }
0x5b: {  	[sflag:s22] =	ssyncset.done $0x0  }
0x5c: {  	[sflag:s22] =	ssyncadd.s32 $0xFFFFFF98  }
0x5d: {  	_ =	swait.ge [sflag:s22], $0x68  }
0x5e: {  	[sflag:s22] =	ssyncset.done $0x0  }
0x5f: {  	s7 =	rddreg [dreg:$0x13];
	[sflag:s22] =	ssyncadd.s32 $0xFFFFFF98  }
0x60: {  	[tilespmem:s24], [sflag:$0x4] =	stream.indirect.gather [hbm4b:s20+s23], $0x80, s3, s23, $0xb8;
	[tilespmem:$0x1E080] =	vst v63  }
0x61: {  	s13 =	rddreg [dreg:$0x1c]  }
0x62: {  	[spmem:s7] =	stream.linear.scatter [tilespmem:s25], [sflag:$0xA], $0x3400, $0x38;
	[tilespmem:$0x1E080] =	vst v63  }
0x63: {  	s10 =	rddreg [dreg:$0x1d]  }
0x64: {  	[spmem:s13] =	stream.linear.scatter [tilespmem:s25], [sflag:$0xA], $0x3400, $0x38;
	[tilespmem:$0x1E080] =	vst v63  }
0x65: {  	s13 =	rddreg [dreg:$0x1e]  }
0x66: {  	[spmem:s10] =	stream.linear.scatter [tilespmem:s25], [sflag:$0xA], $0x3400, $0x38;
	[tilespmem:$0x1E080] =	vst v63  }
0x67: {  	s10 =	rddreg [dreg:$0x1f]  }
0x68: {  	[spmem:s13] =	stream.linear.scatter [tilespmem:s25], [sflag:$0xA], $0x3400, $0x38;
	[tilespmem:$0x1E080] =	vst v63  }
0x69: {  	s13 =	sld [smem:$0x7F6]  }
0x6a: {  	[spmem:s10] =	stream.linear.scatter [tilespmem:s25], [sflag:$0xA], $0x3400, $0x38;
	[tilespmem:$0x1E080] =	vst v63  }
0x6b: {  	_ = 	snop  }
0x6c: {  	[spmem:s13] =	stream.linear.scatter [tilespmem:s25], [sflag:$0xA], $0x3400, $0x38;
	[tilespmem:$0x1E080] =	vst v63  }
0x6d: {  	s10 =	simm.s32 @!p0 $0x6B00  }
0x6e: {  	[spmem:s21] =	stream.linear.scatter @!p0 [tilespmem:s10], [sflag:$0xB], $0x800, $0x38;
	[tilespmem:$0x1E080] =	vst v63  }
0x6f: {  	s10 =	simm.s32 @!p0 $0xB  }
0x70: {  	_ =	swait.ge @!p0 [sflag:s10], $0x800  }
0x71: {  	[sflag:s10] =	ssyncset.done @!p0 $0x0  }
0x72: {  	[sflag:s10] =	ssyncadd.s32 @!p0 $0xFFFFF800  }
0x73: {  	_ =	swait.ge [sflag:s26], $0x3400  }
0x74: {  	[sflag:s26] =	ssyncset.done $0x0  }
0x75: {  	[sflag:s26] =	ssyncadd.s32 $0xFFFFCC00  }
0x76: {  	_ =	swait.ge [sflag:s26], $0x3400  }
0x77: {  	[sflag:s26] =	ssyncset.done $0x0  }
0x78: {  	[sflag:s26] =	ssyncadd.s32 $0xFFFFCC00  }
0x79: {  	_ =	swait.ge [sflag:s26], $0x3400  }
0x7a: {  	[sflag:s26] =	ssyncset.done $0x0  }
0x7b: {  	[sflag:s26] =	ssyncadd.s32 $0xFFFFCC00  }
0x7c: {  	_ =	swait.ge [sflag:s26], $0x3400  }
0x7d: {  	[sflag:s26] =	ssyncset.done $0x0  }
0x7e: {  	[sflag:s26] =	ssyncadd.s32 $0xFFFFCC00  }
0x7f: {  	_ =	swait.ge [sflag:s26], $0x3400  }
0x80: {  	[sflag:s26] =	ssyncset.done $0x0  }
0x81: {  	[sflag:s26] =	ssyncadd.s32 $0xFFFFCC00  }
0x82: {  	_ =	swait.ge [sflag:s26], $0x3400  }
0x83: {  	[sflag:s26] =	ssyncset.done $0x0  }
0x84: {  	[sflag:s26] =	ssyncadd.s32 $0xFFFFCC00  }
0x85: {  	[bflag:$0x0] =	sbarrier.arrive $0xFFFF  }
0x86: {  	s21 =	sld [smem:$0x7F7];
	_ =	sdelay $0x1  }
0x87: {  	s10 =	simm.s32 $0x0;
	s13 =	sld [smem:$0x7F8]  }
0x88: {  	[tilespmem:s4], [sflag:$0x3] =	stream.linear.gather [hbm4b:s21+s10], $0x68, $0x38;
	[tilespmem:$0x1E080] =	vst v63  }
0x89: {  	_ = 	snop  }
0x8a: {  	[tilespmem:s28], [sflag:$0x3] =	stream.linear.gather [hbm4b:s13+s10], $0x68, $0x38;
	[tilespmem:$0x1E080] =	vst v63  }
0x8b: {  	_ =	swait.ge [sflag:s29], $0x68  }
0x8c: {  	[sflag:s29] =	ssyncset.done $0x0  }
0x8d: {  	[sflag:s29] =	ssyncadd.s32 $0xFFFFFF98  }
0x8e: {  	_ =	swait.ge [sflag:s29], $0x68  }
0x8f: {  	[sflag:s29] =	ssyncset.done $0x0  }
0x90: {  	[sflag:s29] =	ssyncadd.s32 $0xFFFFFF98  }
0x91: {  	[tilespmem:s30], [sflag:$0x5] =	stream.indirect.gather [hbm4b:s20+s23], $0x80, s15, s23, $0xb8;
	[tilespmem:$0x1E080] =	vst v63  }
0x92: {  	_ =	swait.ge [sflag:s31], $0x3400  }
0x93: {  	[sflag:s31] =	ssyncset.done $0x0  }
0x94: {  	[sflag:s31] =	ssyncadd.s32 $0xFFFFCC00  }
0x95: {  	[spmem:s1] =	stream.indirect.scatter.add.f32 [tilespmem:s24], [sflag:$0x7], $0x80, s14, s23, $0xb8;
	[tilespmem:$0x1E080] =	vst v63  }
0x96: {  	s21 =	rddreg [dreg:$0xf]  }
0x97: {  	[tilespmem:s10], [sflag:$0x1] =	stream.linear.gather [hbm4b:s21+s10], $0x68, $0x38;
	[tilespmem:$0x1E080] =	vst v63  }
0x98: {  	s13 =	rddreg [dreg:$0x10]  }
0x99: {  	[tilespmem:s14], [sflag:$0x1] =	stream.linear.gather [hbm4b:s13+s10], $0x68, $0x38;
	[tilespmem:$0x1E080] =	vst v63  }
0x9a: {  	_ =	swait.ge [sflag:s0], $0x68  }
0x9b: {  	[sflag:s0] =	ssyncset.done $0x0  }
0x9c: {  	[sflag:s0] =	ssyncadd.s32 $0xFFFFFF98  }
0x9d: {  	_ =	swait.ge [sflag:s0], $0x68  }
0x9e: {  	[sflag:s0] =	ssyncset.done $0x0  }
0x9f: {  	[sflag:s0] =	ssyncadd.s32 $0xFFFFFF98  }
0xa0: {  	[tilespmem:s25], [sflag:$0x6] =	stream.indirect.gather [hbm4b:s20+s23], $0x80, s4, s23, $0xb8;
	[tilespmem:$0x1E080] =	vst v63  }
0xa1: {  	_ =	swait.ge [sflag:s2], $0x3400  }
0xa2: {  	[sflag:s2] =	ssyncset.done $0x0  }
0xa3: {  	[sflag:s2] =	ssyncadd.s32 $0xFFFFCC00  }
0xa4: {  	[spmem:s1] =	stream.indirect.scatter.add.f32 [tilespmem:s30], [sflag:$0x8], $0x80, s16, s23, $0xb8;
	[tilespmem:$0x1E080] =	vst v63  }
0xa5: {  	s21 =	sadd.s32 $0x0, s18  }
0xa6: {  	[tilespmem:s15], [sflag:$0x2] =	stream.linear.gather [hbm4b:s21+s3], $0x68, $0x38;
	[tilespmem:$0x1E080] =	vst v63  }
0xa7: {  	s7 =	sadd.s32 $0x0, s19  }
0xa8: {  	[tilespmem:s16], [sflag:$0x2] =	stream.linear.gather [hbm4b:s7+s3], $0x68, $0x38;
	[tilespmem:$0x1E080] =	vst v63  }
0xa9: {  	_ =	swait.ge [sflag:s5], $0x3400  }
0xaa: {  	[sflag:s5] =	ssyncset.done $0x0  }
0xab: {  	[sflag:s5] =	ssyncadd.s32 $0xFFFFCC00  }
0xac: {  	_ =	swait.ge [sflag:s22], $0x68  }
0xad: {  	[sflag:s22] =	ssyncset.done $0x0  }
0xae: {  	[sflag:s22] =	ssyncadd.s32 $0xFFFFFF98  }
0xaf: {  	_ =	swait.ge [sflag:s22], $0x68  }
0xb0: {  	[sflag:s22] =	ssyncset.done $0x0  }
0xb1: {  	[sflag:s22] =	ssyncadd.s32 $0xFFFFFF98  }
0xb2: {  	[tilespmem:s24], [sflag:$0x4] =	stream.indirect.gather [hbm4b:s20+s23], $0x80, s3, s23, $0xb8;
	[tilespmem:$0x1E080] =	vst v63  }
0xb3: {  	_ =	swait.ge [sflag:s6], $0x3400  }
0xb4: {  	[sflag:s6] =	ssyncset.done $0x0  }
0xb5: {  	s13 =	rddreg [dreg:$0x5];
	[sflag:s6] =	ssyncadd.s32 $0xFFFFCC00  }
0xb6: {  	[spmem:s1] =	stream.indirect.scatter.add.f32 [tilespmem:s25], [sflag:$0x9], $0x80, s28, s23, $0xb8;
	[tilespmem:$0x1E080] =	vst v63  }
0xb7: {  	s10 =	sadd.s32 $0x0, s13  }
0xb8: {  	[tilespmem:s4], [sflag:$0x3] =	stream.linear.gather [hbm4b:s10+s3], $0x68, $0x38;
	[tilespmem:$0x1E080] =	vst v63  }
0xb9: {  	s21 =	sadd.s32 $0x0, s17  }
0xba: {  	[tilespmem:s28], [sflag:$0x3] =	stream.linear.gather [hbm4b:s21+s3], $0x68, $0x38;
	[tilespmem:$0x1E080] =	vst v63  }
0xbb: {  	_ =	swait.ge [sflag:s8], $0x3400  }
0xbc: {  	[sflag:s8] =	ssyncset.done $0x0  }
0xbd: {  	[sflag:s8] =	ssyncadd.s32 $0xFFFFCC00  }
0xbe: {  	_ =	swait.ge [sflag:s29], $0x68  }
0xbf: {  	[sflag:s29] =	ssyncset.done $0x0  }
0xc0: {  	[sflag:s29] =	ssyncadd.s32 $0xFFFFFF98  }
0xc1: {  	_ =	swait.ge [sflag:s29], $0x68  }
0xc2: {  	[sflag:s29] =	ssyncset.done $0x0  }
0xc3: {  	[sflag:s29] =	ssyncadd.s32 $0xFFFFFF98  }
0xc4: {  	[tilespmem:s30], [sflag:$0x5] =	stream.indirect.gather [hbm4b:s20+s23], $0x80, s15, s23, $0xb8;
	[tilespmem:$0x1E080] =	vst v63  }
0xc5: {  	_ =	swait.ge [sflag:s31], $0x3400  }
0xc6: {  	[sflag:s31] =	ssyncset.done $0x0  }
0xc7: {  	s7 =	rddreg [dreg:$0x3];
	[sflag:s31] =	ssyncadd.s32 $0xFFFFCC00  }
0xc8: {  	[spmem:s1] =	stream.indirect.scatter.add.f32 [tilespmem:s24], [sflag:$0x7], $0x80, s14, s23, $0xb8;
	[tilespmem:$0x1E080] =	vst v63  }
0xc9: {  	s13 =	rddreg [dreg:$0x4];
	s10 =	sadd.s32 $0x0, s7  }
0xca: {  	[tilespmem:s3], [sflag:$0x1] =	stream.linear.gather [hbm4b:s10+s3], $0x68, $0x38;
	[tilespmem:$0x1E080] =	vst v63  }
0xcb: {  	s21 =	sadd.s32 $0x0, s13  }
0xcc: {  	[tilespmem:s14], [sflag:$0x1] =	stream.linear.gather [hbm4b:s21+s3], $0x68, $0x38;
	[tilespmem:$0x1E080] =	vst v63  }
0xcd: {  	_ =	swait.ge [sflag:s9], $0x3400  }
0xce: {  	[sflag:s9] =	ssyncset.done $0x0  }
0xcf: {  	[sflag:s9] =	ssyncadd.s32 $0xFFFFCC00  }
0xd0: {  	_ =	swait.ge [sflag:s0], $0x68  }
0xd1: {  	[sflag:s0] =	ssyncset.done $0x0  }
0xd2: {  	[sflag:s0] =	ssyncadd.s32 $0xFFFFFF98  }
0xd3: {  	_ =	swait.ge [sflag:s0], $0x68  }
0xd4: {  	[sflag:s0] =	ssyncset.done $0x0  }
0xd5: {  	[sflag:s0] =	ssyncadd.s32 $0xFFFFFF98  }
0xd6: {  	[tilespmem:s25], [sflag:$0x6] =	stream.indirect.gather [hbm4b:s20+s23], $0x80, s4, s23, $0xb8;
	[tilespmem:$0x1E080] =	vst v63  }
0xd7: {  	_ =	swait.ge [sflag:s2], $0x3400  }
0xd8: {  	[sflag:s2] =	ssyncset.done $0x0  }
0xd9: {  	s13 =	simm.s32 $0x27;
	[sflag:s2] =	ssyncadd.s32 $0xFFFFCC00  }
.LBB2_4:
0xda: {  	[spmem:s1] =	stream.indirect.scatter.add.f32 [tilespmem:s30], [sflag:$0x8], $0x80, s16, s23, $0xb8;
	[tilespmem:$0x1E080] =	vst v63  }
0xdb: {  	s10 =	smov.u32 s13  }
0xdc: {  	s7 =	sadd.s32 s10, s18  }
0xdd: {  	[tilespmem:s15], [sflag:$0x2] =	stream.linear.gather [hbm4b:s7+s3], $0x68, $0x38;
	[tilespmem:$0x1E080] =	vst v63  }
0xde: {  	s21 =	sadd.s32 s10, s19  }
0xdf: {  	[tilespmem:s16], [sflag:$0x2] =	stream.linear.gather [hbm4b:s21+s3], $0x68, $0x38;
	[tilespmem:$0x1E080] =	vst v63  }
0xe0: {  	_ =	swait.ge [sflag:s5], $0x3400  }
0xe1: {  	[sflag:s5] =	ssyncset.done $0x0  }
0xe2: {  	[sflag:s5] =	ssyncadd.s32 $0xFFFFCC00  }
0xe3: {  	_ =	swait.ge [sflag:s22], $0x68  }
0xe4: {  	[sflag:s22] =	ssyncset.done $0x0  }
0xe5: {  	[sflag:s22] =	ssyncadd.s32 $0xFFFFFF98  }
0xe6: {  	_ =	swait.ge [sflag:s22], $0x68  }
0xe7: {  	[sflag:s22] =	ssyncset.done $0x0  }
0xe8: {  	[sflag:s22] =	ssyncadd.s32 $0xFFFFFF98  }
0xe9: {  	[tilespmem:s24], [sflag:$0x4] =	stream.indirect.gather [hbm4b:s20+s23], $0x80, s3, s23, $0xb8;
	[tilespmem:$0x1E080] =	vst v63  }
0xea: {  	_ =	swait.ge [sflag:s6], $0x3400  }
0xeb: {  	[sflag:s6] =	ssyncset.done $0x0  }
0xec: {  	s21 =	rddreg [dreg:$0x5];
	[sflag:s6] =	ssyncadd.s32 $0xFFFFCC00  }
0xed: {  	[spmem:s1] =	stream.indirect.scatter.add.f32 [tilespmem:s25], [sflag:$0x9], $0x80, s28, s23, $0xb8;
	[tilespmem:$0x1E080] =	vst v63  }
0xee: {  	s7 =	sadd.s32 s10, s21  }
0xef: {  	[tilespmem:s4], [sflag:$0x3] =	stream.linear.gather [hbm4b:s7+s3], $0x68, $0x38;
	[tilespmem:$0x1E080] =	vst v63  }
0xf0: {  	s21 =	sadd.s32 s10, s17  }
0xf1: {  	[tilespmem:s28], [sflag:$0x3] =	stream.linear.gather [hbm4b:s21+s3], $0x68, $0x38;
	[tilespmem:$0x1E080] =	vst v63  }
0xf2: {  	_ =	swait.ge [sflag:s8], $0x3400  }
0xf3: {  	[sflag:s8] =	ssyncset.done $0x0  }
0xf4: {  	[sflag:s8] =	ssyncadd.s32 $0xFFFFCC00  }
0xf5: {  	_ =	swait.ge [sflag:s29], $0x68  }
0xf6: {  	[sflag:s29] =	ssyncset.done $0x0  }
0xf7: {  	[sflag:s29] =	ssyncadd.s32 $0xFFFFFF98  }
0xf8: {  	_ =	swait.ge [sflag:s29], $0x68  }
0xf9: {  	[sflag:s29] =	ssyncset.done $0x0  }
0xfa: {  	[sflag:s29] =	ssyncadd.s32 $0xFFFFFF98  }
0xfb: {  	[tilespmem:s30], [sflag:$0x5] =	stream.indirect.gather [hbm4b:s20+s23], $0x80, s15, s23, $0xb8;
	[tilespmem:$0x1E080] =	vst v63  }
0xfc: {  	_ =	swait.ge [sflag:s31], $0x3400  }
0xfd: {  	[sflag:s31] =	ssyncset.done $0x0  }
0xfe: {  	s7 =	rddreg [dreg:$0x3];
	[sflag:s31] =	ssyncadd.s32 $0xFFFFCC00  }
0xff: {  	[spmem:s1] =	stream.indirect.scatter.add.f32 [tilespmem:s24], [sflag:$0x7], $0x80, s14, s23, $0xb8;
	[tilespmem:$0x1E080] =	vst v63  }
0x100: {  	s21 =	rddreg [dreg:$0x4];
	s7 =	sadd.s32 s10, s7  }
0x101: {  	[tilespmem:s3], [sflag:$0x1] =	stream.linear.gather [hbm4b:s7+s3], $0x68, $0x38;
	[tilespmem:$0x1E080] =	vst v63  }
0x102: {  	s21 =	sadd.s32 s10, s21  }
0x103: {  	[tilespmem:s14], [sflag:$0x1] =	stream.linear.gather [hbm4b:s21+s3], $0x68, $0x38;
	[tilespmem:$0x1E080] =	vst v63  }
0x104: {  	_ =	swait.ge [sflag:s9], $0x3400  }
0x105: {  	[sflag:s9] =	ssyncset.done $0x0  }
0x106: {  	[sflag:s9] =	ssyncadd.s32 $0xFFFFCC00  }
0x107: {  	_ =	swait.ge [sflag:s0], $0x68  }
0x108: {  	[sflag:s0] =	ssyncset.done $0x0  }
0x109: {  	[sflag:s0] =	ssyncadd.s32 $0xFFFFFF98  }
0x10a: {  	_ =	swait.ge [sflag:s0], $0x68  }
0x10b: {  	p1 =	sne.s32 s13, $0x46B;
	[sflag:s0] =	ssyncset.done $0x0  }
.Ltmp1:
0x10c: {  	[sflag:s0] =	ssyncadd.s32 $0xFFFFFF98;
	(pc) =	sbr.rel @p1 .LBB2_4-.Ltmp1, $4  }
0x10d: {  	[tilespmem:s25], [sflag:$0x6] =	stream.indirect.gather [hbm4b:s20+s23], $0x80, s4, s23, $0xb8;
	[tilespmem:$0x1E080] =	vst v63  }
0x10e: {  	_ =	swait.ge [sflag:s2], $0x3400  }
0x10f: {  	[sflag:s2] =	ssyncset.done $0x0  }
0x110: {  	s13 =	sadd.s32 $0x27, s13;
	[sflag:s2] =	ssyncadd.s32 $0xFFFFCC00  }
0x111: {  	s7 =	sld [smem:$0x7F9]  }
0x112: {  	[spmem:s1] =	stream.indirect.scatter.add.f32 [tilespmem:s30], [sflag:$0x8], $0x80, s16, s23, $0xb8;
	[tilespmem:$0x1E080] =	vst v63  }
0x113: {  	s13 =	sld [smem:$0x7FA]  }
0x114: {  	[tilespmem:s15], [sflag:$0x2] =	stream.linear.gather [hbm4b:s7+s3], $0x68, $0x38;
	[tilespmem:$0x1E080] =	vst v63  }
0x115: {  	_ = 	snop  }
0x116: {  	[tilespmem:s16], [sflag:$0x2] =	stream.linear.gather [hbm4b:s13+s3], $0x68, $0x38;
	[tilespmem:$0x1E080] =	vst v63  }
0x117: {  	_ =	swait.ge [sflag:s5], $0x3400  }
0x118: {  	[sflag:s5] =	ssyncset.done $0x0  }
0x119: {  	[sflag:s5] =	ssyncadd.s32 $0xFFFFCC00  }
0x11a: {  	_ =	swait.ge [sflag:s22], $0x68  }
0x11b: {  	[sflag:s22] =	ssyncset.done $0x0  }
0x11c: {  	[sflag:s22] =	ssyncadd.s32 $0xFFFFFF98  }
0x11d: {  	_ =	swait.ge [sflag:s22], $0x68  }
0x11e: {  	[sflag:s22] =	ssyncset.done $0x0  }
0x11f: {  	[sflag:s22] =	ssyncadd.s32 $0xFFFFFF98  }
0x120: {  	[tilespmem:s24], [sflag:$0x4] =	stream.indirect.gather [hbm4b:s20+s23], $0x80, s3, s23, $0xb8;
	[tilespmem:$0x1E080] =	vst v63  }
0x121: {  	_ =	swait.ge [sflag:s6], $0x3400  }
0x122: {  	[sflag:s6] =	ssyncset.done $0x0  }
0x123: {  	[sflag:s6] =	ssyncadd.s32 $0xFFFFCC00  }
0x124: {  	[spmem:s1] =	stream.indirect.scatter.add.f32 [tilespmem:s25], [sflag:$0x9], $0x80, s28, s23, $0xb8;
	[tilespmem:$0x1E080] =	vst v63  }
0x125: {  	s21 =	rddreg [dreg:$0x11]  }
0x126: {  	[tilespmem:s4], [sflag:$0x3] =	stream.linear.gather [hbm4b:s21+s3], $0x68, $0x38;
	[tilespmem:$0x1E080] =	vst v63  }
0x127: {  	s10 =	rddreg [dreg:$0x12]  }
0x128: {  	[tilespmem:s28], [sflag:$0x3] =	stream.linear.gather [hbm4b:s10+s3], $0x68, $0x38;
	[tilespmem:$0x1E080] =	vst v63  }
0x129: {  	_ =	swait.ge [sflag:s8], $0x3400  }
0x12a: {  	[sflag:s8] =	ssyncset.done $0x0  }
0x12b: {  	[sflag:s8] =	ssyncadd.s32 $0xFFFFCC00  }
0x12c: {  	_ =	swait.ge [sflag:s29], $0x68  }
0x12d: {  	[sflag:s29] =	ssyncset.done $0x0  }
0x12e: {  	[sflag:s29] =	ssyncadd.s32 $0xFFFFFF98  }
0x12f: {  	_ =	swait.ge [sflag:s29], $0x68  }
0x130: {  	[sflag:s29] =	ssyncset.done $0x0  }
0x131: {  	[sflag:s29] =	ssyncadd.s32 $0xFFFFFF98  }
0x132: {  	[tilespmem:s30], [sflag:$0x5] =	stream.indirect.gather [hbm4b:s20+s23], $0x80, s15, s23, $0xb8;
	[tilespmem:$0x1E080] =	vst v63  }
0x133: {  	_ =	swait.ge [sflag:s31], $0x3400  }
0x134: {  	[sflag:s31] =	ssyncset.done $0x0  }
0x135: {  	[sflag:s31] =	ssyncadd.s32 $0xFFFFCC00  }
0x136: {  	[spmem:s1] =	stream.indirect.scatter.add.f32 [tilespmem:s24], [sflag:$0x7], $0x80, s14, s23, $0xb8;
	[tilespmem:$0x1E080] =	vst v63  }
0x137: {  	_ =	swait.ge [sflag:s9], $0x3400  }
0x138: {  	[sflag:s9] =	ssyncset.done $0x0  }
0x139: {  	[sflag:s9] =	ssyncadd.s32 $0xFFFFCC00  }
0x13a: {  	_ =	swait.ge [sflag:s0], $0x68  }
0x13b: {  	[sflag:s0] =	ssyncset.done $0x0  }
0x13c: {  	[sflag:s0] =	ssyncadd.s32 $0xFFFFFF98  }
0x13d: {  	_ =	swait.ge [sflag:s0], $0x68  }
0x13e: {  	[sflag:s0] =	ssyncset.done $0x0  }
0x13f: {  	[sflag:s0] =	ssyncadd.s32 $0xFFFFFF98  }
0x140: {  	[tilespmem:s25], [sflag:$0x6] =	stream.indirect.gather [hbm4b:s20+s23], $0x80, s4, s23, $0xb8;
	[tilespmem:$0x1E080] =	vst v63  }
0x141: {  	_ =	swait.ge [sflag:s2], $0x3400  }
0x142: {  	[sflag:s2] =	ssyncset.done $0x0  }
0x143: {  	[sflag:s2] =	ssyncadd.s32 $0xFFFFCC00  }
0x144: {  	[spmem:s1] =	stream.indirect.scatter.add.f32 [tilespmem:s30], [sflag:$0x8], $0x80, s16, s23, $0xb8;
	[tilespmem:$0x1E080] =	vst v63  }
0x145: {  	_ =	swait.ge [sflag:s5], $0x3400  }
0x146: {  	[sflag:s5] =	ssyncset.done $0x0  }
0x147: {  	[sflag:s5] =	ssyncadd.s32 $0xFFFFCC00  }
0x148: {  	_ =	swait.ge [sflag:s6], $0x3400  }
0x149: {  	[sflag:s6] =	ssyncset.done $0x0  }
0x14a: {  	s13 =	sld [smem:$0x7FB];
	[sflag:s6] =	ssyncadd.s32 $0xFFFFCC00  }
0x14b: {  	[spmem:s1] =	stream.indirect.scatter.add.f32 [tilespmem:s25], [sflag:$0x9], $0x80, s28, s23, $0xb8;
	[tilespmem:$0x1E080] =	vst v63  }
0x14c: {  	s10 =	simm.s32 $0x9F00  }
0x14d: {  	[tilespmem:s10], [sflag:$0xB] =	stream.linear.gather [hbm4b:s13+s3], $0x10, $0x38;
	[tilespmem:$0x1E080] =	vst v63  }
0x14e: {  	_ =	swait.ge [sflag:s11], $0x10  }
0x14f: {  	s21 =	sld [smem:$0x7FC]  }
0x150: {  	[sflag:s11] =	ssyncset.done $0x0  }
0x151: {  	s13 =	simm.s32 $0x9F80;
	[sflag:s11] =	ssyncadd.s32 $0xFFFFFFF0  }
0x152: {  	[tilespmem:s13], [sflag:$0xB] =	stream.linear.gather [hbm4b:s21+s3], $0x10, $0x38;
	[tilespmem:$0x1E080] =	vst v63  }
0x153: {  	_ =	swait.ge [sflag:s11], $0x10  }
0x154: {  	[sflag:s11] =	ssyncset.done $0x0  }
0x155: {  	s7 =	simm.s32 $0x10;
	s21 =	simm.s32 $0xA000;
	[sflag:s11] =	ssyncadd.s32 $0xFFFFFFF0  }
0x156: {  	[tilespmem:s21], [sflag:$0xA] =	stream.indirect.gather [hbm4b:s20+s7], $0x80, s10, s7, $0xb8;
	[tilespmem:$0x1E080] =	vst v63  }
0x157: {  	_ =	swait.ge [sflag:s26], $0x800  }
0x158: {  	[sflag:s26] =	ssyncset.done $0x0  }
0x159: {  	[sflag:s26] =	ssyncadd.s32 $0xFFFFF800  }
0x15a: {  	[spmem:s1] =	stream.indirect.scatter.add.f32 [tilespmem:s21], [sflag:$0xB], $0x80, s13, s7, $0xb8;
	[tilespmem:$0x1E080] =	vst v63  }
0x15b: {  	_ =	swait.ge [sflag:s11], $0x800  }
0x15c: {  	[sflag:s11] =	ssyncset.done $0x0  }
0x15d: {  	[sflag:s11] =	ssyncadd.s32 $0xFFFFF800  }
0x15e: {  	_ =	swait.ge [sflag:s8], $0x3400  }
0x15f: {  	[sflag:s8] =	ssyncset.done $0x0  }
0x160: {  	[sflag:s8] =	ssyncadd.s32 $0xFFFFCC00  }
0x161: {  	_ =	swait.ge [sflag:s9], $0x3400  }
0x162: {  	[sflag:s9] =	ssyncset.done $0x0  }
0x163: {  	[sflag:s9] =	ssyncadd.s32 $0xFFFFCC00  }
0x164: {  	s10 =	stileid.u32;
	[bflag:$0x0] =	sbarrier.arrive $0xFFFF  }
0x165: {  	s7 =	sshll.u32 s10, $0x6;
	s13 =	rddreg [dreg:$0x13]  }
0x166: {  	s7 =	sor.u32 $0x1C0B, s7;
	s21 =	rddreg [dreg:$0x8];
	s10 =	sshrl.u32 s13, $0x3  }
0x167: {  	[hbm:s21], [sflag:s7] =	dma.local [spmem:s10], $0x680  }
0x168: {  	_ =	swait.ge [sflag:s11], $0x680  }
0x169: {  	[sflag:s11] =	ssyncset.done $0x0;
	s13 =	rddreg [dreg:$0x9]  }
0x16a: {  	s21 =	rddreg [dreg:$0x16];
	[sflag:s11] =	ssyncadd.s32 $0xFFFFF980  }
0x16b: {  	[hbm:s13], [sflag:s7] =	dma.local [spmem:s21], $0x680  }
0x16c: {  	_ =	swait.ge [sflag:s11], $0x680  }
0x16d: {  	[sflag:s11] =	ssyncset.done $0x0;
	s13 =	rddreg [dreg:$0xa]  }
0x16e: {  	s21 =	rddreg [dreg:$0x17];
	[sflag:s11] =	ssyncadd.s32 $0xFFFFF980  }
0x16f: {  	[hbm:s13], [sflag:s7] =	dma.local [spmem:s21], $0x680  }
0x170: {  	_ =	swait.ge [sflag:s11], $0x680  }
0x171: {  	[sflag:s11] =	ssyncset.done $0x0;
	s13 =	rddreg [dreg:$0xb]  }
0x172: {  	s21 =	rddreg [dreg:$0x18];
	[sflag:s11] =	ssyncadd.s32 $0xFFFFF980  }
0x173: {  	[hbm:s13], [sflag:s7] =	dma.local [spmem:s21], $0x680  }
0x174: {  	_ =	swait.ge [sflag:s11], $0x680  }
0x175: {  	[sflag:s11] =	ssyncset.done $0x0;
	s13 =	rddreg [dreg:$0xc]  }
0x176: {  	s21 =	rddreg [dreg:$0x19];
	[sflag:s11] =	ssyncadd.s32 $0xFFFFF980  }
0x177: {  	[hbm:s13], [sflag:s7] =	dma.local [spmem:s21], $0x680  }
0x178: {  	_ =	swait.ge [sflag:s11], $0x680  }
0x179: {  	[sflag:s11] =	ssyncset.done $0x0;
	s13 =	rddreg [dreg:$0xd]  }
0x17a: {  	s21 =	rddreg [dreg:$0x1a];
	[sflag:s11] =	ssyncadd.s32 $0xFFFFF980  }
0x17b: {  	[hbm:s13], [sflag:s7] =	dma.local [spmem:s21], $0x680  }
0x17c: {  	_ =	swait.ge [sflag:s11], $0x680  }
0x17d: {  	s21 =	sld [smem:$0x7FD];
	_ =	sdelay $0x1  }
0x17e: {  	s10 =	simm.s32 @!p0 $0x1C0B;
	[sflag:s11] =	ssyncset.done $0x0  }
0x17f: {  	s13 =	rddreg [dreg:$0x14];
	[sflag:s11] =	ssyncadd.s32 $0xFFFFF980;
	s7 =	sshrl.u32 @!p0 s21, $0x3  }
0x180: {  	[hbm:s13], [sflag:s10] =	dma.local @!p0 [spmem:s7], $0x100  }
0x181: {  	s7 =	simm.s32 @!p0 $0xB  }
0x182: {  	_ =	swait.ge @!p0 [sflag:s7], $0x100  }
0x183: {  	s12 =	sadd.s32 $0x1, s12;
	s13 =	rddreg [dreg:$0x15]  }
0x184: {  	p1 =	sne.s32 s12, s13  }
.Ltmp2:
0x185: {  	_ = 	snop;
	(pc) =	sbr.rel @p1 .LBB2_1-.Ltmp2, $3  }
0x186: {  	_ =	sdelay $0x1  }
0x187: {  	[sflag:s7] =	ssyncset.done @!p0 $0x0  }
0x188: {  	[sflag:s7] =	ssyncadd.s32 @!p0 $0xFFFFFF00  }
0x189: {  	_ =	sfence.sel $0x180000  }
0x18a: {  	[bflag:$0x0] =	sbarrier.arrive $0xFFFF  }
0x18b: {  	_ =	strace $0x9000004A  }
0x18c: {  	[bflag:$0x2] =	sbarrier.arrive $0xFFFF  }
0x18d: {  	s0 =	rddreg [dreg:$0x2]  }
0x18e: {  	s0 =	sadd.s32 @!p0 $0x100000, s0  }
0x18f: {  	[sflag:s0] =	ssyncadd.tile.s32 @!p0 $0x1;
	_ =	shalt  }
.Lfunc_end2:
_tile_overlayer_lowered:
.L_overlay_start_2:
0x190: {  	(tag) =	ssettag $0x2  }
0x191: {  	s0 =	rddreg [dreg:$0x0];
	s2 =	stileid.u32  }
0x192: {  	s1 =	rddreg [dreg:$0x1];
	p0 =	sne.s32 s2, $0x0  }
0x193: {  	s3 =	rddreg [dreg:$0x2];
	[bflag:$0x3] =	sbarrier.arrive $0xFFFF;
	s2 =	simm.s32 @!p0 $0x1C0B  }
0x194: {  	[timem:s3], [sflag:s2] =	dma.local @!p0 [hbm:s0], s1  }
0x195: {  	s0 =	simm.s32 @!p0 $0xB  }
0x196: {  	_ =	swait.ge @!p0 [sflag:s0], s1  }
0x197: {  	s1 =	ssub.s32 @!p0 $0x0, s1;
	[sflag:s0] =	ssyncset.done @!p0 $0x0  }
0x198: {  	[sflag:s0] =	ssyncadd.s32 @!p0 s1  }
0x199: {  	[bflag:$0x3] =	sbarrier.arrive $0xFFFF  }
0x19a: {  	_ =	shalt  }

// kernel: kernel.14.cloned.1.call-start
scs
__scs_entry_jumppad:
0x0: {  	(pc) =	sbr.rel $0x88, $3  }
0x1: {  	(tag) =	ssettag $0x0;
	lr =	simm.s32 $0x1  }
0x2: {  	[smem:$0x3F7F] =	sst lr;
	_ =	strace $0xD0000000  }
0x3: {  	_ = 	snop  }
0x4: {  	_ = 	snop  }
0x5: {  	_ = 	snop  }
0x6: {  	_ = 	snop  }
0x7: {  	_ = 	snop  }
__scs_overlays_trampoline_lowered:
0x8: {  	[smem:$0x3F8E] =	sst s0  }
0x9: {  	[smem:$0x3F8F] =	sst s1  }
0xa: {  	[smem:$0x3F90] =	sst s2  }
0xb: {  	[smem:$0x3F91] =	sst s3  }
0xc: {  	[smem:$0x3F92] =	sst s4  }
0xd: {  	[smem:$0x3F93] =	sst s5  }
0xe: {  	[smem:$0x3F94] =	sst s6  }
0xf: {  	[smem:$0x3F95] =	sst s7  }
0x10: {  	[smem:$0x3F96] =	sst s8  }
0x11: {  	[smem:$0x3F97] =	sst s9;
	s0 =	simm.s32 @!p0 $0x0  }
0x12: {  	s1 =	sld [smem:$0x3F7D];
	s0 =	simm.s32 @p0 $0x1  }
0x13: {  	[smem:$0x3F98] =	sst s0;
	s0 =	simm.s32 @!p1 $0x0  }
0x14: {  	s2 =	sld [smem:$0x3F7C];
	s0 =	simm.s32 @p1 $0x1  }
0x15: {  	[smem:$0x3F99] =	sst s0;
	s0 =	simm.s32 @!p2 $0x0  }
0x16: {  	s3 =	sld [smem:$0x3FDB];
	s0 =	simm.s32 @p2 $0x1  }
0x17: {  	s4 =	simm.s32 $0x1BF5;
	[smem:$0x3F9B] =	sst s0  }
0x18: {  	s0 =	sld [smem:$0x3F7E];
	_ =	swait.ge [sflag:s4], $0x0  }
0x19: {  	s7 =	sld [smem:$0x3F7F]  }
0x1a: {  	s8 =	sadd.s32 $0xFFFFE003, lr  }
0x1b: {  	s9 =	sadd.s32 $0xFFFFFEF7, lr;
	s5 =	simm.s32 $0xFFFFFFFF;
	p2 =	slt.u32 s8, $0xFFFFF086  }
0x1c: {  	p1 =	slt.u32 s9, $0xF7A;
	s5 =	simm.s32 @!p2 $0x0  }
0x1d: {  	s5 =	simm.s32 @p1 $0x1;
	p0 =	seq.s32 s7, s2  }
0x1e: {  	s7 =	smul.u32 @!p0 $0xF7A, s2;
	p2 =	seq.s32 @!p0 s5, $0x0  }
0x1f: {  	s9 =	smul.u32 $0xF7A, s1;
	s8 =	simm.s32 @!p0 $0x1BF5;
	p2 =	por !p2, p0  }
0x20: {  	[sflag:s8] =	ssyncset.s32 @!p0 $0xFFFFF086;
	s6 =	sadd.s32 @!p0 s3, s7;
	s7 =	simm.s32 @!p0 $0x108  }
0x21: {  	s3 =	sadd.s32 s3, s9;
	s6 =	sadd.s32 @!p0 $0x88, s6;
	s7 =	simm.s32 @p2 $0x1082  }
0x22: {  	[simem:s7], [sflag:s8] =	dma.local @!p0 [hbm:s6], $0xF7A  }
0x23: {  	s9 =	sor.u32 $0xD0000000, s2;
	s6 =	simm.s32 $0x108;
	_ =	swait.ge @!p0 [sflag:s8], $0x0  }
0x24: {  	s3 =	sadd.s32 $0x88, s3;
	s6 =	simm.s32 @!p1 $0x1082;
	[sflag:s4] =	ssyncset.s32 $0xFFFFF086  }
0x25: {  	[simem:s6], [sflag:s4] =	dma.local [hbm:s3], $0xF7A  }
0x26: {  	[smem:$0x3F7F] =	sst s1;
	(tag) =	ssettag s2;
	_ =	strace s9  }
0x27: {  	s1 =	sld [smem:$0x3F8F]  }
0x28: {  	s2 =	sld [smem:$0x3F90]  }
0x29: {  	s4 =	sld [smem:$0x3F92]  }
0x2a: {  	p0 =	seq.s32 s5, $0x0;
	s5 =	sld [smem:$0x3F93]  }
0x2b: {  	s6 =	sld [smem:$0x3F94]  }
0x2c: {  	s7 =	sld [smem:$0x3F95]  }
0x2d: {  	s3 =	simm.s32 $0x108;
	s8 =	sld [smem:$0x3F96]  }
0x2e: {  	s3 =	simm.s32 @!p0 $0x1082;
	s9 =	sld [smem:$0x3F97]  }
0x2f: {  	lr =	sadd.s32 s0, s3;
	s0 =	sld [smem:$0x3F8E]  }
0x30: {  	s3 =	sld [smem:$0x3F91]  }
0x31: {  	[smem:$0x3F9A] =	sst s10  }
0x32: {  	s10 =	sld [smem:$0x3F98];
	_ =	sdelay $0x3  }
0x33: {  	p0 =	seq.s32 s10, $0x1;
	s10 =	sld [smem:$0x3F9A];
	_ =	sdelay $0x3  }
0x34: {  	[smem:$0x3F9A] =	sst s10  }
0x35: {  	s10 =	sld [smem:$0x3F99];
	_ =	sdelay $0x3  }
0x36: {  	p1 =	seq.s32 s10, $0x1;
	s10 =	sld [smem:$0x3F9A];
	_ =	sdelay $0x3  }
0x37: {  	[smem:$0x3F9A] =	sst s10  }
0x38: {  	s10 =	sld [smem:$0x3F9B]  }
0x39: {  	_ = 	snop;
	(pc) =	sbr.ind lr, $3  }
0x3a: {  	_ = 	snop  }
0x3b: {  	_ = 	snop  }
0x3c: {  	p2 =	seq.s32 s10, $0x1;
	s10 =	sld [smem:$0x3F9A]  }
0x3d: {  	_ =	shalt  }
0x3e: {  	_ =	shalt  }
0x3f: {  	_ =	shalt  }
0x40: {  	_ =	shalt  }
0x41: {  	_ =	shalt  }
0x42: {  	_ =	shalt  }
0x43: {  	_ =	shalt  }
0x44: {  	_ =	shalt  }
0x45: {  	_ =	shalt  }
0x46: {  	_ =	shalt  }
0x47: {  	_ =	shalt  }
0x48: {  	_ =	shalt  }
0x49: {  	_ =	shalt  }
0x4a: {  	_ =	shalt  }
0x4b: {  	_ =	shalt  }
0x4c: {  	_ =	shalt  }
0x4d: {  	_ =	shalt  }
0x4e: {  	_ =	shalt  }
0x4f: {  	_ =	shalt  }
0x50: {  	_ =	shalt  }
0x51: {  	_ =	shalt  }
0x52: {  	_ =	shalt  }
0x53: {  	_ =	shalt  }
0x54: {  	_ =	shalt  }
0x55: {  	_ =	shalt  }
0x56: {  	_ =	shalt  }
0x57: {  	_ =	shalt  }
0x58: {  	_ =	shalt  }
0x59: {  	_ =	shalt  }
0x5a: {  	_ =	shalt  }
0x5b: {  	_ =	shalt  }
0x5c: {  	_ =	shalt  }
0x5d: {  	_ =	shalt  }
0x5e: {  	_ =	shalt  }
0x5f: {  	_ =	shalt  }
0x60: {  	_ =	shalt  }
0x61: {  	_ =	shalt  }
0x62: {  	_ =	shalt  }
0x63: {  	_ =	shalt  }
0x64: {  	_ =	shalt  }
0x65: {  	_ =	shalt  }
0x66: {  	_ =	shalt  }
0x67: {  	_ =	shalt  }
0x68: {  	_ =	shalt  }
0x69: {  	_ =	shalt  }
0x6a: {  	_ =	shalt  }
0x6b: {  	_ =	shalt  }
0x6c: {  	_ =	shalt  }
0x6d: {  	_ =	shalt  }
0x6e: {  	_ =	shalt  }
0x6f: {  	_ =	shalt  }
0x70: {  	_ =	shalt  }
0x71: {  	_ =	shalt  }
0x72: {  	_ =	shalt  }
0x73: {  	_ =	shalt  }
0x74: {  	_ =	shalt  }
0x75: {  	_ =	shalt  }
0x76: {  	_ =	shalt  }
0x77: {  	_ =	shalt  }
0x78: {  	_ =	shalt  }
0x79: {  	_ =	shalt  }
0x7a: {  	_ =	shalt  }
0x7b: {  	_ =	shalt  }
0x7c: {  	_ =	shalt  }
0x7d: {  	_ =	shalt  }
0x7e: {  	_ =	shalt  }
0x7f: {  	_ =	shalt  }
0x80: {  	_ =	shalt  }
0x81: {  	_ =	shalt  }
0x82: {  	_ =	shalt  }
0x83: {  	_ =	shalt  }
0x84: {  	_ =	shalt  }
0x85: {  	_ =	shalt  }
0x86: {  	_ =	shalt  }
0x87: {  	_ =	shalt  }
.Lfunc_end0:
.L_simem_size_0:
called_computation.2_lowered:
.L_overlay_start_0:
0x88: {  	s2 =	sld [smem:$0x3FD9]  }
0x89: {  	s3 =	sld [smem:$0x3FFE];
	_ =	sdelay $0x1  }
0x8a: {  	s1 =	srdreg.scid  }
0x8b: {  	s0 =	sand.u32 $0x1, s1  }
0x8c: {  	s16 =	sshll.u32 s0, $0xA;
	s2 =	sadd.s32 s3, s2  }
0x8d: {  	s2 =	sadd.s32 s2, s16  }
0x8e: {  	[smem:$0x3FA6] =	sst s2  }
0x8f: {  	_ = 	snop  }
0x90: {  	(tm) =	ssettm $0x1  }
0x91: {  	s17 =	sld [smem:$0x3FFB];
	_ =	sdelay $0x3  }
0x92: {  	_ =	strace s17  }
0x93: {  	s2 =	sld [smem:$0x3FFC];
	_ =	sdelay $0x3  }
0x94: {  	_ =	strace s2  }
0x95: {  	s2 =	sld [smem:$0x3FFD];
	_ =	sdelay $0x3  }
0x96: {  	_ =	strace s2  }
0x97: {  	_ =	strace $0x8FFFFFFF  }
0x98: {  	s18 =	sld [smem:$0x3FDB];
	_ =	sdelay $0x1  }
0x99: {  	s19 =	simm.s32 $_scs_section_size  }
0x9a: {  	s4 =	simm.s32 $_size__tile_overlayer_lowered;
	s5 =	simm.s32 $_tile_overlayer_lowered  }
0x9b: {  	s22 =	simm.s32 $0x1BFF;
	s21 =	sshll.u32 s5, $0x1;
	s2 =	sadd.s32 s19, s18  }
0x9c: {  	s6 =	simm.s32 $0x0;
	s20 =	sshll.u32 s4, $0x1;
	s4 =	sadd.s32 s21, s2  }
0x9d: {  	[timem:s6], [sflag:s22] =	dma.local [hbm:s4], s20  }
0x9e: {  	_ =	swait.ge [sflag:s22], s20  }
0x9f: {  	s3 =	ssub.s32 $0x0, s20;
	[sflag:s22] =	ssyncset.done $0x0  }
0xa0: {  	[sflag:s22] =	ssyncadd.s32 s3;
	_ =	sdelay $0x1  }
0xa1: {  	s23 =	simm.s32 $0x1B8B  }
0xa2: {  	_ =	swait.ge [sflag:s23], $0x1  }
0xa3: {  	[sflag:s23] =	ssyncset.done $0x0  }
0xa4: {  	s25 =	simm.s32 $0x1B8E;
	s24 =	sld [smem:$0x3FFE];
	[sflag:s23] =	ssyncadd.s32 $0xFFFFFFFF  }
0xa5: {  	s26 =	simm.s32 $execute0_lowered;
	[smem:$0x3FD2] =	sst s25  }
0xa6: {  	s4 =	sshll.u32 s26, $0x1;
	_ =	strace $0x8000004C;
	[dreg:$0x1] =	wrdreg $0xFFFFFFFF  }
0xa7: {  	s28 =	simm.s32 $_size_execute0_lowered;
	s2 =	sadd.s32 s2, s4;
	[dreg:$0x0] =	wrdreg $0x0  }
0xa8: {  	s4 =	sshll.u32 s28, $0x1;
	[dreg:$0x2] =	wrdreg s2  }
0xa9: {  	[dreg:$0x3] =	wrdreg s4  }
0xaa: {  	[dreg:$0x4] =	wrdreg $0xC0  }
0xab: {  	_ =	task [dreg:s6], $0x5FFFF  }
0xac: {  	[dreg:$0x1] =	wrdreg $0xFFFFFFFF  }
0xad: {  	[dreg:$0x0] =	wrdreg $0x60  }
0xae: {  	[dreg:$0x2] =	wrdreg s24  }
0xaf: {  	[dreg:$0x3] =	wrdreg $0xA8000  }
0xb0: {  	[dreg:$0x4] =	wrdreg $0x9  }
0xb1: {  	_ =	task.clear_ibuf [dreg:s6], $0x5FFFF;
	_ =	strace $0x9000004C  }
0xb2: {  	s29 =	simm.s32 $0x9;
	_ =	strace $0x8000004E  }
0xb3: {  	_ =	swait.ge [sflag:s29], $0x1  }
0xb4: {  	[sflag:s29] =	ssyncadd.s32 $0xFFFFFFFF  }
0xb5: {  	_ =	strace $0x9000004E  }
0xb6: {  	_ =	sfence  }
0xb7: {  	s30 =	sld [smem:$0x0];
	_ =	sdelay $0x2  }
0xb8: {  	s31 =	sshll.u32 s1, $0xD;
	s1 =	sshrl.u32 s1, $0x2  }
0xb9: {  	s3 =	sand.u32 $0x4000, s31;
	s1 =	sadd.s32 s1, s30  }
0xba: {  	s0 =	sor.u32 s3, s0;
	s1 =	sshll.u32 s1, $0x11  }
0xbb: {  	s0 =	sor.u32 s1, s0  }
0xbc: {  	s0 =	sadd.s32 $0x8F2B, s0  }
0xbd: {  	[sflag:s0] =	ssyncadd.remote.s32 $0x1  }
0xbe: {  	_ =	sfence.sel $0xFFFF  }
0xbf: {  	[dreg:$0x0] =	wrdreg $0xFFFFFFFF;
	(pc) =	sbr.abs _section_cstart, $3  }
0xc0: {  	[dreg:$0x1] =	wrdreg $0xFFFFFFFF  }
0xc1: {  	_ =	task.clear_ibuf [dreg:s6], $0x2FFFF;
	_ =	strace $0x9FFFFFFF  }
0xc2: {  	(tm) =	ssettm $0x7FFFFFFF  }
0xc3: {  	_ =	shalt  }
tec
execute0_lowered:
.L_overlay_start_1:
0x0: {  	(tag) =	ssettag $0x1  }
0x1: {  	s0 =	rddreg [dreg:$0x0]  }
0x2: {  	s1 =	rddreg [dreg:$0x1]  }
0x3: {  	s2 =	srdreg.scid;
	s21 =	stileid.u32  }
0x4: {  	s3 =	simm.s32 $0x0;
	s28 =	simm.s32 $0x280;
	s29 =	simm.s32 $0x2  }
0x5: {  	s30 =	simm.s32 $0x3700;
	s31 =	simm.s32 $0x4;
	s10 =	sand.u32 $0x1, s2  }
0x6: {  	s14 =	sshll.u32 s21, $0x1;
	[smem:$0x7FF] =	sst s3;
	s8 =	smul.u32 $0x3400, s21  }
0x7: {  	s4 =	sadd.s32 $0x2D000, s0;
	s11 =	sadd.s32 $0x40A00, s0;
	s25 =	smul.u32 $0x4E20, s21  }
0x8: {  	s22 =	sor.u32 $0x40, s21;
	p0 =	sne.s32 s21, $0x0;
	s12 =	smul.u32 $0x138800, s10  }
0x9: {  	s5 =	ssub.s32 $0x2, s10;
	s2 =	sor.u32 s10, s14;
	s10 =	smul.u32 $0x2710, s10  }
0xa: {  	_ =	strace $0x8000004D;
	s6 =	sshrl.u32 s5, $0x1;
	s7 =	smul.u32 $0x2710, s2  }
0xb: {  	s2 =	ssub.s32 s5, s6;
	s6 =	sor.u32 $0x10, s21;
	s18 =	sshrl.u32 s12, $0x3  }
0xc: {  	s8 =	sadd.s32 s12, s8;
	s10 =	sadd.s32 s10, s25;
	s15 =	sshrl.u32 s7, $0x3  }
0xd: {  	s16 =	sadd.s32 $0x68, s7;
	s13 =	sadd.s32 $0x4E268, s7;
	s9 =	smul.u32 $0x3400, s6  }
0xe: {  	s14 =	sshrl.u32 s8, $0x3;
	s8 =	sor.u32 $0x20, s21;
	s2 =	smax.u32 s2, $0x1  }
0xf: {  	s24 =	sadd.s32 s4, s15;
	s17 =	sshrl.u32 s16, $0x3;
	s16 =	smul.u32 $0x3400, s8  }
0x10: {  	s14 =	sadd.s32 s11, s14;
	s13 =	sshrl.u32 s13, $0x3;
	[dreg:$0x15] =	wrdreg s2  }
0x11: {  	s5 =	sadd.s32 s4, s17;
	s15 =	sadd.s32 s12, s9;
	[dreg:$0x8] =	wrdreg s14  }
0x12: {  	s9 =	sor.u32 $0x30, s21;
	s17 =	smul.u32 $0x3400, s22;
	[dreg:$0x6] =	wrdreg s24  }
0x13: {  	s13 =	sadd.s32 s4, s13;
	[dreg:$0x7] =	wrdreg s5;
	s5 =	sadd.s32 s11, s18  }
0x14: {  	s19 =	sshrl.u32 s15, $0x3;
	s20 =	smul.u32 $0x3400, s9;
	s23 =	sadd.s32 s12, s16  }
0x15: {  	s16 =	sadd.s32 $0x4E338, s7;
	[dreg:$0xe] =	wrdreg s13;
	s14 =	sadd.s32 s11, s19  }
0x16: {  	s18 =	sadd.s32 s12, s17;
	s19 =	sadd.s32 $0x270, s10;
	s17 =	sshrl.u32 s16, $0x3  }
0x17: {  	s13 =	sadd.s32 $0x27000, s5;
	s16 =	smul.u32 $0xD000, s22;
	[dreg:$0x9] =	wrdreg s14  }
0x18: {  	s14 =	sshrl.u32 s23, $0x3;
	s15 =	sadd.s32 s12, s20;
	s23 =	sor.u32 $0x50, s21  }
0x19: {  	s20 =	sshrl.u32 s19, $0x3;
	s19 =	sadd.s32 $0x4E408, s10;
	[dreg:$0x14] =	wrdreg s13  }
0x1a: {  	s15 =	sshrl.u32 s15, $0x3;
	s26 =	smul.u32 $0x3400, s23;
	s14 =	sadd.s32 s11, s14  }
0x1b: {  	s25 =	sadd.s32 s20, s4;
	s20 =	sshrl.u32 s19, $0x3;
	[dreg:$0xa] =	wrdreg s14  }
0x1c: {  	s15 =	sadd.s32 s11, s15;
	s14 =	sshrl.u32 s18, $0x3;
	[dreg:$0x3] =	wrdreg s25  }
0x1d: {  	s18 =	sadd.s32 $0x2698, s7;
	s25 =	sadd.s32 $0x1A0, s10;
	[dreg:$0xb] =	wrdreg s15  }
0x1e: {  	s12 =	sadd.s32 s12, s26;
	s14 =	sadd.s32 s11, s14;
	s26 =	sadd.s32 $0x4E470, s10  }
0x1f: {  	s15 =	sadd.s32 $0x138, s7;
	s7 =	sadd.s32 $0x50898, s7;
	[dreg:$0xc] =	wrdreg s14  }
0x20: {  	s12 =	sshrl.u32 s12, $0x3;
	s14 =	sadd.s32 $0x208, s10;
	s7 =	sshrl.u32 s7, $0x3  }
0x21: {  	s10 =	sadd.s32 $0x4E3A0, s10;
	s11 =	sadd.s32 s11, s12;
	s12 =	sshrl.u32 s26, $0x3  }
0x22: {  	s7 =	sadd.s32 s4, s7;
	s10 =	sshrl.u32 s10, $0x3;
	s26 =	smul.u32 $0xD000, s21  }
0x23: {  	s21 =	sadd.s32 $0x138000, s1;
	[dreg:$0xd] =	wrdreg s11;
	s11 =	sadd.s32 s12, s4  }
0x24: {  	s12 =	sshrl.u32 s14, $0x3;
	[dreg:$0x12] =	wrdreg s7;
	s7 =	sshrl.u32 s25, $0x3  }
0x25: {  	s19 =	sadd.s32 s10, s4;
	s10 =	smul.u32 $0xD000, s6;
	[smem:$0x7FD] =	sst s21  }
0x26: {  	s14 =	smul.u32 $0xD000, s9;
	s9 =	sadd.s32 $0x9C40, s24;
	[dreg:$0x4] =	wrdreg s11  }
0x27: {  	s25 =	smul.u32 $0xD000, s23;
	s23 =	sadd.s32 $0xA106, s24;
	[dreg:$0x1b] =	wrdreg s9  }
0x28: {  	s12 =	sadd.s32 s12, s4;
	s11 =	sshrl.u32 s15, $0x3;
	[smem:$0x7FA] =	sst s23  }
0x29: {  	s23 =	simm.s32 $0x68;
	s9 =	simm.s32 $0x9;
	[dreg:$0x5] =	wrdreg s12  }
0x2a: {  	s11 =	sadd.s32 s4, s11;
	s12 =	smul.u32 $0xD000, s8;
	s15 =	sshrl.u32 s10, $0x2  }
0x2b: {  	s6 =	sshrl.u32 s25, $0x2;
	s25 =	sadd.s32 $0x4E0, s24;
	[dreg:$0xf] =	wrdreg s11  }
0x2c: {  	s11 =	sadd.s32 s4, s17;
	s17 =	sadd.s32 s20, s4;
	s20 =	sadd.s32 $0x5E00, s0  }
0x2d: {  	s2 =	sadd.s32 s15, s1;
	s0 =	sshrl.u32 s14, $0x2;
	s6 =	sadd.s32 s6, s1  }
0x2e: {  	s15 =	sadd.s32 $0x1A, s24;
	[smem:$0x7FB] =	sst s25;
	s25 =	simm.s32 $0x6B00  }
0x2f: {  	[dreg:$0x10] =	wrdreg s11;
	s11 =	sshrl.u32 s18, $0x3;
	s18 =	sadd.s32 s7, s4  }
0x30: {  	s22 =	sshrl.u32 s12, $0x2;
	s2 =	sshrl.u32 s2, $0x3;
	[smem:$0x7F7] =	sst s15  }
0x31: {  	s0 =	sadd.s32 s0, s1;
	s8 =	sshrl.u32 s6, $0x3;
	[dreg:$0x16] =	wrdreg s2  }
0x32: {  	s15 =	simm.s32 $0x80;
	s11 =	sadd.s32 s4, s11;
	[dreg:$0x1a] =	wrdreg s8  }
0x33: {  	s5 =	sadd.s32 s22, s1;
	s0 =	sshrl.u32 s0, $0x3;
	[dreg:$0x11] =	wrdreg s11  }
0x34: {  	s4 =	sshrl.u32 s16, $0x2;
	s16 =	sadd.s32 $0x9C5A, s24;
	[dreg:$0x18] =	wrdreg s0  }
0x35: {  	s22 =	sadd.s32 $0x4C6, s24;
	s11 =	sshrl.u32 s26, $0x2;
	[smem:$0x7F8] =	sst s16  }
0x36: {  	s4 =	sadd.s32 s4, s1;
	s26 =	sshrl.u32 s5, $0x3;
	[smem:$0x7F9] =	sst s22  }
0x37: {  	s6 =	simm.s32 $0x6;
	[dreg:$0x17] =	wrdreg s26;
	s5 =	sshrl.u32 s4, $0x3  }
0x38: {  	s2 =	simm.s32 $0x5;
	s7 =	sadd.s32 s11, s1;
	[dreg:$0x19] =	wrdreg s5  }
0x39: {  	s8 =	simm.s32 $0x8;
	s26 =	sadd.s32 $0xA120, s24;
	[dreg:$0x13] =	wrdreg s7  }
0x3a: {  	s16 =	simm.s32 $0x200;
	s10 =	sadd.s32 $0x34000, s7;
	[smem:$0x7FC] =	sst s26  }
0x3b: {  	s22 =	simm.s32 $0x1;
	s11 =	sadd.s32 $0x68000, s7;
	[dreg:$0x1c] =	wrdreg s10  }
0x3c: {  	s0 =	simm.s32 $0x3;
	s12 =	sadd.s32 $0x9C000, s7;
	[dreg:$0x1d] =	wrdreg s11  }
0x3d: {  	s24 =	simm.s32 $0x300;
	s13 =	sadd.s32 $0xD0000, s7;
	[dreg:$0x1e] =	wrdreg s12  }
0x3e: {  	s4 =	simm.s32 $0x100;
	s14 =	sadd.s32 $0x104000, s7;
	[dreg:$0x1f] =	wrdreg s13  }
0x3f: {  	s26 =	simm.s32 $0xA;
	s5 =	simm.s32 $0x7;
	[smem:$0x7F6] =	sst s14  }
0x40: {  	v0 =	vimm.f32 $0.0e+00;
	s14 =	simm.s32 $0x180;
	s11 =	simm.s32 $0xB;
	s12 =	simm.s32 $0x0  }
.LBB2_1:
0x41: {  	s7 =	rddreg [dreg:$0x6]  }
0x42: {  	[tilespmem:s3], [sflag:$0x1] =	stream.linear.gather [hbm4b:s7+s3], $0x68, $0x38;
	[tilespmem:$0x1E080] =	vst v63  }
0x43: {  	s13 =	rddreg [dreg:$0x1b]  }
0x44: {  	[tilespmem:s14], [sflag:$0x1] =	stream.linear.gather [hbm4b:s13+s3], $0x68, $0x38;
	[tilespmem:$0x1E080] =	vst v63  }
0x45: {  	s10 =	rddreg [dreg:$0x7]  }
0x46: {  	[tilespmem:s15], [sflag:$0x2] =	stream.linear.gather [hbm4b:s10+s3], $0x68, $0x38;
	[tilespmem:$0x1E080] =	vst v63  }
0x47: {  	s13 =	rddreg [dreg:$0xe]  }
0x48: {  	[tilespmem:s16], [sflag:$0x2] =	stream.linear.gather [hbm4b:s13+s3], $0x68, $0x38;
	[tilespmem:$0x1E080] =	vst v63  }
0x49: {  	s10 =	simm.s32 $0x70;
	s13 =	simm.s32 $0x3C0  }
.LBB2_2:
0x4a: {  	p1 =	sne.s32 s13, $0xCFC0;
	[tilespmem:s10+$0x6B00] =	vst v0  }
0x4b: {  	[tilespmem:s10+$0x6A90] =	vst v0  }
0x4c: {  	[tilespmem:s10+$0x6AA0] =	vst v0  }
.Ltmp0:
0x4d: {  	[tilespmem:s10+$0x6AB0] =	vst v0;
	(pc) =	sbr.rel @p1 .LBB2_2-.Ltmp0, $4  }
0x4e: {  	[tilespmem:s10+$0x6AC0] =	vst v0  }
0x4f: {  	[tilespmem:s10+$0x6AD0] =	vst v0  }
0x50: {  	[tilespmem:s10+$0x6AE0] =	vst v0  }
0x51: {  	[tilespmem:s10+$0x6AF0] =	vst v0;
	s10 =	sshra.s32 s13, $0x2;
	s13 =	sadd.s32 $0x200, s13  }
0x52: {  	[tilespmem:s10+$0x6B00] =	vst v0  }
0x53: {  	[tilespmem:s10+$0x6A90] =	vst v0  }
0x54: {  	[tilespmem:s10+$0x6AA0] =	vst v0  }
0x55: {  	[tilespmem:s10+$0x6AB0] =	vst v0  }
0x56: {  	[tilespmem:s10+$0x6AC0] =	vst v0  }
0x57: {  	[tilespmem:s10+$0x6AD0] =	vst v0  }
0x58: {  	[tilespmem:s10+$0x6AE0] =	vst v0  }
0x59: {  	[tilespmem:s10+$0x6AF0] =	vst v0  }
0x5a: {  	_ =	swait.ge [sflag:s22], $0x68  }
0x5b: {  	[sflag:s22] =	ssyncset.done $0x0  }
0x5c: {  	[sflag:s22] =	ssyncadd.s32 $0xFFFFFF98  }
0x5d: {  	_ =	swait.ge [sflag:s22], $0x68  }
0x5e: {  	[sflag:s22] =	ssyncset.done $0x0  }
0x5f: {  	s7 =	rddreg [dreg:$0x13];
	[sflag:s22] =	ssyncadd.s32 $0xFFFFFF98  }
0x60: {  	[tilespmem:s24], [sflag:$0x4] =	stream.indirect.gather [hbm4b:s20+s23], $0x80, s3, s23, $0xb8;
	[tilespmem:$0x1E080] =	vst v63  }
0x61: {  	s13 =	rddreg [dreg:$0x1c]  }
0x62: {  	[spmem:s7] =	stream.linear.scatter [tilespmem:s25], [sflag:$0xA], $0x3400, $0x38;
	[tilespmem:$0x1E080] =	vst v63  }
0x63: {  	s10 =	rddreg [dreg:$0x1d]  }
0x64: {  	[spmem:s13] =	stream.linear.scatter [tilespmem:s25], [sflag:$0xA], $0x3400, $0x38;
	[tilespmem:$0x1E080] =	vst v63  }
0x65: {  	s13 =	rddreg [dreg:$0x1e]  }
0x66: {  	[spmem:s10] =	stream.linear.scatter [tilespmem:s25], [sflag:$0xA], $0x3400, $0x38;
	[tilespmem:$0x1E080] =	vst v63  }
0x67: {  	s10 =	rddreg [dreg:$0x1f]  }
0x68: {  	[spmem:s13] =	stream.linear.scatter [tilespmem:s25], [sflag:$0xA], $0x3400, $0x38;
	[tilespmem:$0x1E080] =	vst v63  }
0x69: {  	s13 =	sld [smem:$0x7F6]  }
0x6a: {  	[spmem:s10] =	stream.linear.scatter [tilespmem:s25], [sflag:$0xA], $0x3400, $0x38;
	[tilespmem:$0x1E080] =	vst v63  }
0x6b: {  	_ = 	snop  }
0x6c: {  	[spmem:s13] =	stream.linear.scatter [tilespmem:s25], [sflag:$0xA], $0x3400, $0x38;
	[tilespmem:$0x1E080] =	vst v63  }
0x6d: {  	s10 =	simm.s32 @!p0 $0x6B00  }
0x6e: {  	[spmem:s21] =	stream.linear.scatter @!p0 [tilespmem:s10], [sflag:$0xB], $0x800, $0x38;
	[tilespmem:$0x1E080] =	vst v63  }
0x6f: {  	s10 =	simm.s32 @!p0 $0xB  }
0x70: {  	_ =	swait.ge @!p0 [sflag:s10], $0x800  }
0x71: {  	[sflag:s10] =	ssyncset.done @!p0 $0x0  }
0x72: {  	[sflag:s10] =	ssyncadd.s32 @!p0 $0xFFFFF800  }
0x73: {  	_ =	swait.ge [sflag:s26], $0x3400  }
0x74: {  	[sflag:s26] =	ssyncset.done $0x0  }
0x75: {  	[sflag:s26] =	ssyncadd.s32 $0xFFFFCC00  }
0x76: {  	_ =	swait.ge [sflag:s26], $0x3400  }
0x77: {  	[sflag:s26] =	ssyncset.done $0x0  }
0x78: {  	[sflag:s26] =	ssyncadd.s32 $0xFFFFCC00  }
0x79: {  	_ =	swait.ge [sflag:s26], $0x3400  }
0x7a: {  	[sflag:s26] =	ssyncset.done $0x0  }
0x7b: {  	[sflag:s26] =	ssyncadd.s32 $0xFFFFCC00  }
0x7c: {  	_ =	swait.ge [sflag:s26], $0x3400  }
0x7d: {  	[sflag:s26] =	ssyncset.done $0x0  }
0x7e: {  	[sflag:s26] =	ssyncadd.s32 $0xFFFFCC00  }
0x7f: {  	_ =	swait.ge [sflag:s26], $0x3400  }
0x80: {  	[sflag:s26] =	ssyncset.done $0x0  }
0x81: {  	[sflag:s26] =	ssyncadd.s32 $0xFFFFCC00  }
0x82: {  	_ =	swait.ge [sflag:s26], $0x3400  }
0x83: {  	[sflag:s26] =	ssyncset.done $0x0  }
0x84: {  	[sflag:s26] =	ssyncadd.s32 $0xFFFFCC00  }
0x85: {  	[bflag:$0x0] =	sbarrier.arrive $0xFFFF  }
0x86: {  	s21 =	sld [smem:$0x7F7];
	_ =	sdelay $0x1  }
0x87: {  	s10 =	simm.s32 $0x0;
	s13 =	sld [smem:$0x7F8]  }
0x88: {  	[tilespmem:s4], [sflag:$0x3] =	stream.linear.gather [hbm4b:s21+s10], $0x68, $0x38;
	[tilespmem:$0x1E080] =	vst v63  }
0x89: {  	_ = 	snop  }
0x8a: {  	[tilespmem:s28], [sflag:$0x3] =	stream.linear.gather [hbm4b:s13+s10], $0x68, $0x38;
	[tilespmem:$0x1E080] =	vst v63  }
0x8b: {  	_ =	swait.ge [sflag:s29], $0x68  }
0x8c: {  	[sflag:s29] =	ssyncset.done $0x0  }
0x8d: {  	[sflag:s29] =	ssyncadd.s32 $0xFFFFFF98  }
0x8e: {  	_ =	swait.ge [sflag:s29], $0x68  }
0x8f: {  	[sflag:s29] =	ssyncset.done $0x0  }
0x90: {  	[sflag:s29] =	ssyncadd.s32 $0xFFFFFF98  }
0x91: {  	[tilespmem:s30], [sflag:$0x5] =	stream.indirect.gather [hbm4b:s20+s23], $0x80, s15, s23, $0xb8;
	[tilespmem:$0x1E080] =	vst v63  }
0x92: {  	_ =	swait.ge [sflag:s31], $0x3400  }
0x93: {  	[sflag:s31] =	ssyncset.done $0x0  }
0x94: {  	[sflag:s31] =	ssyncadd.s32 $0xFFFFCC00  }
0x95: {  	[spmem:s1] =	stream.indirect.scatter.add.f32 [tilespmem:s24], [sflag:$0x7], $0x80, s14, s23, $0xb8;
	[tilespmem:$0x1E080] =	vst v63  }
0x96: {  	s21 =	rddreg [dreg:$0xf]  }
0x97: {  	[tilespmem:s10], [sflag:$0x1] =	stream.linear.gather [hbm4b:s21+s10], $0x68, $0x38;
	[tilespmem:$0x1E080] =	vst v63  }
0x98: {  	s13 =	rddreg [dreg:$0x10]  }
0x99: {  	[tilespmem:s14], [sflag:$0x1] =	stream.linear.gather [hbm4b:s13+s10], $0x68, $0x38;
	[tilespmem:$0x1E080] =	vst v63  }
0x9a: {  	_ =	swait.ge [sflag:s0], $0x68  }
0x9b: {  	[sflag:s0] =	ssyncset.done $0x0  }
0x9c: {  	[sflag:s0] =	ssyncadd.s32 $0xFFFFFF98  }
0x9d: {  	_ =	swait.ge [sflag:s0], $0x68  }
0x9e: {  	[sflag:s0] =	ssyncset.done $0x0  }
0x9f: {  	[sflag:s0] =	ssyncadd.s32 $0xFFFFFF98  }
0xa0: {  	[tilespmem:s25], [sflag:$0x6] =	stream.indirect.gather [hbm4b:s20+s23], $0x80, s4, s23, $0xb8;
	[tilespmem:$0x1E080] =	vst v63  }
0xa1: {  	_ =	swait.ge [sflag:s2], $0x3400  }
0xa2: {  	[sflag:s2] =	ssyncset.done $0x0  }
0xa3: {  	[sflag:s2] =	ssyncadd.s32 $0xFFFFCC00  }
0xa4: {  	[spmem:s1] =	stream.indirect.scatter.add.f32 [tilespmem:s30], [sflag:$0x8], $0x80, s16, s23, $0xb8;
	[tilespmem:$0x1E080] =	vst v63  }
0xa5: {  	s21 =	sadd.s32 $0x0, s18  }
0xa6: {  	[tilespmem:s15], [sflag:$0x2] =	stream.linear.gather [hbm4b:s21+s3], $0x68, $0x38;
	[tilespmem:$0x1E080] =	vst v63  }
0xa7: {  	s7 =	sadd.s32 $0x0, s19  }
0xa8: {  	[tilespmem:s16], [sflag:$0x2] =	stream.linear.gather [hbm4b:s7+s3], $0x68, $0x38;
	[tilespmem:$0x1E080] =	vst v63  }
0xa9: {  	_ =	swait.ge [sflag:s5], $0x3400  }
0xaa: {  	[sflag:s5] =	ssyncset.done $0x0  }
0xab: {  	[sflag:s5] =	ssyncadd.s32 $0xFFFFCC00  }
0xac: {  	_ =	swait.ge [sflag:s22], $0x68  }
0xad: {  	[sflag:s22] =	ssyncset.done $0x0  }
0xae: {  	[sflag:s22] =	ssyncadd.s32 $0xFFFFFF98  }
0xaf: {  	_ =	swait.ge [sflag:s22], $0x68  }
0xb0: {  	[sflag:s22] =	ssyncset.done $0x0  }
0xb1: {  	[sflag:s22] =	ssyncadd.s32 $0xFFFFFF98  }
0xb2: {  	[tilespmem:s24], [sflag:$0x4] =	stream.indirect.gather [hbm4b:s20+s23], $0x80, s3, s23, $0xb8;
	[tilespmem:$0x1E080] =	vst v63  }
0xb3: {  	_ =	swait.ge [sflag:s6], $0x3400  }
0xb4: {  	[sflag:s6] =	ssyncset.done $0x0  }
0xb5: {  	s13 =	rddreg [dreg:$0x5];
	[sflag:s6] =	ssyncadd.s32 $0xFFFFCC00  }
0xb6: {  	[spmem:s1] =	stream.indirect.scatter.add.f32 [tilespmem:s25], [sflag:$0x9], $0x80, s28, s23, $0xb8;
	[tilespmem:$0x1E080] =	vst v63  }
0xb7: {  	s10 =	sadd.s32 $0x0, s13  }
0xb8: {  	[tilespmem:s4], [sflag:$0x3] =	stream.linear.gather [hbm4b:s10+s3], $0x68, $0x38;
	[tilespmem:$0x1E080] =	vst v63  }
0xb9: {  	s21 =	sadd.s32 $0x0, s17  }
0xba: {  	[tilespmem:s28], [sflag:$0x3] =	stream.linear.gather [hbm4b:s21+s3], $0x68, $0x38;
	[tilespmem:$0x1E080] =	vst v63  }
0xbb: {  	_ =	swait.ge [sflag:s8], $0x3400  }
0xbc: {  	[sflag:s8] =	ssyncset.done $0x0  }
0xbd: {  	[sflag:s8] =	ssyncadd.s32 $0xFFFFCC00  }
0xbe: {  	_ =	swait.ge [sflag:s29], $0x68  }
0xbf: {  	[sflag:s29] =	ssyncset.done $0x0  }
0xc0: {  	[sflag:s29] =	ssyncadd.s32 $0xFFFFFF98  }
0xc1: {  	_ =	swait.ge [sflag:s29], $0x68  }
0xc2: {  	[sflag:s29] =	ssyncset.done $0x0  }
0xc3: {  	[sflag:s29] =	ssyncadd.s32 $0xFFFFFF98  }
0xc4: {  	[tilespmem:s30], [sflag:$0x5] =	stream.indirect.gather [hbm4b:s20+s23], $0x80, s15, s23, $0xb8;
	[tilespmem:$0x1E080] =	vst v63  }
0xc5: {  	_ =	swait.ge [sflag:s31], $0x3400  }
0xc6: {  	[sflag:s31] =	ssyncset.done $0x0  }
0xc7: {  	s7 =	rddreg [dreg:$0x3];
	[sflag:s31] =	ssyncadd.s32 $0xFFFFCC00  }
0xc8: {  	[spmem:s1] =	stream.indirect.scatter.add.f32 [tilespmem:s24], [sflag:$0x7], $0x80, s14, s23, $0xb8;
	[tilespmem:$0x1E080] =	vst v63  }
0xc9: {  	s13 =	rddreg [dreg:$0x4];
	s10 =	sadd.s32 $0x0, s7  }
0xca: {  	[tilespmem:s3], [sflag:$0x1] =	stream.linear.gather [hbm4b:s10+s3], $0x68, $0x38;
	[tilespmem:$0x1E080] =	vst v63  }
0xcb: {  	s21 =	sadd.s32 $0x0, s13  }
0xcc: {  	[tilespmem:s14], [sflag:$0x1] =	stream.linear.gather [hbm4b:s21+s3], $0x68, $0x38;
	[tilespmem:$0x1E080] =	vst v63  }
0xcd: {  	_ =	swait.ge [sflag:s9], $0x3400  }
0xce: {  	[sflag:s9] =	ssyncset.done $0x0  }
0xcf: {  	[sflag:s9] =	ssyncadd.s32 $0xFFFFCC00  }
0xd0: {  	_ =	swait.ge [sflag:s0], $0x68  }
0xd1: {  	[sflag:s0] =	ssyncset.done $0x0  }
0xd2: {  	[sflag:s0] =	ssyncadd.s32 $0xFFFFFF98  }
0xd3: {  	_ =	swait.ge [sflag:s0], $0x68  }
0xd4: {  	[sflag:s0] =	ssyncset.done $0x0  }
0xd5: {  	[sflag:s0] =	ssyncadd.s32 $0xFFFFFF98  }
0xd6: {  	[tilespmem:s25], [sflag:$0x6] =	stream.indirect.gather [hbm4b:s20+s23], $0x80, s4, s23, $0xb8;
	[tilespmem:$0x1E080] =	vst v63  }
0xd7: {  	_ =	swait.ge [sflag:s2], $0x3400  }
0xd8: {  	[sflag:s2] =	ssyncset.done $0x0  }
0xd9: {  	s13 =	simm.s32 $0x27;
	[sflag:s2] =	ssyncadd.s32 $0xFFFFCC00  }
.LBB2_4:
0xda: {  	[spmem:s1] =	stream.indirect.scatter.add.f32 [tilespmem:s30], [sflag:$0x8], $0x80, s16, s23, $0xb8;
	[tilespmem:$0x1E080] =	vst v63  }
0xdb: {  	s10 =	smov.u32 s13  }
0xdc: {  	s7 =	sadd.s32 s10, s18  }
0xdd: {  	[tilespmem:s15], [sflag:$0x2] =	stream.linear.gather [hbm4b:s7+s3], $0x68, $0x38;
	[tilespmem:$0x1E080] =	vst v63  }
0xde: {  	s21 =	sadd.s32 s10, s19  }
0xdf: {  	[tilespmem:s16], [sflag:$0x2] =	stream.linear.gather [hbm4b:s21+s3], $0x68, $0x38;
	[tilespmem:$0x1E080] =	vst v63  }
0xe0: {  	_ =	swait.ge [sflag:s5], $0x3400  }
0xe1: {  	[sflag:s5] =	ssyncset.done $0x0  }
0xe2: {  	[sflag:s5] =	ssyncadd.s32 $0xFFFFCC00  }
0xe3: {  	_ =	swait.ge [sflag:s22], $0x68  }
0xe4: {  	[sflag:s22] =	ssyncset.done $0x0  }
0xe5: {  	[sflag:s22] =	ssyncadd.s32 $0xFFFFFF98  }
0xe6: {  	_ =	swait.ge [sflag:s22], $0x68  }
0xe7: {  	[sflag:s22] =	ssyncset.done $0x0  }
0xe8: {  	[sflag:s22] =	ssyncadd.s32 $0xFFFFFF98  }
0xe9: {  	[tilespmem:s24], [sflag:$0x4] =	stream.indirect.gather [hbm4b:s20+s23], $0x80, s3, s23, $0xb8;
	[tilespmem:$0x1E080] =	vst v63  }
0xea: {  	_ =	swait.ge [sflag:s6], $0x3400  }
0xeb: {  	[sflag:s6] =	ssyncset.done $0x0  }
0xec: {  	s21 =	rddreg [dreg:$0x5];
	[sflag:s6] =	ssyncadd.s32 $0xFFFFCC00  }
0xed: {  	[spmem:s1] =	stream.indirect.scatter.add.f32 [tilespmem:s25], [sflag:$0x9], $0x80, s28, s23, $0xb8;
	[tilespmem:$0x1E080] =	vst v63  }
0xee: {  	s7 =	sadd.s32 s10, s21  }
0xef: {  	[tilespmem:s4], [sflag:$0x3] =	stream.linear.gather [hbm4b:s7+s3], $0x68, $0x38;
	[tilespmem:$0x1E080] =	vst v63  }
0xf0: {  	s21 =	sadd.s32 s10, s17  }
0xf1: {  	[tilespmem:s28], [sflag:$0x3] =	stream.linear.gather [hbm4b:s21+s3], $0x68, $0x38;
	[tilespmem:$0x1E080] =	vst v63  }
0xf2: {  	_ =	swait.ge [sflag:s8], $0x3400  }
0xf3: {  	[sflag:s8] =	ssyncset.done $0x0  }
0xf4: {  	[sflag:s8] =	ssyncadd.s32 $0xFFFFCC00  }
0xf5: {  	_ =	swait.ge [sflag:s29], $0x68  }
0xf6: {  	[sflag:s29] =	ssyncset.done $0x0  }
0xf7: {  	[sflag:s29] =	ssyncadd.s32 $0xFFFFFF98  }
0xf8: {  	_ =	swait.ge [sflag:s29], $0x68  }
0xf9: {  	[sflag:s29] =	ssyncset.done $0x0  }
0xfa: {  	[sflag:s29] =	ssyncadd.s32 $0xFFFFFF98  }
0xfb: {  	[tilespmem:s30], [sflag:$0x5] =	stream.indirect.gather [hbm4b:s20+s23], $0x80, s15, s23, $0xb8;
	[tilespmem:$0x1E080] =	vst v63  }
0xfc: {  	_ =	swait.ge [sflag:s31], $0x3400  }
0xfd: {  	[sflag:s31] =	ssyncset.done $0x0  }
0xfe: {  	s7 =	rddreg [dreg:$0x3];
	[sflag:s31] =	ssyncadd.s32 $0xFFFFCC00  }
0xff: {  	[spmem:s1] =	stream.indirect.scatter.add.f32 [tilespmem:s24], [sflag:$0x7], $0x80, s14, s23, $0xb8;
	[tilespmem:$0x1E080] =	vst v63  }
0x100: {  	s21 =	rddreg [dreg:$0x4];
	s7 =	sadd.s32 s10, s7  }
0x101: {  	[tilespmem:s3], [sflag:$0x1] =	stream.linear.gather [hbm4b:s7+s3], $0x68, $0x38;
	[tilespmem:$0x1E080] =	vst v63  }
0x102: {  	s21 =	sadd.s32 s10, s21  }
0x103: {  	[tilespmem:s14], [sflag:$0x1] =	stream.linear.gather [hbm4b:s21+s3], $0x68, $0x38;
	[tilespmem:$0x1E080] =	vst v63  }
0x104: {  	_ =	swait.ge [sflag:s9], $0x3400  }
0x105: {  	[sflag:s9] =	ssyncset.done $0x0  }
0x106: {  	[sflag:s9] =	ssyncadd.s32 $0xFFFFCC00  }
0x107: {  	_ =	swait.ge [sflag:s0], $0x68  }
0x108: {  	[sflag:s0] =	ssyncset.done $0x0  }
0x109: {  	[sflag:s0] =	ssyncadd.s32 $0xFFFFFF98  }
0x10a: {  	_ =	swait.ge [sflag:s0], $0x68  }
0x10b: {  	p1 =	sne.s32 s13, $0x46B;
	[sflag:s0] =	ssyncset.done $0x0  }
.Ltmp1:
0x10c: {  	[sflag:s0] =	ssyncadd.s32 $0xFFFFFF98;
	(pc) =	sbr.rel @p1 .LBB2_4-.Ltmp1, $4  }
0x10d: {  	[tilespmem:s25], [sflag:$0x6] =	stream.indirect.gather [hbm4b:s20+s23], $0x80, s4, s23, $0xb8;
	[tilespmem:$0x1E080] =	vst v63  }
0x10e: {  	_ =	swait.ge [sflag:s2], $0x3400  }
0x10f: {  	[sflag:s2] =	ssyncset.done $0x0  }
0x110: {  	s13 =	sadd.s32 $0x27, s13;
	[sflag:s2] =	ssyncadd.s32 $0xFFFFCC00  }
0x111: {  	s7 =	sld [smem:$0x7F9]  }
0x112: {  	[spmem:s1] =	stream.indirect.scatter.add.f32 [tilespmem:s30], [sflag:$0x8], $0x80, s16, s23, $0xb8;
	[tilespmem:$0x1E080] =	vst v63  }
0x113: {  	s13 =	sld [smem:$0x7FA]  }
0x114: {  	[tilespmem:s15], [sflag:$0x2] =	stream.linear.gather [hbm4b:s7+s3], $0x68, $0x38;
	[tilespmem:$0x1E080] =	vst v63  }
0x115: {  	_ = 	snop  }
0x116: {  	[tilespmem:s16], [sflag:$0x2] =	stream.linear.gather [hbm4b:s13+s3], $0x68, $0x38;
	[tilespmem:$0x1E080] =	vst v63  }
0x117: {  	_ =	swait.ge [sflag:s5], $0x3400  }
0x118: {  	[sflag:s5] =	ssyncset.done $0x0  }
0x119: {  	[sflag:s5] =	ssyncadd.s32 $0xFFFFCC00  }
0x11a: {  	_ =	swait.ge [sflag:s22], $0x68  }
0x11b: {  	[sflag:s22] =	ssyncset.done $0x0  }
0x11c: {  	[sflag:s22] =	ssyncadd.s32 $0xFFFFFF98  }
0x11d: {  	_ =	swait.ge [sflag:s22], $0x68  }
0x11e: {  	[sflag:s22] =	ssyncset.done $0x0  }
0x11f: {  	[sflag:s22] =	ssyncadd.s32 $0xFFFFFF98  }
0x120: {  	[tilespmem:s24], [sflag:$0x4] =	stream.indirect.gather [hbm4b:s20+s23], $0x80, s3, s23, $0xb8;
	[tilespmem:$0x1E080] =	vst v63  }
0x121: {  	_ =	swait.ge [sflag:s6], $0x3400  }
0x122: {  	[sflag:s6] =	ssyncset.done $0x0  }
0x123: {  	[sflag:s6] =	ssyncadd.s32 $0xFFFFCC00  }
0x124: {  	[spmem:s1] =	stream.indirect.scatter.add.f32 [tilespmem:s25], [sflag:$0x9], $0x80, s28, s23, $0xb8;
	[tilespmem:$0x1E080] =	vst v63  }
0x125: {  	s21 =	rddreg [dreg:$0x11]  }
0x126: {  	[tilespmem:s4], [sflag:$0x3] =	stream.linear.gather [hbm4b:s21+s3], $0x68, $0x38;
	[tilespmem:$0x1E080] =	vst v63  }
0x127: {  	s10 =	rddreg [dreg:$0x12]  }
0x128: {  	[tilespmem:s28], [sflag:$0x3] =	stream.linear.gather [hbm4b:s10+s3], $0x68, $0x38;
	[tilespmem:$0x1E080] =	vst v63  }
0x129: {  	_ =	swait.ge [sflag:s8], $0x3400  }
0x12a: {  	[sflag:s8] =	ssyncset.done $0x0  }
0x12b: {  	[sflag:s8] =	ssyncadd.s32 $0xFFFFCC00  }
0x12c: {  	_ =	swait.ge [sflag:s29], $0x68  }
0x12d: {  	[sflag:s29] =	ssyncset.done $0x0  }
0x12e: {  	[sflag:s29] =	ssyncadd.s32 $0xFFFFFF98  }
0x12f: {  	_ =	swait.ge [sflag:s29], $0x68  }
0x130: {  	[sflag:s29] =	ssyncset.done $0x0  }
0x131: {  	[sflag:s29] =	ssyncadd.s32 $0xFFFFFF98  }
0x132: {  	[tilespmem:s30], [sflag:$0x5] =	stream.indirect.gather [hbm4b:s20+s23], $0x80, s15, s23, $0xb8;
	[tilespmem:$0x1E080] =	vst v63  }
0x133: {  	_ =	swait.ge [sflag:s31], $0x3400  }
0x134: {  	[sflag:s31] =	ssyncset.done $0x0  }
0x135: {  	[sflag:s31] =	ssyncadd.s32 $0xFFFFCC00  }
0x136: {  	[spmem:s1] =	stream.indirect.scatter.add.f32 [tilespmem:s24], [sflag:$0x7], $0x80, s14, s23, $0xb8;
	[tilespmem:$0x1E080] =	vst v63  }
0x137: {  	_ =	swait.ge [sflag:s9], $0x3400  }
0x138: {  	[sflag:s9] =	ssyncset.done $0x0  }
0x139: {  	[sflag:s9] =	ssyncadd.s32 $0xFFFFCC00  }
0x13a: {  	_ =	swait.ge [sflag:s0], $0x68  }
0x13b: {  	[sflag:s0] =	ssyncset.done $0x0  }
0x13c: {  	[sflag:s0] =	ssyncadd.s32 $0xFFFFFF98  }
0x13d: {  	_ =	swait.ge [sflag:s0], $0x68  }
0x13e: {  	[sflag:s0] =	ssyncset.done $0x0  }
0x13f: {  	[sflag:s0] =	ssyncadd.s32 $0xFFFFFF98  }
0x140: {  	[tilespmem:s25], [sflag:$0x6] =	stream.indirect.gather [hbm4b:s20+s23], $0x80, s4, s23, $0xb8;
	[tilespmem:$0x1E080] =	vst v63  }
0x141: {  	_ =	swait.ge [sflag:s2], $0x3400  }
0x142: {  	[sflag:s2] =	ssyncset.done $0x0  }
0x143: {  	[sflag:s2] =	ssyncadd.s32 $0xFFFFCC00  }
0x144: {  	[spmem:s1] =	stream.indirect.scatter.add.f32 [tilespmem:s30], [sflag:$0x8], $0x80, s16, s23, $0xb8;
	[tilespmem:$0x1E080] =	vst v63  }
0x145: {  	_ =	swait.ge [sflag:s5], $0x3400  }
0x146: {  	[sflag:s5] =	ssyncset.done $0x0  }
0x147: {  	[sflag:s5] =	ssyncadd.s32 $0xFFFFCC00  }
0x148: {  	_ =	swait.ge [sflag:s6], $0x3400  }
0x149: {  	[sflag:s6] =	ssyncset.done $0x0  }
0x14a: {  	s13 =	sld [smem:$0x7FB];
	[sflag:s6] =	ssyncadd.s32 $0xFFFFCC00  }
0x14b: {  	[spmem:s1] =	stream.indirect.scatter.add.f32 [tilespmem:s25], [sflag:$0x9], $0x80, s28, s23, $0xb8;
	[tilespmem:$0x1E080] =	vst v63  }
0x14c: {  	s10 =	simm.s32 $0x9F00  }
0x14d: {  	[tilespmem:s10], [sflag:$0xB] =	stream.linear.gather [hbm4b:s13+s3], $0x10, $0x38;
	[tilespmem:$0x1E080] =	vst v63  }
0x14e: {  	_ =	swait.ge [sflag:s11], $0x10  }
0x14f: {  	s21 =	sld [smem:$0x7FC]  }
0x150: {  	[sflag:s11] =	ssyncset.done $0x0  }
0x151: {  	s13 =	simm.s32 $0x9F80;
	[sflag:s11] =	ssyncadd.s32 $0xFFFFFFF0  }
0x152: {  	[tilespmem:s13], [sflag:$0xB] =	stream.linear.gather [hbm4b:s21+s3], $0x10, $0x38;
	[tilespmem:$0x1E080] =	vst v63  }
0x153: {  	_ =	swait.ge [sflag:s11], $0x10  }
0x154: {  	[sflag:s11] =	ssyncset.done $0x0  }
0x155: {  	s7 =	simm.s32 $0x10;
	s21 =	simm.s32 $0xA000;
	[sflag:s11] =	ssyncadd.s32 $0xFFFFFFF0  }
0x156: {  	[tilespmem:s21], [sflag:$0xA] =	stream.indirect.gather [hbm4b:s20+s7], $0x80, s10, s7, $0xb8;
	[tilespmem:$0x1E080] =	vst v63  }
0x157: {  	_ =	swait.ge [sflag:s26], $0x800  }
0x158: {  	[sflag:s26] =	ssyncset.done $0x0  }
0x159: {  	[sflag:s26] =	ssyncadd.s32 $0xFFFFF800  }
0x15a: {  	[spmem:s1] =	stream.indirect.scatter.add.f32 [tilespmem:s21], [sflag:$0xB], $0x80, s13, s7, $0xb8;
	[tilespmem:$0x1E080] =	vst v63  }
0x15b: {  	_ =	swait.ge [sflag:s11], $0x800  }
0x15c: {  	[sflag:s11] =	ssyncset.done $0x0  }
0x15d: {  	[sflag:s11] =	ssyncadd.s32 $0xFFFFF800  }
0x15e: {  	_ =	swait.ge [sflag:s8], $0x3400  }
0x15f: {  	[sflag:s8] =	ssyncset.done $0x0  }
0x160: {  	[sflag:s8] =	ssyncadd.s32 $0xFFFFCC00  }
0x161: {  	_ =	swait.ge [sflag:s9], $0x3400  }
0x162: {  	[sflag:s9] =	ssyncset.done $0x0  }
0x163: {  	[sflag:s9] =	ssyncadd.s32 $0xFFFFCC00  }
0x164: {  	s10 =	stileid.u32;
	[bflag:$0x0] =	sbarrier.arrive $0xFFFF  }
0x165: {  	s7 =	sshll.u32 s10, $0x6;
	s13 =	rddreg [dreg:$0x13]  }
0x166: {  	s7 =	sor.u32 $0x1C0B, s7;
	s21 =	rddreg [dreg:$0x8];
	s10 =	sshrl.u32 s13, $0x3  }
0x167: {  	[hbm:s21], [sflag:s7] =	dma.local [spmem:s10], $0x680  }
0x168: {  	_ =	swait.ge [sflag:s11], $0x680  }
0x169: {  	[sflag:s11] =	ssyncset.done $0x0;
	s13 =	rddreg [dreg:$0x9]  }
0x16a: {  	s21 =	rddreg [dreg:$0x16];
	[sflag:s11] =	ssyncadd.s32 $0xFFFFF980  }
0x16b: {  	[hbm:s13], [sflag:s7] =	dma.local [spmem:s21], $0x680  }
0x16c: {  	_ =	swait.ge [sflag:s11], $0x680  }
0x16d: {  	[sflag:s11] =	ssyncset.done $0x0;
	s13 =	rddreg [dreg:$0xa]  }
0x16e: {  	s21 =	rddreg [dreg:$0x17];
	[sflag:s11] =	ssyncadd.s32 $0xFFFFF980  }
0x16f: {  	[hbm:s13], [sflag:s7] =	dma.local [spmem:s21], $0x680  }
0x170: {  	_ =	swait.ge [sflag:s11], $0x680  }
0x171: {  	[sflag:s11] =	ssyncset.done $0x0;
	s13 =	rddreg [dreg:$0xb]  }
0x172: {  	s21 =	rddreg [dreg:$0x18];
	[sflag:s11] =	ssyncadd.s32 $0xFFFFF980  }
0x173: {  	[hbm:s13], [sflag:s7] =	dma.local [spmem:s21], $0x680  }
0x174: {  	_ =	swait.ge [sflag:s11], $0x680  }
0x175: {  	[sflag:s11] =	ssyncset.done $0x0;
	s13 =	rddreg [dreg:$0xc]  }
0x176: {  	s21 =	rddreg [dreg:$0x19];
	[sflag:s11] =	ssyncadd.s32 $0xFFFFF980  }
0x177: {  	[hbm:s13], [sflag:s7] =	dma.local [spmem:s21], $0x680  }
0x178: {  	_ =	swait.ge [sflag:s11], $0x680  }
0x179: {  	[sflag:s11] =	ssyncset.done $0x0;
	s13 =	rddreg [dreg:$0xd]  }
0x17a: {  	s21 =	rddreg [dreg:$0x1a];
	[sflag:s11] =	ssyncadd.s32 $0xFFFFF980  }
0x17b: {  	[hbm:s13], [sflag:s7] =	dma.local [spmem:s21], $0x680  }
0x17c: {  	_ =	swait.ge [sflag:s11], $0x680  }
0x17d: {  	s21 =	sld [smem:$0x7FD];
	_ =	sdelay $0x1  }
0x17e: {  	s10 =	simm.s32 @!p0 $0x1C0B;
	[sflag:s11] =	ssyncset.done $0x0  }
0x17f: {  	s13 =	rddreg [dreg:$0x14];
	[sflag:s11] =	ssyncadd.s32 $0xFFFFF980;
	s7 =	sshrl.u32 @!p0 s21, $0x3  }
0x180: {  	[hbm:s13], [sflag:s10] =	dma.local @!p0 [spmem:s7], $0x100  }
0x181: {  	s7 =	simm.s32 @!p0 $0xB  }
0x182: {  	_ =	swait.ge @!p0 [sflag:s7], $0x100  }
0x183: {  	s12 =	sadd.s32 $0x1, s12;
	s13 =	rddreg [dreg:$0x15]  }
0x184: {  	p1 =	sne.s32 s12, s13  }
.Ltmp2:
0x185: {  	_ = 	snop;
	(pc) =	sbr.rel @p1 .LBB2_1-.Ltmp2, $3  }
0x186: {  	_ =	sdelay $0x1  }
0x187: {  	[sflag:s7] =	ssyncset.done @!p0 $0x0  }
0x188: {  	[sflag:s7] =	ssyncadd.s32 @!p0 $0xFFFFFF00  }
0x189: {  	_ =	sfence.sel $0x180000  }
0x18a: {  	[bflag:$0x0] =	sbarrier.arrive $0xFFFF  }
0x18b: {  	_ =	strace $0x9000004D  }
0x18c: {  	[bflag:$0x2] =	sbarrier.arrive $0xFFFF  }
0x18d: {  	s0 =	rddreg [dreg:$0x2]  }
0x18e: {  	s0 =	sadd.s32 @!p0 $0x100000, s0  }
0x18f: {  	[sflag:s0] =	ssyncadd.tile.s32 @!p0 $0x1;
	_ =	shalt  }
.Lfunc_end2:
_tile_overlayer_lowered:
.L_overlay_start_2:
0x190: {  	(tag) =	ssettag $0x2  }
0x191: {  	s0 =	rddreg [dreg:$0x0];
	s2 =	stileid.u32  }
0x192: {  	s1 =	rddreg [dreg:$0x1];
	p0 =	sne.s32 s2, $0x0  }
0x193: {  	s3 =	rddreg [dreg:$0x2];
	[bflag:$0x3] =	sbarrier.arrive $0xFFFF;
	s2 =	simm.s32 @!p0 $0x1C0B  }
0x194: {  	[timem:s3], [sflag:s2] =	dma.local @!p0 [hbm:s0], s1  }
0x195: {  	s0 =	simm.s32 @!p0 $0xB  }
0x196: {  	_ =	swait.ge @!p0 [sflag:s0], s1  }
0x197: {  	s1 =	ssub.s32 @!p0 $0x0, s1;
	[sflag:s0] =	ssyncset.done @!p0 $0x0  }
0x198: {  	[sflag:s0] =	ssyncadd.s32 @!p0 s1  }
0x199: {  	[bflag:$0x3] =	sbarrier.arrive $0xFFFF  }
0x19a: {  	_ =	shalt  }

// kernel: kernel.8.cloned.1.call-start
scs
__scs_entry_jumppad:
0x0: {  	(pc) =	sbr.rel $0x88, $3  }
0x1: {  	(tag) =	ssettag $0x0;
	lr =	simm.s32 $0x1  }
0x2: {  	[smem:$0x3F7F] =	sst lr;
	_ =	strace $0xD0000000  }
0x3: {  	_ = 	snop  }
0x4: {  	_ = 	snop  }
0x5: {  	_ = 	snop  }
0x6: {  	_ = 	snop  }
0x7: {  	_ = 	snop  }
__scs_overlays_trampoline_lowered:
0x8: {  	[smem:$0x3F8E] =	sst s0  }
0x9: {  	[smem:$0x3F8F] =	sst s1  }
0xa: {  	[smem:$0x3F90] =	sst s2  }
0xb: {  	[smem:$0x3F91] =	sst s3  }
0xc: {  	[smem:$0x3F92] =	sst s4  }
0xd: {  	[smem:$0x3F93] =	sst s5  }
0xe: {  	[smem:$0x3F94] =	sst s6  }
0xf: {  	[smem:$0x3F95] =	sst s7  }
0x10: {  	[smem:$0x3F96] =	sst s8  }
0x11: {  	[smem:$0x3F97] =	sst s9;
	s0 =	simm.s32 @!p0 $0x0  }
0x12: {  	s1 =	sld [smem:$0x3F7D];
	s0 =	simm.s32 @p0 $0x1  }
0x13: {  	[smem:$0x3F98] =	sst s0;
	s0 =	simm.s32 @!p1 $0x0  }
0x14: {  	s2 =	sld [smem:$0x3F7C];
	s0 =	simm.s32 @p1 $0x1  }
0x15: {  	[smem:$0x3F99] =	sst s0;
	s0 =	simm.s32 @!p2 $0x0  }
0x16: {  	s3 =	sld [smem:$0x3FDB];
	s0 =	simm.s32 @p2 $0x1  }
0x17: {  	s4 =	simm.s32 $0x1BF5;
	[smem:$0x3F9B] =	sst s0  }
0x18: {  	s0 =	sld [smem:$0x3F7E];
	_ =	swait.ge [sflag:s4], $0x0  }
0x19: {  	s7 =	sld [smem:$0x3F7F]  }
0x1a: {  	s8 =	sadd.s32 $0xFFFFE003, lr  }
0x1b: {  	s9 =	sadd.s32 $0xFFFFFEF7, lr;
	s5 =	simm.s32 $0xFFFFFFFF;
	p2 =	slt.u32 s8, $0xFFFFF086  }
0x1c: {  	p1 =	slt.u32 s9, $0xF7A;
	s5 =	simm.s32 @!p2 $0x0  }
0x1d: {  	s5 =	simm.s32 @p1 $0x1;
	p0 =	seq.s32 s7, s2  }
0x1e: {  	s7 =	smul.u32 @!p0 $0xF7A, s2;
	p2 =	seq.s32 @!p0 s5, $0x0  }
0x1f: {  	s9 =	smul.u32 $0xF7A, s1;
	s8 =	simm.s32 @!p0 $0x1BF5;
	p2 =	por !p2, p0  }
0x20: {  	[sflag:s8] =	ssyncset.s32 @!p0 $0xFFFFF086;
	s6 =	sadd.s32 @!p0 s3, s7;
	s7 =	simm.s32 @!p0 $0x108  }
0x21: {  	s3 =	sadd.s32 s3, s9;
	s6 =	sadd.s32 @!p0 $0x88, s6;
	s7 =	simm.s32 @p2 $0x1082  }
0x22: {  	[simem:s7], [sflag:s8] =	dma.local @!p0 [hbm:s6], $0xF7A  }
0x23: {  	s9 =	sor.u32 $0xD0000000, s2;
	s6 =	simm.s32 $0x108;
	_ =	swait.ge @!p0 [sflag:s8], $0x0  }
0x24: {  	s3 =	sadd.s32 $0x88, s3;
	s6 =	simm.s32 @!p1 $0x1082;
	[sflag:s4] =	ssyncset.s32 $0xFFFFF086  }
0x25: {  	[simem:s6], [sflag:s4] =	dma.local [hbm:s3], $0xF7A  }
0x26: {  	[smem:$0x3F7F] =	sst s1;
	(tag) =	ssettag s2;
	_ =	strace s9  }
0x27: {  	s1 =	sld [smem:$0x3F8F]  }
0x28: {  	s2 =	sld [smem:$0x3F90]  }
0x29: {  	s4 =	sld [smem:$0x3F92]  }
0x2a: {  	p0 =	seq.s32 s5, $0x0;
	s5 =	sld [smem:$0x3F93]  }
0x2b: {  	s6 =	sld [smem:$0x3F94]  }
0x2c: {  	s7 =	sld [smem:$0x3F95]  }
0x2d: {  	s3 =	simm.s32 $0x108;
	s8 =	sld [smem:$0x3F96]  }
0x2e: {  	s3 =	simm.s32 @!p0 $0x1082;
	s9 =	sld [smem:$0x3F97]  }
0x2f: {  	lr =	sadd.s32 s0, s3;
	s0 =	sld [smem:$0x3F8E]  }
0x30: {  	s3 =	sld [smem:$0x3F91]  }
0x31: {  	[smem:$0x3F9A] =	sst s10  }
0x32: {  	s10 =	sld [smem:$0x3F98];
	_ =	sdelay $0x3  }
0x33: {  	p0 =	seq.s32 s10, $0x1;
	s10 =	sld [smem:$0x3F9A];
	_ =	sdelay $0x3  }
0x34: {  	[smem:$0x3F9A] =	sst s10  }
0x35: {  	s10 =	sld [smem:$0x3F99];
	_ =	sdelay $0x3  }
0x36: {  	p1 =	seq.s32 s10, $0x1;
	s10 =	sld [smem:$0x3F9A];
	_ =	sdelay $0x3  }
0x37: {  	[smem:$0x3F9A] =	sst s10  }
0x38: {  	s10 =	sld [smem:$0x3F9B]  }
0x39: {  	_ = 	snop;
	(pc) =	sbr.ind lr, $3  }
0x3a: {  	_ = 	snop  }
0x3b: {  	_ = 	snop  }
0x3c: {  	p2 =	seq.s32 s10, $0x1;
	s10 =	sld [smem:$0x3F9A]  }
0x3d: {  	_ =	shalt  }
0x3e: {  	_ =	shalt  }
0x3f: {  	_ =	shalt  }
0x40: {  	_ =	shalt  }
0x41: {  	_ =	shalt  }
0x42: {  	_ =	shalt  }
0x43: {  	_ =	shalt  }
0x44: {  	_ =	shalt  }
0x45: {  	_ =	shalt  }
0x46: {  	_ =	shalt  }
0x47: {  	_ =	shalt  }
0x48: {  	_ =	shalt  }
0x49: {  	_ =	shalt  }
0x4a: {  	_ =	shalt  }
0x4b: {  	_ =	shalt  }
0x4c: {  	_ =	shalt  }
0x4d: {  	_ =	shalt  }
0x4e: {  	_ =	shalt  }
0x4f: {  	_ =	shalt  }
0x50: {  	_ =	shalt  }
0x51: {  	_ =	shalt  }
0x52: {  	_ =	shalt  }
0x53: {  	_ =	shalt  }
0x54: {  	_ =	shalt  }
0x55: {  	_ =	shalt  }
0x56: {  	_ =	shalt  }
0x57: {  	_ =	shalt  }
0x58: {  	_ =	shalt  }
0x59: {  	_ =	shalt  }
0x5a: {  	_ =	shalt  }
0x5b: {  	_ =	shalt  }
0x5c: {  	_ =	shalt  }
0x5d: {  	_ =	shalt  }
0x5e: {  	_ =	shalt  }
0x5f: {  	_ =	shalt  }
0x60: {  	_ =	shalt  }
0x61: {  	_ =	shalt  }
0x62: {  	_ =	shalt  }
0x63: {  	_ =	shalt  }
0x64: {  	_ =	shalt  }
0x65: {  	_ =	shalt  }
0x66: {  	_ =	shalt  }
0x67: {  	_ =	shalt  }
0x68: {  	_ =	shalt  }
0x69: {  	_ =	shalt  }
0x6a: {  	_ =	shalt  }
0x6b: {  	_ =	shalt  }
0x6c: {  	_ =	shalt  }
0x6d: {  	_ =	shalt  }
0x6e: {  	_ =	shalt  }
0x6f: {  	_ =	shalt  }
0x70: {  	_ =	shalt  }
0x71: {  	_ =	shalt  }
0x72: {  	_ =	shalt  }
0x73: {  	_ =	shalt  }
0x74: {  	_ =	shalt  }
0x75: {  	_ =	shalt  }
0x76: {  	_ =	shalt  }
0x77: {  	_ =	shalt  }
0x78: {  	_ =	shalt  }
0x79: {  	_ =	shalt  }
0x7a: {  	_ =	shalt  }
0x7b: {  	_ =	shalt  }
0x7c: {  	_ =	shalt  }
0x7d: {  	_ =	shalt  }
0x7e: {  	_ =	shalt  }
0x7f: {  	_ =	shalt  }
0x80: {  	_ =	shalt  }
0x81: {  	_ =	shalt  }
0x82: {  	_ =	shalt  }
0x83: {  	_ =	shalt  }
0x84: {  	_ =	shalt  }
0x85: {  	_ =	shalt  }
0x86: {  	_ =	shalt  }
0x87: {  	_ =	shalt  }
.Lfunc_end0:
.L_simem_size_0:
called_computation_lowered:
.L_overlay_start_0:
0x88: {  	s2 =	sld [smem:$0x3FD9]  }
0x89: {  	s3 =	sld [smem:$0x3FFE];
	_ =	sdelay $0x1  }
0x8a: {  	s1 =	srdreg.scid  }
0x8b: {  	s0 =	sand.u32 $0x1, s1  }
0x8c: {  	s17 =	sshll.u32 s0, $0xA;
	s2 =	sadd.s32 s3, s2  }
0x8d: {  	s2 =	sadd.s32 s2, s17  }
0x8e: {  	[smem:$0x3FA6] =	sst s2  }
0x8f: {  	_ = 	snop  }
0x90: {  	s2 =	sld [smem:$0x3FC9]  }
0x91: {  	s18 =	sld [smem:$0x3FC6];
	(tm) =	ssettm $0x1  }
0x92: {  	s4 =	sld [smem:$0x3FFB];
	_ =	sdelay $0x3  }
0x93: {  	_ =	strace s4  }
0x94: {  	s4 =	sld [smem:$0x3FFC];
	_ =	sdelay $0x3  }
0x95: {  	_ =	strace s4  }
0x96: {  	s4 =	sld [smem:$0x3FFD];
	_ =	sdelay $0x3  }
0x97: {  	_ =	strace s4  }
0x98: {  	_ =	strace $0x8FFFFFFF  }
0x99: {  	s19 =	sld [smem:$0x3FDB];
	_ =	sdelay $0x1  }
0x9a: {  	s5 =	simm.s32 $_scs_section_size  }
0x9b: {  	s6 =	simm.s32 $_size__tile_overlayer_lowered;
	s7 =	simm.s32 $_tile_overlayer_lowered  }
0x9c: {  	s22 =	simm.s32 $0x1BFF;
	s21 =	sshll.u32 s7, $0x1;
	s4 =	sadd.s32 s5, s19  }
0x9d: {  	s8 =	simm.s32 $0x0;
	s20 =	sshll.u32 s6, $0x1;
	s6 =	sadd.s32 s21, s4  }
0x9e: {  	[timem:s8], [sflag:s22] =	dma.local [hbm:s6], s20  }
0x9f: {  	_ =	swait.ge [sflag:s22], s20  }
0xa0: {  	s5 =	ssub.s32 $0x0, s20;
	[sflag:s22] =	ssyncset.done $0x0  }
0xa1: {  	[sflag:s22] =	ssyncadd.s32 s5;
	_ =	sdelay $0x1  }
0xa2: {  	s23 =	simm.s32 $0x1B8B  }
0xa3: {  	_ =	swait.ge [sflag:s23], $0x1  }
0xa4: {  	[sflag:s23] =	ssyncset.done $0x0  }
0xa5: {  	s25 =	simm.s32 $0x1B8E;
	s24 =	sld [smem:$0x3FFE];
	[sflag:s23] =	ssyncadd.s32 $0xFFFFFFFF  }
0xa6: {  	s26 =	simm.s32 $execute0_lowered;
	[smem:$0x3FD2] =	sst s25  }
0xa7: {  	s6 =	sshll.u32 s26, $0x1;
	_ =	strace $0x80000046;
	[dreg:$0x1] =	wrdreg $0xFFFFFFFF  }
0xa8: {  	s28 =	simm.s32 $_size_execute0_lowered;
	s4 =	sadd.s32 s4, s6;
	[dreg:$0x0] =	wrdreg $0x0  }
0xa9: {  	s6 =	sshll.u32 s28, $0x1;
	[dreg:$0x2] =	wrdreg s4  }
0xaa: {  	[dreg:$0x3] =	wrdreg s6  }
0xab: {  	[dreg:$0x4] =	wrdreg $0xC0  }
0xac: {  	_ =	task [dreg:s8], $0x5FFFF  }
0xad: {  	[dreg:$0x1] =	wrdreg $0xFFFFFFFF  }
0xae: {  	[dreg:$0x0] =	wrdreg $0x60  }
0xaf: {  	[dreg:$0x2] =	wrdreg s18  }
0xb0: {  	[dreg:$0x3] =	wrdreg s2  }
0xb1: {  	[dreg:$0x4] =	wrdreg s24  }
0xb2: {  	[dreg:$0x5] =	wrdreg $0x9  }
0xb3: {  	_ =	task.clear_ibuf [dreg:s8], $0x6FFFF;
	_ =	strace $0x90000046  }
0xb4: {  	s29 =	simm.s32 $0x9;
	_ =	strace $0x80000048  }
0xb5: {  	_ =	swait.ge [sflag:s29], $0x1  }
0xb6: {  	[sflag:s29] =	ssyncadd.s32 $0xFFFFFFFF  }
0xb7: {  	_ =	strace $0x90000048  }
0xb8: {  	_ =	sfence  }
0xb9: {  	s30 =	sld [smem:$0x0];
	_ =	sdelay $0x2  }
0xba: {  	s31 =	sshll.u32 s1, $0xD;
	s1 =	sshrl.u32 s1, $0x2  }
0xbb: {  	s3 =	sand.u32 $0x4000, s31;
	s1 =	sadd.s32 s1, s30  }
0xbc: {  	s0 =	sor.u32 s3, s0;
	s1 =	sshll.u32 s1, $0x11  }
0xbd: {  	s0 =	sor.u32 s1, s0  }
0xbe: {  	s0 =	sadd.s32 $0x8F2B, s0  }
0xbf: {  	[sflag:s0] =	ssyncadd.remote.s32 $0x1  }
0xc0: {  	_ =	sfence.sel $0xFFFF  }
0xc1: {  	[dreg:$0x0] =	wrdreg $0xFFFFFFFF;
	(pc) =	sbr.abs _section_cstart, $3  }
0xc2: {  	[dreg:$0x1] =	wrdreg $0xFFFFFFFF  }
0xc3: {  	_ =	task.clear_ibuf [dreg:s8], $0x2FFFF;
	_ =	strace $0x9FFFFFFF  }
0xc4: {  	(tm) =	ssettm $0x7FFFFFFF  }
0xc5: {  	_ =	shalt  }
tec
execute0_lowered:
.L_overlay_start_1:
0x0: {  	(tag) =	ssettag $0x1  }
0x1: {  	s2 =	rddreg [dreg:$0x0]  }
0x2: {  	s0 =	rddreg [dreg:$0x1]  }
0x3: {  	s1 =	rddreg [dreg:$0x2]  }
0x4: {  	s12 =	rddreg [dreg:$0x3];
	s3 =	simm.s32 $0x0;
	s4 =	srdreg.scid  }
0x5: {  	s14 =	stileid.u32;
	s17 =	simm.s32 $0x180;
	s16 =	simm.s32 $0x4180  }
0x6: {  	p2 =	por $0x0, $0x0;
	[smem:$0x7FF] =	sst s3;
	s4 =	sand.u32 $0x1, s4  }
0x7: {  	s5 =	sshll.u32 s14, $0x1;
	s6 =	sadd.s32 $0x5E00, s1;
	p0 =	sgt.u32 s14, $0x6  }
0x8: {  	_ =	strace $0x80000047;
	s5 =	sor.u32 s4, s5;
	s4 =	ssub.s32 $0x2, s4  }
0x9: {  	s7 =	sshll.u32 s5, $0x4;
	s8 =	sor.u32 $0x20, s5;
	s10 =	sor.u32 $0x40, s5  }
0xa: {  	s24 =	sshll.u32 s5, $0xB;
	s29 =	sshrl.u32 s4, $0x1;
	p1 =	sne.s32 s5, $0xE  }
0xb: {  	s7 =	sadd.s32 s0, s7;
	s9 =	sshll.u32 s8, $0x4;
	s22 =	sshll.u32 s10, $0x4  }
0xc: {  	s25 =	sadd.s32 s6, s24;
	s8 =	sshll.u32 s8, $0xB;
	s30 =	ssub.s32 s4, s29  }
0xd: {  	s28 =	sshll.u32 s10, $0xB;
	[dreg:$0x4] =	wrdreg s7;
	s31 =	smax.u32 s30, $0x1  }
0xe: {  	s21 =	sadd.s32 s0, s9;
	[dreg:$0x7] =	wrdreg s25;
	s10 =	sadd.s32 $0xFFFFFFFF, s31  }
0xf: {  	s23 =	sadd.s32 s0, s22;
	[dreg:$0x5] =	wrdreg s21;
	p3 =	sne.s32 s10, $0x0  }
.Ltmp0:
0x10: {  	s26 =	sadd.s32 s6, s8;
	[dreg:$0x6] =	wrdreg s23;
	(pc) =	sbr.rel @!p3 .LBB2_1-.Ltmp0, $4  }
0x11: {  	s5 =	simm.s32 $0x8;
	s6 =	sadd.s32 s6, s28;
	[dreg:$0x8] =	wrdreg s26  }
0x12: {  	s4 =	sadd.s32 $0x2CE00, s1;
	s0 =	sadd.s32 $0x4E0, s0;
	[dreg:$0x9] =	wrdreg s6  }
0x13: {  	s7 =	simm.s32 $0x80;
	s9 =	simm.s32 $0x4;
	[dreg:$0xa] =	wrdreg s0  }
0x14: {  	s8 =	simm.s32 $0x5;
	s6 =	simm.s32 $0x7;
	s13 =	rddreg [dreg:$0x4]  }
0x15: {  	[tilespmem:s3], [sflag:$0x1] =	stream.linear.gather [hbm4b:s13+s3], $0x80, $0x38;
	[tilespmem:$0xCA00] =	vst v63  }
0x16: {  	s0 =	rddreg [dreg:$0x5];
	s12 =	simm.s32 @p0 $0x1  }
0x17: {  	[tilespmem:s7], [sflag:$0x2] =	stream.linear.gather [hbm4b:s0+s3], $0x80, $0x38;
	[tilespmem:$0xCA00] =	vst v63  }
0x18: {  	_ =	swait.ge @p0 [sflag:s12], $0x80  }
0x19: {  	s14 =	simm.s32 @p0 $0x2;
	s15 =	simm.s32 @p0 $0x80;
	[sflag:s12] =	ssyncset.done @p0 $0x0  }
0x1a: {  	s1 =	simm.s32 @p0 $0x0;
	s0 =	simm.s32 @p0 $0x180;
	[sflag:s12] =	ssyncadd.s32 @p0 $0xFFFFFF80  }
0x1b: {  	[tilespmem:s0], [sflag:$0x4] =	stream.indirect.gather @p0 [hbm4b:s2+s15], $0x80, s1, s15, $0xb8;
	[tilespmem:$0xCA00] =	vst v63  }
0x1c: {  	_ =	swait.ge @p0 [sflag:s14], $0x80  }
0x1d: {  	[sflag:s14] =	ssyncset.done @p0 $0x0  }
0x1e: {  	s18 =	simm.s32 @!p0 $0x0;
	s1 =	simm.s32 @p0 $0x4180;
	[sflag:s14] =	ssyncadd.s32 @p0 $0xFFFFFF80  }
0x1f: {  	[tilespmem:s1], [sflag:$0x5] =	stream.indirect.gather @p0 [hbm4b:s2+s15], $0x80, s15, s15, $0xb8;
	[tilespmem:$0xCA00] =	vst v63  }
0x20: {  	s19 =	simm.s32 @!p0 $0x100;
	s20 =	simm.s32 @!p0 $0x1;
	s0 =	rddreg [dreg:$0x6]  }
0x21: {  	[tilespmem:s19], [sflag:$0x3] =	stream.linear.gather @!p0 [hbm4b:s0+s18], $0x80, $0x38;
	[tilespmem:$0xCA00] =	vst v63  }
0x22: {  	_ =	swait.ge @!p0 [sflag:s20], $0x80  }
0x23: {  	s21 =	simm.s32 @!p0 $0x2;
	[sflag:s20] =	ssyncset.done @!p0 $0x0  }
0x24: {  	s22 =	simm.s32 @!p0 $0x80;
	s0 =	simm.s32 @!p0 $0x180;
	[sflag:s20] =	ssyncadd.s32 @!p0 $0xFFFFFF80  }
0x25: {  	[tilespmem:s0], [sflag:$0x4] =	stream.indirect.gather @!p0 [hbm4b:s2+s22], $0x80, s18, s22, $0xb8;
	[tilespmem:$0xCA00] =	vst v63  }
0x26: {  	_ =	swait.ge @!p0 [sflag:s21], $0x80  }
0x27: {  	[sflag:s21] =	ssyncset.done @!p0 $0x0  }
0x28: {  	s25 =	simm.s32 @!p0 $0x3;
	s0 =	simm.s32 @!p0 $0x4180;
	[sflag:s21] =	ssyncadd.s32 @!p0 $0xFFFFFF80  }
0x29: {  	[tilespmem:s0], [sflag:$0x5] =	stream.indirect.gather @!p0 [hbm4b:s2+s22], $0x80, s22, s22, $0xb8;
	[tilespmem:$0xCA00] =	vst v63  }
0x2a: {  	_ =	swait.ge @!p0 [sflag:s25], $0x80  }
0x2b: {  	[sflag:s25] =	ssyncset.done @!p0 $0x0  }
0x2c: {  	s26 =	simm.s32 @!p0 $0x8180;
	[sflag:s25] =	ssyncadd.s32 @!p0 $0xFFFFFF80  }
0x2d: {  	[tilespmem:s26], [sflag:$0x6] =	stream.indirect.gather @!p0 [hbm4b:s2+s22], $0x80, s19, s22, $0xb8;
	[tilespmem:$0xCA00] =	vst v63  }
0x2e: {  	_ =	swait.ge [sflag:s9], $0x4000  }
0x2f: {  	[sflag:s9] =	ssyncset.done $0x0  }
0x30: {  	s23 =	rddreg [dreg:$0x7];
	[sflag:s9] =	ssyncadd.s32 $0xFFFFC000  }
0x31: {  	[hbm4b:s23+s3] =	stream.linear.scatter [tilespmem:s17], [sflag:$0x7], $0x4000, $0x38;
	[tilespmem:$0xCA00] =	vst v63  }
0x32: {  	_ =	swait.ge [sflag:s8], $0x4000  }
0x33: {  	[sflag:s8] =	ssyncset.done $0x0  }
0x34: {  	s28 =	simm.s32 @!p0 $0x6;
	s24 =	rddreg [dreg:$0x8];
	[sflag:s8] =	ssyncadd.s32 $0xFFFFC000  }
0x35: {  	[hbm4b:s24+s3] =	stream.linear.scatter [tilespmem:s16], [sflag:$0x8], $0x4000, $0x38;
	[tilespmem:$0xCA00] =	vst v63  }
0x36: {  	_ =	swait.ge @!p0 [sflag:s28], $0x4000  }
0x37: {  	[sflag:s28] =	ssyncset.done @!p0 $0x0  }
0x38: {  	s29 =	simm.s32 @!p1 $0x0;
	s0 =	rddreg [dreg:$0x9];
	[sflag:s28] =	ssyncadd.s32 @!p0 $0xFFFFC000  }
0x39: {  	[hbm4b:s0+s18] =	stream.linear.scatter @!p0 [tilespmem:s26], [sflag:$0x9], $0x4000, $0x38;
	[tilespmem:$0xCA00] =	vst v63  }
0x3a: {  	s30 =	simm.s32 @!p1 $0xC180;
	s31 =	simm.s32 @!p1 $0xB;
	s1 =	rddreg [dreg:$0xa]  }
0x3b: {  	[tilespmem:s30], [sflag:$0xB] =	stream.linear.gather @!p1 [hbm4b:s1+s29], $0x10, $0x38;
	[tilespmem:$0xCA00] =	vst v63  }
0x3c: {  	_ =	swait.ge @!p1 [sflag:s31], $0x10  }
0x3d: {  	s7 =	simm.s32 @!p1 $0xC200;
	[sflag:s31] =	ssyncset.done @!p1 $0x0  }
0x3e: {  	s0 =	simm.s32 @!p1 $0xA;
	s1 =	simm.s32 @!p1 $0x10;
	[sflag:s31] =	ssyncadd.s32 @!p1 $0xFFFFFFF0  }
0x3f: {  	[tilespmem:s7], [sflag:$0xA] =	stream.indirect.gather @!p1 [hbm4b:s2+s1], $0x80, s30, s1, $0xb8;
	[tilespmem:$0xCA00] =	vst v63  }
0x40: {  	_ =	swait.ge @!p1 [sflag:s0], $0x800  }
0x41: {  	[sflag:s0] =	ssyncset.done @!p1 $0x0  }
0x42: {  	[sflag:s0] =	ssyncadd.s32 @!p1 $0xFFFFF800  }
0x43: {  	[hbm4b:s4+s29] =	stream.linear.scatter @!p1 [tilespmem:s7], [sflag:$0xB], $0x800, $0x38;
	[tilespmem:$0xCA00] =	vst v63  }
0x44: {  	_ =	swait.ge @!p1 [sflag:s31], $0x800  }
0x45: {  	[sflag:s31] =	ssyncset.done @!p1 $0x0  }
0x46: {  	[sflag:s31] =	ssyncadd.s32 @!p1 $0xFFFFF800  }
0x47: {  	_ =	swait.ge [sflag:s6], $0x4000  }
0x48: {  	s11 =	sadd.s32 $0xFFFFFFFF, s10;
	[sflag:s6] =	ssyncset.done $0x0  }
0x49: {  	p3 =	sne.s32 s11, $0x0;
	[sflag:s6] =	ssyncadd.s32 $0xFFFFC000  }
.Ltmp1:
0x4a: {  	_ =	swait.ge [sflag:s5], $0x4000;
	(pc) =	sbr.rel @!p3 .LBB2_3-.Ltmp1, $4  }
0x4b: {  	[sflag:s5] =	ssyncset.done $0x0  }
0x4c: {  	s10 =	simm.s32 @!p0 $0x9;
	p2 =	por $0x1, $0x1;
	[sflag:s5] =	ssyncadd.s32 $0xFFFFC000  }
0x4d: {  	s23 =	simm.s32 $0x180;
	s17 =	simm.s32 $0x4180;
	_ =	swait.ge @!p0 [sflag:s10], $0x4000  }
0x4e: {  	s24 =	simm.s32 $0x80;
	s13 =	rddreg [dreg:$0x4];
	[sflag:s10] =	ssyncset.done @!p0 $0x0  }
.LBB2_4:
0x4f: {  	[sflag:s10] =	ssyncadd.s32 @!p0 $0xFFFFC000  }
0x50: {  	[tilespmem:s3], [sflag:$0x1] =	stream.linear.gather [hbm4b:s13+s3], $0x80, $0x38;
	[tilespmem:$0xCA00] =	vst v63  }
0x51: {  	s16 =	rddreg [dreg:$0x5]  }
0x52: {  	[tilespmem:s24], [sflag:$0x2] =	stream.linear.gather [hbm4b:s16+s3], $0x80, $0x38;
	[tilespmem:$0xCA00] =	vst v63  }
0x53: {  	_ =	swait.ge @p0 [sflag:s12], $0x80  }
0x54: {  	[sflag:s12] =	ssyncset.done @p0 $0x0  }
0x55: {  	s13 =	simm.s32 @p0 $0x180;
	s16 =	simm.s32 @p0 $0x0;
	[sflag:s12] =	ssyncadd.s32 @p0 $0xFFFFFF80  }
0x56: {  	[tilespmem:s13], [sflag:$0x4] =	stream.indirect.gather @p0 [hbm4b:s2+s15], $0x80, s16, s15, $0xb8;
	[tilespmem:$0xCA00] =	vst v63  }
0x57: {  	_ =	swait.ge @p0 [sflag:s14], $0x80  }
0x58: {  	[sflag:s14] =	ssyncset.done @p0 $0x0  }
0x59: {  	s16 =	simm.s32 @p0 $0x4180;
	[sflag:s14] =	ssyncadd.s32 @p0 $0xFFFFFF80  }
0x5a: {  	[tilespmem:s16], [sflag:$0x5] =	stream.indirect.gather @p0 [hbm4b:s2+s15], $0x80, s15, s15, $0xb8;
	[tilespmem:$0xCA00] =	vst v63  }
0x5b: {  	s13 =	rddreg [dreg:$0x6]  }
0x5c: {  	[tilespmem:s19], [sflag:$0x3] =	stream.linear.gather @!p0 [hbm4b:s13+s18], $0x80, $0x38;
	[tilespmem:$0xCA00] =	vst v63  }
0x5d: {  	_ =	swait.ge @!p0 [sflag:s20], $0x80  }
0x5e: {  	[sflag:s20] =	ssyncset.done @!p0 $0x0  }
0x5f: {  	s13 =	simm.s32 @!p0 $0x180;
	[sflag:s20] =	ssyncadd.s32 @!p0 $0xFFFFFF80  }
0x60: {  	[tilespmem:s13], [sflag:$0x4] =	stream.indirect.gather @!p0 [hbm4b:s2+s22], $0x80, s18, s22, $0xb8;
	[tilespmem:$0xCA00] =	vst v63  }
0x61: {  	_ =	swait.ge @!p0 [sflag:s21], $0x80  }
0x62: {  	[sflag:s21] =	ssyncset.done @!p0 $0x0  }
0x63: {  	s13 =	simm.s32 @!p0 $0x4180;
	[sflag:s21] =	ssyncadd.s32 @!p0 $0xFFFFFF80  }
0x64: {  	[tilespmem:s13], [sflag:$0x5] =	stream.indirect.gather @!p0 [hbm4b:s2+s22], $0x80, s22, s22, $0xb8;
	[tilespmem:$0xCA00] =	vst v63  }
0x65: {  	_ =	swait.ge @!p0 [sflag:s25], $0x80  }
0x66: {  	[sflag:s25] =	ssyncset.done @!p0 $0x0  }
0x67: {  	[sflag:s25] =	ssyncadd.s32 @!p0 $0xFFFFFF80  }
0x68: {  	[tilespmem:s26], [sflag:$0x6] =	stream.indirect.gather @!p0 [hbm4b:s2+s22], $0x80, s19, s22, $0xb8;
	[tilespmem:$0xCA00] =	vst v63  }
0x69: {  	_ =	swait.ge [sflag:s9], $0x4000  }
0x6a: {  	[sflag:s9] =	ssyncset.done $0x0  }
0x6b: {  	s16 =	rddreg [dreg:$0x7];
	[sflag:s9] =	ssyncadd.s32 $0xFFFFC000  }
0x6c: {  	[hbm4b:s16+s3] =	stream.linear.scatter [tilespmem:s23], [sflag:$0x7], $0x4000, $0x38;
	[tilespmem:$0xCA00] =	vst v63  }
0x6d: {  	_ =	swait.ge [sflag:s8], $0x4000  }
0x6e: {  	[sflag:s8] =	ssyncset.done $0x0  }
0x6f: {  	s16 =	rddreg [dreg:$0x8];
	[sflag:s8] =	ssyncadd.s32 $0xFFFFC000  }
0x70: {  	[hbm4b:s16+s3] =	stream.linear.scatter [tilespmem:s17], [sflag:$0x8], $0x4000, $0x38;
	[tilespmem:$0xCA00] =	vst v63  }
0x71: {  	_ =	swait.ge @!p0 [sflag:s28], $0x4000  }
0x72: {  	[sflag:s28] =	ssyncset.done @!p0 $0x0  }
0x73: {  	s13 =	rddreg [dreg:$0x9];
	[sflag:s28] =	ssyncadd.s32 @!p0 $0xFFFFC000  }
0x74: {  	[hbm4b:s13+s18] =	stream.linear.scatter @!p0 [tilespmem:s26], [sflag:$0x9], $0x4000, $0x38;
	[tilespmem:$0xCA00] =	vst v63  }
0x75: {  	s16 =	rddreg [dreg:$0xa]  }
0x76: {  	[tilespmem:s30], [sflag:$0xB] =	stream.linear.gather @!p1 [hbm4b:s16+s29], $0x10, $0x38;
	[tilespmem:$0xCA00] =	vst v63  }
0x77: {  	_ =	swait.ge @!p1 [sflag:s31], $0x10  }
0x78: {  	[sflag:s31] =	ssyncset.done @!p1 $0x0  }
0x79: {  	[sflag:s31] =	ssyncadd.s32 @!p1 $0xFFFFFFF0  }
0x7a: {  	[tilespmem:s7], [sflag:$0xA] =	stream.indirect.gather @!p1 [hbm4b:s2+s1], $0x80, s30, s1, $0xb8;
	[tilespmem:$0xCA00] =	vst v63  }
0x7b: {  	_ =	swait.ge @!p1 [sflag:s0], $0x800  }
0x7c: {  	[sflag:s0] =	ssyncset.done @!p1 $0x0  }
0x7d: {  	[sflag:s0] =	ssyncadd.s32 @!p1 $0xFFFFF800  }
0x7e: {  	[hbm4b:s4+s29] =	stream.linear.scatter @!p1 [tilespmem:s7], [sflag:$0xB], $0x800, $0x38;
	[tilespmem:$0xCA00] =	vst v63  }
0x7f: {  	_ =	swait.ge @!p1 [sflag:s31], $0x800  }
0x80: {  	[sflag:s31] =	ssyncset.done @!p1 $0x0  }
0x81: {  	[sflag:s31] =	ssyncadd.s32 @!p1 $0xFFFFF800  }
0x82: {  	_ =	swait.ge [sflag:s6], $0x4000  }
0x83: {  	s11 =	sadd.s32 $0xFFFFFFFF, s11;
	[sflag:s6] =	ssyncset.done $0x0  }
0x84: {  	p3 =	sne.s32 s11, $0x0;
	[sflag:s6] =	ssyncadd.s32 $0xFFFFC000  }
.Ltmp2:
0x85: {  	_ =	swait.ge [sflag:s5], $0x4000;
	(pc) =	sbr.rel @p3 .LBB2_4-.Ltmp2, $4  }
0x86: {  	[sflag:s5] =	ssyncset.done $0x0  }
0x87: {  	[sflag:s5] =	ssyncadd.s32 $0xFFFFC000  }
0x88: {  	_ =	swait.ge @!p0 [sflag:s10], $0x4000  }
0x89: {  	s13 =	rddreg [dreg:$0x4];
	[sflag:s10] =	ssyncset.done @!p0 $0x0  }
0x8a: {  	s12 =	rddreg [dreg:$0x3];
	s14 =	stileid.u32  }
0x8b: {  	s16 =	simm.s32 $0x4180;
	s17 =	simm.s32 $0x180;
	s7 =	simm.s32 $0x80  }
.LBB2_6:
0x8c: {  	p2 =	por p0, !p2  }
0x8d: {  	[sflag:s10] =	ssyncadd.s32 @!p2 $0xFFFFC000  }
0x8e: {  	[tilespmem:s3], [sflag:$0x1] =	stream.linear.gather [hbm4b:s13+s3], $0x80, $0x38;
	[tilespmem:$0xCA00] =	vst v63  }
0x8f: {  	s0 =	rddreg [dreg:$0x5];
	s1 =	simm.s32 @p0 $0x1  }
0x90: {  	[tilespmem:s7], [sflag:$0x2] =	stream.linear.gather [hbm4b:s0+s3], $0x80, $0x38;
	[tilespmem:$0xCA00] =	vst v63  }
0x91: {  	_ =	swait.ge @p0 [sflag:s1], $0x80  }
0x92: {  	s10 =	simm.s32 @p0 $0x0;
	s0 =	simm.s32 @p0 $0x180;
	[sflag:s1] =	ssyncset.done @p0 $0x0  }
0x93: {  	s7 =	simm.s32 @p0 $0x2;
	[sflag:s1] =	ssyncadd.s32 @p0 $0xFFFFFF80;
	s1 =	simm.s32 @p0 $0x80  }
0x94: {  	[tilespmem:s0], [sflag:$0x4] =	stream.indirect.gather @p0 [hbm4b:s2+s1], $0x80, s10, s1, $0xb8;
	[tilespmem:$0xCA00] =	vst v63  }
0x95: {  	_ =	swait.ge @p0 [sflag:s7], $0x80  }
0x96: {  	[sflag:s7] =	ssyncset.done @p0 $0x0  }
0x97: {  	s0 =	simm.s32 @p0 $0x4180;
	s10 =	simm.s32 @!p0 $0x1;
	[sflag:s7] =	ssyncadd.s32 @p0 $0xFFFFFF80  }
0x98: {  	[tilespmem:s0], [sflag:$0x5] =	stream.indirect.gather @p0 [hbm4b:s2+s1], $0x80, s1, s1, $0xb8;
	[tilespmem:$0xCA00] =	vst v63  }
0x99: {  	s7 =	rddreg [dreg:$0x6];
	s0 =	simm.s32 @!p0 $0x0;
	s1 =	simm.s32 @!p0 $0x100  }
0x9a: {  	[tilespmem:s1], [sflag:$0x3] =	stream.linear.gather @!p0 [hbm4b:s7+s0], $0x80, $0x38;
	[tilespmem:$0xCA00] =	vst v63  }
0x9b: {  	_ =	swait.ge @!p0 [sflag:s10], $0x80  }
0x9c: {  	s11 =	simm.s32 @!p0 $0x180;
	[sflag:s10] =	ssyncset.done @!p0 $0x0  }
0x9d: {  	s7 =	simm.s32 @!p0 $0x2;
	[sflag:s10] =	ssyncadd.s32 @!p0 $0xFFFFFF80;
	s10 =	simm.s32 @!p0 $0x80  }
0x9e: {  	[tilespmem:s11], [sflag:$0x4] =	stream.indirect.gather @!p0 [hbm4b:s2+s10], $0x80, s0, s10, $0xb8;
	[tilespmem:$0xCA00] =	vst v63  }
0x9f: {  	_ =	swait.ge @!p0 [sflag:s7], $0x80  }
0xa0: {  	[sflag:s7] =	ssyncset.done @!p0 $0x0  }
0xa1: {  	s11 =	simm.s32 @!p0 $0x3;
	[sflag:s7] =	ssyncadd.s32 @!p0 $0xFFFFFF80;
	s7 =	simm.s32 @!p0 $0x4180  }
0xa2: {  	[tilespmem:s7], [sflag:$0x5] =	stream.indirect.gather @!p0 [hbm4b:s2+s10], $0x80, s10, s10, $0xb8;
	[tilespmem:$0xCA00] =	vst v63  }
0xa3: {  	_ =	swait.ge @!p0 [sflag:s11], $0x80  }
0xa4: {  	[sflag:s11] =	ssyncset.done @!p0 $0x0  }
0xa5: {  	s7 =	simm.s32 @!p0 $0x8180;
	[sflag:s11] =	ssyncadd.s32 @!p0 $0xFFFFFF80  }
0xa6: {  	[tilespmem:s7], [sflag:$0x6] =	stream.indirect.gather @!p0 [hbm4b:s2+s10], $0x80, s1, s10, $0xb8;
	[tilespmem:$0xCA00] =	vst v63  }
0xa7: {  	_ =	swait.ge [sflag:s9], $0x4000  }
0xa8: {  	[sflag:s9] =	ssyncset.done $0x0  }
0xa9: {  	s30 =	rddreg [dreg:$0x7];
	[sflag:s9] =	ssyncadd.s32 $0xFFFFC000  }
0xaa: {  	[hbm4b:s30+s3] =	stream.linear.scatter [tilespmem:s17], [sflag:$0x7], $0x4000, $0x38;
	[tilespmem:$0xCA00] =	vst v63  }
0xab: {  	_ =	swait.ge [sflag:s8], $0x4000  }
0xac: {  	[sflag:s8] =	ssyncset.done $0x0  }
0xad: {  	s31 =	rddreg [dreg:$0x8];
	[sflag:s8] =	ssyncadd.s32 $0xFFFFC000;
	s8 =	simm.s32 @!p0 $0x6  }
0xae: {  	[hbm4b:s31+s3] =	stream.linear.scatter [tilespmem:s16], [sflag:$0x8], $0x4000, $0x38;
	[tilespmem:$0xCA00] =	vst v63  }
0xaf: {  	_ =	swait.ge @!p0 [sflag:s8], $0x4000  }
0xb0: {  	s1 =	rddreg [dreg:$0x9];
	[sflag:s8] =	ssyncset.done @!p0 $0x0  }
0xb1: {  	s3 =	rddreg [dreg:$0xa];
	[sflag:s8] =	ssyncadd.s32 @!p0 $0xFFFFC000  }
0xb2: {  	[hbm4b:s1+s0] =	stream.linear.scatter @!p0 [tilespmem:s7], [sflag:$0x9], $0x4000, $0x38;
	[tilespmem:$0xCA00] =	vst v63  }
0xb3: {  	s0 =	simm.s32 @!p1 $0x0;
	s1 =	simm.s32 @!p1 $0xC180;
	s7 =	simm.s32 @!p1 $0xB  }
0xb4: {  	[tilespmem:s1], [sflag:$0xB] =	stream.linear.gather @!p1 [hbm4b:s3+s0], $0x10, $0x38;
	[tilespmem:$0xCA00] =	vst v63  }
0xb5: {  	_ =	swait.ge @!p1 [sflag:s7], $0x10  }
0xb6: {  	s9 =	simm.s32 @!p1 $0xC200;
	[sflag:s7] =	ssyncset.done @!p1 $0x0  }
0xb7: {  	s8 =	simm.s32 @!p1 $0x10;
	s3 =	simm.s32 @!p1 $0xA;
	[sflag:s7] =	ssyncadd.s32 @!p1 $0xFFFFFFF0  }
0xb8: {  	[tilespmem:s9], [sflag:$0xA] =	stream.indirect.gather @!p1 [hbm4b:s2+s8], $0x80, s1, s8, $0xb8;
	[tilespmem:$0xCA00] =	vst v63  }
0xb9: {  	_ =	swait.ge @!p1 [sflag:s3], $0x800  }
0xba: {  	[sflag:s3] =	ssyncset.done @!p1 $0x0  }
0xbb: {  	[sflag:s3] =	ssyncadd.s32 @!p1 $0xFFFFF800  }
0xbc: {  	[hbm4b:s4+s0] =	stream.linear.scatter @!p1 [tilespmem:s9], [sflag:$0xB], $0x800, $0x38;
	[tilespmem:$0xCA00] =	vst v63  }
0xbd: {  	_ =	swait.ge @!p1 [sflag:s7], $0x800  }
0xbe: {  	[sflag:s7] =	ssyncset.done @!p1 $0x0  }
0xbf: {  	[sflag:s7] =	ssyncadd.s32 @!p1 $0xFFFFF800  }
0xc0: {  	_ =	swait.ge [sflag:s6], $0x4000  }
0xc1: {  	[sflag:s6] =	ssyncset.done $0x0  }
0xc2: {  	[sflag:s6] =	ssyncadd.s32 $0xFFFFC000  }
0xc3: {  	_ =	swait.ge [sflag:s5], $0x4000  }
0xc4: {  	[sflag:s5] =	ssyncset.done $0x0  }
0xc5: {  	s0 =	simm.s32 @!p0 $0x9;
	[sflag:s5] =	ssyncadd.s32 $0xFFFFC000  }
0xc6: {  	_ =	swait.ge @!p0 [sflag:s0], $0x4000  }
0xc7: {  	[sflag:s0] =	ssyncset.done @!p0 $0x0  }
0xc8: {  	[sflag:s0] =	ssyncadd.s32 @!p0 $0xFFFFC000  }
0xc9: {  	_ =	sfence.sel $0x180000  }
0xca: {  	[bflag:$0x0] =	sbarrier.arrive $0xFFFF  }
0xcb: {  	p0 =	sne.s32 s14, $0x0;
	_ =	strace $0x90000047  }
0xcc: {  	s0 =	sadd.s32 @!p0 $0x100000, s12;
	[bflag:$0x2] =	sbarrier.arrive $0xFFFF  }
0xcd: {  	[sflag:s0] =	ssyncadd.tile.s32 @!p0 $0x1;
	_ =	shalt  }
.LBB2_1:
.Ltmp3:
0xce: {  	(pc) =	sbr.rel .LBB2_6-.Ltmp3, $2  }
0xcf: {  	_ =	sdelay $0x2  }
0xd0: {  	_ = 	snop  }
.LBB2_3:
.Ltmp4:
0xd1: {  	(pc) =	sbr.rel .LBB2_6-.Ltmp4, $3  }
0xd2: {  	_ =	sdelay $0x1  }
0xd3: {  	s12 =	rddreg [dreg:$0x3];
	s14 =	stileid.u32  }
0xd4: {  	s16 =	simm.s32 $0x4180;
	s17 =	simm.s32 $0x180;
	s7 =	simm.s32 $0x80  }
.Lfunc_end2:
_tile_overlayer_lowered:
.L_overlay_start_2:
0xd5: {  	(tag) =	ssettag $0x2  }
0xd6: {  	s0 =	rddreg [dreg:$0x0];
	s2 =	stileid.u32  }
0xd7: {  	s1 =	rddreg [dreg:$0x1];
	p0 =	sne.s32 s2, $0x0  }
0xd8: {  	s3 =	rddreg [dreg:$0x2];
	[bflag:$0x3] =	sbarrier.arrive $0xFFFF;
	s2 =	simm.s32 @!p0 $0x1C0B  }
0xd9: {  	[timem:s3], [sflag:s2] =	dma.local @!p0 [hbm:s0], s1  }
0xda: {  	s0 =	simm.s32 @!p0 $0xB  }
0xdb: {  	_ =	swait.ge @!p0 [sflag:s0], s1  }
0xdc: {  	s1 =	ssub.s32 @!p0 $0x0, s1;
	[sflag:s0] =	ssyncset.done @!p0 $0x0  }
0xdd: {  	[sflag:s0] =	ssyncadd.s32 @!p0 s1  }
0xde: {  	[bflag:$0x3] =	sbarrier.arrive $0xFFFF  }
0xdf: {  	_ =	shalt  }

</sc_bundles>
